<compile_context>
chip_gen: v7x
topology: tpu7x:2x2x1
jax: 0.10.2.dev20260603
libtpu: 0.0.44.dev20260713+nightly
codegen_flags: <defaults>
</compile_context>

<pallas_src>
import functools

import jax
import jax.numpy as jnp
from jax import lax
from jax.experimental import pallas as pl
from jax.experimental.pallas import tpu as pltpu
from jax.experimental.pallas import tpu_sc as plsc

MS = 512
TL = MS * (MS + 1) // 2
BATCH = 128
TOTAL = BATCH * TL
NW = 32
GROUP = 8
LANES = 16
NCHUNK = MS // LANES
WA = 4080
WB = 2288


def _start(r):
  return (r * (1023 - r)) // 2


def _build():
  mesh = plsc.VectorSubcoreMesh(core_axis_name="c", subcore_axis_name="s")

  @functools.partial(
      pl.kernel,
      mesh=mesh,
      out_type=jax.ShapeDtypeStruct((BATCH, MS, MS), jnp.float32),
      scratch_types=[
          pltpu.VMEM((WA,), jnp.float32),
          pltpu.VMEM((WA,), jnp.float32),
          pltpu.VMEM((WB,), jnp.float32),
          pltpu.VMEM((WB,), jnp.float32),
          pltpu.VMEM((2 * GROUP, MS), jnp.float32),
          pltpu.VMEM((2 * GROUP, MS), jnp.float32),
          pltpu.SemaphoreType.DMA,
          pltpu.SemaphoreType.DMA,
          pltpu.SemaphoreType.DMA,
          pltpu.SemaphoreType.DMA,
      ],
  )
  def tri_kernel(in_hbm, out_hbm, winA0, winA1, winB0, winB1, blk0, blk1,
                 in_sem0, in_sem1, out_sem0, out_sem1):
    info = plsc.get_sparse_core_info()
    nc = info.num_cores
    winsA = (winA0, winA1)
    winsB = (winB0, winB1)
    blks = (blk0, blk1)
    in_sems = (in_sem0, in_sem1)
    out_sems = (out_sem0, out_sem1)
    wid = lax.axis_index("s") * nc + lax.axis_index("c")
    r0A = GROUP * wid
    r0B = MS - GROUP - GROUP * wid
    alA = (_start(r0A) // 8) * 8
    alB = (_start(r0B) // 8) * 8
    iota = lax.iota(jnp.int32, LANES)
    zero = jnp.zeros((LANES,), jnp.float32)

    def winA_slice(b):
      return in_hbm.at[pl.ds(b * TL + alA, WA)]

    def wsB(b):
      return jnp.minimum(b * TL + alB, TOTAL - WB)

    def winB_slice(b):
      return in_hbm.at[pl.ds(wsB(b), WB)]

    def outA_slice(b):
      return out_hbm.at[b, pl.ds(r0A, GROUP)]

    def outB_slice(b):
      return out_hbm.at[b, pl.ds(r0B, GROUP)]

    def zrow(t, carry):
      for p in range(2):
        for j in range(NCHUNK):
          blks[p][t, pl.ds(j * LANES, LANES)] = zero
      return carry

    lax.fori_loop(0, 2 * GROUP, zrow, 0)

    for p in range(2):
      pltpu.async_copy(winA_slice(p), winsA[p], in_sems[p])
      pltpu.async_copy(winB_slice(p), winsB[p], in_sems[p])

    def emit_row(blk, trow, r, win, base):
      jm = r // LANES
      rm = r - jm * LANES
      off = jm * LANES
      v = win[pl.ds(base + off, LANES)]
      v = jnp.where(iota >= rm, v, 0.0)
      blk[trow, pl.ds(pl.multiple_of(off, LANES), LANES)] = v

      @plsc.parallel_loop(jm + 1, NCHUNK, unroll=2)
      def _cp(j):
        o = pl.multiple_of(j * LANES, LANES)
        blk[trow, pl.ds(o, LANES)] = win[pl.ds(base + j * LANES, LANES)]

    def gstep(g, carry):
      for p in range(2):
        b = 2 * g + p
        pltpu.make_async_copy(winA_slice(b), winsA[p], in_sems[p]).wait()
        pltpu.make_async_copy(winB_slice(b), winsB[p], in_sems[p]).wait()

        @pl.when(g > 0)
        def _wait_out():
          pltpu.make_async_copy(blks[p].at[pl.ds(0, GROUP)],
                                outA_slice(b - 2), out_sems[p]).wait()
          pltpu.make_async_copy(blks[p].at[pl.ds(GROUP, GROUP)],
                                outB_slice(b - 2), out_sems[p]).wait()

        baseB0 = b * TL - wsB(b)
        for t in range(GROUP):
          rA = r0A + t
          emit_row(blks[p], t, rA, winsA[p], _start(rA) - alA)
          rB = r0B + t
          emit_row(blks[p], GROUP + t, rB, winsB[p], baseB0 + _start(rB))

        pltpu.async_copy(blks[p].at[pl.ds(0, GROUP)], outA_slice(b),
                         out_sems[p])
        pltpu.async_copy(blks[p].at[pl.ds(GROUP, GROUP)], outB_slice(b),
                         out_sems[p])

        @pl.when(b + 2 < BATCH)
        def _prefetch():
          pltpu.async_copy(winA_slice(b + 2), winsA[p], in_sems[p])
          pltpu.async_copy(winB_slice(b + 2), winsB[p], in_sems[p])

      return carry

    lax.fori_loop(0, BATCH // 2, gstep, 0)

    for p in range(2):
      b = BATCH - 2 + p
      pltpu.make_async_copy(blks[p].at[pl.ds(0, GROUP)], outA_slice(b),
                            out_sems[p]).wait()
      pltpu.make_async_copy(blks[p].at[pl.ds(GROUP, GROUP)], outB_slice(b),
                            out_sems[p]).wait()

  return tri_kernel


@jax.jit
def kernel(inputs):
  return _build()(inputs.reshape(-1))

# --- scband reference (transcript-rebuilt; emitter-appended) ---
"""Pipeline reference for scband-custom-reshape-layer-30966714204352 (READ-ONLY COPY).

The authoritative reference and input builder live on the scoring server;
editing this copy changes nothing except your own understanding.
"""

import jax, jax.numpy as jnp
import numpy as np

MATSIZE = 512
TRIU_LEN = MATSIZE * (MATSIZE + 1) // 2
BATCH = 128

_rows, _cols = np.triu_indices(MATSIZE)
_rows = jnp.asarray(_rows, dtype=jnp.int32)
_cols = jnp.asarray(_cols, dtype=jnp.int32)


def setup_inputs(seed: int = 0) -> dict:
    key = jax.random.key(seed)
    inputs = jax.random.normal(key, (BATCH, TRIU_LEN), dtype=jnp.float32)
    return {"inputs": inputs}


def reference(inputs):
    # Equivalent to tf.map_fn over batch of: SparseTensor(triu_indices, vec) -> dense.
    # Scatter-overwrite each length-TRIU_LEN vector into the upper triangle of a
    # zero-initialized [MATSIZE, MATSIZE] matrix.
    out = jnp.zeros((inputs.shape[0], MATSIZE, MATSIZE), dtype=inputs.dtype)
    out = out.at[:, _rows, _cols].set(inputs)
    return out

if __name__ == "__main__":
    import jax
    _d = setup_inputs()
    print(jax.jit(kernel)(*tuple(_d.values())))

</pallas_src>

<mosaic_0001>
#map = affine_map<(d0, d1) -> (0)>
#map1 = affine_map<(d0, d1) -> (0, 0, 0)>
module attributes {stable_mosaic.version = 14 : i64} {
  func.func @tri_kernel(%arg0: i32, %arg1: i32, %arg2: memref<16809984xf32, #tpu.memory_space<hbm>>, %arg3: memref<128x512x512xf32, #tpu.memory_space<hbm>>, %arg4: memref<4080xf32, #tpu.memory_space<vmem>>, %arg5: memref<4080xf32, #tpu.memory_space<vmem>>, %arg6: memref<2288xf32, #tpu.memory_space<vmem>>, %arg7: memref<2288xf32, #tpu.memory_space<vmem>>, %arg8: memref<16x512xf32, #tpu.memory_space<vmem>>, %arg9: memref<16x512xf32, #tpu.memory_space<vmem>>, %arg10: memref<!tpu.dma_semaphore, #tpu.memory_space<semaphore_mem>>, %arg11: memref<!tpu.dma_semaphore, #tpu.memory_space<semaphore_mem>>, %arg12: memref<!tpu.dma_semaphore, #tpu.memory_space<semaphore_mem>>, %arg13: memref<!tpu.dma_semaphore, #tpu.memory_space<semaphore_mem>>) attributes {dimension_semantics = [#tpu.dimension_semantics<core_parallel>, #tpu.dimension_semantics<subcore_parallel>], iteration_bounds = array<i64: 2, 16>, scalar_prefetch = 0 : i64, scratch_operands = 10 : i64, tpu.core_type = #tpu.core_type<sc_vector_subcore>, window_params = [{transform_indices = #map}, {transform_indices = #map1}]} {
    %mul3A = arith.constant 2 : i32
    %mul3A_0 = arith.muli %arg1, %mul3A : i32
    %add3A = arith.addi %mul3A_0, %arg0 : i32
    %mul3A_1 = arith.constant 8 : i32
    %mul3A_2 = arith.muli %mul3A_1, %add3A : i32
    %mul3A_3 = arith.constant 8 : i32
    %mul3A_4 = arith.muli %mul3A_3, %add3A : i32
    %sub3A = arith.constant 504 : i32
    %sub3A_5 = arith.subi %sub3A, %mul3A_4 : i32
    %sub3A_6 = arith.constant 1023 : i32
    %sub3A_7 = arith.subi %sub3A_6, %mul3A_2 : i32
    %mul3A_8 = arith.muli %mul3A_2, %sub3A_7 : i32
    %jit3A = arith.constant 2 : i32
    %div3A = arith.divsi %mul3A_8, %jit3A : i32
    %sign3A = arith.constant 0 : i32
    %sign3A_9 = arith.cmpi sgt, %mul3A_8, %sign3A : i32
    %sign3A_10 = arith.extui %sign3A_9 : i1 to i32
    %sign3A_11 = arith.constant 0 : i32
    %sign3A_12 = arith.cmpi slt, %mul3A_8, %sign3A_11 : i32
    %sign3A_13 = arith.extui %sign3A_12 : i1 to i32
    %sign3A_14 = arith.subi %sign3A_10, %sign3A_13 : i32
    %sign3A_15 = arith.constant 0 : i32
    %sign3A_16 = arith.cmpi sgt, %jit3A, %sign3A_15 : i32
    %sign3A_17 = arith.extui %sign3A_16 : i1 to i32
    %sign3A_18 = arith.constant 0 : i32
    %sign3A_19 = arith.cmpi slt, %jit3A, %sign3A_18 : i32
    %sign3A_20 = arith.extui %sign3A_19 : i1 to i32
    %sign3A_21 = arith.subi %sign3A_17, %sign3A_20 : i32
    %ne3A = arith.cmpi ne, %sign3A_14, %sign3A_21 : i32
    %rem3A = arith.remsi %mul3A_8, %jit3A : i32
    %ne3A_22 = arith.constant 0 : i32
    %ne3A_23 = arith.cmpi ne, %rem3A, %ne3A_22 : i32
    %and3A = arith.andi %ne3A, %ne3A_23 : i1
    %sub3A_24 = arith.constant 1 : i32
    %sub3A_25 = arith.subi %div3A, %sub3A_24 : i32
    %select_n3A = arith.select %and3A, %sub3A_25, %div3A : i32
    %jit3A_26 = arith.constant 8 : i32
    %div3A_27 = arith.divsi %select_n3A, %jit3A_26 : i32
    %sign3A_28 = arith.constant 0 : i32
    %sign3A_29 = arith.cmpi sgt, %select_n3A, %sign3A_28 : i32
    %sign3A_30 = arith.extui %sign3A_29 : i1 to i32
    %sign3A_31 = arith.constant 0 : i32
    %sign3A_32 = arith.cmpi slt, %select_n3A, %sign3A_31 : i32
    %sign3A_33 = arith.extui %sign3A_32 : i1 to i32
    %sign3A_34 = arith.subi %sign3A_30, %sign3A_33 : i32
    %sign3A_35 = arith.constant 0 : i32
    %sign3A_36 = arith.cmpi sgt, %jit3A_26, %sign3A_35 : i32
    %sign3A_37 = arith.extui %sign3A_36 : i1 to i32
    %sign3A_38 = arith.constant 0 : i32
    %sign3A_39 = arith.cmpi slt, %jit3A_26, %sign3A_38 : i32
    %sign3A_40 = arith.extui %sign3A_39 : i1 to i32
    %sign3A_41 = arith.subi %sign3A_37, %sign3A_40 : i32
    %ne3A_42 = arith.cmpi ne, %sign3A_34, %sign3A_41 : i32
    %rem3A_43 = arith.remsi %select_n3A, %jit3A_26 : i32
    %ne3A_44 = arith.constant 0 : i32
    %ne3A_45 = arith.cmpi ne, %rem3A_43, %ne3A_44 : i32
    %and3A_46 = arith.andi %ne3A_42, %ne3A_45 : i1
    %sub3A_47 = arith.constant 1 : i32
    %sub3A_48 = arith.subi %div3A_27, %sub3A_47 : i32
    %select_n3A_49 = arith.select %and3A_46, %sub3A_48, %div3A_27 : i32
    %mul3A_50 = arith.constant 8 : i32
    %mul3A_51 = arith.muli %select_n3A_49, %mul3A_50 : i32
    %sub3A_52 = arith.constant 1023 : i32
    %sub3A_53 = arith.subi %sub3A_52, %sub3A_5 : i32
    %mul3A_54 = arith.muli %sub3A_5, %sub3A_53 : i32
    %jit3A_55 = arith.constant 2 : i32
    %div3A_56 = arith.divsi %mul3A_54, %jit3A_55 : i32
    %sign3A_57 = arith.constant 0 : i32
    %sign3A_58 = arith.cmpi sgt, %mul3A_54, %sign3A_57 : i32
    %sign3A_59 = arith.extui %sign3A_58 : i1 to i32
    %sign3A_60 = arith.constant 0 : i32
    %sign3A_61 = arith.cmpi slt, %mul3A_54, %sign3A_60 : i32
    %sign3A_62 = arith.extui %sign3A_61 : i1 to i32
    %sign3A_63 = arith.subi %sign3A_59, %sign3A_62 : i32
    %sign3A_64 = arith.constant 0 : i32
    %sign3A_65 = arith.cmpi sgt, %jit3A_55, %sign3A_64 : i32
    %sign3A_66 = arith.extui %sign3A_65 : i1 to i32
    %sign3A_67 = arith.constant 0 : i32
    %sign3A_68 = arith.cmpi slt, %jit3A_55, %sign3A_67 : i32
    %sign3A_69 = arith.extui %sign3A_68 : i1 to i32
    %sign3A_70 = arith.subi %sign3A_66, %sign3A_69 : i32
    %ne3A_71 = arith.cmpi ne, %sign3A_63, %sign3A_70 : i32
    %rem3A_72 = arith.remsi %mul3A_54, %jit3A_55 : i32
    %ne3A_73 = arith.constant 0 : i32
    %ne3A_74 = arith.cmpi ne, %rem3A_72, %ne3A_73 : i32
    %and3A_75 = arith.andi %ne3A_71, %ne3A_74 : i1
    %sub3A_76 = arith.constant 1 : i32
    %sub3A_77 = arith.subi %div3A_56, %sub3A_76 : i32
    %select_n3A_78 = arith.select %and3A_75, %sub3A_77, %div3A_56 : i32
    %jit3A_79 = arith.constant 8 : i32
    %div3A_80 = arith.divsi %select_n3A_78, %jit3A_79 : i32
    %sign3A_81 = arith.constant 0 : i32
    %sign3A_82 = arith.cmpi sgt, %select_n3A_78, %sign3A_81 : i32
    %sign3A_83 = arith.extui %sign3A_82 : i1 to i32
    %sign3A_84 = arith.constant 0 : i32
    %sign3A_85 = arith.cmpi slt, %select_n3A_78, %sign3A_84 : i32
    %sign3A_86 = arith.extui %sign3A_85 : i1 to i32
    %sign3A_87 = arith.subi %sign3A_83, %sign3A_86 : i32
    %sign3A_88 = arith.constant 0 : i32
    %sign3A_89 = arith.cmpi sgt, %jit3A_79, %sign3A_88 : i32
    %sign3A_90 = arith.extui %sign3A_89 : i1 to i32
    %sign3A_91 = arith.constant 0 : i32
    %sign3A_92 = arith.cmpi slt, %jit3A_79, %sign3A_91 : i32
    %sign3A_93 = arith.extui %sign3A_92 : i1 to i32
    %sign3A_94 = arith.subi %sign3A_90, %sign3A_93 : i32
    %ne3A_95 = arith.cmpi ne, %sign3A_87, %sign3A_94 : i32
    %rem3A_96 = arith.remsi %select_n3A_78, %jit3A_79 : i32
    %ne3A_97 = arith.constant 0 : i32
    %ne3A_98 = arith.cmpi ne, %rem3A_96, %ne3A_97 : i32
    %and3A_99 = arith.andi %ne3A_95, %ne3A_98 : i1
    %sub3A_100 = arith.constant 1 : i32
    %sub3A_101 = arith.subi %div3A_80, %sub3A_100 : i32
    %select_n3A_102 = arith.select %and3A_99, %sub3A_101, %div3A_80 : i32
    %mul3A_103 = arith.constant 8 : i32
    %mul3A_104 = arith.muli %select_n3A_102, %mul3A_103 : i32
    %iota3A = tpu.iota {dimensions = array<i32: 0>} : vector<16xi32>
    %broadcast_in_dim3A = arith.constant 0.000000e+00 : f32
    %broadcast_in_dim3A_105 = vector.broadcast %broadcast_in_dim3A : f32 to vector<16xf32>
    %scan3A = arith.constant 0 : i32
    %scan3A_106 = arith.constant 0 : i32
    %scan3A_107 = arith.constant 16 : i32
    %scan3A_108 = arith.addi %scan3A_106, %scan3A_107 : i32
    %scan3A_109 = arith.constant 1 : i32
    scf.for %scan3A_186 = %scan3A_106 to %scan3A_108 step %scan3A_109  : i32 {
      %swap3A = arith.index_cast %scan3A_186 : i32 to index
      %swap3A_187 = arith.constant 0 : index
      %swap3A_188 = tpu.vector_load %arg8[%swap3A, %swap3A_187] {strides = array<i32>} : memref<16x512xf32, #tpu.memory_space<vmem>>, vector<1x16xf32>,
      %swap3A_189 = vector.shape_cast %swap3A_188 : vector<1x16xf32> to vector<16xf32>
      %swap3A_190 = vector.shape_cast %broadcast_in_dim3A_105 : vector<16xf32> to vector<1x16xf32>
      tpu.vector_store %arg8[%swap3A, %swap3A_187], %swap3A_190 {strides = array<i32>} : memref<16x512xf32, #tpu.memory_space<vmem>>, vector<1x16xf32>,
      %swap3A_191 = arith.index_cast %scan3A_186 : i32 to index
      %swap3A_192 = arith.constant 16 : index
      %swap3A_193 = tpu.vector_load %arg8[%swap3A_191, %swap3A_192] {strides = array<i32>} : memref<16x512xf32, #tpu.memory_space<vmem>>, vector<1x16xf32>,
      %swap3A_194 = vector.shape_cast %swap3A_193 : vector<1x16xf32> to vector<16xf32>
      %swap3A_195 = vector.shape_cast %broadcast_in_dim3A_105 : vector<16xf32> to vector<1x16xf32>
      tpu.vector_store %arg8[%swap3A_191, %swap3A_192], %swap3A_195 {strides = array<i32>} : memref<16x512xf32, #tpu.memory_space<vmem>>, vector<1x16xf32>,
      %swap3A_196 = arith.index_cast %scan3A_186 : i32 to index
      %swap3A_197 = arith.constant 32 : index
      %swap3A_198 = tpu.vector_load %arg8[%swap3A_196, %swap3A_197] {strides = array<i32>} : memref<16x512xf32, #tpu.memory_space<vmem>>, vector<1x16xf32>,
      %swap3A_199 = vector.shape_cast %swap3A_198 : vector<1x16xf32> to vector<16xf32>
      %swap3A_200 = vector.shape_cast %broadcast_in_dim3A_105 : vector<16xf32> to vector<1x16xf32>
      tpu.vector_store %arg8[%swap3A_196, %swap3A_197], %swap3A_200 {strides = array<i32>} : memref<16x512xf32, #tpu.memory_space<vmem>>, vector<1x16xf32>,
      %swap3A_201 = arith.index_cast %scan3A_186 : i32 to index
      %swap3A_202 = arith.constant 48 : index
      %swap3A_203 = tpu.vector_load %arg8[%swap3A_201, %swap3A_202] {strides = array<i32>} : memref<16x512xf32, #tpu.memory_space<vmem>>, vector<1x16xf32>,
      %swap3A_204 = vector.shape_cast %swap3A_203 : vector<1x16xf32> to vector<16xf32>
      %swap3A_205 = vector.shape_cast %broadcast_in_dim3A_105 : vector<16xf32> to vector<1x16xf32>
      tpu.vector_store %arg8[%swap3A_201, %swap3A_202], %swap3A_205 {strides = array<i32>} : memref<16x512xf32, #tpu.memory_space<vmem>>, vector<1x16xf32>,
      %swap3A_206 = arith.index_cast %scan3A_186 : i32 to index
      %swap3A_207 = arith.constant 64 : index
      %swap3A_208 = tpu.vector_load %arg8[%swap3A_206, %swap3A_207] {strides = array<i32>} : memref<16x512xf32, #tpu.memory_space<vmem>>, vector<1x16xf32>,
      %swap3A_209 = vector.shape_cast %swap3A_208 : vector<1x16xf32> to vector<16xf32>
      %swap3A_210 = vector.shape_cast %broadcast_in_dim3A_105 : vector<16xf32> to vector<1x16xf32>
      tpu.vector_store %arg8[%swap3A_206, %swap3A_207], %swap3A_210 {strides = array<i32>} : memref<16x512xf32, #tpu.memory_space<vmem>>, vector<1x16xf32>,
      %swap3A_211 = arith.index_cast %scan3A_186 : i32 to index
      %swap3A_212 = arith.constant 80 : index
      %swap3A_213 = tpu.vector_load %arg8[%swap3A_211, %swap3A_212] {strides = array<i32>} : memref<16x512xf32, #tpu.memory_space<vmem>>, vector<1x16xf32>,
      %swap3A_214 = vector.shape_cast %swap3A_213 : vector<1x16xf32> to vector<16xf32>
      %swap3A_215 = vector.shape_cast %broadcast_in_dim3A_105 : vector<16xf32> to vector<1x16xf32>
      tpu.vector_store %arg8[%swap3A_211, %swap3A_212], %swap3A_215 {strides = array<i32>} : memref<16x512xf32, #tpu.memory_space<vmem>>, vector<1x16xf32>,
      %swap3A_216 = arith.index_cast %scan3A_186 : i32 to index
      %swap3A_217 = arith.constant 96 : index
      %swap3A_218 = tpu.vector_load %arg8[%swap3A_216, %swap3A_217] {strides = array<i32>} : memref<16x512xf32, #tpu.memory_space<vmem>>, vector<1x16xf32>,
      %swap3A_219 = vector.shape_cast %swap3A_218 : vector<1x16xf32> to vector<16xf32>
      %swap3A_220 = vector.shape_cast %broadcast_in_dim3A_105 : vector<16xf32> to vector<1x16xf32>
      tpu.vector_store %arg8[%swap3A_216, %swap3A_217], %swap3A_220 {strides = array<i32>} : memref<16x512xf32, #tpu.memory_space<vmem>>, vector<1x16xf32>,
      %swap3A_221 = arith.index_cast %scan3A_186 : i32 to index
      %swap3A_222 = arith.constant 112 : index
      %swap3A_223 = tpu.vector_load %arg8[%swap3A_221, %swap3A_222] {strides = array<i32>} : memref<16x512xf32, #tpu.memory_space<vmem>>, vector<1x16xf32>,
      %swap3A_224 = vector.shape_cast %swap3A_223 : vector<1x16xf32> to vector<16xf32>
      %swap3A_225 = vector.shape_cast %broadcast_in_dim3A_105 : vector<16xf32> to vector<1x16xf32>
      tpu.vector_store %arg8[%swap3A_221, %swap3A_222], %swap3A_225 {strides = array<i32>} : memref<16x512xf32, #tpu.memory_space<vmem>>, vector<1x16xf32>,
      %swap3A_226 = arith.index_cast %scan3A_186 : i32 to index
      %swap3A_227 = arith.constant 128 : index
      %swap3A_228 = tpu.vector_load %arg8[%swap3A_226, %swap3A_227] {strides = array<i32>} : memref<16x512xf32, #tpu.memory_space<vmem>>, vector<1x16xf32>,
      %swap3A_229 = vector.shape_cast %swap3A_228 : vector<1x16xf32> to vector<16xf32>
      %swap3A_230 = vector.shape_cast %broadcast_in_dim3A_105 : vector<16xf32> to vector<1x16xf32>
      tpu.vector_store %arg8[%swap3A_226, %swap3A_227], %swap3A_230 {strides = array<i32>} : memref<16x512xf32, #tpu.memory_space<vmem>>, vector<1x16xf32>,
      %swap3A_231 = arith.index_cast %scan3A_186 : i32 to index
      %swap3A_232 = arith.constant 144 : index
      %swap3A_233 = tpu.vector_load %arg8[%swap3A_231, %swap3A_232] {strides = array<i32>} : memref<16x512xf32, #tpu.memory_space<vmem>>, vector<1x16xf32>,
      %swap3A_234 = vector.shape_cast %swap3A_233 : vector<1x16xf32> to vector<16xf32>
      %swap3A_235 = vector.shape_cast %broadcast_in_dim3A_105 : vector<16xf32> to vector<1x16xf32>
      tpu.vector_store %arg8[%swap3A_231, %swap3A_232], %swap3A_235 {strides = array<i32>} : memref<16x512xf32, #tpu.memory_space<vmem>>, vector<1x16xf32>,
      %swap3A_236 = arith.index_cast %scan3A_186 : i32 to index
      %swap3A_237 = arith.constant 160 : index
      %swap3A_238 = tpu.vector_load %arg8[%swap3A_236, %swap3A_237] {strides = array<i32>} : memref<16x512xf32, #tpu.memory_space<vmem>>, vector<1x16xf32>,
      %swap3A_239 = vector.shape_cast %swap3A_238 : vector<1x16xf32> to vector<16xf32>
      %swap3A_240 = vector.shape_cast %broadcast_in_dim3A_105 : vector<16xf32> to vector<1x16xf32>
      tpu.vector_store %arg8[%swap3A_236, %swap3A_237], %swap3A_240 {strides = array<i32>} : memref<16x512xf32, #tpu.memory_space<vmem>>, vector<1x16xf32>,
      %swap3A_241 = arith.index_cast %scan3A_186 : i32 to index
      %swap3A_242 = arith.constant 176 : index
      %swap3A_243 = tpu.vector_load %arg8[%swap3A_241, %swap3A_242] {strides = array<i32>} : memref<16x512xf32, #tpu.memory_space<vmem>>, vector<1x16xf32>,
      %swap3A_244 = vector.shape_cast %swap3A_243 : vector<1x16xf32> to vector<16xf32>
      %swap3A_245 = vector.shape_cast %broadcast_in_dim3A_105 : vector<16xf32> to vector<1x16xf32>
      tpu.vector_store %arg8[%swap3A_241, %swap3A_242], %swap3A_245 {strides = array<i32>} : memref<16x512xf32, #tpu.memory_space<vmem>>, vector<1x16xf32>,
      %swap3A_246 = arith.index_cast %scan3A_186 : i32 to index
      %swap3A_247 = arith.constant 192 : index
      %swap3A_248 = tpu.vector_load %arg8[%swap3A_246, %swap3A_247] {strides = array<i32>} : memref<16x512xf32, #tpu.memory_space<vmem>>, vector<1x16xf32>,
      %swap3A_249 = vector.shape_cast %swap3A_248 : vector<1x16xf32> to vector<16xf32>
      %swap3A_250 = vector.shape_cast %broadcast_in_dim3A_105 : vector<16xf32> to vector<1x16xf32>
      tpu.vector_store %arg8[%swap3A_246, %swap3A_247], %swap3A_250 {strides = array<i32>} : memref<16x512xf32, #tpu.memory_space<vmem>>, vector<1x16xf32>,
      %swap3A_251 = arith.index_cast %scan3A_186 : i32 to index
      %swap3A_252 = arith.constant 208 : index
      %swap3A_253 = tpu.vector_load %arg8[%swap3A_251, %swap3A_252] {strides = array<i32>} : memref<16x512xf32, #tpu.memory_space<vmem>>, vector<1x16xf32>,
      %swap3A_254 = vector.shape_cast %swap3A_253 : vector<1x16xf32> to vector<16xf32>
      %swap3A_255 = vector.shape_cast %broadcast_in_dim3A_105 : vector<16xf32> to vector<1x16xf32>
      tpu.vector_store %arg8[%swap3A_251, %swap3A_252], %swap3A_255 {strides = array<i32>} : memref<16x512xf32, #tpu.memory_space<vmem>>, vector<1x16xf32>,
      %swap3A_256 = arith.index_cast %scan3A_186 : i32 to index
      %swap3A_257 = arith.constant 224 : index
      %swap3A_258 = tpu.vector_load %arg8[%swap3A_256, %swap3A_257] {strides = array<i32>} : memref<16x512xf32, #tpu.memory_space<vmem>>, vector<1x16xf32>,
      %swap3A_259 = vector.shape_cast %swap3A_258 : vector<1x16xf32> to vector<16xf32>
      %swap3A_260 = vector.shape_cast %broadcast_in_dim3A_105 : vector<16xf32> to vector<1x16xf32>
      tpu.vector_store %arg8[%swap3A_256, %swap3A_257], %swap3A_260 {strides = array<i32>} : memref<16x512xf32, #tpu.memory_space<vmem>>, vector<1x16xf32>,
      %swap3A_261 = arith.index_cast %scan3A_186 : i32 to index
      %swap3A_262 = arith.constant 240 : index
      %swap3A_263 = tpu.vector_load %arg8[%swap3A_261, %swap3A_262] {strides = array<i32>} : memref<16x512xf32, #tpu.memory_space<vmem>>, vector<1x16xf32>,
      %swap3A_264 = vector.shape_cast %swap3A_263 : vector<1x16xf32> to vector<16xf32>
      %swap3A_265 = vector.shape_cast %broadcast_in_dim3A_105 : vector<16xf32> to vector<1x16xf32>
      tpu.vector_store %arg8[%swap3A_261, %swap3A_262], %swap3A_265 {strides = array<i32>} : memref<16x512xf32, #tpu.memory_space<vmem>>, vector<1x16xf32>,
      %swap3A_266 = arith.index_cast %scan3A_186 : i32 to index
      %swap3A_267 = arith.constant 256 : index
      %swap3A_268 = tpu.vector_load %arg8[%swap3A_266, %swap3A_267] {strides = array<i32>} : memref<16x512xf32, #tpu.memory_space<vmem>>, vector<1x16xf32>,
      %swap3A_269 = vector.shape_cast %swap3A_268 : vector<1x16xf32> to vector<16xf32>
      %swap3A_270 = vector.shape_cast %broadcast_in_dim3A_105 : vector<16xf32> to vector<1x16xf32>
      tpu.vector_store %arg8[%swap3A_266, %swap3A_267], %swap3A_270 {strides = array<i32>} : memref<16x512xf32, #tpu.memory_space<vmem>>, vector<1x16xf32>,
      %swap3A_271 = arith.index_cast %scan3A_186 : i32 to index
      %swap3A_272 = arith.constant 272 : index
      %swap3A_273 = tpu.vector_load %arg8[%swap3A_271, %swap3A_272] {strides = array<i32>} : memref<16x512xf32, #tpu.memory_space<vmem>>, vector<1x16xf32>,
      %swap3A_274 = vector.shape_cast %swap3A_273 : vector<1x16xf32> to vector<16xf32>
      %swap3A_275 = vector.shape_cast %broadcast_in_dim3A_105 : vector<16xf32> to vector<1x16xf32>
      tpu.vector_store %arg8[%swap3A_271, %swap3A_272], %swap3A_275 {strides = array<i32>} : memref<16x512xf32, #tpu.memory_space<vmem>>, vector<1x16xf32>,
      %swap3A_276 = arith.index_cast %scan3A_186 : i32 to index
      %swap3A_277 = arith.constant 288 : index
      %swap3A_278 = tpu.vector_load %arg8[%swap3A_276, %swap3A_277] {strides = array<i32>} : memref<16x512xf32, #tpu.memory_space<vmem>>, vector<1x16xf32>,
      %swap3A_279 = vector.shape_cast %swap3A_278 : vector<1x16xf32> to vector<16xf32>
      %swap3A_280 = vector.shape_cast %broadcast_in_dim3A_105 : vector<16xf32> to vector<1x16xf32>
      tpu.vector_store %arg8[%swap3A_276, %swap3A_277], %swap3A_280 {strides = array<i32>} : memref<16x512xf32, #tpu.memory_space<vmem>>, vector<1x16xf32>,
      %swap3A_281 = arith.index_cast %scan3A_186 : i32 to index
      %swap3A_282 = arith.constant 304 : index
      %swap3A_283 = tpu.vector_load %arg8[%swap3A_281, %swap3A_282] {strides = array<i32>} : memref<16x512xf32, #tpu.memory_space<vmem>>, vector<1x16xf32>,
      %swap3A_284 = vector.shape_cast %swap3A_283 : vector<1x16xf32> to vector<16xf32>
      %swap3A_285 = vector.shape_cast %broadcast_in_dim3A_105 : vector<16xf32> to vector<1x16xf32>
      tpu.vector_store %arg8[%swap3A_281, %swap3A_282], %swap3A_285 {strides = array<i32>} : memref<16x512xf32, #tpu.memory_space<vmem>>, vector<1x16xf32>,
      %swap3A_286 = arith.index_cast %scan3A_186 : i32 to index
      %swap3A_287 = arith.constant 320 : index
      %swap3A_288 = tpu.vector_load %arg8[%swap3A_286, %swap3A_287] {strides = array<i32>} : memref<16x512xf32, #tpu.memory_space<vmem>>, vector<1x16xf32>,
      %swap3A_289 = vector.shape_cast %swap3A_288 : vector<1x16xf32> to vector<16xf32>
      %swap3A_290 = vector.shape_cast %broadcast_in_dim3A_105 : vector<16xf32> to vector<1x16xf32>
      tpu.vector_store %arg8[%swap3A_286, %swap3A_287], %swap3A_290 {strides = array<i32>} : memref<16x512xf32, #tpu.memory_space<vmem>>, vector<1x16xf32>,
      %swap3A_291 = arith.index_cast %scan3A_186 : i32 to index
      %swap3A_292 = arith.constant 336 : index
      %swap3A_293 = tpu.vector_load %arg8[%swap3A_291, %swap3A_292] {strides = array<i32>} : memref<16x512xf32, #tpu.memory_space<vmem>>, vector<1x16xf32>,
      %swap3A_294 = vector.shape_cast %swap3A_293 : vector<1x16xf32> to vector<16xf32>
      %swap3A_295 = vector.shape_cast %broadcast_in_dim3A_105 : vector<16xf32> to vector<1x16xf32>
      tpu.vector_store %arg8[%swap3A_291, %swap3A_292], %swap3A_295 {strides = array<i32>} : memref<16x512xf32, #tpu.memory_space<vmem>>, vector<1x16xf32>,
      %swap3A_296 = arith.index_cast %scan3A_186 : i32 to index
      %swap3A_297 = arith.constant 352 : index
      %swap3A_298 = tpu.vector_load %arg8[%swap3A_296, %swap3A_297] {strides = array<i32>} : memref<16x512xf32, #tpu.memory_space<vmem>>, vector<1x16xf32>,
      %swap3A_299 = vector.shape_cast %swap3A_298 : vector<1x16xf32> to vector<16xf32>
      %swap3A_300 = vector.shape_cast %broadcast_in_dim3A_105 : vector<16xf32> to vector<1x16xf32>
      tpu.vector_store %arg8[%swap3A_296, %swap3A_297], %swap3A_300 {strides = array<i32>} : memref<16x512xf32, #tpu.memory_space<vmem>>, vector<1x16xf32>,
      %swap3A_301 = arith.index_cast %scan3A_186 : i32 to index
      %swap3A_302 = arith.constant 368 : index
      %swap3A_303 = tpu.vector_load %arg8[%swap3A_301, %swap3A_302] {strides = array<i32>} : memref<16x512xf32, #tpu.memory_space<vmem>>, vector<1x16xf32>,
      %swap3A_304 = vector.shape_cast %swap3A_303 : vector<1x16xf32> to vector<16xf32>
      %swap3A_305 = vector.shape_cast %broadcast_in_dim3A_105 : vector<16xf32> to vector<1x16xf32>
      tpu.vector_store %arg8[%swap3A_301, %swap3A_302], %swap3A_305 {strides = array<i32>} : memref<16x512xf32, #tpu.memory_space<vmem>>, vector<1x16xf32>,
      %swap3A_306 = arith.index_cast %scan3A_186 : i32 to index
      %swap3A_307 = arith.constant 384 : index
      %swap3A_308 = tpu.vector_load %arg8[%swap3A_306, %swap3A_307] {strides = array<i32>} : memref<16x512xf32, #tpu.memory_space<vmem>>, vector<1x16xf32>,
      %swap3A_309 = vector.shape_cast %swap3A_308 : vector<1x16xf32> to vector<16xf32>
      %swap3A_310 = vector.shape_cast %broadcast_in_dim3A_105 : vector<16xf32> to vector<1x16xf32>
      tpu.vector_store %arg8[%swap3A_306, %swap3A_307], %swap3A_310 {strides = array<i32>} : memref<16x512xf32, #tpu.memory_space<vmem>>, vector<1x16xf32>,
      %swap3A_311 = arith.index_cast %scan3A_186 : i32 to index
      %swap3A_312 = arith.constant 400 : index
      %swap3A_313 = tpu.vector_load %arg8[%swap3A_311, %swap3A_312] {strides = array<i32>} : memref<16x512xf32, #tpu.memory_space<vmem>>, vector<1x16xf32>,
      %swap3A_314 = vector.shape_cast %swap3A_313 : vector<1x16xf32> to vector<16xf32>
      %swap3A_315 = vector.shape_cast %broadcast_in_dim3A_105 : vector<16xf32> to vector<1x16xf32>
      tpu.vector_store %arg8[%swap3A_311, %swap3A_312], %swap3A_315 {strides = array<i32>} : memref<16x512xf32, #tpu.memory_space<vmem>>, vector<1x16xf32>,
      %swap3A_316 = arith.index_cast %scan3A_186 : i32 to index
      %swap3A_317 = arith.constant 416 : index
      %swap3A_318 = tpu.vector_load %arg8[%swap3A_316, %swap3A_317] {strides = array<i32>} : memref<16x512xf32, #tpu.memory_space<vmem>>, vector<1x16xf32>,
      %swap3A_319 = vector.shape_cast %swap3A_318 : vector<1x16xf32> to vector<16xf32>
      %swap3A_320 = vector.shape_cast %broadcast_in_dim3A_105 : vector<16xf32> to vector<1x16xf32>
      tpu.vector_store %arg8[%swap3A_316, %swap3A_317], %swap3A_320 {strides = array<i32>} : memref<16x512xf32, #tpu.memory_space<vmem>>, vector<1x16xf32>,
      %swap3A_321 = arith.index_cast %scan3A_186 : i32 to index
      %swap3A_322 = arith.constant 432 : index
      %swap3A_323 = tpu.vector_load %arg8[%swap3A_321, %swap3A_322] {strides = array<i32>} : memref<16x512xf32, #tpu.memory_space<vmem>>, vector<1x16xf32>,
      %swap3A_324 = vector.shape_cast %swap3A_323 : vector<1x16xf32> to vector<16xf32>
      %swap3A_325 = vector.shape_cast %broadcast_in_dim3A_105 : vector<16xf32> to vector<1x16xf32>
      tpu.vector_store %arg8[%swap3A_321, %swap3A_322], %swap3A_325 {strides = array<i32>} : memref<16x512xf32, #tpu.memory_space<vmem>>, vector<1x16xf32>,
      %swap3A_326 = arith.index_cast %scan3A_186 : i32 to index
      %swap3A_327 = arith.constant 448 : index
      %swap3A_328 = tpu.vector_load %arg8[%swap3A_326, %swap3A_327] {strides = array<i32>} : memref<16x512xf32, #tpu.memory_space<vmem>>, vector<1x16xf32>,
      %swap3A_329 = vector.shape_cast %swap3A_328 : vector<1x16xf32> to vector<16xf32>
      %swap3A_330 = vector.shape_cast %broadcast_in_dim3A_105 : vector<16xf32> to vector<1x16xf32>
      tpu.vector_store %arg8[%swap3A_326, %swap3A_327], %swap3A_330 {strides = array<i32>} : memref<16x512xf32, #tpu.memory_space<vmem>>, vector<1x16xf32>,
      %swap3A_331 = arith.index_cast %scan3A_186 : i32 to index
      %swap3A_332 = arith.constant 464 : index
      %swap3A_333 = tpu.vector_load %arg8[%swap3A_331, %swap3A_332] {strides = array<i32>} : memref<16x512xf32, #tpu.memory_space<vmem>>, vector<1x16xf32>,
      %swap3A_334 = vector.shape_cast %swap3A_333 : vector<1x16xf32> to vector<16xf32>
      %swap3A_335 = vector.shape_cast %broadcast_in_dim3A_105 : vector<16xf32> to vector<1x16xf32>
      tpu.vector_store %arg8[%swap3A_331, %swap3A_332], %swap3A_335 {strides = array<i32>} : memref<16x512xf32, #tpu.memory_space<vmem>>, vector<1x16xf32>,
      %swap3A_336 = arith.index_cast %scan3A_186 : i32 to index
      %swap3A_337 = arith.constant 480 : index
      %swap3A_338 = tpu.vector_load %arg8[%swap3A_336, %swap3A_337] {strides = array<i32>} : memref<16x512xf32, #tpu.memory_space<vmem>>, vector<1x16xf32>,
      %swap3A_339 = vector.shape_cast %swap3A_338 : vector<1x16xf32> to vector<16xf32>
      %swap3A_340 = vector.shape_cast %broadcast_in_dim3A_105 : vector<16xf32> to vector<1x16xf32>
      tpu.vector_store %arg8[%swap3A_336, %swap3A_337], %swap3A_340 {strides = array<i32>} : memref<16x512xf32, #tpu.memory_space<vmem>>, vector<1x16xf32>,
      %swap3A_341 = arith.index_cast %scan3A_186 : i32 to index
      %swap3A_342 = arith.constant 496 : index
      %swap3A_343 = tpu.vector_load %arg8[%swap3A_341, %swap3A_342] {strides = array<i32>} : memref<16x512xf32, #tpu.memory_space<vmem>>, vector<1x16xf32>,
      %swap3A_344 = vector.shape_cast %swap3A_343 : vector<1x16xf32> to vector<16xf32>
      %swap3A_345 = vector.shape_cast %broadcast_in_dim3A_105 : vector<16xf32> to vector<1x16xf32>
      tpu.vector_store %arg8[%swap3A_341, %swap3A_342], %swap3A_345 {strides = array<i32>} : memref<16x512xf32, #tpu.memory_space<vmem>>, vector<1x16xf32>,
      %swap3A_346 = arith.index_cast %scan3A_186 : i32 to index
      %swap3A_347 = arith.constant 0 : index
      %swap3A_348 = tpu.vector_load %arg9[%swap3A_346, %swap3A_347] {strides = array<i32>} : memref<16x512xf32, #tpu.memory_space<vmem>>, vector<1x16xf32>,
      %swap3A_349 = vector.shape_cast %swap3A_348 : vector<1x16xf32> to vector<16xf32>
      %swap3A_350 = vector.shape_cast %broadcast_in_dim3A_105 : vector<16xf32> to vector<1x16xf32>
      tpu.vector_store %arg9[%swap3A_346, %swap3A_347], %swap3A_350 {strides = array<i32>} : memref<16x512xf32, #tpu.memory_space<vmem>>, vector<1x16xf32>,
      %swap3A_351 = arith.index_cast %scan3A_186 : i32 to index
      %swap3A_352 = arith.constant 16 : index
      %swap3A_353 = tpu.vector_load %arg9[%swap3A_351, %swap3A_352] {strides = array<i32>} : memref<16x512xf32, #tpu.memory_space<vmem>>, vector<1x16xf32>,
      %swap3A_354 = vector.shape_cast %swap3A_353 : vector<1x16xf32> to vector<16xf32>
      %swap3A_355 = vector.shape_cast %broadcast_in_dim3A_105 : vector<16xf32> to vector<1x16xf32>
      tpu.vector_store %arg9[%swap3A_351, %swap3A_352], %swap3A_355 {strides = array<i32>} : memref<16x512xf32, #tpu.memory_space<vmem>>, vector<1x16xf32>,
      %swap3A_356 = arith.index_cast %scan3A_186 : i32 to index
      %swap3A_357 = arith.constant 32 : index
      %swap3A_358 = tpu.vector_load %arg9[%swap3A_356, %swap3A_357] {strides = array<i32>} : memref<16x512xf32, #tpu.memory_space<vmem>>, vector<1x16xf32>,
      %swap3A_359 = vector.shape_cast %swap3A_358 : vector<1x16xf32> to vector<16xf32>
      %swap3A_360 = vector.shape_cast %broadcast_in_dim3A_105 : vector<16xf32> to vector<1x16xf32>
      tpu.vector_store %arg9[%swap3A_356, %swap3A_357], %swap3A_360 {strides = array<i32>} : memref<16x512xf32, #tpu.memory_space<vmem>>, vector<1x16xf32>,
      %swap3A_361 = arith.index_cast %scan3A_186 : i32 to index
      %swap3A_362 = arith.constant 48 : index
      %swap3A_363 = tpu.vector_load %arg9[%swap3A_361, %swap3A_362] {strides = array<i32>} : memref<16x512xf32, #tpu.memory_space<vmem>>, vector<1x16xf32>,
      %swap3A_364 = vector.shape_cast %swap3A_363 : vector<1x16xf32> to vector<16xf32>
      %swap3A_365 = vector.shape_cast %broadcast_in_dim3A_105 : vector<16xf32> to vector<1x16xf32>
      tpu.vector_store %arg9[%swap3A_361, %swap3A_362], %swap3A_365 {strides = array<i32>} : memref<16x512xf32, #tpu.memory_space<vmem>>, vector<1x16xf32>,
      %swap3A_366 = arith.index_cast %scan3A_186 : i32 to index
      %swap3A_367 = arith.constant 64 : index
      %swap3A_368 = tpu.vector_load %arg9[%swap3A_366, %swap3A_367] {strides = array<i32>} : memref<16x512xf32, #tpu.memory_space<vmem>>, vector<1x16xf32>,
      %swap3A_369 = vector.shape_cast %swap3A_368 : vector<1x16xf32> to vector<16xf32>
      %swap3A_370 = vector.shape_cast %broadcast_in_dim3A_105 : vector<16xf32> to vector<1x16xf32>
      tpu.vector_store %arg9[%swap3A_366, %swap3A_367], %swap3A_370 {strides = array<i32>} : memref<16x512xf32, #tpu.memory_space<vmem>>, vector<1x16xf32>,
      %swap3A_371 = arith.index_cast %scan3A_186 : i32 to index
      %swap3A_372 = arith.constant 80 : index
      %swap3A_373 = tpu.vector_load %arg9[%swap3A_371, %swap3A_372] {strides = array<i32>} : memref<16x512xf32, #tpu.memory_space<vmem>>, vector<1x16xf32>,
      %swap3A_374 = vector.shape_cast %swap3A_373 : vector<1x16xf32> to vector<16xf32>
      %swap3A_375 = vector.shape_cast %broadcast_in_dim3A_105 : vector<16xf32> to vector<1x16xf32>
      tpu.vector_store %arg9[%swap3A_371, %swap3A_372], %swap3A_375 {strides = array<i32>} : memref<16x512xf32, #tpu.memory_space<vmem>>, vector<1x16xf32>,
      %swap3A_376 = arith.index_cast %scan3A_186 : i32 to index
      %swap3A_377 = arith.constant 96 : index
      %swap3A_378 = tpu.vector_load %arg9[%swap3A_376, %swap3A_377] {strides = array<i32>} : memref<16x512xf32, #tpu.memory_space<vmem>>, vector<1x16xf32>,
      %swap3A_379 = vector.shape_cast %swap3A_378 : vector<1x16xf32> to vector<16xf32>
      %swap3A_380 = vector.shape_cast %broadcast_in_dim3A_105 : vector<16xf32> to vector<1x16xf32>
      tpu.vector_store %arg9[%swap3A_376, %swap3A_377], %swap3A_380 {strides = array<i32>} : memref<16x512xf32, #tpu.memory_space<vmem>>, vector<1x16xf32>,
      %swap3A_381 = arith.index_cast %scan3A_186 : i32 to index
      %swap3A_382 = arith.constant 112 : index
      %swap3A_383 = tpu.vector_load %arg9[%swap3A_381, %swap3A_382] {strides = array<i32>} : memref<16x512xf32, #tpu.memory_space<vmem>>, vector<1x16xf32>,
      %swap3A_384 = vector.shape_cast %swap3A_383 : vector<1x16xf32> to vector<16xf32>
      %swap3A_385 = vector.shape_cast %broadcast_in_dim3A_105 : vector<16xf32> to vector<1x16xf32>
      tpu.vector_store %arg9[%swap3A_381, %swap3A_382], %swap3A_385 {strides = array<i32>} : memref<16x512xf32, #tpu.memory_space<vmem>>, vector<1x16xf32>,
      %swap3A_386 = arith.index_cast %scan3A_186 : i32 to index
      %swap3A_387 = arith.constant 128 : index
      %swap3A_388 = tpu.vector_load %arg9[%swap3A_386, %swap3A_387] {strides = array<i32>} : memref<16x512xf32, #tpu.memory_space<vmem>>, vector<1x16xf32>,
      %swap3A_389 = vector.shape_cast %swap3A_388 : vector<1x16xf32> to vector<16xf32>
      %swap3A_390 = vector.shape_cast %broadcast_in_dim3A_105 : vector<16xf32> to vector<1x16xf32>
      tpu.vector_store %arg9[%swap3A_386, %swap3A_387], %swap3A_390 {strides = array<i32>} : memref<16x512xf32, #tpu.memory_space<vmem>>, vector<1x16xf32>,
      %swap3A_391 = arith.index_cast %scan3A_186 : i32 to index
      %swap3A_392 = arith.constant 144 : index
      %swap3A_393 = tpu.vector_load %arg9[%swap3A_391, %swap3A_392] {strides = array<i32>} : memref<16x512xf32, #tpu.memory_space<vmem>>, vector<1x16xf32>,
      %swap3A_394 = vector.shape_cast %swap3A_393 : vector<1x16xf32> to vector<16xf32>
      %swap3A_395 = vector.shape_cast %broadcast_in_dim3A_105 : vector<16xf32> to vector<1x16xf32>
      tpu.vector_store %arg9[%swap3A_391, %swap3A_392], %swap3A_395 {strides = array<i32>} : memref<16x512xf32, #tpu.memory_space<vmem>>, vector<1x16xf32>,
      %swap3A_396 = arith.index_cast %scan3A_186 : i32 to index
      %swap3A_397 = arith.constant 160 : index
      %swap3A_398 = tpu.vector_load %arg9[%swap3A_396, %swap3A_397] {strides = array<i32>} : memref<16x512xf32, #tpu.memory_space<vmem>>, vector<1x16xf32>,
      %swap3A_399 = vector.shape_cast %swap3A_398 : vector<1x16xf32> to vector<16xf32>
      %swap3A_400 = vector.shape_cast %broadcast_in_dim3A_105 : vector<16xf32> to vector<1x16xf32>
      tpu.vector_store %arg9[%swap3A_396, %swap3A_397], %swap3A_400 {strides = array<i32>} : memref<16x512xf32, #tpu.memory_space<vmem>>, vector<1x16xf32>,
      %swap3A_401 = arith.index_cast %scan3A_186 : i32 to index
      %swap3A_402 = arith.constant 176 : index
      %swap3A_403 = tpu.vector_load %arg9[%swap3A_401, %swap3A_402] {strides = array<i32>} : memref<16x512xf32, #tpu.memory_space<vmem>>, vector<1x16xf32>,
      %swap3A_404 = vector.shape_cast %swap3A_403 : vector<1x16xf32> to vector<16xf32>
      %swap3A_405 = vector.shape_cast %broadcast_in_dim3A_105 : vector<16xf32> to vector<1x16xf32>
      tpu.vector_store %arg9[%swap3A_401, %swap3A_402], %swap3A_405 {strides = array<i32>} : memref<16x512xf32, #tpu.memory_space<vmem>>, vector<1x16xf32>,
      %swap3A_406 = arith.index_cast %scan3A_186 : i32 to index
      %swap3A_407 = arith.constant 192 : index
      %swap3A_408 = tpu.vector_load %arg9[%swap3A_406, %swap3A_407] {strides = array<i32>} : memref<16x512xf32, #tpu.memory_space<vmem>>, vector<1x16xf32>,
      %swap3A_409 = vector.shape_cast %swap3A_408 : vector<1x16xf32> to vector<16xf32>
      %swap3A_410 = vector.shape_cast %broadcast_in_dim3A_105 : vector<16xf32> to vector<1x16xf32>
      tpu.vector_store %arg9[%swap3A_406, %swap3A_407], %swap3A_410 {strides = array<i32>} : memref<16x512xf32, #tpu.memory_space<vmem>>, vector<1x16xf32>,
      %swap3A_411 = arith.index_cast %scan3A_186 : i32 to index
      %swap3A_412 = arith.constant 208 : index
      %swap3A_413 = tpu.vector_load %arg9[%swap3A_411, %swap3A_412] {strides = array<i32>} : memref<16x512xf32, #tpu.memory_space<vmem>>, vector<1x16xf32>,
      %swap3A_414 = vector.shape_cast %swap3A_413 : vector<1x16xf32> to vector<16xf32>
      %swap3A_415 = vector.shape_cast %broadcast_in_dim3A_105 : vector<16xf32> to vector<1x16xf32>
      tpu.vector_store %arg9[%swap3A_411, %swap3A_412], %swap3A_415 {strides = array<i32>} : memref<16x512xf32, #tpu.memory_space<vmem>>, vector<1x16xf32>,
      %swap3A_416 = arith.index_cast %scan3A_186 : i32 to index
      %swap3A_417 = arith.constant 224 : index
      %swap3A_418 = tpu.vector_load %arg9[%swap3A_416, %swap3A_417] {strides = array<i32>} : memref<16x512xf32, #tpu.memory_space<vmem>>, vector<1x16xf32>,
      %swap3A_419 = vector.shape_cast %swap3A_418 : vector<1x16xf32> to vector<16xf32>
      %swap3A_420 = vector.shape_cast %broadcast_in_dim3A_105 : vector<16xf32> to vector<1x16xf32>
      tpu.vector_store %arg9[%swap3A_416, %swap3A_417], %swap3A_420 {strides = array<i32>} : memref<16x512xf32, #tpu.memory_space<vmem>>, vector<1x16xf32>,
      %swap3A_421 = arith.index_cast %scan3A_186 : i32 to index
      %swap3A_422 = arith.constant 240 : index
      %swap3A_423 = tpu.vector_load %arg9[%swap3A_421, %swap3A_422] {strides = array<i32>} : memref<16x512xf32, #tpu.memory_space<vmem>>, vector<1x16xf32>,
      %swap3A_424 = vector.shape_cast %swap3A_423 : vector<1x16xf32> to vector<16xf32>
      %swap3A_425 = vector.shape_cast %broadcast_in_dim3A_105 : vector<16xf32> to vector<1x16xf32>
      tpu.vector_store %arg9[%swap3A_421, %swap3A_422], %swap3A_425 {strides = array<i32>} : memref<16x512xf32, #tpu.memory_space<vmem>>, vector<1x16xf32>,
      %swap3A_426 = arith.index_cast %scan3A_186 : i32 to index
      %swap3A_427 = arith.constant 256 : index
      %swap3A_428 = tpu.vector_load %arg9[%swap3A_426, %swap3A_427] {strides = array<i32>} : memref<16x512xf32, #tpu.memory_space<vmem>>, vector<1x16xf32>,
      %swap3A_429 = vector.shape_cast %swap3A_428 : vector<1x16xf32> to vector<16xf32>
      %swap3A_430 = vector.shape_cast %broadcast_in_dim3A_105 : vector<16xf32> to vector<1x16xf32>
      tpu.vector_store %arg9[%swap3A_426, %swap3A_427], %swap3A_430 {strides = array<i32>} : memref<16x512xf32, #tpu.memory_space<vmem>>, vector<1x16xf32>,
      %swap3A_431 = arith.index_cast %scan3A_186 : i32 to index
      %swap3A_432 = arith.constant 272 : index
      %swap3A_433 = tpu.vector_load %arg9[%swap3A_431, %swap3A_432] {strides = array<i32>} : memref<16x512xf32, #tpu.memory_space<vmem>>, vector<1x16xf32>,
      %swap3A_434 = vector.shape_cast %swap3A_433 : vector<1x16xf32> to vector<16xf32>
      %swap3A_435 = vector.shape_cast %broadcast_in_dim3A_105 : vector<16xf32> to vector<1x16xf32>
      tpu.vector_store %arg9[%swap3A_431, %swap3A_432], %swap3A_435 {strides = array<i32>} : memref<16x512xf32, #tpu.memory_space<vmem>>, vector<1x16xf32>,
      %swap3A_436 = arith.index_cast %scan3A_186 : i32 to index
      %swap3A_437 = arith.constant 288 : index
      %swap3A_438 = tpu.vector_load %arg9[%swap3A_436, %swap3A_437] {strides = array<i32>} : memref<16x512xf32, #tpu.memory_space<vmem>>, vector<1x16xf32>,
      %swap3A_439 = vector.shape_cast %swap3A_438 : vector<1x16xf32> to vector<16xf32>
      %swap3A_440 = vector.shape_cast %broadcast_in_dim3A_105 : vector<16xf32> to vector<1x16xf32>
      tpu.vector_store %arg9[%swap3A_436, %swap3A_437], %swap3A_440 {strides = array<i32>} : memref<16x512xf32, #tpu.memory_space<vmem>>, vector<1x16xf32>,
      %swap3A_441 = arith.index_cast %scan3A_186 : i32 to index
      %swap3A_442 = arith.constant 304 : index
      %swap3A_443 = tpu.vector_load %arg9[%swap3A_441, %swap3A_442] {strides = array<i32>} : memref<16x512xf32, #tpu.memory_space<vmem>>, vector<1x16xf32>,
      %swap3A_444 = vector.shape_cast %swap3A_443 : vector<1x16xf32> to vector<16xf32>
      %swap3A_445 = vector.shape_cast %broadcast_in_dim3A_105 : vector<16xf32> to vector<1x16xf32>
      tpu.vector_store %arg9[%swap3A_441, %swap3A_442], %swap3A_445 {strides = array<i32>} : memref<16x512xf32, #tpu.memory_space<vmem>>, vector<1x16xf32>,
      %swap3A_446 = arith.index_cast %scan3A_186 : i32 to index
      %swap3A_447 = arith.constant 320 : index
      %swap3A_448 = tpu.vector_load %arg9[%swap3A_446, %swap3A_447] {strides = array<i32>} : memref<16x512xf32, #tpu.memory_space<vmem>>, vector<1x16xf32>,
      %swap3A_449 = vector.shape_cast %swap3A_448 : vector<1x16xf32> to vector<16xf32>
      %swap3A_450 = vector.shape_cast %broadcast_in_dim3A_105 : vector<16xf32> to vector<1x16xf32>
      tpu.vector_store %arg9[%swap3A_446, %swap3A_447], %swap3A_450 {strides = array<i32>} : memref<16x512xf32, #tpu.memory_space<vmem>>, vector<1x16xf32>,
      %swap3A_451 = arith.index_cast %scan3A_186 : i32 to index
      %swap3A_452 = arith.constant 336 : index
      %swap3A_453 = tpu.vector_load %arg9[%swap3A_451, %swap3A_452] {strides = array<i32>} : memref<16x512xf32, #tpu.memory_space<vmem>>, vector<1x16xf32>,
      %swap3A_454 = vector.shape_cast %swap3A_453 : vector<1x16xf32> to vector<16xf32>
      %swap3A_455 = vector.shape_cast %broadcast_in_dim3A_105 : vector<16xf32> to vector<1x16xf32>
      tpu.vector_store %arg9[%swap3A_451, %swap3A_452], %swap3A_455 {strides = array<i32>} : memref<16x512xf32, #tpu.memory_space<vmem>>, vector<1x16xf32>,
      %swap3A_456 = arith.index_cast %scan3A_186 : i32 to index
      %swap3A_457 = arith.constant 352 : index
      %swap3A_458 = tpu.vector_load %arg9[%swap3A_456, %swap3A_457] {strides = array<i32>} : memref<16x512xf32, #tpu.memory_space<vmem>>, vector<1x16xf32>,
      %swap3A_459 = vector.shape_cast %swap3A_458 : vector<1x16xf32> to vector<16xf32>
      %swap3A_460 = vector.shape_cast %broadcast_in_dim3A_105 : vector<16xf32> to vector<1x16xf32>
      tpu.vector_store %arg9[%swap3A_456, %swap3A_457], %swap3A_460 {strides = array<i32>} : memref<16x512xf32, #tpu.memory_space<vmem>>, vector<1x16xf32>,
      %swap3A_461 = arith.index_cast %scan3A_186 : i32 to index
      %swap3A_462 = arith.constant 368 : index
      %swap3A_463 = tpu.vector_load %arg9[%swap3A_461, %swap3A_462] {strides = array<i32>} : memref<16x512xf32, #tpu.memory_space<vmem>>, vector<1x16xf32>,
      %swap3A_464 = vector.shape_cast %swap3A_463 : vector<1x16xf32> to vector<16xf32>
      %swap3A_465 = vector.shape_cast %broadcast_in_dim3A_105 : vector<16xf32> to vector<1x16xf32>
      tpu.vector_store %arg9[%swap3A_461, %swap3A_462], %swap3A_465 {strides = array<i32>} : memref<16x512xf32, #tpu.memory_space<vmem>>, vector<1x16xf32>,
      %swap3A_466 = arith.index_cast %scan3A_186 : i32 to index
      %swap3A_467 = arith.constant 384 : index
      %swap3A_468 = tpu.vector_load %arg9[%swap3A_466, %swap3A_467] {strides = array<i32>} : memref<16x512xf32, #tpu.memory_space<vmem>>, vector<1x16xf32>,
      %swap3A_469 = vector.shape_cast %swap3A_468 : vector<1x16xf32> to vector<16xf32>
      %swap3A_470 = vector.shape_cast %broadcast_in_dim3A_105 : vector<16xf32> to vector<1x16xf32>
      tpu.vector_store %arg9[%swap3A_466, %swap3A_467], %swap3A_470 {strides = array<i32>} : memref<16x512xf32, #tpu.memory_space<vmem>>, vector<1x16xf32>,
      %swap3A_471 = arith.index_cast %scan3A_186 : i32 to index
      %swap3A_472 = arith.constant 400 : index
      %swap3A_473 = tpu.vector_load %arg9[%swap3A_471, %swap3A_472] {strides = array<i32>} : memref<16x512xf32, #tpu.memory_space<vmem>>, vector<1x16xf32>,
      %swap3A_474 = vector.shape_cast %swap3A_473 : vector<1x16xf32> to vector<16xf32>
      %swap3A_475 = vector.shape_cast %broadcast_in_dim3A_105 : vector<16xf32> to vector<1x16xf32>
      tpu.vector_store %arg9[%swap3A_471, %swap3A_472], %swap3A_475 {strides = array<i32>} : memref<16x512xf32, #tpu.memory_space<vmem>>, vector<1x16xf32>,
      %swap3A_476 = arith.index_cast %scan3A_186 : i32 to index
      %swap3A_477 = arith.constant 416 : index
      %swap3A_478 = tpu.vector_load %arg9[%swap3A_476, %swap3A_477] {strides = array<i32>} : memref<16x512xf32, #tpu.memory_space<vmem>>, vector<1x16xf32>,
      %swap3A_479 = vector.shape_cast %swap3A_478 : vector<1x16xf32> to vector<16xf32>
      %swap3A_480 = vector.shape_cast %broadcast_in_dim3A_105 : vector<16xf32> to vector<1x16xf32>
      tpu.vector_store %arg9[%swap3A_476, %swap3A_477], %swap3A_480 {strides = array<i32>} : memref<16x512xf32, #tpu.memory_space<vmem>>, vector<1x16xf32>,
      %swap3A_481 = arith.index_cast %scan3A_186 : i32 to index
      %swap3A_482 = arith.constant 432 : index
      %swap3A_483 = tpu.vector_load %arg9[%swap3A_481, %swap3A_482] {strides = array<i32>} : memref<16x512xf32, #tpu.memory_space<vmem>>, vector<1x16xf32>,
      %swap3A_484 = vector.shape_cast %swap3A_483 : vector<1x16xf32> to vector<16xf32>
      %swap3A_485 = vector.shape_cast %broadcast_in_dim3A_105 : vector<16xf32> to vector<1x16xf32>
      tpu.vector_store %arg9[%swap3A_481, %swap3A_482], %swap3A_485 {strides = array<i32>} : memref<16x512xf32, #tpu.memory_space<vmem>>, vector<1x16xf32>,
      %swap3A_486 = arith.index_cast %scan3A_186 : i32 to index
      %swap3A_487 = arith.constant 448 : index
      %swap3A_488 = tpu.vector_load %arg9[%swap3A_486, %swap3A_487] {strides = array<i32>} : memref<16x512xf32, #tpu.memory_space<vmem>>, vector<1x16xf32>,
      %swap3A_489 = vector.shape_cast %swap3A_488 : vector<1x16xf32> to vector<16xf32>
      %swap3A_490 = vector.shape_cast %broadcast_in_dim3A_105 : vector<16xf32> to vector<1x16xf32>
      tpu.vector_store %arg9[%swap3A_486, %swap3A_487], %swap3A_490 {strides = array<i32>} : memref<16x512xf32, #tpu.memory_space<vmem>>, vector<1x16xf32>,
      %swap3A_491 = arith.index_cast %scan3A_186 : i32 to index
      %swap3A_492 = arith.constant 464 : index
      %swap3A_493 = tpu.vector_load %arg9[%swap3A_491, %swap3A_492] {strides = array<i32>} : memref<16x512xf32, #tpu.memory_space<vmem>>, vector<1x16xf32>,
      %swap3A_494 = vector.shape_cast %swap3A_493 : vector<1x16xf32> to vector<16xf32>
      %swap3A_495 = vector.shape_cast %broadcast_in_dim3A_105 : vector<16xf32> to vector<1x16xf32>
      tpu.vector_store %arg9[%swap3A_491, %swap3A_492], %swap3A_495 {strides = array<i32>} : memref<16x512xf32, #tpu.memory_space<vmem>>, vector<1x16xf32>,
      %swap3A_496 = arith.index_cast %scan3A_186 : i32 to index
      %swap3A_497 = arith.constant 480 : index
      %swap3A_498 = tpu.vector_load %arg9[%swap3A_496, %swap3A_497] {strides = array<i32>} : memref<16x512xf32, #tpu.memory_space<vmem>>, vector<1x16xf32>,
      %swap3A_499 = vector.shape_cast %swap3A_498 : vector<1x16xf32> to vector<16xf32>
      %swap3A_500 = vector.shape_cast %broadcast_in_dim3A_105 : vector<16xf32> to vector<1x16xf32>
      tpu.vector_store %arg9[%swap3A_496, %swap3A_497], %swap3A_500 {strides = array<i32>} : memref<16x512xf32, #tpu.memory_space<vmem>>, vector<1x16xf32>,
      %swap3A_501 = arith.index_cast %scan3A_186 : i32 to index
      %swap3A_502 = arith.constant 496 : index
      %swap3A_503 = tpu.vector_load %arg9[%swap3A_501, %swap3A_502] {strides = array<i32>} : memref<16x512xf32, #tpu.memory_space<vmem>>, vector<1x16xf32>,
      %swap3A_504 = vector.shape_cast %swap3A_503 : vector<1x16xf32> to vector<16xf32>
      %swap3A_505 = vector.shape_cast %broadcast_in_dim3A_105 : vector<16xf32> to vector<1x16xf32>
      tpu.vector_store %arg9[%swap3A_501, %swap3A_502], %swap3A_505 {strides = array<i32>} : memref<16x512xf32, #tpu.memory_space<vmem>>, vector<1x16xf32>,
    }
    %scan3A_110 = arith.constant 16 : i32
    %add3A_111 = arith.constant 0 : i32
    %add3A_112 = arith.addi %add3A_111, %mul3A_51 : i32
    %dma_start3A = tpu.memref_slice %arg2[%add3A_112] : memref<16809984xf32, #tpu.memory_space<hbm>> -> memref<4080xf32, #tpu.memory_space<hbm>>
    %dma_start3A_113 = tpu.memref_slice %arg2[%add3A_112] : memref<16809984xf32, #tpu.memory_space<hbm>> -> memref<4080xf32, #tpu.memory_space<hbm>>
    tpu.enqueue_dma source(%dma_start3A_113 : memref<4080xf32, #tpu.memory_space<hbm>>) target(%arg4 : memref<4080xf32, #tpu.memory_space<vmem>>) target_semaphore(%arg10 : memref<!tpu.dma_semaphore, #tpu.memory_space<semaphore_mem>>)
    %add3A_114 = arith.constant 0 : i32
    %add3A_115 = arith.addi %add3A_114, %mul3A_104 : i32
    %min3A = arith.constant 16807696 : i32
    %min3A_116 = arith.minsi %add3A_115, %min3A : i32
    %dma_start3A_117 = tpu.memref_slice %arg2[%min3A_116] : memref<16809984xf32, #tpu.memory_space<hbm>> -> memref<2288xf32, #tpu.memory_space<hbm>>
    %dma_start3A_118 = tpu.memref_slice %arg2[%min3A_116] : memref<16809984xf32, #tpu.memory_space<hbm>> -> memref<2288xf32, #tpu.memory_space<hbm>>
    tpu.enqueue_dma source(%dma_start3A_118 : memref<2288xf32, #tpu.memory_space<hbm>>) target(%arg6 : memref<2288xf32, #tpu.memory_space<vmem>>) target_semaphore(%arg10 : memref<!tpu.dma_semaphore, #tpu.memory_space<semaphore_mem>>)
    %add3A_119 = arith.constant 131328 : i32
    %add3A_120 = arith.addi %add3A_119, %mul3A_51 : i32
    %dma_start3A_121 = tpu.memref_slice %arg2[%add3A_120] : memref<16809984xf32, #tpu.memory_space<hbm>> -> memref<4080xf32, #tpu.memory_space<hbm>>
    %dma_start3A_122 = tpu.memref_slice %arg2[%add3A_120] : memref<16809984xf32, #tpu.memory_space<hbm>> -> memref<4080xf32, #tpu.memory_space<hbm>>
    tpu.enqueue_dma source(%dma_start3A_122 : memref<4080xf32, #tpu.memory_space<hbm>>) target(%arg5 : memref<4080xf32, #tpu.memory_space<vmem>>) target_semaphore(%arg11 : memref<!tpu.dma_semaphore, #tpu.memory_space<semaphore_mem>>)
    %add3A_123 = arith.constant 131328 : i32
    %add3A_124 = arith.addi %add3A_123, %mul3A_104 : i32
    %min3A_125 = arith.constant 16807696 : i32
    %min3A_126 = arith.minsi %add3A_124, %min3A_125 : i32
    %dma_start3A_127 = tpu.memref_slice %arg2[%min3A_126] : memref<16809984xf32, #tpu.memory_space<hbm>> -> memref<2288xf32, #tpu.memory_space<hbm>>
    %dma_start3A_128 = tpu.memref_slice %arg2[%min3A_126] : memref<16809984xf32, #tpu.memory_space<hbm>> -> memref<2288xf32, #tpu.memory_space<hbm>>
    tpu.enqueue_dma source(%dma_start3A_128 : memref<2288xf32, #tpu.memory_space<hbm>>) target(%arg7 : memref<2288xf32, #tpu.memory_space<vmem>>) target_semaphore(%arg11 : memref<!tpu.dma_semaphore, #tpu.memory_space<semaphore_mem>>)
    %scan3A_129 = arith.constant 0 : i32
    %scan3A_130 = arith.constant 0 : i32
    %scan3A_131 = arith.constant 64 : i32
    %scan3A_132 = arith.addi %scan3A_130, %scan3A_131 : i32
    %scan3A_133 = arith.constant 1 : i32
    scf.for %scan3A_186 = %scan3A_130 to %scan3A_132 step %scan3A_133  : i32 {
      %mul3A_187 = arith.constant 2 : i32
      %mul3A_188 = arith.muli %mul3A_187, %scan3A_186 : i32
      %add3A_189 = arith.constant 0 : i32
      %add3A_190 = arith.addi %mul3A_188, %add3A_189 : i32
      %mul3A_191 = arith.constant 131328 : i32
      %mul3A_192 = arith.muli %add3A_190, %mul3A_191 : i32
      %add3A_193 = arith.addi %mul3A_192, %mul3A_51 : i32
      %dma_wait3A_194 = tpu.memref_slice %arg2[%add3A_193] : memref<16809984xf32, #tpu.memory_space<hbm>> -> memref<4080xf32, #tpu.memory_space<hbm>>
      %dma_wait3A_195 = tpu.memref_slice %arg2[%add3A_193] : memref<16809984xf32, #tpu.memory_space<hbm>> -> memref<4080xf32, #tpu.memory_space<hbm>>
      tpu.wait_dma2 semaphore(%arg10 : memref<!tpu.dma_semaphore, #tpu.memory_space<semaphore_mem>>) src(%dma_wait3A_195 : memref<4080xf32, #tpu.memory_space<hbm>>) dst(%arg4 : memref<4080xf32, #tpu.memory_space<vmem>>)
      %mul3A_196 = arith.constant 131328 : i32
      %mul3A_197 = arith.muli %add3A_190, %mul3A_196 : i32
      %add3A_198 = arith.addi %mul3A_197, %mul3A_104 : i32
      %min3A_199 = arith.constant 16807696 : i32
      %min3A_200 = arith.minsi %add3A_198, %min3A_199 : i32
      %dma_wait3A_201 = tpu.memref_slice %arg2[%min3A_200] : memref<16809984xf32, #tpu.memory_space<hbm>> -> memref<2288xf32, #tpu.memory_space<hbm>>
      %dma_wait3A_202 = tpu.memref_slice %arg2[%min3A_200] : memref<16809984xf32, #tpu.memory_space<hbm>> -> memref<2288xf32, #tpu.memory_space<hbm>>
      tpu.wait_dma2 semaphore(%arg10 : memref<!tpu.dma_semaphore, #tpu.memory_space<semaphore_mem>>) src(%dma_wait3A_202 : memref<2288xf32, #tpu.memory_space<hbm>>) dst(%arg6 : memref<2288xf32, #tpu.memory_space<vmem>>)
      %gt3A = arith.constant 0 : i32
      %gt3A_203 = arith.cmpi sgt, %scan3A_186, %gt3A : i32
      %convert_element_type3A = arith.extui %gt3A_203 : i1 to i32
      %cond3A = arith.constant 0 : i32
      %cond3A_204 = arith.cmpi ne, %convert_element_type3A, %cond3A : i32
      scf.if %cond3A_204 {
        %sub3A_2826 = arith.constant 2 : i32
        %sub3A_2827 = arith.subi %add3A_190, %sub3A_2826 : i32
        %dma_wait3A_2828 = arith.constant 0 : i32
        %dma_wait3A_2829 = arith.constant 0 : i32
        %dma_wait3A_2830 = tpu.memref_slice %arg8[%dma_wait3A_2828, %dma_wait3A_2829] : memref<16x512xf32, #tpu.memory_space<vmem>> -> memref<8x512xf32, #tpu.memory_space<vmem>>
        %dma_wait3A_2831 = arith.constant 0 : i32
        %dma_wait3A_2832 = tpu.memref_slice %arg3[%sub3A_2827, %mul3A_2, %dma_wait3A_2831] : memref<128x512x512xf32, #tpu.memory_space<hbm>> -> memref<1x8x512xf32, #tpu.memory_space<hbm>>
        %dma_wait3A_2833 = tpu.memref_squeeze %dma_wait3A_2832 : memref<1x8x512xf32, #tpu.memory_space<hbm>> -> memref<8x512xf32, #tpu.memory_space<hbm>>
        %dma_wait3A_2834 = arith.constant 0 : i32
        %dma_wait3A_2835 = tpu.memref_slice %arg3[%sub3A_2827, %mul3A_2, %dma_wait3A_2834] : memref<128x512x512xf32, #tpu.memory_space<hbm>> -> memref<1x8x512xf32, #tpu.memory_space<hbm>>
        %dma_wait3A_2836 = tpu.memref_squeeze %dma_wait3A_2835 : memref<1x8x512xf32, #tpu.memory_space<hbm>> -> memref<8x512xf32, #tpu.memory_space<hbm>>
        %dma_wait3A_2837 = arith.constant 0 : i32
        %dma_wait3A_2838 = arith.constant 0 : i32
        %dma_wait3A_2839 = tpu.memref_slice %arg8[%dma_wait3A_2837, %dma_wait3A_2838] : memref<16x512xf32, #tpu.memory_space<vmem>> -> memref<8x512xf32, #tpu.memory_space<vmem>>
        tpu.wait_dma2 semaphore(%arg12 : memref<!tpu.dma_semaphore, #tpu.memory_space<semaphore_mem>>) src(%dma_wait3A_2839 : memref<8x512xf32, #tpu.memory_space<vmem>>) dst(%dma_wait3A_2836 : memref<8x512xf32, #tpu.memory_space<hbm>>)
        %sub3A_2840 = arith.constant 2 : i32
        %sub3A_2841 = arith.subi %add3A_190, %sub3A_2840 : i32
        %dma_wait3A_2842 = arith.constant 8 : i32
        %dma_wait3A_2843 = arith.constant 0 : i32
        %dma_wait3A_2844 = tpu.memref_slice %arg8[%dma_wait3A_2842, %dma_wait3A_2843] : memref<16x512xf32, #tpu.memory_space<vmem>> -> memref<8x512xf32, #tpu.memory_space<vmem>>
        %dma_wait3A_2845 = arith.constant 0 : i32
        %dma_wait3A_2846 = tpu.memref_slice %arg3[%sub3A_2841, %sub3A_5, %dma_wait3A_2845] : memref<128x512x512xf32, #tpu.memory_space<hbm>> -> memref<1x8x512xf32, #tpu.memory_space<hbm>>
        %dma_wait3A_2847 = tpu.memref_squeeze %dma_wait3A_2846 : memref<1x8x512xf32, #tpu.memory_space<hbm>> -> memref<8x512xf32, #tpu.memory_space<hbm>>
        %dma_wait3A_2848 = arith.constant 0 : i32
        %dma_wait3A_2849 = tpu.memref_slice %arg3[%sub3A_2841, %sub3A_5, %dma_wait3A_2848] : memref<128x512x512xf32, #tpu.memory_space<hbm>> -> memref<1x8x512xf32, #tpu.memory_space<hbm>>
        %dma_wait3A_2850 = tpu.memref_squeeze %dma_wait3A_2849 : memref<1x8x512xf32, #tpu.memory_space<hbm>> -> memref<8x512xf32, #tpu.memory_space<hbm>>
        %dma_wait3A_2851 = arith.constant 8 : i32
        %dma_wait3A_2852 = arith.constant 0 : i32
        %dma_wait3A_2853 = tpu.memref_slice %arg8[%dma_wait3A_2851, %dma_wait3A_2852] : memref<16x512xf32, #tpu.memory_space<vmem>> -> memref<8x512xf32, #tpu.memory_space<vmem>>
        tpu.wait_dma2 semaphore(%arg12 : memref<!tpu.dma_semaphore, #tpu.memory_space<semaphore_mem>>) src(%dma_wait3A_2853 : memref<8x512xf32, #tpu.memory_space<vmem>>) dst(%dma_wait3A_2850 : memref<8x512xf32, #tpu.memory_space<hbm>>)
      } else {
      }
      %mul3A_205 = arith.constant 131328 : i32
      %mul3A_206 = arith.muli %add3A_190, %mul3A_205 : i32
      %mul3A_207 = arith.constant 131328 : i32
      %mul3A_208 = arith.muli %add3A_190, %mul3A_207 : i32
      %add3A_209 = arith.addi %mul3A_208, %mul3A_104 : i32
      %min3A_210 = arith.constant 16807696 : i32
      %min3A_211 = arith.minsi %add3A_209, %min3A_210 : i32
      %sub3A_212 = arith.subi %mul3A_206, %min3A_211 : i32
      %add3A_213 = arith.constant 0 : i32
      %add3A_214 = arith.addi %mul3A_2, %add3A_213 : i32
      %sub3A_215 = arith.constant 1023 : i32
      %sub3A_216 = arith.subi %sub3A_215, %add3A_214 : i32
      %mul3A_217 = arith.muli %add3A_214, %sub3A_216 : i32
      %jit3A_218 = arith.constant 2 : i32
      %div3A_219 = arith.divsi %mul3A_217, %jit3A_218 : i32
      %sign3A_220 = arith.constant 0 : i32
      %sign3A_221 = arith.cmpi sgt, %mul3A_217, %sign3A_220 : i32
      %sign3A_222 = arith.extui %sign3A_221 : i1 to i32
      %sign3A_223 = arith.constant 0 : i32
      %sign3A_224 = arith.cmpi slt, %mul3A_217, %sign3A_223 : i32
      %sign3A_225 = arith.extui %sign3A_224 : i1 to i32
      %sign3A_226 = arith.subi %sign3A_222, %sign3A_225 : i32
      %sign3A_227 = arith.constant 0 : i32
      %sign3A_228 = arith.cmpi sgt, %jit3A_218, %sign3A_227 : i32
      %sign3A_229 = arith.extui %sign3A_228 : i1 to i32
      %sign3A_230 = arith.constant 0 : i32
      %sign3A_231 = arith.cmpi slt, %jit3A_218, %sign3A_230 : i32
      %sign3A_232 = arith.extui %sign3A_231 : i1 to i32
      %sign3A_233 = arith.subi %sign3A_229, %sign3A_232 : i32
      %ne3A_234 = arith.cmpi ne, %sign3A_226, %sign3A_233 : i32
      %rem3A_235 = arith.remsi %mul3A_217, %jit3A_218 : i32
      %ne3A_236 = arith.constant 0 : i32
      %ne3A_237 = arith.cmpi ne, %rem3A_235, %ne3A_236 : i32
      %and3A_238 = arith.andi %ne3A_234, %ne3A_237 : i1
      %sub3A_239 = arith.constant 1 : i32
      %sub3A_240 = arith.subi %div3A_219, %sub3A_239 : i32
      %select_n3A_241 = arith.select %and3A_238, %sub3A_240, %div3A_219 : i32
      %sub3A_242 = arith.subi %select_n3A_241, %mul3A_51 : i32
      %jit3A_243 = arith.constant 16 : i32
      %div3A_244 = arith.divsi %add3A_214, %jit3A_243 : i32
      %sign3A_245 = arith.constant 0 : i32
      %sign3A_246 = arith.cmpi sgt, %add3A_214, %sign3A_245 : i32
      %sign3A_247 = arith.extui %sign3A_246 : i1 to i32
      %sign3A_248 = arith.constant 0 : i32
      %sign3A_249 = arith.cmpi slt, %add3A_214, %sign3A_248 : i32
      %sign3A_250 = arith.extui %sign3A_249 : i1 to i32
      %sign3A_251 = arith.subi %sign3A_247, %sign3A_250 : i32
      %sign3A_252 = arith.constant 0 : i32
      %sign3A_253 = arith.cmpi sgt, %jit3A_243, %sign3A_252 : i32
      %sign3A_254 = arith.extui %sign3A_253 : i1 to i32
      %sign3A_255 = arith.constant 0 : i32
      %sign3A_256 = arith.cmpi slt, %jit3A_243, %sign3A_255 : i32
      %sign3A_257 = arith.extui %sign3A_256 : i1 to i32
      %sign3A_258 = arith.subi %sign3A_254, %sign3A_257 : i32
      %ne3A_259 = arith.cmpi ne, %sign3A_251, %sign3A_258 : i32
      %rem3A_260 = arith.remsi %add3A_214, %jit3A_243 : i32
      %ne3A_261 = arith.constant 0 : i32
      %ne3A_262 = arith.cmpi ne, %rem3A_260, %ne3A_261 : i32
      %and3A_263 = arith.andi %ne3A_259, %ne3A_262 : i1
      %sub3A_264 = arith.constant 1 : i32
      %sub3A_265 = arith.subi %div3A_244, %sub3A_264 : i32
      %select_n3A_266 = arith.select %and3A_263, %sub3A_265, %div3A_244 : i32
      %mul3A_267 = arith.constant 16 : i32
      %mul3A_268 = arith.muli %select_n3A_266, %mul3A_267 : i32
      %sub3A_269 = arith.subi %add3A_214, %mul3A_268 : i32
      %mul3A_270 = arith.constant 16 : i32
      %mul3A_271 = arith.muli %select_n3A_266, %mul3A_270 : i32
      %add3A_272 = arith.addi %sub3A_242, %mul3A_271 : i32
      %get3A = arith.index_cast %add3A_272 : i32 to index
      %get3A_273 = tpu.vector_load %arg4[%get3A] {strides = array<i32>} : memref<4080xf32, #tpu.memory_space<vmem>>, vector<16xf32>,
      %get3A_274 = vector.shape_cast %get3A_273 : vector<16xf32> to vector<16xf32>
      %ge3A = vector.broadcast %sub3A_269 : i32 to vector<16xi32>
      %ge3A_275 = arith.cmpi sge, %iota3A, %ge3A : vector<16xi32>
      %jit3A_276 = arith.constant 0.000000e+00 : f32
      %broadcast_in_dim3A_277 = vector.broadcast %jit3A_276 : f32 to vector<16xf32>
      %select_n3A_278 = arith.select %ge3A_275, %get3A_274, %broadcast_in_dim3A_277 : vector<16xi1>, vector<16xf32>
      %multiple_of3A = tpu.assume_multiple %mul3A_271, 16 : i32
      %swap3A = arith.constant 0 : i32
      %swap3A_279 = arith.index_cast %swap3A : i32 to index
      %swap3A_280 = arith.index_cast %multiple_of3A : i32 to index
      %swap3A_281 = tpu.vector_load %arg8[%swap3A_279, %swap3A_280] {strides = array<i32>} : memref<16x512xf32, #tpu.memory_space<vmem>>, vector<1x16xf32>,
      %swap3A_282 = vector.shape_cast %swap3A_281 : vector<1x16xf32> to vector<16xf32>
      %swap3A_283 = vector.shape_cast %select_n3A_278 : vector<16xf32> to vector<1x16xf32>
      tpu.vector_store %arg8[%swap3A_279, %swap3A_280], %swap3A_283 {strides = array<i32>} : memref<16x512xf32, #tpu.memory_space<vmem>>, vector<1x16xf32>,
      %add3A_284 = arith.constant 1 : i32
      %add3A_285 = arith.addi %select_n3A_266, %add3A_284 : i32
      %parallel_loop3A = arith.constant 32 : i32
      %parallel_loop3A_286 = arith.constant 1 : i32
      scf.for %parallel_loop3A_2826 = %add3A_285 to %parallel_loop3A step %parallel_loop3A_286  : i32 {
        %parallel_loop3A_2827 = arith.constant 16 : i32
        %parallel_loop3A_2828 = arith.muli %parallel_loop3A_2826, %parallel_loop3A_2827 : i32
        %parallel_loop3A_2829 = tpu.assume_multiple %parallel_loop3A_2828, 16 : i32
        %parallel_loop3A_2830 = arith.constant 16 : i32
        %parallel_loop3A_2831 = arith.muli %parallel_loop3A_2826, %parallel_loop3A_2830 : i32
        %parallel_loop3A_2832 = arith.addi %sub3A_242, %parallel_loop3A_2831 : i32
        %parallel_loop3A_2833 = arith.index_cast %parallel_loop3A_2832 : i32 to index
        %parallel_loop3A_2834 = tpu.vector_load %arg4[%parallel_loop3A_2833] {strides = array<i32>} : memref<4080xf32, #tpu.memory_space<vmem>>, vector<16xf32>,
        %parallel_loop3A_2835 = vector.shape_cast %parallel_loop3A_2834 : vector<16xf32> to vector<16xf32>
        %parallel_loop3A_2836 = arith.constant 0 : i32
        %parallel_loop3A_2837 = arith.index_cast %parallel_loop3A_2836 : i32 to index
        %parallel_loop3A_2838 = arith.index_cast %parallel_loop3A_2829 : i32 to index
        %parallel_loop3A_2839 = tpu.vector_load %arg8[%parallel_loop3A_2837, %parallel_loop3A_2838] {strides = array<i32>} : memref<16x512xf32, #tpu.memory_space<vmem>>, vector<1x16xf32>,
        %parallel_loop3A_2840 = vector.shape_cast %parallel_loop3A_2839 : vector<1x16xf32> to vector<16xf32>
        %parallel_loop3A_2841 = vector.shape_cast %parallel_loop3A_2835 : vector<16xf32> to vector<1x16xf32>
        tpu.vector_store %arg8[%parallel_loop3A_2837, %parallel_loop3A_2838], %parallel_loop3A_2841 {strides = array<i32>} : memref<16x512xf32, #tpu.memory_space<vmem>>, vector<1x16xf32>,
      } {sc.loop_unroll_factor = 2 : i64, sc.parallel_access}
      %add3A_287 = arith.constant 0 : i32
      %add3A_288 = arith.addi %sub3A_5, %add3A_287 : i32
      %sub3A_289 = arith.constant 1023 : i32
      %sub3A_290 = arith.subi %sub3A_289, %add3A_288 : i32
      %mul3A_291 = arith.muli %add3A_288, %sub3A_290 : i32
      %jit3A_292 = arith.constant 2 : i32
      %div3A_293 = arith.divsi %mul3A_291, %jit3A_292 : i32
      %sign3A_294 = arith.constant 0 : i32
      %sign3A_295 = arith.cmpi sgt, %mul3A_291, %sign3A_294 : i32
      %sign3A_296 = arith.extui %sign3A_295 : i1 to i32
      %sign3A_297 = arith.constant 0 : i32
      %sign3A_298 = arith.cmpi slt, %mul3A_291, %sign3A_297 : i32
      %sign3A_299 = arith.extui %sign3A_298 : i1 to i32
      %sign3A_300 = arith.subi %sign3A_296, %sign3A_299 : i32
      %sign3A_301 = arith.constant 0 : i32
      %sign3A_302 = arith.cmpi sgt, %jit3A_292, %sign3A_301 : i32
      %sign3A_303 = arith.extui %sign3A_302 : i1 to i32
      %sign3A_304 = arith.constant 0 : i32
      %sign3A_305 = arith.cmpi slt, %jit3A_292, %sign3A_304 : i32
      %sign3A_306 = arith.extui %sign3A_305 : i1 to i32
      %sign3A_307 = arith.subi %sign3A_303, %sign3A_306 : i32
      %ne3A_308 = arith.cmpi ne, %sign3A_300, %sign3A_307 : i32
      %rem3A_309 = arith.remsi %mul3A_291, %jit3A_292 : i32
      %ne3A_310 = arith.constant 0 : i32
      %ne3A_311 = arith.cmpi ne, %rem3A_309, %ne3A_310 : i32
      %and3A_312 = arith.andi %ne3A_308, %ne3A_311 : i1
      %sub3A_313 = arith.constant 1 : i32
      %sub3A_314 = arith.subi %div3A_293, %sub3A_313 : i32
      %select_n3A_315 = arith.select %and3A_312, %sub3A_314, %div3A_293 : i32
      %add3A_316 = arith.addi %sub3A_212, %select_n3A_315 : i32
      %jit3A_317 = arith.constant 16 : i32
      %div3A_318 = arith.divsi %add3A_288, %jit3A_317 : i32
      %sign3A_319 = arith.constant 0 : i32
      %sign3A_320 = arith.cmpi sgt, %add3A_288, %sign3A_319 : i32
      %sign3A_321 = arith.extui %sign3A_320 : i1 to i32
      %sign3A_322 = arith.constant 0 : i32
      %sign3A_323 = arith.cmpi slt, %add3A_288, %sign3A_322 : i32
      %sign3A_324 = arith.extui %sign3A_323 : i1 to i32
      %sign3A_325 = arith.subi %sign3A_321, %sign3A_324 : i32
      %sign3A_326 = arith.constant 0 : i32
      %sign3A_327 = arith.cmpi sgt, %jit3A_317, %sign3A_326 : i32
      %sign3A_328 = arith.extui %sign3A_327 : i1 to i32
      %sign3A_329 = arith.constant 0 : i32
      %sign3A_330 = arith.cmpi slt, %jit3A_317, %sign3A_329 : i32
      %sign3A_331 = arith.extui %sign3A_330 : i1 to i32
      %sign3A_332 = arith.subi %sign3A_328, %sign3A_331 : i32
      %ne3A_333 = arith.cmpi ne, %sign3A_325, %sign3A_332 : i32
      %rem3A_334 = arith.remsi %add3A_288, %jit3A_317 : i32
      %ne3A_335 = arith.constant 0 : i32
      %ne3A_336 = arith.cmpi ne, %rem3A_334, %ne3A_335 : i32
      %and3A_337 = arith.andi %ne3A_333, %ne3A_336 : i1
      %sub3A_338 = arith.constant 1 : i32
      %sub3A_339 = arith.subi %div3A_318, %sub3A_338 : i32
      %select_n3A_340 = arith.select %and3A_337, %sub3A_339, %div3A_318 : i32
      %mul3A_341 = arith.constant 16 : i32
      %mul3A_342 = arith.muli %select_n3A_340, %mul3A_341 : i32
      %sub3A_343 = arith.subi %add3A_288, %mul3A_342 : i32
      %mul3A_344 = arith.constant 16 : i32
      %mul3A_345 = arith.muli %select_n3A_340, %mul3A_344 : i32
      %add3A_346 = arith.addi %add3A_316, %mul3A_345 : i32
      %get3A_347 = arith.index_cast %add3A_346 : i32 to index
      %get3A_348 = tpu.vector_load %arg6[%get3A_347] {strides = array<i32>} : memref<2288xf32, #tpu.memory_space<vmem>>, vector<16xf32>,
      %get3A_349 = vector.shape_cast %get3A_348 : vector<16xf32> to vector<16xf32>
      %ge3A_350 = vector.broadcast %sub3A_343 : i32 to vector<16xi32>
      %ge3A_351 = arith.cmpi sge, %iota3A, %ge3A_350 : vector<16xi32>
      %jit3A_352 = arith.constant 0.000000e+00 : f32
      %broadcast_in_dim3A_353 = vector.broadcast %jit3A_352 : f32 to vector<16xf32>
      %select_n3A_354 = arith.select %ge3A_351, %get3A_349, %broadcast_in_dim3A_353 : vector<16xi1>, vector<16xf32>
      %multiple_of3A_355 = tpu.assume_multiple %mul3A_345, 16 : i32
      %swap3A_356 = arith.constant 8 : i32
      %swap3A_357 = arith.index_cast %swap3A_356 : i32 to index
      %swap3A_358 = arith.index_cast %multiple_of3A_355 : i32 to index
      %swap3A_359 = tpu.vector_load %arg8[%swap3A_357, %swap3A_358] {strides = array<i32>} : memref<16x512xf32, #tpu.memory_space<vmem>>, vector<1x16xf32>,
      %swap3A_360 = vector.shape_cast %swap3A_359 : vector<1x16xf32> to vector<16xf32>
      %swap3A_361 = vector.shape_cast %select_n3A_354 : vector<16xf32> to vector<1x16xf32>
      tpu.vector_store %arg8[%swap3A_357, %swap3A_358], %swap3A_361 {strides = array<i32>} : memref<16x512xf32, #tpu.memory_space<vmem>>, vector<1x16xf32>,
      %add3A_362 = arith.constant 1 : i32
      %add3A_363 = arith.addi %select_n3A_340, %add3A_362 : i32
      %parallel_loop3A_364 = arith.constant 32 : i32
      %parallel_loop3A_365 = arith.constant 1 : i32
      scf.for %parallel_loop3A_2826 = %add3A_363 to %parallel_loop3A_364 step %parallel_loop3A_365  : i32 {
        %parallel_loop3A_2827 = arith.constant 16 : i32
        %parallel_loop3A_2828 = arith.muli %parallel_loop3A_2826, %parallel_loop3A_2827 : i32
        %parallel_loop3A_2829 = tpu.assume_multiple %parallel_loop3A_2828, 16 : i32
        %parallel_loop3A_2830 = arith.constant 16 : i32
        %parallel_loop3A_2831 = arith.muli %parallel_loop3A_2826, %parallel_loop3A_2830 : i32
        %parallel_loop3A_2832 = arith.addi %add3A_316, %parallel_loop3A_2831 : i32
        %parallel_loop3A_2833 = arith.index_cast %parallel_loop3A_2832 : i32 to index
        %parallel_loop3A_2834 = tpu.vector_load %arg6[%parallel_loop3A_2833] {strides = array<i32>} : memref<2288xf32, #tpu.memory_space<vmem>>, vector<16xf32>,
        %parallel_loop3A_2835 = vector.shape_cast %parallel_loop3A_2834 : vector<16xf32> to vector<16xf32>
        %parallel_loop3A_2836 = arith.constant 8 : i32
        %parallel_loop3A_2837 = arith.index_cast %parallel_loop3A_2836 : i32 to index
        %parallel_loop3A_2838 = arith.index_cast %parallel_loop3A_2829 : i32 to index
        %parallel_loop3A_2839 = tpu.vector_load %arg8[%parallel_loop3A_2837, %parallel_loop3A_2838] {strides = array<i32>} : memref<16x512xf32, #tpu.memory_space<vmem>>, vector<1x16xf32>,
        %parallel_loop3A_2840 = vector.shape_cast %parallel_loop3A_2839 : vector<1x16xf32> to vector<16xf32>
        %parallel_loop3A_2841 = vector.shape_cast %parallel_loop3A_2835 : vector<16xf32> to vector<1x16xf32>
        tpu.vector_store %arg8[%parallel_loop3A_2837, %parallel_loop3A_2838], %parallel_loop3A_2841 {strides = array<i32>} : memref<16x512xf32, #tpu.memory_space<vmem>>, vector<1x16xf32>,
      } {sc.loop_unroll_factor = 2 : i64, sc.parallel_access}
      %add3A_366 = arith.constant 1 : i32
      %add3A_367 = arith.addi %mul3A_2, %add3A_366 : i32
      %sub3A_368 = arith.constant 1023 : i32
      %sub3A_369 = arith.subi %sub3A_368, %add3A_367 : i32
      %mul3A_370 = arith.muli %add3A_367, %sub3A_369 : i32
      %jit3A_371 = arith.constant 2 : i32
      %div3A_372 = arith.divsi %mul3A_370, %jit3A_371 : i32
      %sign3A_373 = arith.constant 0 : i32
      %sign3A_374 = arith.cmpi sgt, %mul3A_370, %sign3A_373 : i32
      %sign3A_375 = arith.extui %sign3A_374 : i1 to i32
      %sign3A_376 = arith.constant 0 : i32
      %sign3A_377 = arith.cmpi slt, %mul3A_370, %sign3A_376 : i32
      %sign3A_378 = arith.extui %sign3A_377 : i1 to i32
      %sign3A_379 = arith.subi %sign3A_375, %sign3A_378 : i32
      %sign3A_380 = arith.constant 0 : i32
      %sign3A_381 = arith.cmpi sgt, %jit3A_371, %sign3A_380 : i32
      %sign3A_382 = arith.extui %sign3A_381 : i1 to i32
      %sign3A_383 = arith.constant 0 : i32
      %sign3A_384 = arith.cmpi slt, %jit3A_371, %sign3A_383 : i32
      %sign3A_385 = arith.extui %sign3A_384 : i1 to i32
      %sign3A_386 = arith.subi %sign3A_382, %sign3A_385 : i32
      %ne3A_387 = arith.cmpi ne, %sign3A_379, %sign3A_386 : i32
      %rem3A_388 = arith.remsi %mul3A_370, %jit3A_371 : i32
      %ne3A_389 = arith.constant 0 : i32
      %ne3A_390 = arith.cmpi ne, %rem3A_388, %ne3A_389 : i32
      %and3A_391 = arith.andi %ne3A_387, %ne3A_390 : i1
      %sub3A_392 = arith.constant 1 : i32
      %sub3A_393 = arith.subi %div3A_372, %sub3A_392 : i32
      %select_n3A_394 = arith.select %and3A_391, %sub3A_393, %div3A_372 : i32
      %sub3A_395 = arith.subi %select_n3A_394, %mul3A_51 : i32
      %jit3A_396 = arith.constant 16 : i32
      %div3A_397 = arith.divsi %add3A_367, %jit3A_396 : i32
      %sign3A_398 = arith.constant 0 : i32
      %sign3A_399 = arith.cmpi sgt, %add3A_367, %sign3A_398 : i32
      %sign3A_400 = arith.extui %sign3A_399 : i1 to i32
      %sign3A_401 = arith.constant 0 : i32
      %sign3A_402 = arith.cmpi slt, %add3A_367, %sign3A_401 : i32
      %sign3A_403 = arith.extui %sign3A_402 : i1 to i32
      %sign3A_404 = arith.subi %sign3A_400, %sign3A_403 : i32
      %sign3A_405 = arith.constant 0 : i32
      %sign3A_406 = arith.cmpi sgt, %jit3A_396, %sign3A_405 : i32
      %sign3A_407 = arith.extui %sign3A_406 : i1 to i32
      %sign3A_408 = arith.constant 0 : i32
      %sign3A_409 = arith.cmpi slt, %jit3A_396, %sign3A_408 : i32
      %sign3A_410 = arith.extui %sign3A_409 : i1 to i32
      %sign3A_411 = arith.subi %sign3A_407, %sign3A_410 : i32
      %ne3A_412 = arith.cmpi ne, %sign3A_404, %sign3A_411 : i32
      %rem3A_413 = arith.remsi %add3A_367, %jit3A_396 : i32
      %ne3A_414 = arith.constant 0 : i32
      %ne3A_415 = arith.cmpi ne, %rem3A_413, %ne3A_414 : i32
      %and3A_416 = arith.andi %ne3A_412, %ne3A_415 : i1
      %sub3A_417 = arith.constant 1 : i32
      %sub3A_418 = arith.subi %div3A_397, %sub3A_417 : i32
      %select_n3A_419 = arith.select %and3A_416, %sub3A_418, %div3A_397 : i32
      %mul3A_420 = arith.constant 16 : i32
      %mul3A_421 = arith.muli %select_n3A_419, %mul3A_420 : i32
      %sub3A_422 = arith.subi %add3A_367, %mul3A_421 : i32
      %mul3A_423 = arith.constant 16 : i32
      %mul3A_424 = arith.muli %select_n3A_419, %mul3A_423 : i32
      %add3A_425 = arith.addi %sub3A_395, %mul3A_424 : i32
      %get3A_426 = arith.index_cast %add3A_425 : i32 to index
      %get3A_427 = tpu.vector_load %arg4[%get3A_426] {strides = array<i32>} : memref<4080xf32, #tpu.memory_space<vmem>>, vector<16xf32>,
      %get3A_428 = vector.shape_cast %get3A_427 : vector<16xf32> to vector<16xf32>
      %ge3A_429 = vector.broadcast %sub3A_422 : i32 to vector<16xi32>
      %ge3A_430 = arith.cmpi sge, %iota3A, %ge3A_429 : vector<16xi32>
      %jit3A_431 = arith.constant 0.000000e+00 : f32
      %broadcast_in_dim3A_432 = vector.broadcast %jit3A_431 : f32 to vector<16xf32>
      %select_n3A_433 = arith.select %ge3A_430, %get3A_428, %broadcast_in_dim3A_432 : vector<16xi1>, vector<16xf32>
      %multiple_of3A_434 = tpu.assume_multiple %mul3A_424, 16 : i32
      %swap3A_435 = arith.constant 1 : i32
      %swap3A_436 = arith.index_cast %swap3A_435 : i32 to index
      %swap3A_437 = arith.index_cast %multiple_of3A_434 : i32 to index
      %swap3A_438 = tpu.vector_load %arg8[%swap3A_436, %swap3A_437] {strides = array<i32>} : memref<16x512xf32, #tpu.memory_space<vmem>>, vector<1x16xf32>,
      %swap3A_439 = vector.shape_cast %swap3A_438 : vector<1x16xf32> to vector<16xf32>
      %swap3A_440 = vector.shape_cast %select_n3A_433 : vector<16xf32> to vector<1x16xf32>
      tpu.vector_store %arg8[%swap3A_436, %swap3A_437], %swap3A_440 {strides = array<i32>} : memref<16x512xf32, #tpu.memory_space<vmem>>, vector<1x16xf32>,
      %add3A_441 = arith.constant 1 : i32
      %add3A_442 = arith.addi %select_n3A_419, %add3A_441 : i32
      %parallel_loop3A_443 = arith.constant 32 : i32
      %parallel_loop3A_444 = arith.constant 1 : i32
      scf.for %parallel_loop3A_2826 = %add3A_442 to %parallel_loop3A_443 step %parallel_loop3A_444  : i32 {
        %parallel_loop3A_2827 = arith.constant 16 : i32
        %parallel_loop3A_2828 = arith.muli %parallel_loop3A_2826, %parallel_loop3A_2827 : i32
        %parallel_loop3A_2829 = tpu.assume_multiple %parallel_loop3A_2828, 16 : i32
        %parallel_loop3A_2830 = arith.constant 16 : i32
        %parallel_loop3A_2831 = arith.muli %parallel_loop3A_2826, %parallel_loop3A_2830 : i32
        %parallel_loop3A_2832 = arith.addi %sub3A_395, %parallel_loop3A_2831 : i32
        %parallel_loop3A_2833 = arith.index_cast %parallel_loop3A_2832 : i32 to index
        %parallel_loop3A_2834 = tpu.vector_load %arg4[%parallel_loop3A_2833] {strides = array<i32>} : memref<4080xf32, #tpu.memory_space<vmem>>, vector<16xf32>,
        %parallel_loop3A_2835 = vector.shape_cast %parallel_loop3A_2834 : vector<16xf32> to vector<16xf32>
        %parallel_loop3A_2836 = arith.constant 1 : i32
        %parallel_loop3A_2837 = arith.index_cast %parallel_loop3A_2836 : i32 to index
        %parallel_loop3A_2838 = arith.index_cast %parallel_loop3A_2829 : i32 to index
        %parallel_loop3A_2839 = tpu.vector_load %arg8[%parallel_loop3A_2837, %parallel_loop3A_2838] {strides = array<i32>} : memref<16x512xf32, #tpu.memory_space<vmem>>, vector<1x16xf32>,
        %parallel_loop3A_2840 = vector.shape_cast %parallel_loop3A_2839 : vector<1x16xf32> to vector<16xf32>
        %parallel_loop3A_2841 = vector.shape_cast %parallel_loop3A_2835 : vector<16xf32> to vector<1x16xf32>
        tpu.vector_store %arg8[%parallel_loop3A_2837, %parallel_loop3A_2838], %parallel_loop3A_2841 {strides = array<i32>} : memref<16x512xf32, #tpu.memory_space<vmem>>, vector<1x16xf32>,
      } {sc.loop_unroll_factor = 2 : i64, sc.parallel_access}
      %add3A_445 = arith.constant 1 : i32
      %add3A_446 = arith.addi %sub3A_5, %add3A_445 : i32
      %sub3A_447 = arith.constant 1023 : i32
      %sub3A_448 = arith.subi %sub3A_447, %add3A_446 : i32
      %mul3A_449 = arith.muli %add3A_446, %sub3A_448 : i32
      %jit3A_450 = arith.constant 2 : i32
      %div3A_451 = arith.divsi %mul3A_449, %jit3A_450 : i32
      %sign3A_452 = arith.constant 0 : i32
      %sign3A_453 = arith.cmpi sgt, %mul3A_449, %sign3A_452 : i32
      %sign3A_454 = arith.extui %sign3A_453 : i1 to i32
      %sign3A_455 = arith.constant 0 : i32
      %sign3A_456 = arith.cmpi slt, %mul3A_449, %sign3A_455 : i32
      %sign3A_457 = arith.extui %sign3A_456 : i1 to i32
      %sign3A_458 = arith.subi %sign3A_454, %sign3A_457 : i32
      %sign3A_459 = arith.constant 0 : i32
      %sign3A_460 = arith.cmpi sgt, %jit3A_450, %sign3A_459 : i32
      %sign3A_461 = arith.extui %sign3A_460 : i1 to i32
      %sign3A_462 = arith.constant 0 : i32
      %sign3A_463 = arith.cmpi slt, %jit3A_450, %sign3A_462 : i32
      %sign3A_464 = arith.extui %sign3A_463 : i1 to i32
      %sign3A_465 = arith.subi %sign3A_461, %sign3A_464 : i32
      %ne3A_466 = arith.cmpi ne, %sign3A_458, %sign3A_465 : i32
      %rem3A_467 = arith.remsi %mul3A_449, %jit3A_450 : i32
      %ne3A_468 = arith.constant 0 : i32
      %ne3A_469 = arith.cmpi ne, %rem3A_467, %ne3A_468 : i32
      %and3A_470 = arith.andi %ne3A_466, %ne3A_469 : i1
      %sub3A_471 = arith.constant 1 : i32
      %sub3A_472 = arith.subi %div3A_451, %sub3A_471 : i32
      %select_n3A_473 = arith.select %and3A_470, %sub3A_472, %div3A_451 : i32
      %add3A_474 = arith.addi %sub3A_212, %select_n3A_473 : i32
      %jit3A_475 = arith.constant 16 : i32
      %div3A_476 = arith.divsi %add3A_446, %jit3A_475 : i32
      %sign3A_477 = arith.constant 0 : i32
      %sign3A_478 = arith.cmpi sgt, %add3A_446, %sign3A_477 : i32
      %sign3A_479 = arith.extui %sign3A_478 : i1 to i32
      %sign3A_480 = arith.constant 0 : i32
      %sign3A_481 = arith.cmpi slt, %add3A_446, %sign3A_480 : i32
      %sign3A_482 = arith.extui %sign3A_481 : i1 to i32
      %sign3A_483 = arith.subi %sign3A_479, %sign3A_482 : i32
      %sign3A_484 = arith.constant 0 : i32
      %sign3A_485 = arith.cmpi sgt, %jit3A_475, %sign3A_484 : i32
      %sign3A_486 = arith.extui %sign3A_485 : i1 to i32
      %sign3A_487 = arith.constant 0 : i32
      %sign3A_488 = arith.cmpi slt, %jit3A_475, %sign3A_487 : i32
      %sign3A_489 = arith.extui %sign3A_488 : i1 to i32
      %sign3A_490 = arith.subi %sign3A_486, %sign3A_489 : i32
      %ne3A_491 = arith.cmpi ne, %sign3A_483, %sign3A_490 : i32
      %rem3A_492 = arith.remsi %add3A_446, %jit3A_475 : i32
      %ne3A_493 = arith.constant 0 : i32
      %ne3A_494 = arith.cmpi ne, %rem3A_492, %ne3A_493 : i32
      %and3A_495 = arith.andi %ne3A_491, %ne3A_494 : i1
      %sub3A_496 = arith.constant 1 : i32
      %sub3A_497 = arith.subi %div3A_476, %sub3A_496 : i32
      %select_n3A_498 = arith.select %and3A_495, %sub3A_497, %div3A_476 : i32
      %mul3A_499 = arith.constant 16 : i32
      %mul3A_500 = arith.muli %select_n3A_498, %mul3A_499 : i32
      %sub3A_501 = arith.subi %add3A_446, %mul3A_500 : i32
      %mul3A_502 = arith.constant 16 : i32
      %mul3A_503 = arith.muli %select_n3A_498, %mul3A_502 : i32
      %add3A_504 = arith.addi %add3A_474, %mul3A_503 : i32
      %get3A_505 = arith.index_cast %add3A_504 : i32 to index
      %get3A_506 = tpu.vector_load %arg6[%get3A_505] {strides = array<i32>} : memref<2288xf32, #tpu.memory_space<vmem>>, vector<16xf32>,
      %get3A_507 = vector.shape_cast %get3A_506 : vector<16xf32> to vector<16xf32>
      %ge3A_508 = vector.broadcast %sub3A_501 : i32 to vector<16xi32>
      %ge3A_509 = arith.cmpi sge, %iota3A, %ge3A_508 : vector<16xi32>
      %jit3A_510 = arith.constant 0.000000e+00 : f32
      %broadcast_in_dim3A_511 = vector.broadcast %jit3A_510 : f32 to vector<16xf32>
      %select_n3A_512 = arith.select %ge3A_509, %get3A_507, %broadcast_in_dim3A_511 : vector<16xi1>, vector<16xf32>
      %multiple_of3A_513 = tpu.assume_multiple %mul3A_503, 16 : i32
      %swap3A_514 = arith.constant 9 : i32
      %swap3A_515 = arith.index_cast %swap3A_514 : i32 to index
      %swap3A_516 = arith.index_cast %multiple_of3A_513 : i32 to index
      %swap3A_517 = tpu.vector_load %arg8[%swap3A_515, %swap3A_516] {strides = array<i32>} : memref<16x512xf32, #tpu.memory_space<vmem>>, vector<1x16xf32>,
      %swap3A_518 = vector.shape_cast %swap3A_517 : vector<1x16xf32> to vector<16xf32>
      %swap3A_519 = vector.shape_cast %select_n3A_512 : vector<16xf32> to vector<1x16xf32>
      tpu.vector_store %arg8[%swap3A_515, %swap3A_516], %swap3A_519 {strides = array<i32>} : memref<16x512xf32, #tpu.memory_space<vmem>>, vector<1x16xf32>,
      %add3A_520 = arith.constant 1 : i32
      %add3A_521 = arith.addi %select_n3A_498, %add3A_520 : i32
      %parallel_loop3A_522 = arith.constant 32 : i32
      %parallel_loop3A_523 = arith.constant 1 : i32
      scf.for %parallel_loop3A_2826 = %add3A_521 to %parallel_loop3A_522 step %parallel_loop3A_523  : i32 {
        %parallel_loop3A_2827 = arith.constant 16 : i32
        %parallel_loop3A_2828 = arith.muli %parallel_loop3A_2826, %parallel_loop3A_2827 : i32
        %parallel_loop3A_2829 = tpu.assume_multiple %parallel_loop3A_2828, 16 : i32
        %parallel_loop3A_2830 = arith.constant 16 : i32
        %parallel_loop3A_2831 = arith.muli %parallel_loop3A_2826, %parallel_loop3A_2830 : i32
        %parallel_loop3A_2832 = arith.addi %add3A_474, %parallel_loop3A_2831 : i32
        %parallel_loop3A_2833 = arith.index_cast %parallel_loop3A_2832 : i32 to index
        %parallel_loop3A_2834 = tpu.vector_load %arg6[%parallel_loop3A_2833] {strides = array<i32>} : memref<2288xf32, #tpu.memory_space<vmem>>, vector<16xf32>,
        %parallel_loop3A_2835 = vector.shape_cast %parallel_loop3A_2834 : vector<16xf32> to vector<16xf32>
        %parallel_loop3A_2836 = arith.constant 9 : i32
        %parallel_loop3A_2837 = arith.index_cast %parallel_loop3A_2836 : i32 to index
        %parallel_loop3A_2838 = arith.index_cast %parallel_loop3A_2829 : i32 to index
        %parallel_loop3A_2839 = tpu.vector_load %arg8[%parallel_loop3A_2837, %parallel_loop3A_2838] {strides = array<i32>} : memref<16x512xf32, #tpu.memory_space<vmem>>, vector<1x16xf32>,
        %parallel_loop3A_2840 = vector.shape_cast %parallel_loop3A_2839 : vector<1x16xf32> to vector<16xf32>
        %parallel_loop3A_2841 = vector.shape_cast %parallel_loop3A_2835 : vector<16xf32> to vector<1x16xf32>
        tpu.vector_store %arg8[%parallel_loop3A_2837, %parallel_loop3A_2838], %parallel_loop3A_2841 {strides = array<i32>} : memref<16x512xf32, #tpu.memory_space<vmem>>, vector<1x16xf32>,
      } {sc.loop_unroll_factor = 2 : i64, sc.parallel_access}
      %add3A_524 = arith.constant 2 : i32
      %add3A_525 = arith.addi %mul3A_2, %add3A_524 : i32
      %sub3A_526 = arith.constant 1023 : i32
      %sub3A_527 = arith.subi %sub3A_526, %add3A_525 : i32
      %mul3A_528 = arith.muli %add3A_525, %sub3A_527 : i32
      %jit3A_529 = arith.constant 2 : i32
      %div3A_530 = arith.divsi %mul3A_528, %jit3A_529 : i32
      %sign3A_531 = arith.constant 0 : i32
      %sign3A_532 = arith.cmpi sgt, %mul3A_528, %sign3A_531 : i32
      %sign3A_533 = arith.extui %sign3A_532 : i1 to i32
      %sign3A_534 = arith.constant 0 : i32
      %sign3A_535 = arith.cmpi slt, %mul3A_528, %sign3A_534 : i32
      %sign3A_536 = arith.extui %sign3A_535 : i1 to i32
      %sign3A_537 = arith.subi %sign3A_533, %sign3A_536 : i32
      %sign3A_538 = arith.constant 0 : i32
      %sign3A_539 = arith.cmpi sgt, %jit3A_529, %sign3A_538 : i32
      %sign3A_540 = arith.extui %sign3A_539 : i1 to i32
      %sign3A_541 = arith.constant 0 : i32
      %sign3A_542 = arith.cmpi slt, %jit3A_529, %sign3A_541 : i32
      %sign3A_543 = arith.extui %sign3A_542 : i1 to i32
      %sign3A_544 = arith.subi %sign3A_540, %sign3A_543 : i32
      %ne3A_545 = arith.cmpi ne, %sign3A_537, %sign3A_544 : i32
      %rem3A_546 = arith.remsi %mul3A_528, %jit3A_529 : i32
      %ne3A_547 = arith.constant 0 : i32
      %ne3A_548 = arith.cmpi ne, %rem3A_546, %ne3A_547 : i32
      %and3A_549 = arith.andi %ne3A_545, %ne3A_548 : i1
      %sub3A_550 = arith.constant 1 : i32
      %sub3A_551 = arith.subi %div3A_530, %sub3A_550 : i32
      %select_n3A_552 = arith.select %and3A_549, %sub3A_551, %div3A_530 : i32
      %sub3A_553 = arith.subi %select_n3A_552, %mul3A_51 : i32
      %jit3A_554 = arith.constant 16 : i32
      %div3A_555 = arith.divsi %add3A_525, %jit3A_554 : i32
      %sign3A_556 = arith.constant 0 : i32
      %sign3A_557 = arith.cmpi sgt, %add3A_525, %sign3A_556 : i32
      %sign3A_558 = arith.extui %sign3A_557 : i1 to i32
      %sign3A_559 = arith.constant 0 : i32
      %sign3A_560 = arith.cmpi slt, %add3A_525, %sign3A_559 : i32
      %sign3A_561 = arith.extui %sign3A_560 : i1 to i32
      %sign3A_562 = arith.subi %sign3A_558, %sign3A_561 : i32
      %sign3A_563 = arith.constant 0 : i32
      %sign3A_564 = arith.cmpi sgt, %jit3A_554, %sign3A_563 : i32
      %sign3A_565 = arith.extui %sign3A_564 : i1 to i32
      %sign3A_566 = arith.constant 0 : i32
      %sign3A_567 = arith.cmpi slt, %jit3A_554, %sign3A_566 : i32
      %sign3A_568 = arith.extui %sign3A_567 : i1 to i32
      %sign3A_569 = arith.subi %sign3A_565, %sign3A_568 : i32
      %ne3A_570 = arith.cmpi ne, %sign3A_562, %sign3A_569 : i32
      %rem3A_571 = arith.remsi %add3A_525, %jit3A_554 : i32
      %ne3A_572 = arith.constant 0 : i32
      %ne3A_573 = arith.cmpi ne, %rem3A_571, %ne3A_572 : i32
      %and3A_574 = arith.andi %ne3A_570, %ne3A_573 : i1
      %sub3A_575 = arith.constant 1 : i32
      %sub3A_576 = arith.subi %div3A_555, %sub3A_575 : i32
      %select_n3A_577 = arith.select %and3A_574, %sub3A_576, %div3A_555 : i32
      %mul3A_578 = arith.constant 16 : i32
      %mul3A_579 = arith.muli %select_n3A_577, %mul3A_578 : i32
      %sub3A_580 = arith.subi %add3A_525, %mul3A_579 : i32
      %mul3A_581 = arith.constant 16 : i32
      %mul3A_582 = arith.muli %select_n3A_577, %mul3A_581 : i32
      %add3A_583 = arith.addi %sub3A_553, %mul3A_582 : i32
      %get3A_584 = arith.index_cast %add3A_583 : i32 to index
      %get3A_585 = tpu.vector_load %arg4[%get3A_584] {strides = array<i32>} : memref<4080xf32, #tpu.memory_space<vmem>>, vector<16xf32>,
      %get3A_586 = vector.shape_cast %get3A_585 : vector<16xf32> to vector<16xf32>
      %ge3A_587 = vector.broadcast %sub3A_580 : i32 to vector<16xi32>
      %ge3A_588 = arith.cmpi sge, %iota3A, %ge3A_587 : vector<16xi32>
      %jit3A_589 = arith.constant 0.000000e+00 : f32
      %broadcast_in_dim3A_590 = vector.broadcast %jit3A_589 : f32 to vector<16xf32>
      %select_n3A_591 = arith.select %ge3A_588, %get3A_586, %broadcast_in_dim3A_590 : vector<16xi1>, vector<16xf32>
      %multiple_of3A_592 = tpu.assume_multiple %mul3A_582, 16 : i32
      %swap3A_593 = arith.constant 2 : i32
      %swap3A_594 = arith.index_cast %swap3A_593 : i32 to index
      %swap3A_595 = arith.index_cast %multiple_of3A_592 : i32 to index
      %swap3A_596 = tpu.vector_load %arg8[%swap3A_594, %swap3A_595] {strides = array<i32>} : memref<16x512xf32, #tpu.memory_space<vmem>>, vector<1x16xf32>,
      %swap3A_597 = vector.shape_cast %swap3A_596 : vector<1x16xf32> to vector<16xf32>
      %swap3A_598 = vector.shape_cast %select_n3A_591 : vector<16xf32> to vector<1x16xf32>
      tpu.vector_store %arg8[%swap3A_594, %swap3A_595], %swap3A_598 {strides = array<i32>} : memref<16x512xf32, #tpu.memory_space<vmem>>, vector<1x16xf32>,
      %add3A_599 = arith.constant 1 : i32
      %add3A_600 = arith.addi %select_n3A_577, %add3A_599 : i32
      %parallel_loop3A_601 = arith.constant 32 : i32
      %parallel_loop3A_602 = arith.constant 1 : i32
      scf.for %parallel_loop3A_2826 = %add3A_600 to %parallel_loop3A_601 step %parallel_loop3A_602  : i32 {
        %parallel_loop3A_2827 = arith.constant 16 : i32
        %parallel_loop3A_2828 = arith.muli %parallel_loop3A_2826, %parallel_loop3A_2827 : i32
        %parallel_loop3A_2829 = tpu.assume_multiple %parallel_loop3A_2828, 16 : i32
        %parallel_loop3A_2830 = arith.constant 16 : i32
        %parallel_loop3A_2831 = arith.muli %parallel_loop3A_2826, %parallel_loop3A_2830 : i32
        %parallel_loop3A_2832 = arith.addi %sub3A_553, %parallel_loop3A_2831 : i32
        %parallel_loop3A_2833 = arith.index_cast %parallel_loop3A_2832 : i32 to index
        %parallel_loop3A_2834 = tpu.vector_load %arg4[%parallel_loop3A_2833] {strides = array<i32>} : memref<4080xf32, #tpu.memory_space<vmem>>, vector<16xf32>,
        %parallel_loop3A_2835 = vector.shape_cast %parallel_loop3A_2834 : vector<16xf32> to vector<16xf32>
        %parallel_loop3A_2836 = arith.constant 2 : i32
        %parallel_loop3A_2837 = arith.index_cast %parallel_loop3A_2836 : i32 to index
        %parallel_loop3A_2838 = arith.index_cast %parallel_loop3A_2829 : i32 to index
        %parallel_loop3A_2839 = tpu.vector_load %arg8[%parallel_loop3A_2837, %parallel_loop3A_2838] {strides = array<i32>} : memref<16x512xf32, #tpu.memory_space<vmem>>, vector<1x16xf32>,
        %parallel_loop3A_2840 = vector.shape_cast %parallel_loop3A_2839 : vector<1x16xf32> to vector<16xf32>
        %parallel_loop3A_2841 = vector.shape_cast %parallel_loop3A_2835 : vector<16xf32> to vector<1x16xf32>
        tpu.vector_store %arg8[%parallel_loop3A_2837, %parallel_loop3A_2838], %parallel_loop3A_2841 {strides = array<i32>} : memref<16x512xf32, #tpu.memory_space<vmem>>, vector<1x16xf32>,
      } {sc.loop_unroll_factor = 2 : i64, sc.parallel_access}
      %add3A_603 = arith.constant 2 : i32
      %add3A_604 = arith.addi %sub3A_5, %add3A_603 : i32
      %sub3A_605 = arith.constant 1023 : i32
      %sub3A_606 = arith.subi %sub3A_605, %add3A_604 : i32
      %mul3A_607 = arith.muli %add3A_604, %sub3A_606 : i32
      %jit3A_608 = arith.constant 2 : i32
      %div3A_609 = arith.divsi %mul3A_607, %jit3A_608 : i32
      %sign3A_610 = arith.constant 0 : i32
      %sign3A_611 = arith.cmpi sgt, %mul3A_607, %sign3A_610 : i32
      %sign3A_612 = arith.extui %sign3A_611 : i1 to i32
      %sign3A_613 = arith.constant 0 : i32
      %sign3A_614 = arith.cmpi slt, %mul3A_607, %sign3A_613 : i32
      %sign3A_615 = arith.extui %sign3A_614 : i1 to i32
      %sign3A_616 = arith.subi %sign3A_612, %sign3A_615 : i32
      %sign3A_617 = arith.constant 0 : i32
      %sign3A_618 = arith.cmpi sgt, %jit3A_608, %sign3A_617 : i32
      %sign3A_619 = arith.extui %sign3A_618 : i1 to i32
      %sign3A_620 = arith.constant 0 : i32
      %sign3A_621 = arith.cmpi slt, %jit3A_608, %sign3A_620 : i32
      %sign3A_622 = arith.extui %sign3A_621 : i1 to i32
      %sign3A_623 = arith.subi %sign3A_619, %sign3A_622 : i32
      %ne3A_624 = arith.cmpi ne, %sign3A_616, %sign3A_623 : i32
      %rem3A_625 = arith.remsi %mul3A_607, %jit3A_608 : i32
      %ne3A_626 = arith.constant 0 : i32
      %ne3A_627 = arith.cmpi ne, %rem3A_625, %ne3A_626 : i32
      %and3A_628 = arith.andi %ne3A_624, %ne3A_627 : i1
      %sub3A_629 = arith.constant 1 : i32
      %sub3A_630 = arith.subi %div3A_609, %sub3A_629 : i32
      %select_n3A_631 = arith.select %and3A_628, %sub3A_630, %div3A_609 : i32
      %add3A_632 = arith.addi %sub3A_212, %select_n3A_631 : i32
      %jit3A_633 = arith.constant 16 : i32
      %div3A_634 = arith.divsi %add3A_604, %jit3A_633 : i32
      %sign3A_635 = arith.constant 0 : i32
      %sign3A_636 = arith.cmpi sgt, %add3A_604, %sign3A_635 : i32
      %sign3A_637 = arith.extui %sign3A_636 : i1 to i32
      %sign3A_638 = arith.constant 0 : i32
      %sign3A_639 = arith.cmpi slt, %add3A_604, %sign3A_638 : i32
      %sign3A_640 = arith.extui %sign3A_639 : i1 to i32
      %sign3A_641 = arith.subi %sign3A_637, %sign3A_640 : i32
      %sign3A_642 = arith.constant 0 : i32
      %sign3A_643 = arith.cmpi sgt, %jit3A_633, %sign3A_642 : i32
      %sign3A_644 = arith.extui %sign3A_643 : i1 to i32
      %sign3A_645 = arith.constant 0 : i32
      %sign3A_646 = arith.cmpi slt, %jit3A_633, %sign3A_645 : i32
      %sign3A_647 = arith.extui %sign3A_646 : i1 to i32
      %sign3A_648 = arith.subi %sign3A_644, %sign3A_647 : i32
      %ne3A_649 = arith.cmpi ne, %sign3A_641, %sign3A_648 : i32
      %rem3A_650 = arith.remsi %add3A_604, %jit3A_633 : i32
      %ne3A_651 = arith.constant 0 : i32
      %ne3A_652 = arith.cmpi ne, %rem3A_650, %ne3A_651 : i32
      %and3A_653 = arith.andi %ne3A_649, %ne3A_652 : i1
      %sub3A_654 = arith.constant 1 : i32
      %sub3A_655 = arith.subi %div3A_634, %sub3A_654 : i32
      %select_n3A_656 = arith.select %and3A_653, %sub3A_655, %div3A_634 : i32
      %mul3A_657 = arith.constant 16 : i32
      %mul3A_658 = arith.muli %select_n3A_656, %mul3A_657 : i32
      %sub3A_659 = arith.subi %add3A_604, %mul3A_658 : i32
      %mul3A_660 = arith.constant 16 : i32
      %mul3A_661 = arith.muli %select_n3A_656, %mul3A_660 : i32
      %add3A_662 = arith.addi %add3A_632, %mul3A_661 : i32
      %get3A_663 = arith.index_cast %add3A_662 : i32 to index
      %get3A_664 = tpu.vector_load %arg6[%get3A_663] {strides = array<i32>} : memref<2288xf32, #tpu.memory_space<vmem>>, vector<16xf32>,
      %get3A_665 = vector.shape_cast %get3A_664 : vector<16xf32> to vector<16xf32>
      %ge3A_666 = vector.broadcast %sub3A_659 : i32 to vector<16xi32>
      %ge3A_667 = arith.cmpi sge, %iota3A, %ge3A_666 : vector<16xi32>
      %jit3A_668 = arith.constant 0.000000e+00 : f32
      %broadcast_in_dim3A_669 = vector.broadcast %jit3A_668 : f32 to vector<16xf32>
      %select_n3A_670 = arith.select %ge3A_667, %get3A_665, %broadcast_in_dim3A_669 : vector<16xi1>, vector<16xf32>
      %multiple_of3A_671 = tpu.assume_multiple %mul3A_661, 16 : i32
      %swap3A_672 = arith.constant 10 : i32
      %swap3A_673 = arith.index_cast %swap3A_672 : i32 to index
      %swap3A_674 = arith.index_cast %multiple_of3A_671 : i32 to index
      %swap3A_675 = tpu.vector_load %arg8[%swap3A_673, %swap3A_674] {strides = array<i32>} : memref<16x512xf32, #tpu.memory_space<vmem>>, vector<1x16xf32>,
      %swap3A_676 = vector.shape_cast %swap3A_675 : vector<1x16xf32> to vector<16xf32>
      %swap3A_677 = vector.shape_cast %select_n3A_670 : vector<16xf32> to vector<1x16xf32>
      tpu.vector_store %arg8[%swap3A_673, %swap3A_674], %swap3A_677 {strides = array<i32>} : memref<16x512xf32, #tpu.memory_space<vmem>>, vector<1x16xf32>,
      %add3A_678 = arith.constant 1 : i32
      %add3A_679 = arith.addi %select_n3A_656, %add3A_678 : i32
      %parallel_loop3A_680 = arith.constant 32 : i32
      %parallel_loop3A_681 = arith.constant 1 : i32
      scf.for %parallel_loop3A_2826 = %add3A_679 to %parallel_loop3A_680 step %parallel_loop3A_681  : i32 {
        %parallel_loop3A_2827 = arith.constant 16 : i32
        %parallel_loop3A_2828 = arith.muli %parallel_loop3A_2826, %parallel_loop3A_2827 : i32
        %parallel_loop3A_2829 = tpu.assume_multiple %parallel_loop3A_2828, 16 : i32
        %parallel_loop3A_2830 = arith.constant 16 : i32
        %parallel_loop3A_2831 = arith.muli %parallel_loop3A_2826, %parallel_loop3A_2830 : i32
        %parallel_loop3A_2832 = arith.addi %add3A_632, %parallel_loop3A_2831 : i32
        %parallel_loop3A_2833 = arith.index_cast %parallel_loop3A_2832 : i32 to index
        %parallel_loop3A_2834 = tpu.vector_load %arg6[%parallel_loop3A_2833] {strides = array<i32>} : memref<2288xf32, #tpu.memory_space<vmem>>, vector<16xf32>,
        %parallel_loop3A_2835 = vector.shape_cast %parallel_loop3A_2834 : vector<16xf32> to vector<16xf32>
        %parallel_loop3A_2836 = arith.constant 10 : i32
        %parallel_loop3A_2837 = arith.index_cast %parallel_loop3A_2836 : i32 to index
        %parallel_loop3A_2838 = arith.index_cast %parallel_loop3A_2829 : i32 to index
        %parallel_loop3A_2839 = tpu.vector_load %arg8[%parallel_loop3A_2837, %parallel_loop3A_2838] {strides = array<i32>} : memref<16x512xf32, #tpu.memory_space<vmem>>, vector<1x16xf32>,
        %parallel_loop3A_2840 = vector.shape_cast %parallel_loop3A_2839 : vector<1x16xf32> to vector<16xf32>
        %parallel_loop3A_2841 = vector.shape_cast %parallel_loop3A_2835 : vector<16xf32> to vector<1x16xf32>
        tpu.vector_store %arg8[%parallel_loop3A_2837, %parallel_loop3A_2838], %parallel_loop3A_2841 {strides = array<i32>} : memref<16x512xf32, #tpu.memory_space<vmem>>, vector<1x16xf32>,
      } {sc.loop_unroll_factor = 2 : i64, sc.parallel_access}
      %add3A_682 = arith.constant 3 : i32
      %add3A_683 = arith.addi %mul3A_2, %add3A_682 : i32
      %sub3A_684 = arith.constant 1023 : i32
      %sub3A_685 = arith.subi %sub3A_684, %add3A_683 : i32
      %mul3A_686 = arith.muli %add3A_683, %sub3A_685 : i32
      %jit3A_687 = arith.constant 2 : i32
      %div3A_688 = arith.divsi %mul3A_686, %jit3A_687 : i32
      %sign3A_689 = arith.constant 0 : i32
      %sign3A_690 = arith.cmpi sgt, %mul3A_686, %sign3A_689 : i32
      %sign3A_691 = arith.extui %sign3A_690 : i1 to i32
      %sign3A_692 = arith.constant 0 : i32
      %sign3A_693 = arith.cmpi slt, %mul3A_686, %sign3A_692 : i32
      %sign3A_694 = arith.extui %sign3A_693 : i1 to i32
      %sign3A_695 = arith.subi %sign3A_691, %sign3A_694 : i32
      %sign3A_696 = arith.constant 0 : i32
      %sign3A_697 = arith.cmpi sgt, %jit3A_687, %sign3A_696 : i32
      %sign3A_698 = arith.extui %sign3A_697 : i1 to i32
      %sign3A_699 = arith.constant 0 : i32
      %sign3A_700 = arith.cmpi slt, %jit3A_687, %sign3A_699 : i32
      %sign3A_701 = arith.extui %sign3A_700 : i1 to i32
      %sign3A_702 = arith.subi %sign3A_698, %sign3A_701 : i32
      %ne3A_703 = arith.cmpi ne, %sign3A_695, %sign3A_702 : i32
      %rem3A_704 = arith.remsi %mul3A_686, %jit3A_687 : i32
      %ne3A_705 = arith.constant 0 : i32
      %ne3A_706 = arith.cmpi ne, %rem3A_704, %ne3A_705 : i32
      %and3A_707 = arith.andi %ne3A_703, %ne3A_706 : i1
      %sub3A_708 = arith.constant 1 : i32
      %sub3A_709 = arith.subi %div3A_688, %sub3A_708 : i32
      %select_n3A_710 = arith.select %and3A_707, %sub3A_709, %div3A_688 : i32
      %sub3A_711 = arith.subi %select_n3A_710, %mul3A_51 : i32
      %jit3A_712 = arith.constant 16 : i32
      %div3A_713 = arith.divsi %add3A_683, %jit3A_712 : i32
      %sign3A_714 = arith.constant 0 : i32
      %sign3A_715 = arith.cmpi sgt, %add3A_683, %sign3A_714 : i32
      %sign3A_716 = arith.extui %sign3A_715 : i1 to i32
      %sign3A_717 = arith.constant 0 : i32
      %sign3A_718 = arith.cmpi slt, %add3A_683, %sign3A_717 : i32
      %sign3A_719 = arith.extui %sign3A_718 : i1 to i32
      %sign3A_720 = arith.subi %sign3A_716, %sign3A_719 : i32
      %sign3A_721 = arith.constant 0 : i32
      %sign3A_722 = arith.cmpi sgt, %jit3A_712, %sign3A_721 : i32
      %sign3A_723 = arith.extui %sign3A_722 : i1 to i32
      %sign3A_724 = arith.constant 0 : i32
      %sign3A_725 = arith.cmpi slt, %jit3A_712, %sign3A_724 : i32
      %sign3A_726 = arith.extui %sign3A_725 : i1 to i32
      %sign3A_727 = arith.subi %sign3A_723, %sign3A_726 : i32
      %ne3A_728 = arith.cmpi ne, %sign3A_720, %sign3A_727 : i32
      %rem3A_729 = arith.remsi %add3A_683, %jit3A_712 : i32
      %ne3A_730 = arith.constant 0 : i32
      %ne3A_731 = arith.cmpi ne, %rem3A_729, %ne3A_730 : i32
      %and3A_732 = arith.andi %ne3A_728, %ne3A_731 : i1
      %sub3A_733 = arith.constant 1 : i32
      %sub3A_734 = arith.subi %div3A_713, %sub3A_733 : i32
      %select_n3A_735 = arith.select %and3A_732, %sub3A_734, %div3A_713 : i32
      %mul3A_736 = arith.constant 16 : i32
      %mul3A_737 = arith.muli %select_n3A_735, %mul3A_736 : i32
      %sub3A_738 = arith.subi %add3A_683, %mul3A_737 : i32
      %mul3A_739 = arith.constant 16 : i32
      %mul3A_740 = arith.muli %select_n3A_735, %mul3A_739 : i32
      %add3A_741 = arith.addi %sub3A_711, %mul3A_740 : i32
      %get3A_742 = arith.index_cast %add3A_741 : i32 to index
      %get3A_743 = tpu.vector_load %arg4[%get3A_742] {strides = array<i32>} : memref<4080xf32, #tpu.memory_space<vmem>>, vector<16xf32>,
      %get3A_744 = vector.shape_cast %get3A_743 : vector<16xf32> to vector<16xf32>
      %ge3A_745 = vector.broadcast %sub3A_738 : i32 to vector<16xi32>
      %ge3A_746 = arith.cmpi sge, %iota3A, %ge3A_745 : vector<16xi32>
      %jit3A_747 = arith.constant 0.000000e+00 : f32
      %broadcast_in_dim3A_748 = vector.broadcast %jit3A_747 : f32 to vector<16xf32>
      %select_n3A_749 = arith.select %ge3A_746, %get3A_744, %broadcast_in_dim3A_748 : vector<16xi1>, vector<16xf32>
      %multiple_of3A_750 = tpu.assume_multiple %mul3A_740, 16 : i32
      %swap3A_751 = arith.constant 3 : i32
      %swap3A_752 = arith.index_cast %swap3A_751 : i32 to index
      %swap3A_753 = arith.index_cast %multiple_of3A_750 : i32 to index
      %swap3A_754 = tpu.vector_load %arg8[%swap3A_752, %swap3A_753] {strides = array<i32>} : memref<16x512xf32, #tpu.memory_space<vmem>>, vector<1x16xf32>,
      %swap3A_755 = vector.shape_cast %swap3A_754 : vector<1x16xf32> to vector<16xf32>
      %swap3A_756 = vector.shape_cast %select_n3A_749 : vector<16xf32> to vector<1x16xf32>
      tpu.vector_store %arg8[%swap3A_752, %swap3A_753], %swap3A_756 {strides = array<i32>} : memref<16x512xf32, #tpu.memory_space<vmem>>, vector<1x16xf32>,
      %add3A_757 = arith.constant 1 : i32
      %add3A_758 = arith.addi %select_n3A_735, %add3A_757 : i32
      %parallel_loop3A_759 = arith.constant 32 : i32
      %parallel_loop3A_760 = arith.constant 1 : i32
      scf.for %parallel_loop3A_2826 = %add3A_758 to %parallel_loop3A_759 step %parallel_loop3A_760  : i32 {
        %parallel_loop3A_2827 = arith.constant 16 : i32
        %parallel_loop3A_2828 = arith.muli %parallel_loop3A_2826, %parallel_loop3A_2827 : i32
        %parallel_loop3A_2829 = tpu.assume_multiple %parallel_loop3A_2828, 16 : i32
        %parallel_loop3A_2830 = arith.constant 16 : i32
        %parallel_loop3A_2831 = arith.muli %parallel_loop3A_2826, %parallel_loop3A_2830 : i32
        %parallel_loop3A_2832 = arith.addi %sub3A_711, %parallel_loop3A_2831 : i32
        %parallel_loop3A_2833 = arith.index_cast %parallel_loop3A_2832 : i32 to index
        %parallel_loop3A_2834 = tpu.vector_load %arg4[%parallel_loop3A_2833] {strides = array<i32>} : memref<4080xf32, #tpu.memory_space<vmem>>, vector<16xf32>,
        %parallel_loop3A_2835 = vector.shape_cast %parallel_loop3A_2834 : vector<16xf32> to vector<16xf32>
        %parallel_loop3A_2836 = arith.constant 3 : i32
        %parallel_loop3A_2837 = arith.index_cast %parallel_loop3A_2836 : i32 to index
        %parallel_loop3A_2838 = arith.index_cast %parallel_loop3A_2829 : i32 to index
        %parallel_loop3A_2839 = tpu.vector_load %arg8[%parallel_loop3A_2837, %parallel_loop3A_2838] {strides = array<i32>} : memref<16x512xf32, #tpu.memory_space<vmem>>, vector<1x16xf32>,
        %parallel_loop3A_2840 = vector.shape_cast %parallel_loop3A_2839 : vector<1x16xf32> to vector<16xf32>
        %parallel_loop3A_2841 = vector.shape_cast %parallel_loop3A_2835 : vector<16xf32> to vector<1x16xf32>
        tpu.vector_store %arg8[%parallel_loop3A_2837, %parallel_loop3A_2838], %parallel_loop3A_2841 {strides = array<i32>} : memref<16x512xf32, #tpu.memory_space<vmem>>, vector<1x16xf32>,
      } {sc.loop_unroll_factor = 2 : i64, sc.parallel_access}
      %add3A_761 = arith.constant 3 : i32
      %add3A_762 = arith.addi %sub3A_5, %add3A_761 : i32
      %sub3A_763 = arith.constant 1023 : i32
      %sub3A_764 = arith.subi %sub3A_763, %add3A_762 : i32
      %mul3A_765 = arith.muli %add3A_762, %sub3A_764 : i32
      %jit3A_766 = arith.constant 2 : i32
      %div3A_767 = arith.divsi %mul3A_765, %jit3A_766 : i32
      %sign3A_768 = arith.constant 0 : i32
      %sign3A_769 = arith.cmpi sgt, %mul3A_765, %sign3A_768 : i32
      %sign3A_770 = arith.extui %sign3A_769 : i1 to i32
      %sign3A_771 = arith.constant 0 : i32
      %sign3A_772 = arith.cmpi slt, %mul3A_765, %sign3A_771 : i32
      %sign3A_773 = arith.extui %sign3A_772 : i1 to i32
      %sign3A_774 = arith.subi %sign3A_770, %sign3A_773 : i32
      %sign3A_775 = arith.constant 0 : i32
      %sign3A_776 = arith.cmpi sgt, %jit3A_766, %sign3A_775 : i32
      %sign3A_777 = arith.extui %sign3A_776 : i1 to i32
      %sign3A_778 = arith.constant 0 : i32
      %sign3A_779 = arith.cmpi slt, %jit3A_766, %sign3A_778 : i32
      %sign3A_780 = arith.extui %sign3A_779 : i1 to i32
      %sign3A_781 = arith.subi %sign3A_777, %sign3A_780 : i32
      %ne3A_782 = arith.cmpi ne, %sign3A_774, %sign3A_781 : i32
      %rem3A_783 = arith.remsi %mul3A_765, %jit3A_766 : i32
      %ne3A_784 = arith.constant 0 : i32
      %ne3A_785 = arith.cmpi ne, %rem3A_783, %ne3A_784 : i32
      %and3A_786 = arith.andi %ne3A_782, %ne3A_785 : i1
      %sub3A_787 = arith.constant 1 : i32
      %sub3A_788 = arith.subi %div3A_767, %sub3A_787 : i32
      %select_n3A_789 = arith.select %and3A_786, %sub3A_788, %div3A_767 : i32
      %add3A_790 = arith.addi %sub3A_212, %select_n3A_789 : i32
      %jit3A_791 = arith.constant 16 : i32
      %div3A_792 = arith.divsi %add3A_762, %jit3A_791 : i32
      %sign3A_793 = arith.constant 0 : i32
      %sign3A_794 = arith.cmpi sgt, %add3A_762, %sign3A_793 : i32
      %sign3A_795 = arith.extui %sign3A_794 : i1 to i32
      %sign3A_796 = arith.constant 0 : i32
      %sign3A_797 = arith.cmpi slt, %add3A_762, %sign3A_796 : i32
      %sign3A_798 = arith.extui %sign3A_797 : i1 to i32
      %sign3A_799 = arith.subi %sign3A_795, %sign3A_798 : i32
      %sign3A_800 = arith.constant 0 : i32
      %sign3A_801 = arith.cmpi sgt, %jit3A_791, %sign3A_800 : i32
      %sign3A_802 = arith.extui %sign3A_801 : i1 to i32
      %sign3A_803 = arith.constant 0 : i32
      %sign3A_804 = arith.cmpi slt, %jit3A_791, %sign3A_803 : i32
      %sign3A_805 = arith.extui %sign3A_804 : i1 to i32
      %sign3A_806 = arith.subi %sign3A_802, %sign3A_805 : i32
      %ne3A_807 = arith.cmpi ne, %sign3A_799, %sign3A_806 : i32
      %rem3A_808 = arith.remsi %add3A_762, %jit3A_791 : i32
      %ne3A_809 = arith.constant 0 : i32
      %ne3A_810 = arith.cmpi ne, %rem3A_808, %ne3A_809 : i32
      %and3A_811 = arith.andi %ne3A_807, %ne3A_810 : i1
      %sub3A_812 = arith.constant 1 : i32
      %sub3A_813 = arith.subi %div3A_792, %sub3A_812 : i32
      %select_n3A_814 = arith.select %and3A_811, %sub3A_813, %div3A_792 : i32
      %mul3A_815 = arith.constant 16 : i32
      %mul3A_816 = arith.muli %select_n3A_814, %mul3A_815 : i32
      %sub3A_817 = arith.subi %add3A_762, %mul3A_816 : i32
      %mul3A_818 = arith.constant 16 : i32
      %mul3A_819 = arith.muli %select_n3A_814, %mul3A_818 : i32
      %add3A_820 = arith.addi %add3A_790, %mul3A_819 : i32
      %get3A_821 = arith.index_cast %add3A_820 : i32 to index
      %get3A_822 = tpu.vector_load %arg6[%get3A_821] {strides = array<i32>} : memref<2288xf32, #tpu.memory_space<vmem>>, vector<16xf32>,
      %get3A_823 = vector.shape_cast %get3A_822 : vector<16xf32> to vector<16xf32>
      %ge3A_824 = vector.broadcast %sub3A_817 : i32 to vector<16xi32>
      %ge3A_825 = arith.cmpi sge, %iota3A, %ge3A_824 : vector<16xi32>
      %jit3A_826 = arith.constant 0.000000e+00 : f32
      %broadcast_in_dim3A_827 = vector.broadcast %jit3A_826 : f32 to vector<16xf32>
      %select_n3A_828 = arith.select %ge3A_825, %get3A_823, %broadcast_in_dim3A_827 : vector<16xi1>, vector<16xf32>
      %multiple_of3A_829 = tpu.assume_multiple %mul3A_819, 16 : i32
      %swap3A_830 = arith.constant 11 : i32
      %swap3A_831 = arith.index_cast %swap3A_830 : i32 to index
      %swap3A_832 = arith.index_cast %multiple_of3A_829 : i32 to index
      %swap3A_833 = tpu.vector_load %arg8[%swap3A_831, %swap3A_832] {strides = array<i32>} : memref<16x512xf32, #tpu.memory_space<vmem>>, vector<1x16xf32>,
      %swap3A_834 = vector.shape_cast %swap3A_833 : vector<1x16xf32> to vector<16xf32>
      %swap3A_835 = vector.shape_cast %select_n3A_828 : vector<16xf32> to vector<1x16xf32>
      tpu.vector_store %arg8[%swap3A_831, %swap3A_832], %swap3A_835 {strides = array<i32>} : memref<16x512xf32, #tpu.memory_space<vmem>>, vector<1x16xf32>,
      %add3A_836 = arith.constant 1 : i32
      %add3A_837 = arith.addi %select_n3A_814, %add3A_836 : i32
      %parallel_loop3A_838 = arith.constant 32 : i32
      %parallel_loop3A_839 = arith.constant 1 : i32
      scf.for %parallel_loop3A_2826 = %add3A_837 to %parallel_loop3A_838 step %parallel_loop3A_839  : i32 {
        %parallel_loop3A_2827 = arith.constant 16 : i32
        %parallel_loop3A_2828 = arith.muli %parallel_loop3A_2826, %parallel_loop3A_2827 : i32
        %parallel_loop3A_2829 = tpu.assume_multiple %parallel_loop3A_2828, 16 : i32
        %parallel_loop3A_2830 = arith.constant 16 : i32
        %parallel_loop3A_2831 = arith.muli %parallel_loop3A_2826, %parallel_loop3A_2830 : i32
        %parallel_loop3A_2832 = arith.addi %add3A_790, %parallel_loop3A_2831 : i32
        %parallel_loop3A_2833 = arith.index_cast %parallel_loop3A_2832 : i32 to index
        %parallel_loop3A_2834 = tpu.vector_load %arg6[%parallel_loop3A_2833] {strides = array<i32>} : memref<2288xf32, #tpu.memory_space<vmem>>, vector<16xf32>,
        %parallel_loop3A_2835 = vector.shape_cast %parallel_loop3A_2834 : vector<16xf32> to vector<16xf32>
        %parallel_loop3A_2836 = arith.constant 11 : i32
        %parallel_loop3A_2837 = arith.index_cast %parallel_loop3A_2836 : i32 to index
        %parallel_loop3A_2838 = arith.index_cast %parallel_loop3A_2829 : i32 to index
        %parallel_loop3A_2839 = tpu.vector_load %arg8[%parallel_loop3A_2837, %parallel_loop3A_2838] {strides = array<i32>} : memref<16x512xf32, #tpu.memory_space<vmem>>, vector<1x16xf32>,
        %parallel_loop3A_2840 = vector.shape_cast %parallel_loop3A_2839 : vector<1x16xf32> to vector<16xf32>
        %parallel_loop3A_2841 = vector.shape_cast %parallel_loop3A_2835 : vector<16xf32> to vector<1x16xf32>
        tpu.vector_store %arg8[%parallel_loop3A_2837, %parallel_loop3A_2838], %parallel_loop3A_2841 {strides = array<i32>} : memref<16x512xf32, #tpu.memory_space<vmem>>, vector<1x16xf32>,
      } {sc.loop_unroll_factor = 2 : i64, sc.parallel_access}
      %add3A_840 = arith.constant 4 : i32
      %add3A_841 = arith.addi %mul3A_2, %add3A_840 : i32
      %sub3A_842 = arith.constant 1023 : i32
      %sub3A_843 = arith.subi %sub3A_842, %add3A_841 : i32
      %mul3A_844 = arith.muli %add3A_841, %sub3A_843 : i32
      %jit3A_845 = arith.constant 2 : i32
      %div3A_846 = arith.divsi %mul3A_844, %jit3A_845 : i32
      %sign3A_847 = arith.constant 0 : i32
      %sign3A_848 = arith.cmpi sgt, %mul3A_844, %sign3A_847 : i32
      %sign3A_849 = arith.extui %sign3A_848 : i1 to i32
      %sign3A_850 = arith.constant 0 : i32
      %sign3A_851 = arith.cmpi slt, %mul3A_844, %sign3A_850 : i32
      %sign3A_852 = arith.extui %sign3A_851 : i1 to i32
      %sign3A_853 = arith.subi %sign3A_849, %sign3A_852 : i32
      %sign3A_854 = arith.constant 0 : i32
      %sign3A_855 = arith.cmpi sgt, %jit3A_845, %sign3A_854 : i32
      %sign3A_856 = arith.extui %sign3A_855 : i1 to i32
      %sign3A_857 = arith.constant 0 : i32
      %sign3A_858 = arith.cmpi slt, %jit3A_845, %sign3A_857 : i32
      %sign3A_859 = arith.extui %sign3A_858 : i1 to i32
      %sign3A_860 = arith.subi %sign3A_856, %sign3A_859 : i32
      %ne3A_861 = arith.cmpi ne, %sign3A_853, %sign3A_860 : i32
      %rem3A_862 = arith.remsi %mul3A_844, %jit3A_845 : i32
      %ne3A_863 = arith.constant 0 : i32
      %ne3A_864 = arith.cmpi ne, %rem3A_862, %ne3A_863 : i32
      %and3A_865 = arith.andi %ne3A_861, %ne3A_864 : i1
      %sub3A_866 = arith.constant 1 : i32
      %sub3A_867 = arith.subi %div3A_846, %sub3A_866 : i32
      %select_n3A_868 = arith.select %and3A_865, %sub3A_867, %div3A_846 : i32
      %sub3A_869 = arith.subi %select_n3A_868, %mul3A_51 : i32
      %jit3A_870 = arith.constant 16 : i32
      %div3A_871 = arith.divsi %add3A_841, %jit3A_870 : i32
      %sign3A_872 = arith.constant 0 : i32
      %sign3A_873 = arith.cmpi sgt, %add3A_841, %sign3A_872 : i32
      %sign3A_874 = arith.extui %sign3A_873 : i1 to i32
      %sign3A_875 = arith.constant 0 : i32
      %sign3A_876 = arith.cmpi slt, %add3A_841, %sign3A_875 : i32
      %sign3A_877 = arith.extui %sign3A_876 : i1 to i32
      %sign3A_878 = arith.subi %sign3A_874, %sign3A_877 : i32
      %sign3A_879 = arith.constant 0 : i32
      %sign3A_880 = arith.cmpi sgt, %jit3A_870, %sign3A_879 : i32
      %sign3A_881 = arith.extui %sign3A_880 : i1 to i32
      %sign3A_882 = arith.constant 0 : i32
      %sign3A_883 = arith.cmpi slt, %jit3A_870, %sign3A_882 : i32
      %sign3A_884 = arith.extui %sign3A_883 : i1 to i32
      %sign3A_885 = arith.subi %sign3A_881, %sign3A_884 : i32
      %ne3A_886 = arith.cmpi ne, %sign3A_878, %sign3A_885 : i32
      %rem3A_887 = arith.remsi %add3A_841, %jit3A_870 : i32
      %ne3A_888 = arith.constant 0 : i32
      %ne3A_889 = arith.cmpi ne, %rem3A_887, %ne3A_888 : i32
      %and3A_890 = arith.andi %ne3A_886, %ne3A_889 : i1
      %sub3A_891 = arith.constant 1 : i32
      %sub3A_892 = arith.subi %div3A_871, %sub3A_891 : i32
      %select_n3A_893 = arith.select %and3A_890, %sub3A_892, %div3A_871 : i32
      %mul3A_894 = arith.constant 16 : i32
      %mul3A_895 = arith.muli %select_n3A_893, %mul3A_894 : i32
      %sub3A_896 = arith.subi %add3A_841, %mul3A_895 : i32
      %mul3A_897 = arith.constant 16 : i32
      %mul3A_898 = arith.muli %select_n3A_893, %mul3A_897 : i32
      %add3A_899 = arith.addi %sub3A_869, %mul3A_898 : i32
      %get3A_900 = arith.index_cast %add3A_899 : i32 to index
      %get3A_901 = tpu.vector_load %arg4[%get3A_900] {strides = array<i32>} : memref<4080xf32, #tpu.memory_space<vmem>>, vector<16xf32>,
      %get3A_902 = vector.shape_cast %get3A_901 : vector<16xf32> to vector<16xf32>
      %ge3A_903 = vector.broadcast %sub3A_896 : i32 to vector<16xi32>
      %ge3A_904 = arith.cmpi sge, %iota3A, %ge3A_903 : vector<16xi32>
      %jit3A_905 = arith.constant 0.000000e+00 : f32
      %broadcast_in_dim3A_906 = vector.broadcast %jit3A_905 : f32 to vector<16xf32>
      %select_n3A_907 = arith.select %ge3A_904, %get3A_902, %broadcast_in_dim3A_906 : vector<16xi1>, vector<16xf32>
      %multiple_of3A_908 = tpu.assume_multiple %mul3A_898, 16 : i32
      %swap3A_909 = arith.constant 4 : i32
      %swap3A_910 = arith.index_cast %swap3A_909 : i32 to index
      %swap3A_911 = arith.index_cast %multiple_of3A_908 : i32 to index
      %swap3A_912 = tpu.vector_load %arg8[%swap3A_910, %swap3A_911] {strides = array<i32>} : memref<16x512xf32, #tpu.memory_space<vmem>>, vector<1x16xf32>,
      %swap3A_913 = vector.shape_cast %swap3A_912 : vector<1x16xf32> to vector<16xf32>
      %swap3A_914 = vector.shape_cast %select_n3A_907 : vector<16xf32> to vector<1x16xf32>
      tpu.vector_store %arg8[%swap3A_910, %swap3A_911], %swap3A_914 {strides = array<i32>} : memref<16x512xf32, #tpu.memory_space<vmem>>, vector<1x16xf32>,
      %add3A_915 = arith.constant 1 : i32
      %add3A_916 = arith.addi %select_n3A_893, %add3A_915 : i32
      %parallel_loop3A_917 = arith.constant 32 : i32
      %parallel_loop3A_918 = arith.constant 1 : i32
      scf.for %parallel_loop3A_2826 = %add3A_916 to %parallel_loop3A_917 step %parallel_loop3A_918  : i32 {
        %parallel_loop3A_2827 = arith.constant 16 : i32
        %parallel_loop3A_2828 = arith.muli %parallel_loop3A_2826, %parallel_loop3A_2827 : i32
        %parallel_loop3A_2829 = tpu.assume_multiple %parallel_loop3A_2828, 16 : i32
        %parallel_loop3A_2830 = arith.constant 16 : i32
        %parallel_loop3A_2831 = arith.muli %parallel_loop3A_2826, %parallel_loop3A_2830 : i32
        %parallel_loop3A_2832 = arith.addi %sub3A_869, %parallel_loop3A_2831 : i32
        %parallel_loop3A_2833 = arith.index_cast %parallel_loop3A_2832 : i32 to index
        %parallel_loop3A_2834 = tpu.vector_load %arg4[%parallel_loop3A_2833] {strides = array<i32>} : memref<4080xf32, #tpu.memory_space<vmem>>, vector<16xf32>,
        %parallel_loop3A_2835 = vector.shape_cast %parallel_loop3A_2834 : vector<16xf32> to vector<16xf32>
        %parallel_loop3A_2836 = arith.constant 4 : i32
        %parallel_loop3A_2837 = arith.index_cast %parallel_loop3A_2836 : i32 to index
        %parallel_loop3A_2838 = arith.index_cast %parallel_loop3A_2829 : i32 to index
        %parallel_loop3A_2839 = tpu.vector_load %arg8[%parallel_loop3A_2837, %parallel_loop3A_2838] {strides = array<i32>} : memref<16x512xf32, #tpu.memory_space<vmem>>, vector<1x16xf32>,
        %parallel_loop3A_2840 = vector.shape_cast %parallel_loop3A_2839 : vector<1x16xf32> to vector<16xf32>
        %parallel_loop3A_2841 = vector.shape_cast %parallel_loop3A_2835 : vector<16xf32> to vector<1x16xf32>
        tpu.vector_store %arg8[%parallel_loop3A_2837, %parallel_loop3A_2838], %parallel_loop3A_2841 {strides = array<i32>} : memref<16x512xf32, #tpu.memory_space<vmem>>, vector<1x16xf32>,
      } {sc.loop_unroll_factor = 2 : i64, sc.parallel_access}
      %add3A_919 = arith.constant 4 : i32
      %add3A_920 = arith.addi %sub3A_5, %add3A_919 : i32
      %sub3A_921 = arith.constant 1023 : i32
      %sub3A_922 = arith.subi %sub3A_921, %add3A_920 : i32
      %mul3A_923 = arith.muli %add3A_920, %sub3A_922 : i32
      %jit3A_924 = arith.constant 2 : i32
      %div3A_925 = arith.divsi %mul3A_923, %jit3A_924 : i32
      %sign3A_926 = arith.constant 0 : i32
      %sign3A_927 = arith.cmpi sgt, %mul3A_923, %sign3A_926 : i32
      %sign3A_928 = arith.extui %sign3A_927 : i1 to i32
      %sign3A_929 = arith.constant 0 : i32
      %sign3A_930 = arith.cmpi slt, %mul3A_923, %sign3A_929 : i32
      %sign3A_931 = arith.extui %sign3A_930 : i1 to i32
      %sign3A_932 = arith.subi %sign3A_928, %sign3A_931 : i32
      %sign3A_933 = arith.constant 0 : i32
      %sign3A_934 = arith.cmpi sgt, %jit3A_924, %sign3A_933 : i32
      %sign3A_935 = arith.extui %sign3A_934 : i1 to i32
      %sign3A_936 = arith.constant 0 : i32
      %sign3A_937 = arith.cmpi slt, %jit3A_924, %sign3A_936 : i32
      %sign3A_938 = arith.extui %sign3A_937 : i1 to i32
      %sign3A_939 = arith.subi %sign3A_935, %sign3A_938 : i32
      %ne3A_940 = arith.cmpi ne, %sign3A_932, %sign3A_939 : i32
      %rem3A_941 = arith.remsi %mul3A_923, %jit3A_924 : i32
      %ne3A_942 = arith.constant 0 : i32
      %ne3A_943 = arith.cmpi ne, %rem3A_941, %ne3A_942 : i32
      %and3A_944 = arith.andi %ne3A_940, %ne3A_943 : i1
      %sub3A_945 = arith.constant 1 : i32
      %sub3A_946 = arith.subi %div3A_925, %sub3A_945 : i32
      %select_n3A_947 = arith.select %and3A_944, %sub3A_946, %div3A_925 : i32
      %add3A_948 = arith.addi %sub3A_212, %select_n3A_947 : i32
      %jit3A_949 = arith.constant 16 : i32
      %div3A_950 = arith.divsi %add3A_920, %jit3A_949 : i32
      %sign3A_951 = arith.constant 0 : i32
      %sign3A_952 = arith.cmpi sgt, %add3A_920, %sign3A_951 : i32
      %sign3A_953 = arith.extui %sign3A_952 : i1 to i32
      %sign3A_954 = arith.constant 0 : i32
      %sign3A_955 = arith.cmpi slt, %add3A_920, %sign3A_954 : i32
      %sign3A_956 = arith.extui %sign3A_955 : i1 to i32
      %sign3A_957 = arith.subi %sign3A_953, %sign3A_956 : i32
      %sign3A_958 = arith.constant 0 : i32
      %sign3A_959 = arith.cmpi sgt, %jit3A_949, %sign3A_958 : i32
      %sign3A_960 = arith.extui %sign3A_959 : i1 to i32
      %sign3A_961 = arith.constant 0 : i32
      %sign3A_962 = arith.cmpi slt, %jit3A_949, %sign3A_961 : i32
      %sign3A_963 = arith.extui %sign3A_962 : i1 to i32
      %sign3A_964 = arith.subi %sign3A_960, %sign3A_963 : i32
      %ne3A_965 = arith.cmpi ne, %sign3A_957, %sign3A_964 : i32
      %rem3A_966 = arith.remsi %add3A_920, %jit3A_949 : i32
      %ne3A_967 = arith.constant 0 : i32
      %ne3A_968 = arith.cmpi ne, %rem3A_966, %ne3A_967 : i32
      %and3A_969 = arith.andi %ne3A_965, %ne3A_968 : i1
      %sub3A_970 = arith.constant 1 : i32
      %sub3A_971 = arith.subi %div3A_950, %sub3A_970 : i32
      %select_n3A_972 = arith.select %and3A_969, %sub3A_971, %div3A_950 : i32
      %mul3A_973 = arith.constant 16 : i32
      %mul3A_974 = arith.muli %select_n3A_972, %mul3A_973 : i32
      %sub3A_975 = arith.subi %add3A_920, %mul3A_974 : i32
      %mul3A_976 = arith.constant 16 : i32
      %mul3A_977 = arith.muli %select_n3A_972, %mul3A_976 : i32
      %add3A_978 = arith.addi %add3A_948, %mul3A_977 : i32
      %get3A_979 = arith.index_cast %add3A_978 : i32 to index
      %get3A_980 = tpu.vector_load %arg6[%get3A_979] {strides = array<i32>} : memref<2288xf32, #tpu.memory_space<vmem>>, vector<16xf32>,
      %get3A_981 = vector.shape_cast %get3A_980 : vector<16xf32> to vector<16xf32>
      %ge3A_982 = vector.broadcast %sub3A_975 : i32 to vector<16xi32>
      %ge3A_983 = arith.cmpi sge, %iota3A, %ge3A_982 : vector<16xi32>
      %jit3A_984 = arith.constant 0.000000e+00 : f32
      %broadcast_in_dim3A_985 = vector.broadcast %jit3A_984 : f32 to vector<16xf32>
      %select_n3A_986 = arith.select %ge3A_983, %get3A_981, %broadcast_in_dim3A_985 : vector<16xi1>, vector<16xf32>
      %multiple_of3A_987 = tpu.assume_multiple %mul3A_977, 16 : i32
      %swap3A_988 = arith.constant 12 : i32
      %swap3A_989 = arith.index_cast %swap3A_988 : i32 to index
      %swap3A_990 = arith.index_cast %multiple_of3A_987 : i32 to index
      %swap3A_991 = tpu.vector_load %arg8[%swap3A_989, %swap3A_990] {strides = array<i32>} : memref<16x512xf32, #tpu.memory_space<vmem>>, vector<1x16xf32>,
      %swap3A_992 = vector.shape_cast %swap3A_991 : vector<1x16xf32> to vector<16xf32>
      %swap3A_993 = vector.shape_cast %select_n3A_986 : vector<16xf32> to vector<1x16xf32>
      tpu.vector_store %arg8[%swap3A_989, %swap3A_990], %swap3A_993 {strides = array<i32>} : memref<16x512xf32, #tpu.memory_space<vmem>>, vector<1x16xf32>,
      %add3A_994 = arith.constant 1 : i32
      %add3A_995 = arith.addi %select_n3A_972, %add3A_994 : i32
      %parallel_loop3A_996 = arith.constant 32 : i32
      %parallel_loop3A_997 = arith.constant 1 : i32
      scf.for %parallel_loop3A_2826 = %add3A_995 to %parallel_loop3A_996 step %parallel_loop3A_997  : i32 {
        %parallel_loop3A_2827 = arith.constant 16 : i32
        %parallel_loop3A_2828 = arith.muli %parallel_loop3A_2826, %parallel_loop3A_2827 : i32
        %parallel_loop3A_2829 = tpu.assume_multiple %parallel_loop3A_2828, 16 : i32
        %parallel_loop3A_2830 = arith.constant 16 : i32
        %parallel_loop3A_2831 = arith.muli %parallel_loop3A_2826, %parallel_loop3A_2830 : i32
        %parallel_loop3A_2832 = arith.addi %add3A_948, %parallel_loop3A_2831 : i32
        %parallel_loop3A_2833 = arith.index_cast %parallel_loop3A_2832 : i32 to index
        %parallel_loop3A_2834 = tpu.vector_load %arg6[%parallel_loop3A_2833] {strides = array<i32>} : memref<2288xf32, #tpu.memory_space<vmem>>, vector<16xf32>,
        %parallel_loop3A_2835 = vector.shape_cast %parallel_loop3A_2834 : vector<16xf32> to vector<16xf32>
        %parallel_loop3A_2836 = arith.constant 12 : i32
        %parallel_loop3A_2837 = arith.index_cast %parallel_loop3A_2836 : i32 to index
        %parallel_loop3A_2838 = arith.index_cast %parallel_loop3A_2829 : i32 to index
        %parallel_loop3A_2839 = tpu.vector_load %arg8[%parallel_loop3A_2837, %parallel_loop3A_2838] {strides = array<i32>} : memref<16x512xf32, #tpu.memory_space<vmem>>, vector<1x16xf32>,
        %parallel_loop3A_2840 = vector.shape_cast %parallel_loop3A_2839 : vector<1x16xf32> to vector<16xf32>
        %parallel_loop3A_2841 = vector.shape_cast %parallel_loop3A_2835 : vector<16xf32> to vector<1x16xf32>
        tpu.vector_store %arg8[%parallel_loop3A_2837, %parallel_loop3A_2838], %parallel_loop3A_2841 {strides = array<i32>} : memref<16x512xf32, #tpu.memory_space<vmem>>, vector<1x16xf32>,
      } {sc.loop_unroll_factor = 2 : i64, sc.parallel_access}
      %add3A_998 = arith.constant 5 : i32
      %add3A_999 = arith.addi %mul3A_2, %add3A_998 : i32
      %sub3A_1000 = arith.constant 1023 : i32
      %sub3A_1001 = arith.subi %sub3A_1000, %add3A_999 : i32
      %mul3A_1002 = arith.muli %add3A_999, %sub3A_1001 : i32
      %jit3A_1003 = arith.constant 2 : i32
      %div3A_1004 = arith.divsi %mul3A_1002, %jit3A_1003 : i32
      %sign3A_1005 = arith.constant 0 : i32
      %sign3A_1006 = arith.cmpi sgt, %mul3A_1002, %sign3A_1005 : i32
      %sign3A_1007 = arith.extui %sign3A_1006 : i1 to i32
      %sign3A_1008 = arith.constant 0 : i32
      %sign3A_1009 = arith.cmpi slt, %mul3A_1002, %sign3A_1008 : i32
      %sign3A_1010 = arith.extui %sign3A_1009 : i1 to i32
      %sign3A_1011 = arith.subi %sign3A_1007, %sign3A_1010 : i32
      %sign3A_1012 = arith.constant 0 : i32
      %sign3A_1013 = arith.cmpi sgt, %jit3A_1003, %sign3A_1012 : i32
      %sign3A_1014 = arith.extui %sign3A_1013 : i1 to i32
      %sign3A_1015 = arith.constant 0 : i32
      %sign3A_1016 = arith.cmpi slt, %jit3A_1003, %sign3A_1015 : i32
      %sign3A_1017 = arith.extui %sign3A_1016 : i1 to i32
      %sign3A_1018 = arith.subi %sign3A_1014, %sign3A_1017 : i32
      %ne3A_1019 = arith.cmpi ne, %sign3A_1011, %sign3A_1018 : i32
      %rem3A_1020 = arith.remsi %mul3A_1002, %jit3A_1003 : i32
      %ne3A_1021 = arith.constant 0 : i32
      %ne3A_1022 = arith.cmpi ne, %rem3A_1020, %ne3A_1021 : i32
      %and3A_1023 = arith.andi %ne3A_1019, %ne3A_1022 : i1
      %sub3A_1024 = arith.constant 1 : i32
      %sub3A_1025 = arith.subi %div3A_1004, %sub3A_1024 : i32
      %select_n3A_1026 = arith.select %and3A_1023, %sub3A_1025, %div3A_1004 : i32
      %sub3A_1027 = arith.subi %select_n3A_1026, %mul3A_51 : i32
      %jit3A_1028 = arith.constant 16 : i32
      %div3A_1029 = arith.divsi %add3A_999, %jit3A_1028 : i32
      %sign3A_1030 = arith.constant 0 : i32
      %sign3A_1031 = arith.cmpi sgt, %add3A_999, %sign3A_1030 : i32
      %sign3A_1032 = arith.extui %sign3A_1031 : i1 to i32
      %sign3A_1033 = arith.constant 0 : i32
      %sign3A_1034 = arith.cmpi slt, %add3A_999, %sign3A_1033 : i32
      %sign3A_1035 = arith.extui %sign3A_1034 : i1 to i32
      %sign3A_1036 = arith.subi %sign3A_1032, %sign3A_1035 : i32
      %sign3A_1037 = arith.constant 0 : i32
      %sign3A_1038 = arith.cmpi sgt, %jit3A_1028, %sign3A_1037 : i32
      %sign3A_1039 = arith.extui %sign3A_1038 : i1 to i32
      %sign3A_1040 = arith.constant 0 : i32
      %sign3A_1041 = arith.cmpi slt, %jit3A_1028, %sign3A_1040 : i32
      %sign3A_1042 = arith.extui %sign3A_1041 : i1 to i32
      %sign3A_1043 = arith.subi %sign3A_1039, %sign3A_1042 : i32
      %ne3A_1044 = arith.cmpi ne, %sign3A_1036, %sign3A_1043 : i32
      %rem3A_1045 = arith.remsi %add3A_999, %jit3A_1028 : i32
      %ne3A_1046 = arith.constant 0 : i32
      %ne3A_1047 = arith.cmpi ne, %rem3A_1045, %ne3A_1046 : i32
      %and3A_1048 = arith.andi %ne3A_1044, %ne3A_1047 : i1
      %sub3A_1049 = arith.constant 1 : i32
      %sub3A_1050 = arith.subi %div3A_1029, %sub3A_1049 : i32
      %select_n3A_1051 = arith.select %and3A_1048, %sub3A_1050, %div3A_1029 : i32
      %mul3A_1052 = arith.constant 16 : i32
      %mul3A_1053 = arith.muli %select_n3A_1051, %mul3A_1052 : i32
      %sub3A_1054 = arith.subi %add3A_999, %mul3A_1053 : i32
      %mul3A_1055 = arith.constant 16 : i32
      %mul3A_1056 = arith.muli %select_n3A_1051, %mul3A_1055 : i32
      %add3A_1057 = arith.addi %sub3A_1027, %mul3A_1056 : i32
      %get3A_1058 = arith.index_cast %add3A_1057 : i32 to index
      %get3A_1059 = tpu.vector_load %arg4[%get3A_1058] {strides = array<i32>} : memref<4080xf32, #tpu.memory_space<vmem>>, vector<16xf32>,
      %get3A_1060 = vector.shape_cast %get3A_1059 : vector<16xf32> to vector<16xf32>
      %ge3A_1061 = vector.broadcast %sub3A_1054 : i32 to vector<16xi32>
      %ge3A_1062 = arith.cmpi sge, %iota3A, %ge3A_1061 : vector<16xi32>
      %jit3A_1063 = arith.constant 0.000000e+00 : f32
      %broadcast_in_dim3A_1064 = vector.broadcast %jit3A_1063 : f32 to vector<16xf32>
      %select_n3A_1065 = arith.select %ge3A_1062, %get3A_1060, %broadcast_in_dim3A_1064 : vector<16xi1>, vector<16xf32>
      %multiple_of3A_1066 = tpu.assume_multiple %mul3A_1056, 16 : i32
      %swap3A_1067 = arith.constant 5 : i32
      %swap3A_1068 = arith.index_cast %swap3A_1067 : i32 to index
      %swap3A_1069 = arith.index_cast %multiple_of3A_1066 : i32 to index
      %swap3A_1070 = tpu.vector_load %arg8[%swap3A_1068, %swap3A_1069] {strides = array<i32>} : memref<16x512xf32, #tpu.memory_space<vmem>>, vector<1x16xf32>,
      %swap3A_1071 = vector.shape_cast %swap3A_1070 : vector<1x16xf32> to vector<16xf32>
      %swap3A_1072 = vector.shape_cast %select_n3A_1065 : vector<16xf32> to vector<1x16xf32>
      tpu.vector_store %arg8[%swap3A_1068, %swap3A_1069], %swap3A_1072 {strides = array<i32>} : memref<16x512xf32, #tpu.memory_space<vmem>>, vector<1x16xf32>,
      %add3A_1073 = arith.constant 1 : i32
      %add3A_1074 = arith.addi %select_n3A_1051, %add3A_1073 : i32
      %parallel_loop3A_1075 = arith.constant 32 : i32
      %parallel_loop3A_1076 = arith.constant 1 : i32
      scf.for %parallel_loop3A_2826 = %add3A_1074 to %parallel_loop3A_1075 step %parallel_loop3A_1076  : i32 {
        %parallel_loop3A_2827 = arith.constant 16 : i32
        %parallel_loop3A_2828 = arith.muli %parallel_loop3A_2826, %parallel_loop3A_2827 : i32
        %parallel_loop3A_2829 = tpu.assume_multiple %parallel_loop3A_2828, 16 : i32
        %parallel_loop3A_2830 = arith.constant 16 : i32
        %parallel_loop3A_2831 = arith.muli %parallel_loop3A_2826, %parallel_loop3A_2830 : i32
        %parallel_loop3A_2832 = arith.addi %sub3A_1027, %parallel_loop3A_2831 : i32
        %parallel_loop3A_2833 = arith.index_cast %parallel_loop3A_2832 : i32 to index
        %parallel_loop3A_2834 = tpu.vector_load %arg4[%parallel_loop3A_2833] {strides = array<i32>} : memref<4080xf32, #tpu.memory_space<vmem>>, vector<16xf32>,
        %parallel_loop3A_2835 = vector.shape_cast %parallel_loop3A_2834 : vector<16xf32> to vector<16xf32>
        %parallel_loop3A_2836 = arith.constant 5 : i32
        %parallel_loop3A_2837 = arith.index_cast %parallel_loop3A_2836 : i32 to index
        %parallel_loop3A_2838 = arith.index_cast %parallel_loop3A_2829 : i32 to index
        %parallel_loop3A_2839 = tpu.vector_load %arg8[%parallel_loop3A_2837, %parallel_loop3A_2838] {strides = array<i32>} : memref<16x512xf32, #tpu.memory_space<vmem>>, vector<1x16xf32>,
        %parallel_loop3A_2840 = vector.shape_cast %parallel_loop3A_2839 : vector<1x16xf32> to vector<16xf32>
        %parallel_loop3A_2841 = vector.shape_cast %parallel_loop3A_2835 : vector<16xf32> to vector<1x16xf32>
        tpu.vector_store %arg8[%parallel_loop3A_2837, %parallel_loop3A_2838], %parallel_loop3A_2841 {strides = array<i32>} : memref<16x512xf32, #tpu.memory_space<vmem>>, vector<1x16xf32>,
      } {sc.loop_unroll_factor = 2 : i64, sc.parallel_access}
      %add3A_1077 = arith.constant 5 : i32
      %add3A_1078 = arith.addi %sub3A_5, %add3A_1077 : i32
      %sub3A_1079 = arith.constant 1023 : i32
      %sub3A_1080 = arith.subi %sub3A_1079, %add3A_1078 : i32
      %mul3A_1081 = arith.muli %add3A_1078, %sub3A_1080 : i32
      %jit3A_1082 = arith.constant 2 : i32
      %div3A_1083 = arith.divsi %mul3A_1081, %jit3A_1082 : i32
      %sign3A_1084 = arith.constant 0 : i32
      %sign3A_1085 = arith.cmpi sgt, %mul3A_1081, %sign3A_1084 : i32
      %sign3A_1086 = arith.extui %sign3A_1085 : i1 to i32
      %sign3A_1087 = arith.constant 0 : i32
      %sign3A_1088 = arith.cmpi slt, %mul3A_1081, %sign3A_1087 : i32
      %sign3A_1089 = arith.extui %sign3A_1088 : i1 to i32
      %sign3A_1090 = arith.subi %sign3A_1086, %sign3A_1089 : i32
      %sign3A_1091 = arith.constant 0 : i32
      %sign3A_1092 = arith.cmpi sgt, %jit3A_1082, %sign3A_1091 : i32
      %sign3A_1093 = arith.extui %sign3A_1092 : i1 to i32
      %sign3A_1094 = arith.constant 0 : i32
      %sign3A_1095 = arith.cmpi slt, %jit3A_1082, %sign3A_1094 : i32
      %sign3A_1096 = arith.extui %sign3A_1095 : i1 to i32
      %sign3A_1097 = arith.subi %sign3A_1093, %sign3A_1096 : i32
      %ne3A_1098 = arith.cmpi ne, %sign3A_1090, %sign3A_1097 : i32
      %rem3A_1099 = arith.remsi %mul3A_1081, %jit3A_1082 : i32
      %ne3A_1100 = arith.constant 0 : i32
      %ne3A_1101 = arith.cmpi ne, %rem3A_1099, %ne3A_1100 : i32
      %and3A_1102 = arith.andi %ne3A_1098, %ne3A_1101 : i1
      %sub3A_1103 = arith.constant 1 : i32
      %sub3A_1104 = arith.subi %div3A_1083, %sub3A_1103 : i32
      %select_n3A_1105 = arith.select %and3A_1102, %sub3A_1104, %div3A_1083 : i32
      %add3A_1106 = arith.addi %sub3A_212, %select_n3A_1105 : i32
      %jit3A_1107 = arith.constant 16 : i32
      %div3A_1108 = arith.divsi %add3A_1078, %jit3A_1107 : i32
      %sign3A_1109 = arith.constant 0 : i32
      %sign3A_1110 = arith.cmpi sgt, %add3A_1078, %sign3A_1109 : i32
      %sign3A_1111 = arith.extui %sign3A_1110 : i1 to i32
      %sign3A_1112 = arith.constant 0 : i32
      %sign3A_1113 = arith.cmpi slt, %add3A_1078, %sign3A_1112 : i32
      %sign3A_1114 = arith.extui %sign3A_1113 : i1 to i32
      %sign3A_1115 = arith.subi %sign3A_1111, %sign3A_1114 : i32
      %sign3A_1116 = arith.constant 0 : i32
      %sign3A_1117 = arith.cmpi sgt, %jit3A_1107, %sign3A_1116 : i32
      %sign3A_1118 = arith.extui %sign3A_1117 : i1 to i32
      %sign3A_1119 = arith.constant 0 : i32
      %sign3A_1120 = arith.cmpi slt, %jit3A_1107, %sign3A_1119 : i32
      %sign3A_1121 = arith.extui %sign3A_1120 : i1 to i32
      %sign3A_1122 = arith.subi %sign3A_1118, %sign3A_1121 : i32
      %ne3A_1123 = arith.cmpi ne, %sign3A_1115, %sign3A_1122 : i32
      %rem3A_1124 = arith.remsi %add3A_1078, %jit3A_1107 : i32
      %ne3A_1125 = arith.constant 0 : i32
      %ne3A_1126 = arith.cmpi ne, %rem3A_1124, %ne3A_1125 : i32
      %and3A_1127 = arith.andi %ne3A_1123, %ne3A_1126 : i1
      %sub3A_1128 = arith.constant 1 : i32
      %sub3A_1129 = arith.subi %div3A_1108, %sub3A_1128 : i32
      %select_n3A_1130 = arith.select %and3A_1127, %sub3A_1129, %div3A_1108 : i32
      %mul3A_1131 = arith.constant 16 : i32
      %mul3A_1132 = arith.muli %select_n3A_1130, %mul3A_1131 : i32
      %sub3A_1133 = arith.subi %add3A_1078, %mul3A_1132 : i32
      %mul3A_1134 = arith.constant 16 : i32
      %mul3A_1135 = arith.muli %select_n3A_1130, %mul3A_1134 : i32
      %add3A_1136 = arith.addi %add3A_1106, %mul3A_1135 : i32
      %get3A_1137 = arith.index_cast %add3A_1136 : i32 to index
      %get3A_1138 = tpu.vector_load %arg6[%get3A_1137] {strides = array<i32>} : memref<2288xf32, #tpu.memory_space<vmem>>, vector<16xf32>,
      %get3A_1139 = vector.shape_cast %get3A_1138 : vector<16xf32> to vector<16xf32>
      %ge3A_1140 = vector.broadcast %sub3A_1133 : i32 to vector<16xi32>
      %ge3A_1141 = arith.cmpi sge, %iota3A, %ge3A_1140 : vector<16xi32>
      %jit3A_1142 = arith.constant 0.000000e+00 : f32
      %broadcast_in_dim3A_1143 = vector.broadcast %jit3A_1142 : f32 to vector<16xf32>
      %select_n3A_1144 = arith.select %ge3A_1141, %get3A_1139, %broadcast_in_dim3A_1143 : vector<16xi1>, vector<16xf32>
      %multiple_of3A_1145 = tpu.assume_multiple %mul3A_1135, 16 : i32
      %swap3A_1146 = arith.constant 13 : i32
      %swap3A_1147 = arith.index_cast %swap3A_1146 : i32 to index
      %swap3A_1148 = arith.index_cast %multiple_of3A_1145 : i32 to index
      %swap3A_1149 = tpu.vector_load %arg8[%swap3A_1147, %swap3A_1148] {strides = array<i32>} : memref<16x512xf32, #tpu.memory_space<vmem>>, vector<1x16xf32>,
      %swap3A_1150 = vector.shape_cast %swap3A_1149 : vector<1x16xf32> to vector<16xf32>
      %swap3A_1151 = vector.shape_cast %select_n3A_1144 : vector<16xf32> to vector<1x16xf32>
      tpu.vector_store %arg8[%swap3A_1147, %swap3A_1148], %swap3A_1151 {strides = array<i32>} : memref<16x512xf32, #tpu.memory_space<vmem>>, vector<1x16xf32>,
      %add3A_1152 = arith.constant 1 : i32
      %add3A_1153 = arith.addi %select_n3A_1130, %add3A_1152 : i32
      %parallel_loop3A_1154 = arith.constant 32 : i32
      %parallel_loop3A_1155 = arith.constant 1 : i32
      scf.for %parallel_loop3A_2826 = %add3A_1153 to %parallel_loop3A_1154 step %parallel_loop3A_1155  : i32 {
        %parallel_loop3A_2827 = arith.constant 16 : i32
        %parallel_loop3A_2828 = arith.muli %parallel_loop3A_2826, %parallel_loop3A_2827 : i32
        %parallel_loop3A_2829 = tpu.assume_multiple %parallel_loop3A_2828, 16 : i32
        %parallel_loop3A_2830 = arith.constant 16 : i32
        %parallel_loop3A_2831 = arith.muli %parallel_loop3A_2826, %parallel_loop3A_2830 : i32
        %parallel_loop3A_2832 = arith.addi %add3A_1106, %parallel_loop3A_2831 : i32
        %parallel_loop3A_2833 = arith.index_cast %parallel_loop3A_2832 : i32 to index
        %parallel_loop3A_2834 = tpu.vector_load %arg6[%parallel_loop3A_2833] {strides = array<i32>} : memref<2288xf32, #tpu.memory_space<vmem>>, vector<16xf32>,
        %parallel_loop3A_2835 = vector.shape_cast %parallel_loop3A_2834 : vector<16xf32> to vector<16xf32>
        %parallel_loop3A_2836 = arith.constant 13 : i32
        %parallel_loop3A_2837 = arith.index_cast %parallel_loop3A_2836 : i32 to index
        %parallel_loop3A_2838 = arith.index_cast %parallel_loop3A_2829 : i32 to index
        %parallel_loop3A_2839 = tpu.vector_load %arg8[%parallel_loop3A_2837, %parallel_loop3A_2838] {strides = array<i32>} : memref<16x512xf32, #tpu.memory_space<vmem>>, vector<1x16xf32>,
        %parallel_loop3A_2840 = vector.shape_cast %parallel_loop3A_2839 : vector<1x16xf32> to vector<16xf32>
        %parallel_loop3A_2841 = vector.shape_cast %parallel_loop3A_2835 : vector<16xf32> to vector<1x16xf32>
        tpu.vector_store %arg8[%parallel_loop3A_2837, %parallel_loop3A_2838], %parallel_loop3A_2841 {strides = array<i32>} : memref<16x512xf32, #tpu.memory_space<vmem>>, vector<1x16xf32>,
      } {sc.loop_unroll_factor = 2 : i64, sc.parallel_access}
      %add3A_1156 = arith.constant 6 : i32
      %add3A_1157 = arith.addi %mul3A_2, %add3A_1156 : i32
      %sub3A_1158 = arith.constant 1023 : i32
      %sub3A_1159 = arith.subi %sub3A_1158, %add3A_1157 : i32
      %mul3A_1160 = arith.muli %add3A_1157, %sub3A_1159 : i32
      %jit3A_1161 = arith.constant 2 : i32
      %div3A_1162 = arith.divsi %mul3A_1160, %jit3A_1161 : i32
      %sign3A_1163 = arith.constant 0 : i32
      %sign3A_1164 = arith.cmpi sgt, %mul3A_1160, %sign3A_1163 : i32
      %sign3A_1165 = arith.extui %sign3A_1164 : i1 to i32
      %sign3A_1166 = arith.constant 0 : i32
      %sign3A_1167 = arith.cmpi slt, %mul3A_1160, %sign3A_1166 : i32
      %sign3A_1168 = arith.extui %sign3A_1167 : i1 to i32
      %sign3A_1169 = arith.subi %sign3A_1165, %sign3A_1168 : i32
      %sign3A_1170 = arith.constant 0 : i32
      %sign3A_1171 = arith.cmpi sgt, %jit3A_1161, %sign3A_1170 : i32
      %sign3A_1172 = arith.extui %sign3A_1171 : i1 to i32
      %sign3A_1173 = arith.constant 0 : i32
      %sign3A_1174 = arith.cmpi slt, %jit3A_1161, %sign3A_1173 : i32
      %sign3A_1175 = arith.extui %sign3A_1174 : i1 to i32
      %sign3A_1176 = arith.subi %sign3A_1172, %sign3A_1175 : i32
      %ne3A_1177 = arith.cmpi ne, %sign3A_1169, %sign3A_1176 : i32
      %rem3A_1178 = arith.remsi %mul3A_1160, %jit3A_1161 : i32
      %ne3A_1179 = arith.constant 0 : i32
      %ne3A_1180 = arith.cmpi ne, %rem3A_1178, %ne3A_1179 : i32
      %and3A_1181 = arith.andi %ne3A_1177, %ne3A_1180 : i1
      %sub3A_1182 = arith.constant 1 : i32
      %sub3A_1183 = arith.subi %div3A_1162, %sub3A_1182 : i32
      %select_n3A_1184 = arith.select %and3A_1181, %sub3A_1183, %div3A_1162 : i32
      %sub3A_1185 = arith.subi %select_n3A_1184, %mul3A_51 : i32
      %jit3A_1186 = arith.constant 16 : i32
      %div3A_1187 = arith.divsi %add3A_1157, %jit3A_1186 : i32
      %sign3A_1188 = arith.constant 0 : i32
      %sign3A_1189 = arith.cmpi sgt, %add3A_1157, %sign3A_1188 : i32
      %sign3A_1190 = arith.extui %sign3A_1189 : i1 to i32
      %sign3A_1191 = arith.constant 0 : i32
      %sign3A_1192 = arith.cmpi slt, %add3A_1157, %sign3A_1191 : i32
      %sign3A_1193 = arith.extui %sign3A_1192 : i1 to i32
      %sign3A_1194 = arith.subi %sign3A_1190, %sign3A_1193 : i32
      %sign3A_1195 = arith.constant 0 : i32
      %sign3A_1196 = arith.cmpi sgt, %jit3A_1186, %sign3A_1195 : i32
      %sign3A_1197 = arith.extui %sign3A_1196 : i1 to i32
      %sign3A_1198 = arith.constant 0 : i32
      %sign3A_1199 = arith.cmpi slt, %jit3A_1186, %sign3A_1198 : i32
      %sign3A_1200 = arith.extui %sign3A_1199 : i1 to i32
      %sign3A_1201 = arith.subi %sign3A_1197, %sign3A_1200 : i32
      %ne3A_1202 = arith.cmpi ne, %sign3A_1194, %sign3A_1201 : i32
      %rem3A_1203 = arith.remsi %add3A_1157, %jit3A_1186 : i32
      %ne3A_1204 = arith.constant 0 : i32
      %ne3A_1205 = arith.cmpi ne, %rem3A_1203, %ne3A_1204 : i32
      %and3A_1206 = arith.andi %ne3A_1202, %ne3A_1205 : i1
      %sub3A_1207 = arith.constant 1 : i32
      %sub3A_1208 = arith.subi %div3A_1187, %sub3A_1207 : i32
      %select_n3A_1209 = arith.select %and3A_1206, %sub3A_1208, %div3A_1187 : i32
      %mul3A_1210 = arith.constant 16 : i32
      %mul3A_1211 = arith.muli %select_n3A_1209, %mul3A_1210 : i32
      %sub3A_1212 = arith.subi %add3A_1157, %mul3A_1211 : i32
      %mul3A_1213 = arith.constant 16 : i32
      %mul3A_1214 = arith.muli %select_n3A_1209, %mul3A_1213 : i32
      %add3A_1215 = arith.addi %sub3A_1185, %mul3A_1214 : i32
      %get3A_1216 = arith.index_cast %add3A_1215 : i32 to index
      %get3A_1217 = tpu.vector_load %arg4[%get3A_1216] {strides = array<i32>} : memref<4080xf32, #tpu.memory_space<vmem>>, vector<16xf32>,
      %get3A_1218 = vector.shape_cast %get3A_1217 : vector<16xf32> to vector<16xf32>
      %ge3A_1219 = vector.broadcast %sub3A_1212 : i32 to vector<16xi32>
      %ge3A_1220 = arith.cmpi sge, %iota3A, %ge3A_1219 : vector<16xi32>
      %jit3A_1221 = arith.constant 0.000000e+00 : f32
      %broadcast_in_dim3A_1222 = vector.broadcast %jit3A_1221 : f32 to vector<16xf32>
      %select_n3A_1223 = arith.select %ge3A_1220, %get3A_1218, %broadcast_in_dim3A_1222 : vector<16xi1>, vector<16xf32>
      %multiple_of3A_1224 = tpu.assume_multiple %mul3A_1214, 16 : i32
      %swap3A_1225 = arith.constant 6 : i32
      %swap3A_1226 = arith.index_cast %swap3A_1225 : i32 to index
      %swap3A_1227 = arith.index_cast %multiple_of3A_1224 : i32 to index
      %swap3A_1228 = tpu.vector_load %arg8[%swap3A_1226, %swap3A_1227] {strides = array<i32>} : memref<16x512xf32, #tpu.memory_space<vmem>>, vector<1x16xf32>,
      %swap3A_1229 = vector.shape_cast %swap3A_1228 : vector<1x16xf32> to vector<16xf32>
      %swap3A_1230 = vector.shape_cast %select_n3A_1223 : vector<16xf32> to vector<1x16xf32>
      tpu.vector_store %arg8[%swap3A_1226, %swap3A_1227], %swap3A_1230 {strides = array<i32>} : memref<16x512xf32, #tpu.memory_space<vmem>>, vector<1x16xf32>,
      %add3A_1231 = arith.constant 1 : i32
      %add3A_1232 = arith.addi %select_n3A_1209, %add3A_1231 : i32
      %parallel_loop3A_1233 = arith.constant 32 : i32
      %parallel_loop3A_1234 = arith.constant 1 : i32
      scf.for %parallel_loop3A_2826 = %add3A_1232 to %parallel_loop3A_1233 step %parallel_loop3A_1234  : i32 {
        %parallel_loop3A_2827 = arith.constant 16 : i32
        %parallel_loop3A_2828 = arith.muli %parallel_loop3A_2826, %parallel_loop3A_2827 : i32
        %parallel_loop3A_2829 = tpu.assume_multiple %parallel_loop3A_2828, 16 : i32
        %parallel_loop3A_2830 = arith.constant 16 : i32
        %parallel_loop3A_2831 = arith.muli %parallel_loop3A_2826, %parallel_loop3A_2830 : i32
        %parallel_loop3A_2832 = arith.addi %sub3A_1185, %parallel_loop3A_2831 : i32
        %parallel_loop3A_2833 = arith.index_cast %parallel_loop3A_2832 : i32 to index
        %parallel_loop3A_2834 = tpu.vector_load %arg4[%parallel_loop3A_2833] {strides = array<i32>} : memref<4080xf32, #tpu.memory_space<vmem>>, vector<16xf32>,
        %parallel_loop3A_2835 = vector.shape_cast %parallel_loop3A_2834 : vector<16xf32> to vector<16xf32>
        %parallel_loop3A_2836 = arith.constant 6 : i32
        %parallel_loop3A_2837 = arith.index_cast %parallel_loop3A_2836 : i32 to index
        %parallel_loop3A_2838 = arith.index_cast %parallel_loop3A_2829 : i32 to index
        %parallel_loop3A_2839 = tpu.vector_load %arg8[%parallel_loop3A_2837, %parallel_loop3A_2838] {strides = array<i32>} : memref<16x512xf32, #tpu.memory_space<vmem>>, vector<1x16xf32>,
        %parallel_loop3A_2840 = vector.shape_cast %parallel_loop3A_2839 : vector<1x16xf32> to vector<16xf32>
        %parallel_loop3A_2841 = vector.shape_cast %parallel_loop3A_2835 : vector<16xf32> to vector<1x16xf32>
        tpu.vector_store %arg8[%parallel_loop3A_2837, %parallel_loop3A_2838], %parallel_loop3A_2841 {strides = array<i32>} : memref<16x512xf32, #tpu.memory_space<vmem>>, vector<1x16xf32>,
      } {sc.loop_unroll_factor = 2 : i64, sc.parallel_access}
      %add3A_1235 = arith.constant 6 : i32
      %add3A_1236 = arith.addi %sub3A_5, %add3A_1235 : i32
      %sub3A_1237 = arith.constant 1023 : i32
      %sub3A_1238 = arith.subi %sub3A_1237, %add3A_1236 : i32
      %mul3A_1239 = arith.muli %add3A_1236, %sub3A_1238 : i32
      %jit3A_1240 = arith.constant 2 : i32
      %div3A_1241 = arith.divsi %mul3A_1239, %jit3A_1240 : i32
      %sign3A_1242 = arith.constant 0 : i32
      %sign3A_1243 = arith.cmpi sgt, %mul3A_1239, %sign3A_1242 : i32
      %sign3A_1244 = arith.extui %sign3A_1243 : i1 to i32
      %sign3A_1245 = arith.constant 0 : i32
      %sign3A_1246 = arith.cmpi slt, %mul3A_1239, %sign3A_1245 : i32
      %sign3A_1247 = arith.extui %sign3A_1246 : i1 to i32
      %sign3A_1248 = arith.subi %sign3A_1244, %sign3A_1247 : i32
      %sign3A_1249 = arith.constant 0 : i32
      %sign3A_1250 = arith.cmpi sgt, %jit3A_1240, %sign3A_1249 : i32
      %sign3A_1251 = arith.extui %sign3A_1250 : i1 to i32
      %sign3A_1252 = arith.constant 0 : i32
      %sign3A_1253 = arith.cmpi slt, %jit3A_1240, %sign3A_1252 : i32
      %sign3A_1254 = arith.extui %sign3A_1253 : i1 to i32
      %sign3A_1255 = arith.subi %sign3A_1251, %sign3A_1254 : i32
      %ne3A_1256 = arith.cmpi ne, %sign3A_1248, %sign3A_1255 : i32
      %rem3A_1257 = arith.remsi %mul3A_1239, %jit3A_1240 : i32
      %ne3A_1258 = arith.constant 0 : i32
      %ne3A_1259 = arith.cmpi ne, %rem3A_1257, %ne3A_1258 : i32
      %and3A_1260 = arith.andi %ne3A_1256, %ne3A_1259 : i1
      %sub3A_1261 = arith.constant 1 : i32
      %sub3A_1262 = arith.subi %div3A_1241, %sub3A_1261 : i32
      %select_n3A_1263 = arith.select %and3A_1260, %sub3A_1262, %div3A_1241 : i32
      %add3A_1264 = arith.addi %sub3A_212, %select_n3A_1263 : i32
      %jit3A_1265 = arith.constant 16 : i32
      %div3A_1266 = arith.divsi %add3A_1236, %jit3A_1265 : i32
      %sign3A_1267 = arith.constant 0 : i32
      %sign3A_1268 = arith.cmpi sgt, %add3A_1236, %sign3A_1267 : i32
      %sign3A_1269 = arith.extui %sign3A_1268 : i1 to i32
      %sign3A_1270 = arith.constant 0 : i32
      %sign3A_1271 = arith.cmpi slt, %add3A_1236, %sign3A_1270 : i32
      %sign3A_1272 = arith.extui %sign3A_1271 : i1 to i32
      %sign3A_1273 = arith.subi %sign3A_1269, %sign3A_1272 : i32
      %sign3A_1274 = arith.constant 0 : i32
      %sign3A_1275 = arith.cmpi sgt, %jit3A_1265, %sign3A_1274 : i32
      %sign3A_1276 = arith.extui %sign3A_1275 : i1 to i32
      %sign3A_1277 = arith.constant 0 : i32
      %sign3A_1278 = arith.cmpi slt, %jit3A_1265, %sign3A_1277 : i32
      %sign3A_1279 = arith.extui %sign3A_1278 : i1 to i32
      %sign3A_1280 = arith.subi %sign3A_1276, %sign3A_1279 : i32
      %ne3A_1281 = arith.cmpi ne, %sign3A_1273, %sign3A_1280 : i32
      %rem3A_1282 = arith.remsi %add3A_1236, %jit3A_1265 : i32
      %ne3A_1283 = arith.constant 0 : i32
      %ne3A_1284 = arith.cmpi ne, %rem3A_1282, %ne3A_1283 : i32
      %and3A_1285 = arith.andi %ne3A_1281, %ne3A_1284 : i1
      %sub3A_1286 = arith.constant 1 : i32
      %sub3A_1287 = arith.subi %div3A_1266, %sub3A_1286 : i32
      %select_n3A_1288 = arith.select %and3A_1285, %sub3A_1287, %div3A_1266 : i32
      %mul3A_1289 = arith.constant 16 : i32
      %mul3A_1290 = arith.muli %select_n3A_1288, %mul3A_1289 : i32
      %sub3A_1291 = arith.subi %add3A_1236, %mul3A_1290 : i32
      %mul3A_1292 = arith.constant 16 : i32
      %mul3A_1293 = arith.muli %select_n3A_1288, %mul3A_1292 : i32
      %add3A_1294 = arith.addi %add3A_1264, %mul3A_1293 : i32
      %get3A_1295 = arith.index_cast %add3A_1294 : i32 to index
      %get3A_1296 = tpu.vector_load %arg6[%get3A_1295] {strides = array<i32>} : memref<2288xf32, #tpu.memory_space<vmem>>, vector<16xf32>,
      %get3A_1297 = vector.shape_cast %get3A_1296 : vector<16xf32> to vector<16xf32>
      %ge3A_1298 = vector.broadcast %sub3A_1291 : i32 to vector<16xi32>
      %ge3A_1299 = arith.cmpi sge, %iota3A, %ge3A_1298 : vector<16xi32>
      %jit3A_1300 = arith.constant 0.000000e+00 : f32
      %broadcast_in_dim3A_1301 = vector.broadcast %jit3A_1300 : f32 to vector<16xf32>
      %select_n3A_1302 = arith.select %ge3A_1299, %get3A_1297, %broadcast_in_dim3A_1301 : vector<16xi1>, vector<16xf32>
      %multiple_of3A_1303 = tpu.assume_multiple %mul3A_1293, 16 : i32
      %swap3A_1304 = arith.constant 14 : i32
      %swap3A_1305 = arith.index_cast %swap3A_1304 : i32 to index
      %swap3A_1306 = arith.index_cast %multiple_of3A_1303 : i32 to index
      %swap3A_1307 = tpu.vector_load %arg8[%swap3A_1305, %swap3A_1306] {strides = array<i32>} : memref<16x512xf32, #tpu.memory_space<vmem>>, vector<1x16xf32>,
      %swap3A_1308 = vector.shape_cast %swap3A_1307 : vector<1x16xf32> to vector<16xf32>
      %swap3A_1309 = vector.shape_cast %select_n3A_1302 : vector<16xf32> to vector<1x16xf32>
      tpu.vector_store %arg8[%swap3A_1305, %swap3A_1306], %swap3A_1309 {strides = array<i32>} : memref<16x512xf32, #tpu.memory_space<vmem>>, vector<1x16xf32>,
      %add3A_1310 = arith.constant 1 : i32
      %add3A_1311 = arith.addi %select_n3A_1288, %add3A_1310 : i32
      %parallel_loop3A_1312 = arith.constant 32 : i32
      %parallel_loop3A_1313 = arith.constant 1 : i32
      scf.for %parallel_loop3A_2826 = %add3A_1311 to %parallel_loop3A_1312 step %parallel_loop3A_1313  : i32 {
        %parallel_loop3A_2827 = arith.constant 16 : i32
        %parallel_loop3A_2828 = arith.muli %parallel_loop3A_2826, %parallel_loop3A_2827 : i32
        %parallel_loop3A_2829 = tpu.assume_multiple %parallel_loop3A_2828, 16 : i32
        %parallel_loop3A_2830 = arith.constant 16 : i32
        %parallel_loop3A_2831 = arith.muli %parallel_loop3A_2826, %parallel_loop3A_2830 : i32
        %parallel_loop3A_2832 = arith.addi %add3A_1264, %parallel_loop3A_2831 : i32
        %parallel_loop3A_2833 = arith.index_cast %parallel_loop3A_2832 : i32 to index
        %parallel_loop3A_2834 = tpu.vector_load %arg6[%parallel_loop3A_2833] {strides = array<i32>} : memref<2288xf32, #tpu.memory_space<vmem>>, vector<16xf32>,
        %parallel_loop3A_2835 = vector.shape_cast %parallel_loop3A_2834 : vector<16xf32> to vector<16xf32>
        %parallel_loop3A_2836 = arith.constant 14 : i32
        %parallel_loop3A_2837 = arith.index_cast %parallel_loop3A_2836 : i32 to index
        %parallel_loop3A_2838 = arith.index_cast %parallel_loop3A_2829 : i32 to index
        %parallel_loop3A_2839 = tpu.vector_load %arg8[%parallel_loop3A_2837, %parallel_loop3A_2838] {strides = array<i32>} : memref<16x512xf32, #tpu.memory_space<vmem>>, vector<1x16xf32>,
        %parallel_loop3A_2840 = vector.shape_cast %parallel_loop3A_2839 : vector<1x16xf32> to vector<16xf32>
        %parallel_loop3A_2841 = vector.shape_cast %parallel_loop3A_2835 : vector<16xf32> to vector<1x16xf32>
        tpu.vector_store %arg8[%parallel_loop3A_2837, %parallel_loop3A_2838], %parallel_loop3A_2841 {strides = array<i32>} : memref<16x512xf32, #tpu.memory_space<vmem>>, vector<1x16xf32>,
      } {sc.loop_unroll_factor = 2 : i64, sc.parallel_access}
      %add3A_1314 = arith.constant 7 : i32
      %add3A_1315 = arith.addi %mul3A_2, %add3A_1314 : i32
      %sub3A_1316 = arith.constant 1023 : i32
      %sub3A_1317 = arith.subi %sub3A_1316, %add3A_1315 : i32
      %mul3A_1318 = arith.muli %add3A_1315, %sub3A_1317 : i32
      %jit3A_1319 = arith.constant 2 : i32
      %div3A_1320 = arith.divsi %mul3A_1318, %jit3A_1319 : i32
      %sign3A_1321 = arith.constant 0 : i32
      %sign3A_1322 = arith.cmpi sgt, %mul3A_1318, %sign3A_1321 : i32
      %sign3A_1323 = arith.extui %sign3A_1322 : i1 to i32
      %sign3A_1324 = arith.constant 0 : i32
      %sign3A_1325 = arith.cmpi slt, %mul3A_1318, %sign3A_1324 : i32
      %sign3A_1326 = arith.extui %sign3A_1325 : i1 to i32
      %sign3A_1327 = arith.subi %sign3A_1323, %sign3A_1326 : i32
      %sign3A_1328 = arith.constant 0 : i32
      %sign3A_1329 = arith.cmpi sgt, %jit3A_1319, %sign3A_1328 : i32
      %sign3A_1330 = arith.extui %sign3A_1329 : i1 to i32
      %sign3A_1331 = arith.constant 0 : i32
      %sign3A_1332 = arith.cmpi slt, %jit3A_1319, %sign3A_1331 : i32
      %sign3A_1333 = arith.extui %sign3A_1332 : i1 to i32
      %sign3A_1334 = arith.subi %sign3A_1330, %sign3A_1333 : i32
      %ne3A_1335 = arith.cmpi ne, %sign3A_1327, %sign3A_1334 : i32
      %rem3A_1336 = arith.remsi %mul3A_1318, %jit3A_1319 : i32
      %ne3A_1337 = arith.constant 0 : i32
      %ne3A_1338 = arith.cmpi ne, %rem3A_1336, %ne3A_1337 : i32
      %and3A_1339 = arith.andi %ne3A_1335, %ne3A_1338 : i1
      %sub3A_1340 = arith.constant 1 : i32
      %sub3A_1341 = arith.subi %div3A_1320, %sub3A_1340 : i32
      %select_n3A_1342 = arith.select %and3A_1339, %sub3A_1341, %div3A_1320 : i32
      %sub3A_1343 = arith.subi %select_n3A_1342, %mul3A_51 : i32
      %jit3A_1344 = arith.constant 16 : i32
      %div3A_1345 = arith.divsi %add3A_1315, %jit3A_1344 : i32
      %sign3A_1346 = arith.constant 0 : i32
      %sign3A_1347 = arith.cmpi sgt, %add3A_1315, %sign3A_1346 : i32
      %sign3A_1348 = arith.extui %sign3A_1347 : i1 to i32
      %sign3A_1349 = arith.constant 0 : i32
      %sign3A_1350 = arith.cmpi slt, %add3A_1315, %sign3A_1349 : i32
      %sign3A_1351 = arith.extui %sign3A_1350 : i1 to i32
      %sign3A_1352 = arith.subi %sign3A_1348, %sign3A_1351 : i32
      %sign3A_1353 = arith.constant 0 : i32
      %sign3A_1354 = arith.cmpi sgt, %jit3A_1344, %sign3A_1353 : i32
      %sign3A_1355 = arith.extui %sign3A_1354 : i1 to i32
      %sign3A_1356 = arith.constant 0 : i32
      %sign3A_1357 = arith.cmpi slt, %jit3A_1344, %sign3A_1356 : i32
      %sign3A_1358 = arith.extui %sign3A_1357 : i1 to i32
      %sign3A_1359 = arith.subi %sign3A_1355, %sign3A_1358 : i32
      %ne3A_1360 = arith.cmpi ne, %sign3A_1352, %sign3A_1359 : i32
      %rem3A_1361 = arith.remsi %add3A_1315, %jit3A_1344 : i32
      %ne3A_1362 = arith.constant 0 : i32
      %ne3A_1363 = arith.cmpi ne, %rem3A_1361, %ne3A_1362 : i32
      %and3A_1364 = arith.andi %ne3A_1360, %ne3A_1363 : i1
      %sub3A_1365 = arith.constant 1 : i32
      %sub3A_1366 = arith.subi %div3A_1345, %sub3A_1365 : i32
      %select_n3A_1367 = arith.select %and3A_1364, %sub3A_1366, %div3A_1345 : i32
      %mul3A_1368 = arith.constant 16 : i32
      %mul3A_1369 = arith.muli %select_n3A_1367, %mul3A_1368 : i32
      %sub3A_1370 = arith.subi %add3A_1315, %mul3A_1369 : i32
      %mul3A_1371 = arith.constant 16 : i32
      %mul3A_1372 = arith.muli %select_n3A_1367, %mul3A_1371 : i32
      %add3A_1373 = arith.addi %sub3A_1343, %mul3A_1372 : i32
      %get3A_1374 = arith.index_cast %add3A_1373 : i32 to index
      %get3A_1375 = tpu.vector_load %arg4[%get3A_1374] {strides = array<i32>} : memref<4080xf32, #tpu.memory_space<vmem>>, vector<16xf32>,
      %get3A_1376 = vector.shape_cast %get3A_1375 : vector<16xf32> to vector<16xf32>
      %ge3A_1377 = vector.broadcast %sub3A_1370 : i32 to vector<16xi32>
      %ge3A_1378 = arith.cmpi sge, %iota3A, %ge3A_1377 : vector<16xi32>
      %jit3A_1379 = arith.constant 0.000000e+00 : f32
      %broadcast_in_dim3A_1380 = vector.broadcast %jit3A_1379 : f32 to vector<16xf32>
      %select_n3A_1381 = arith.select %ge3A_1378, %get3A_1376, %broadcast_in_dim3A_1380 : vector<16xi1>, vector<16xf32>
      %multiple_of3A_1382 = tpu.assume_multiple %mul3A_1372, 16 : i32
      %swap3A_1383 = arith.constant 7 : i32
      %swap3A_1384 = arith.index_cast %swap3A_1383 : i32 to index
      %swap3A_1385 = arith.index_cast %multiple_of3A_1382 : i32 to index
      %swap3A_1386 = tpu.vector_load %arg8[%swap3A_1384, %swap3A_1385] {strides = array<i32>} : memref<16x512xf32, #tpu.memory_space<vmem>>, vector<1x16xf32>,
      %swap3A_1387 = vector.shape_cast %swap3A_1386 : vector<1x16xf32> to vector<16xf32>
      %swap3A_1388 = vector.shape_cast %select_n3A_1381 : vector<16xf32> to vector<1x16xf32>
      tpu.vector_store %arg8[%swap3A_1384, %swap3A_1385], %swap3A_1388 {strides = array<i32>} : memref<16x512xf32, #tpu.memory_space<vmem>>, vector<1x16xf32>,
      %add3A_1389 = arith.constant 1 : i32
      %add3A_1390 = arith.addi %select_n3A_1367, %add3A_1389 : i32
      %parallel_loop3A_1391 = arith.constant 32 : i32
      %parallel_loop3A_1392 = arith.constant 1 : i32
      scf.for %parallel_loop3A_2826 = %add3A_1390 to %parallel_loop3A_1391 step %parallel_loop3A_1392  : i32 {
        %parallel_loop3A_2827 = arith.constant 16 : i32
        %parallel_loop3A_2828 = arith.muli %parallel_loop3A_2826, %parallel_loop3A_2827 : i32
        %parallel_loop3A_2829 = tpu.assume_multiple %parallel_loop3A_2828, 16 : i32
        %parallel_loop3A_2830 = arith.constant 16 : i32
        %parallel_loop3A_2831 = arith.muli %parallel_loop3A_2826, %parallel_loop3A_2830 : i32
        %parallel_loop3A_2832 = arith.addi %sub3A_1343, %parallel_loop3A_2831 : i32
        %parallel_loop3A_2833 = arith.index_cast %parallel_loop3A_2832 : i32 to index
        %parallel_loop3A_2834 = tpu.vector_load %arg4[%parallel_loop3A_2833] {strides = array<i32>} : memref<4080xf32, #tpu.memory_space<vmem>>, vector<16xf32>,
        %parallel_loop3A_2835 = vector.shape_cast %parallel_loop3A_2834 : vector<16xf32> to vector<16xf32>
        %parallel_loop3A_2836 = arith.constant 7 : i32
        %parallel_loop3A_2837 = arith.index_cast %parallel_loop3A_2836 : i32 to index
        %parallel_loop3A_2838 = arith.index_cast %parallel_loop3A_2829 : i32 to index
        %parallel_loop3A_2839 = tpu.vector_load %arg8[%parallel_loop3A_2837, %parallel_loop3A_2838] {strides = array<i32>} : memref<16x512xf32, #tpu.memory_space<vmem>>, vector<1x16xf32>,
        %parallel_loop3A_2840 = vector.shape_cast %parallel_loop3A_2839 : vector<1x16xf32> to vector<16xf32>
        %parallel_loop3A_2841 = vector.shape_cast %parallel_loop3A_2835 : vector<16xf32> to vector<1x16xf32>
        tpu.vector_store %arg8[%parallel_loop3A_2837, %parallel_loop3A_2838], %parallel_loop3A_2841 {strides = array<i32>} : memref<16x512xf32, #tpu.memory_space<vmem>>, vector<1x16xf32>,
      } {sc.loop_unroll_factor = 2 : i64, sc.parallel_access}
      %add3A_1393 = arith.constant 7 : i32
      %add3A_1394 = arith.addi %sub3A_5, %add3A_1393 : i32
      %sub3A_1395 = arith.constant 1023 : i32
      %sub3A_1396 = arith.subi %sub3A_1395, %add3A_1394 : i32
      %mul3A_1397 = arith.muli %add3A_1394, %sub3A_1396 : i32
      %jit3A_1398 = arith.constant 2 : i32
      %div3A_1399 = arith.divsi %mul3A_1397, %jit3A_1398 : i32
      %sign3A_1400 = arith.constant 0 : i32
      %sign3A_1401 = arith.cmpi sgt, %mul3A_1397, %sign3A_1400 : i32
      %sign3A_1402 = arith.extui %sign3A_1401 : i1 to i32
      %sign3A_1403 = arith.constant 0 : i32
      %sign3A_1404 = arith.cmpi slt, %mul3A_1397, %sign3A_1403 : i32
      %sign3A_1405 = arith.extui %sign3A_1404 : i1 to i32
      %sign3A_1406 = arith.subi %sign3A_1402, %sign3A_1405 : i32
      %sign3A_1407 = arith.constant 0 : i32
      %sign3A_1408 = arith.cmpi sgt, %jit3A_1398, %sign3A_1407 : i32
      %sign3A_1409 = arith.extui %sign3A_1408 : i1 to i32
      %sign3A_1410 = arith.constant 0 : i32
      %sign3A_1411 = arith.cmpi slt, %jit3A_1398, %sign3A_1410 : i32
      %sign3A_1412 = arith.extui %sign3A_1411 : i1 to i32
      %sign3A_1413 = arith.subi %sign3A_1409, %sign3A_1412 : i32
      %ne3A_1414 = arith.cmpi ne, %sign3A_1406, %sign3A_1413 : i32
      %rem3A_1415 = arith.remsi %mul3A_1397, %jit3A_1398 : i32
      %ne3A_1416 = arith.constant 0 : i32
      %ne3A_1417 = arith.cmpi ne, %rem3A_1415, %ne3A_1416 : i32
      %and3A_1418 = arith.andi %ne3A_1414, %ne3A_1417 : i1
      %sub3A_1419 = arith.constant 1 : i32
      %sub3A_1420 = arith.subi %div3A_1399, %sub3A_1419 : i32
      %select_n3A_1421 = arith.select %and3A_1418, %sub3A_1420, %div3A_1399 : i32
      %add3A_1422 = arith.addi %sub3A_212, %select_n3A_1421 : i32
      %jit3A_1423 = arith.constant 16 : i32
      %div3A_1424 = arith.divsi %add3A_1394, %jit3A_1423 : i32
      %sign3A_1425 = arith.constant 0 : i32
      %sign3A_1426 = arith.cmpi sgt, %add3A_1394, %sign3A_1425 : i32
      %sign3A_1427 = arith.extui %sign3A_1426 : i1 to i32
      %sign3A_1428 = arith.constant 0 : i32
      %sign3A_1429 = arith.cmpi slt, %add3A_1394, %sign3A_1428 : i32
      %sign3A_1430 = arith.extui %sign3A_1429 : i1 to i32
      %sign3A_1431 = arith.subi %sign3A_1427, %sign3A_1430 : i32
      %sign3A_1432 = arith.constant 0 : i32
      %sign3A_1433 = arith.cmpi sgt, %jit3A_1423, %sign3A_1432 : i32
      %sign3A_1434 = arith.extui %sign3A_1433 : i1 to i32
      %sign3A_1435 = arith.constant 0 : i32
      %sign3A_1436 = arith.cmpi slt, %jit3A_1423, %sign3A_1435 : i32
      %sign3A_1437 = arith.extui %sign3A_1436 : i1 to i32
      %sign3A_1438 = arith.subi %sign3A_1434, %sign3A_1437 : i32
      %ne3A_1439 = arith.cmpi ne, %sign3A_1431, %sign3A_1438 : i32
      %rem3A_1440 = arith.remsi %add3A_1394, %jit3A_1423 : i32
      %ne3A_1441 = arith.constant 0 : i32
      %ne3A_1442 = arith.cmpi ne, %rem3A_1440, %ne3A_1441 : i32
      %and3A_1443 = arith.andi %ne3A_1439, %ne3A_1442 : i1
      %sub3A_1444 = arith.constant 1 : i32
      %sub3A_1445 = arith.subi %div3A_1424, %sub3A_1444 : i32
      %select_n3A_1446 = arith.select %and3A_1443, %sub3A_1445, %div3A_1424 : i32
      %mul3A_1447 = arith.constant 16 : i32
      %mul3A_1448 = arith.muli %select_n3A_1446, %mul3A_1447 : i32
      %sub3A_1449 = arith.subi %add3A_1394, %mul3A_1448 : i32
      %mul3A_1450 = arith.constant 16 : i32
      %mul3A_1451 = arith.muli %select_n3A_1446, %mul3A_1450 : i32
      %add3A_1452 = arith.addi %add3A_1422, %mul3A_1451 : i32
      %get3A_1453 = arith.index_cast %add3A_1452 : i32 to index
      %get3A_1454 = tpu.vector_load %arg6[%get3A_1453] {strides = array<i32>} : memref<2288xf32, #tpu.memory_space<vmem>>, vector<16xf32>,
      %get3A_1455 = vector.shape_cast %get3A_1454 : vector<16xf32> to vector<16xf32>
      %ge3A_1456 = vector.broadcast %sub3A_1449 : i32 to vector<16xi32>
      %ge3A_1457 = arith.cmpi sge, %iota3A, %ge3A_1456 : vector<16xi32>
      %jit3A_1458 = arith.constant 0.000000e+00 : f32
      %broadcast_in_dim3A_1459 = vector.broadcast %jit3A_1458 : f32 to vector<16xf32>
      %select_n3A_1460 = arith.select %ge3A_1457, %get3A_1455, %broadcast_in_dim3A_1459 : vector<16xi1>, vector<16xf32>
      %multiple_of3A_1461 = tpu.assume_multiple %mul3A_1451, 16 : i32
      %swap3A_1462 = arith.constant 15 : i32
      %swap3A_1463 = arith.index_cast %swap3A_1462 : i32 to index
      %swap3A_1464 = arith.index_cast %multiple_of3A_1461 : i32 to index
      %swap3A_1465 = tpu.vector_load %arg8[%swap3A_1463, %swap3A_1464] {strides = array<i32>} : memref<16x512xf32, #tpu.memory_space<vmem>>, vector<1x16xf32>,
      %swap3A_1466 = vector.shape_cast %swap3A_1465 : vector<1x16xf32> to vector<16xf32>
      %swap3A_1467 = vector.shape_cast %select_n3A_1460 : vector<16xf32> to vector<1x16xf32>
      tpu.vector_store %arg8[%swap3A_1463, %swap3A_1464], %swap3A_1467 {strides = array<i32>} : memref<16x512xf32, #tpu.memory_space<vmem>>, vector<1x16xf32>,
      %add3A_1468 = arith.constant 1 : i32
      %add3A_1469 = arith.addi %select_n3A_1446, %add3A_1468 : i32
      %parallel_loop3A_1470 = arith.constant 32 : i32
      %parallel_loop3A_1471 = arith.constant 1 : i32
      scf.for %parallel_loop3A_2826 = %add3A_1469 to %parallel_loop3A_1470 step %parallel_loop3A_1471  : i32 {
        %parallel_loop3A_2827 = arith.constant 16 : i32
        %parallel_loop3A_2828 = arith.muli %parallel_loop3A_2826, %parallel_loop3A_2827 : i32
        %parallel_loop3A_2829 = tpu.assume_multiple %parallel_loop3A_2828, 16 : i32
        %parallel_loop3A_2830 = arith.constant 16 : i32
        %parallel_loop3A_2831 = arith.muli %parallel_loop3A_2826, %parallel_loop3A_2830 : i32
        %parallel_loop3A_2832 = arith.addi %add3A_1422, %parallel_loop3A_2831 : i32
        %parallel_loop3A_2833 = arith.index_cast %parallel_loop3A_2832 : i32 to index
        %parallel_loop3A_2834 = tpu.vector_load %arg6[%parallel_loop3A_2833] {strides = array<i32>} : memref<2288xf32, #tpu.memory_space<vmem>>, vector<16xf32>,
        %parallel_loop3A_2835 = vector.shape_cast %parallel_loop3A_2834 : vector<16xf32> to vector<16xf32>
        %parallel_loop3A_2836 = arith.constant 15 : i32
        %parallel_loop3A_2837 = arith.index_cast %parallel_loop3A_2836 : i32 to index
        %parallel_loop3A_2838 = arith.index_cast %parallel_loop3A_2829 : i32 to index
        %parallel_loop3A_2839 = tpu.vector_load %arg8[%parallel_loop3A_2837, %parallel_loop3A_2838] {strides = array<i32>} : memref<16x512xf32, #tpu.memory_space<vmem>>, vector<1x16xf32>,
        %parallel_loop3A_2840 = vector.shape_cast %parallel_loop3A_2839 : vector<1x16xf32> to vector<16xf32>
        %parallel_loop3A_2841 = vector.shape_cast %parallel_loop3A_2835 : vector<16xf32> to vector<1x16xf32>
        tpu.vector_store %arg8[%parallel_loop3A_2837, %parallel_loop3A_2838], %parallel_loop3A_2841 {strides = array<i32>} : memref<16x512xf32, #tpu.memory_space<vmem>>, vector<1x16xf32>,
      } {sc.loop_unroll_factor = 2 : i64, sc.parallel_access}
      %dma_start3A_1472 = arith.constant 0 : i32
      %dma_start3A_1473 = arith.constant 0 : i32
      %dma_start3A_1474 = tpu.memref_slice %arg8[%dma_start3A_1472, %dma_start3A_1473] : memref<16x512xf32, #tpu.memory_space<vmem>> -> memref<8x512xf32, #tpu.memory_space<vmem>>
      %dma_start3A_1475 = arith.constant 0 : i32
      %dma_start3A_1476 = tpu.memref_slice %arg3[%add3A_190, %mul3A_2, %dma_start3A_1475] : memref<128x512x512xf32, #tpu.memory_space<hbm>> -> memref<1x8x512xf32, #tpu.memory_space<hbm>>
      %dma_start3A_1477 = tpu.memref_squeeze %dma_start3A_1476 : memref<1x8x512xf32, #tpu.memory_space<hbm>> -> memref<8x512xf32, #tpu.memory_space<hbm>>
      %dma_start3A_1478 = arith.constant 0 : i32
      %dma_start3A_1479 = tpu.memref_slice %arg3[%add3A_190, %mul3A_2, %dma_start3A_1478] : memref<128x512x512xf32, #tpu.memory_space<hbm>> -> memref<1x8x512xf32, #tpu.memory_space<hbm>>
      %dma_start3A_1480 = tpu.memref_squeeze %dma_start3A_1479 : memref<1x8x512xf32, #tpu.memory_space<hbm>> -> memref<8x512xf32, #tpu.memory_space<hbm>>
      %dma_start3A_1481 = arith.constant 0 : i32
      %dma_start3A_1482 = arith.constant 0 : i32
      %dma_start3A_1483 = tpu.memref_slice %arg8[%dma_start3A_1481, %dma_start3A_1482] : memref<16x512xf32, #tpu.memory_space<vmem>> -> memref<8x512xf32, #tpu.memory_space<vmem>>
      tpu.enqueue_dma source(%dma_start3A_1483 : memref<8x512xf32, #tpu.memory_space<vmem>>) target(%dma_start3A_1480 : memref<8x512xf32, #tpu.memory_space<hbm>>) target_semaphore(%arg12 : memref<!tpu.dma_semaphore, #tpu.memory_space<semaphore_mem>>)
      %dma_start3A_1484 = arith.constant 8 : i32
      %dma_start3A_1485 = arith.constant 0 : i32
      %dma_start3A_1486 = tpu.memref_slice %arg8[%dma_start3A_1484, %dma_start3A_1485] : memref<16x512xf32, #tpu.memory_space<vmem>> -> memref<8x512xf32, #tpu.memory_space<vmem>>
      %dma_start3A_1487 = arith.constant 0 : i32
      %dma_start3A_1488 = tpu.memref_slice %arg3[%add3A_190, %sub3A_5, %dma_start3A_1487] : memref<128x512x512xf32, #tpu.memory_space<hbm>> -> memref<1x8x512xf32, #tpu.memory_space<hbm>>
      %dma_start3A_1489 = tpu.memref_squeeze %dma_start3A_1488 : memref<1x8x512xf32, #tpu.memory_space<hbm>> -> memref<8x512xf32, #tpu.memory_space<hbm>>
      %dma_start3A_1490 = arith.constant 0 : i32
      %dma_start3A_1491 = tpu.memref_slice %arg3[%add3A_190, %sub3A_5, %dma_start3A_1490] : memref<128x512x512xf32, #tpu.memory_space<hbm>> -> memref<1x8x512xf32, #tpu.memory_space<hbm>>
      %dma_start3A_1492 = tpu.memref_squeeze %dma_start3A_1491 : memref<1x8x512xf32, #tpu.memory_space<hbm>> -> memref<8x512xf32, #tpu.memory_space<hbm>>
      %dma_start3A_1493 = arith.constant 8 : i32
      %dma_start3A_1494 = arith.constant 0 : i32
      %dma_start3A_1495 = tpu.memref_slice %arg8[%dma_start3A_1493, %dma_start3A_1494] : memref<16x512xf32, #tpu.memory_space<vmem>> -> memref<8x512xf32, #tpu.memory_space<vmem>>
      tpu.enqueue_dma source(%dma_start3A_1495 : memref<8x512xf32, #tpu.memory_space<vmem>>) target(%dma_start3A_1492 : memref<8x512xf32, #tpu.memory_space<hbm>>) target_semaphore(%arg12 : memref<!tpu.dma_semaphore, #tpu.memory_space<semaphore_mem>>)
      %add3A_1496 = arith.constant 2 : i32
      %add3A_1497 = arith.addi %add3A_190, %add3A_1496 : i32
      %lt3A = arith.constant 128 : i32
      %lt3A_1498 = arith.cmpi slt, %add3A_1497, %lt3A : i32
      %convert_element_type3A_1499 = arith.extui %lt3A_1498 : i1 to i32
      %cond3A_1500 = arith.constant 0 : i32
      %cond3A_1501 = arith.cmpi ne, %convert_element_type3A_1499, %cond3A_1500 : i32
      scf.if %cond3A_1501 {
        %add3A_2826 = arith.constant 2 : i32
        %add3A_2827 = arith.addi %add3A_190, %add3A_2826 : i32
        %mul3A_2828 = arith.constant 131328 : i32
        %mul3A_2829 = arith.muli %add3A_2827, %mul3A_2828 : i32
        %add3A_2830 = arith.addi %mul3A_2829, %mul3A_51 : i32
        %dma_start3A_2831 = tpu.memref_slice %arg2[%add3A_2830] : memref<16809984xf32, #tpu.memory_space<hbm>> -> memref<4080xf32, #tpu.memory_space<hbm>>
        %dma_start3A_2832 = tpu.memref_slice %arg2[%add3A_2830] : memref<16809984xf32, #tpu.memory_space<hbm>> -> memref<4080xf32, #tpu.memory_space<hbm>>
        tpu.enqueue_dma source(%dma_start3A_2832 : memref<4080xf32, #tpu.memory_space<hbm>>) target(%arg4 : memref<4080xf32, #tpu.memory_space<vmem>>) target_semaphore(%arg10 : memref<!tpu.dma_semaphore, #tpu.memory_space<semaphore_mem>>)
        %add3A_2833 = arith.constant 2 : i32
        %add3A_2834 = arith.addi %add3A_190, %add3A_2833 : i32
        %mul3A_2835 = arith.constant 131328 : i32
        %mul3A_2836 = arith.muli %add3A_2834, %mul3A_2835 : i32
        %add3A_2837 = arith.addi %mul3A_2836, %mul3A_104 : i32
        %min3A_2838 = arith.constant 16807696 : i32
        %min3A_2839 = arith.minsi %add3A_2837, %min3A_2838 : i32
        %dma_start3A_2840 = tpu.memref_slice %arg2[%min3A_2839] : memref<16809984xf32, #tpu.memory_space<hbm>> -> memref<2288xf32, #tpu.memory_space<hbm>>
        %dma_start3A_2841 = tpu.memref_slice %arg2[%min3A_2839] : memref<16809984xf32, #tpu.memory_space<hbm>> -> memref<2288xf32, #tpu.memory_space<hbm>>
        tpu.enqueue_dma source(%dma_start3A_2841 : memref<2288xf32, #tpu.memory_space<hbm>>) target(%arg6 : memref<2288xf32, #tpu.memory_space<vmem>>) target_semaphore(%arg10 : memref<!tpu.dma_semaphore, #tpu.memory_space<semaphore_mem>>)
      } else {
      }
      %mul3A_1502 = arith.constant 2 : i32
      %mul3A_1503 = arith.muli %mul3A_1502, %scan3A_186 : i32
      %add3A_1504 = arith.constant 1 : i32
      %add3A_1505 = arith.addi %mul3A_1503, %add3A_1504 : i32
      %mul3A_1506 = arith.constant 131328 : i32
      %mul3A_1507 = arith.muli %add3A_1505, %mul3A_1506 : i32
      %add3A_1508 = arith.addi %mul3A_1507, %mul3A_51 : i32
      %dma_wait3A_1509 = tpu.memref_slice %arg2[%add3A_1508] : memref<16809984xf32, #tpu.memory_space<hbm>> -> memref<4080xf32, #tpu.memory_space<hbm>>
      %dma_wait3A_1510 = tpu.memref_slice %arg2[%add3A_1508] : memref<16809984xf32, #tpu.memory_space<hbm>> -> memref<4080xf32, #tpu.memory_space<hbm>>
      tpu.wait_dma2 semaphore(%arg11 : memref<!tpu.dma_semaphore, #tpu.memory_space<semaphore_mem>>) src(%dma_wait3A_1510 : memref<4080xf32, #tpu.memory_space<hbm>>) dst(%arg5 : memref<4080xf32, #tpu.memory_space<vmem>>)
      %mul3A_1511 = arith.constant 131328 : i32
      %mul3A_1512 = arith.muli %add3A_1505, %mul3A_1511 : i32
      %add3A_1513 = arith.addi %mul3A_1512, %mul3A_104 : i32
      %min3A_1514 = arith.constant 16807696 : i32
      %min3A_1515 = arith.minsi %add3A_1513, %min3A_1514 : i32
      %dma_wait3A_1516 = tpu.memref_slice %arg2[%min3A_1515] : memref<16809984xf32, #tpu.memory_space<hbm>> -> memref<2288xf32, #tpu.memory_space<hbm>>
      %dma_wait3A_1517 = tpu.memref_slice %arg2[%min3A_1515] : memref<16809984xf32, #tpu.memory_space<hbm>> -> memref<2288xf32, #tpu.memory_space<hbm>>
      tpu.wait_dma2 semaphore(%arg11 : memref<!tpu.dma_semaphore, #tpu.memory_space<semaphore_mem>>) src(%dma_wait3A_1517 : memref<2288xf32, #tpu.memory_space<hbm>>) dst(%arg7 : memref<2288xf32, #tpu.memory_space<vmem>>)
      %gt3A_1518 = arith.constant 0 : i32
      %gt3A_1519 = arith.cmpi sgt, %scan3A_186, %gt3A_1518 : i32
      %convert_element_type3A_1520 = arith.extui %gt3A_1519 : i1 to i32
      %cond3A_1521 = arith.constant 0 : i32
      %cond3A_1522 = arith.cmpi ne, %convert_element_type3A_1520, %cond3A_1521 : i32
      scf.if %cond3A_1522 {
        %sub3A_2826 = arith.constant 2 : i32
        %sub3A_2827 = arith.subi %add3A_1505, %sub3A_2826 : i32
        %dma_wait3A_2828 = arith.constant 0 : i32
        %dma_wait3A_2829 = arith.constant 0 : i32
        %dma_wait3A_2830 = tpu.memref_slice %arg9[%dma_wait3A_2828, %dma_wait3A_2829] : memref<16x512xf32, #tpu.memory_space<vmem>> -> memref<8x512xf32, #tpu.memory_space<vmem>>
        %dma_wait3A_2831 = arith.constant 0 : i32
        %dma_wait3A_2832 = tpu.memref_slice %arg3[%sub3A_2827, %mul3A_2, %dma_wait3A_2831] : memref<128x512x512xf32, #tpu.memory_space<hbm>> -> memref<1x8x512xf32, #tpu.memory_space<hbm>>
        %dma_wait3A_2833 = tpu.memref_squeeze %dma_wait3A_2832 : memref<1x8x512xf32, #tpu.memory_space<hbm>> -> memref<8x512xf32, #tpu.memory_space<hbm>>
        %dma_wait3A_2834 = arith.constant 0 : i32
        %dma_wait3A_2835 = tpu.memref_slice %arg3[%sub3A_2827, %mul3A_2, %dma_wait3A_2834] : memref<128x512x512xf32, #tpu.memory_space<hbm>> -> memref<1x8x512xf32, #tpu.memory_space<hbm>>
        %dma_wait3A_2836 = tpu.memref_squeeze %dma_wait3A_2835 : memref<1x8x512xf32, #tpu.memory_space<hbm>> -> memref<8x512xf32, #tpu.memory_space<hbm>>
        %dma_wait3A_2837 = arith.constant 0 : i32
        %dma_wait3A_2838 = arith.constant 0 : i32
        %dma_wait3A_2839 = tpu.memref_slice %arg9[%dma_wait3A_2837, %dma_wait3A_2838] : memref<16x512xf32, #tpu.memory_space<vmem>> -> memref<8x512xf32, #tpu.memory_space<vmem>>
        tpu.wait_dma2 semaphore(%arg13 : memref<!tpu.dma_semaphore, #tpu.memory_space<semaphore_mem>>) src(%dma_wait3A_2839 : memref<8x512xf32, #tpu.memory_space<vmem>>) dst(%dma_wait3A_2836 : memref<8x512xf32, #tpu.memory_space<hbm>>)
        %sub3A_2840 = arith.constant 2 : i32
        %sub3A_2841 = arith.subi %add3A_1505, %sub3A_2840 : i32
        %dma_wait3A_2842 = arith.constant 8 : i32
        %dma_wait3A_2843 = arith.constant 0 : i32
        %dma_wait3A_2844 = tpu.memref_slice %arg9[%dma_wait3A_2842, %dma_wait3A_2843] : memref<16x512xf32, #tpu.memory_space<vmem>> -> memref<8x512xf32, #tpu.memory_space<vmem>>
        %dma_wait3A_2845 = arith.constant 0 : i32
        %dma_wait3A_2846 = tpu.memref_slice %arg3[%sub3A_2841, %sub3A_5, %dma_wait3A_2845] : memref<128x512x512xf32, #tpu.memory_space<hbm>> -> memref<1x8x512xf32, #tpu.memory_space<hbm>>
        %dma_wait3A_2847 = tpu.memref_squeeze %dma_wait3A_2846 : memref<1x8x512xf32, #tpu.memory_space<hbm>> -> memref<8x512xf32, #tpu.memory_space<hbm>>
        %dma_wait3A_2848 = arith.constant 0 : i32
        %dma_wait3A_2849 = tpu.memref_slice %arg3[%sub3A_2841, %sub3A_5, %dma_wait3A_2848] : memref<128x512x512xf32, #tpu.memory_space<hbm>> -> memref<1x8x512xf32, #tpu.memory_space<hbm>>
        %dma_wait3A_2850 = tpu.memref_squeeze %dma_wait3A_2849 : memref<1x8x512xf32, #tpu.memory_space<hbm>> -> memref<8x512xf32, #tpu.memory_space<hbm>>
        %dma_wait3A_2851 = arith.constant 8 : i32
        %dma_wait3A_2852 = arith.constant 0 : i32
        %dma_wait3A_2853 = tpu.memref_slice %arg9[%dma_wait3A_2851, %dma_wait3A_2852] : memref<16x512xf32, #tpu.memory_space<vmem>> -> memref<8x512xf32, #tpu.memory_space<vmem>>
        tpu.wait_dma2 semaphore(%arg13 : memref<!tpu.dma_semaphore, #tpu.memory_space<semaphore_mem>>) src(%dma_wait3A_2853 : memref<8x512xf32, #tpu.memory_space<vmem>>) dst(%dma_wait3A_2850 : memref<8x512xf32, #tpu.memory_space<hbm>>)
      } else {
      }
      %mul3A_1523 = arith.constant 131328 : i32
      %mul3A_1524 = arith.muli %add3A_1505, %mul3A_1523 : i32
      %mul3A_1525 = arith.constant 131328 : i32
      %mul3A_1526 = arith.muli %add3A_1505, %mul3A_1525 : i32
      %add3A_1527 = arith.addi %mul3A_1526, %mul3A_104 : i32
      %min3A_1528 = arith.constant 16807696 : i32
      %min3A_1529 = arith.minsi %add3A_1527, %min3A_1528 : i32
      %sub3A_1530 = arith.subi %mul3A_1524, %min3A_1529 : i32
      %add3A_1531 = arith.constant 0 : i32
      %add3A_1532 = arith.addi %mul3A_2, %add3A_1531 : i32
      %sub3A_1533 = arith.constant 1023 : i32
      %sub3A_1534 = arith.subi %sub3A_1533, %add3A_1532 : i32
      %mul3A_1535 = arith.muli %add3A_1532, %sub3A_1534 : i32
      %jit3A_1536 = arith.constant 2 : i32
      %div3A_1537 = arith.divsi %mul3A_1535, %jit3A_1536 : i32
      %sign3A_1538 = arith.constant 0 : i32
      %sign3A_1539 = arith.cmpi sgt, %mul3A_1535, %sign3A_1538 : i32
      %sign3A_1540 = arith.extui %sign3A_1539 : i1 to i32
      %sign3A_1541 = arith.constant 0 : i32
      %sign3A_1542 = arith.cmpi slt, %mul3A_1535, %sign3A_1541 : i32
      %sign3A_1543 = arith.extui %sign3A_1542 : i1 to i32
      %sign3A_1544 = arith.subi %sign3A_1540, %sign3A_1543 : i32
      %sign3A_1545 = arith.constant 0 : i32
      %sign3A_1546 = arith.cmpi sgt, %jit3A_1536, %sign3A_1545 : i32
      %sign3A_1547 = arith.extui %sign3A_1546 : i1 to i32
      %sign3A_1548 = arith.constant 0 : i32
      %sign3A_1549 = arith.cmpi slt, %jit3A_1536, %sign3A_1548 : i32
      %sign3A_1550 = arith.extui %sign3A_1549 : i1 to i32
      %sign3A_1551 = arith.subi %sign3A_1547, %sign3A_1550 : i32
      %ne3A_1552 = arith.cmpi ne, %sign3A_1544, %sign3A_1551 : i32
      %rem3A_1553 = arith.remsi %mul3A_1535, %jit3A_1536 : i32
      %ne3A_1554 = arith.constant 0 : i32
      %ne3A_1555 = arith.cmpi ne, %rem3A_1553, %ne3A_1554 : i32
      %and3A_1556 = arith.andi %ne3A_1552, %ne3A_1555 : i1
      %sub3A_1557 = arith.constant 1 : i32
      %sub3A_1558 = arith.subi %div3A_1537, %sub3A_1557 : i32
      %select_n3A_1559 = arith.select %and3A_1556, %sub3A_1558, %div3A_1537 : i32
      %sub3A_1560 = arith.subi %select_n3A_1559, %mul3A_51 : i32
      %jit3A_1561 = arith.constant 16 : i32
      %div3A_1562 = arith.divsi %add3A_1532, %jit3A_1561 : i32
      %sign3A_1563 = arith.constant 0 : i32
      %sign3A_1564 = arith.cmpi sgt, %add3A_1532, %sign3A_1563 : i32
      %sign3A_1565 = arith.extui %sign3A_1564 : i1 to i32
      %sign3A_1566 = arith.constant 0 : i32
      %sign3A_1567 = arith.cmpi slt, %add3A_1532, %sign3A_1566 : i32
      %sign3A_1568 = arith.extui %sign3A_1567 : i1 to i32
      %sign3A_1569 = arith.subi %sign3A_1565, %sign3A_1568 : i32
      %sign3A_1570 = arith.constant 0 : i32
      %sign3A_1571 = arith.cmpi sgt, %jit3A_1561, %sign3A_1570 : i32
      %sign3A_1572 = arith.extui %sign3A_1571 : i1 to i32
      %sign3A_1573 = arith.constant 0 : i32
      %sign3A_1574 = arith.cmpi slt, %jit3A_1561, %sign3A_1573 : i32
      %sign3A_1575 = arith.extui %sign3A_1574 : i1 to i32
      %sign3A_1576 = arith.subi %sign3A_1572, %sign3A_1575 : i32
      %ne3A_1577 = arith.cmpi ne, %sign3A_1569, %sign3A_1576 : i32
      %rem3A_1578 = arith.remsi %add3A_1532, %jit3A_1561 : i32
      %ne3A_1579 = arith.constant 0 : i32
      %ne3A_1580 = arith.cmpi ne, %rem3A_1578, %ne3A_1579 : i32
      %and3A_1581 = arith.andi %ne3A_1577, %ne3A_1580 : i1
      %sub3A_1582 = arith.constant 1 : i32
      %sub3A_1583 = arith.subi %div3A_1562, %sub3A_1582 : i32
      %select_n3A_1584 = arith.select %and3A_1581, %sub3A_1583, %div3A_1562 : i32
      %mul3A_1585 = arith.constant 16 : i32
      %mul3A_1586 = arith.muli %select_n3A_1584, %mul3A_1585 : i32
      %sub3A_1587 = arith.subi %add3A_1532, %mul3A_1586 : i32
      %mul3A_1588 = arith.constant 16 : i32
      %mul3A_1589 = arith.muli %select_n3A_1584, %mul3A_1588 : i32
      %add3A_1590 = arith.addi %sub3A_1560, %mul3A_1589 : i32
      %get3A_1591 = arith.index_cast %add3A_1590 : i32 to index
      %get3A_1592 = tpu.vector_load %arg5[%get3A_1591] {strides = array<i32>} : memref<4080xf32, #tpu.memory_space<vmem>>, vector<16xf32>,
      %get3A_1593 = vector.shape_cast %get3A_1592 : vector<16xf32> to vector<16xf32>
      %ge3A_1594 = vector.broadcast %sub3A_1587 : i32 to vector<16xi32>
      %ge3A_1595 = arith.cmpi sge, %iota3A, %ge3A_1594 : vector<16xi32>
      %jit3A_1596 = arith.constant 0.000000e+00 : f32
      %broadcast_in_dim3A_1597 = vector.broadcast %jit3A_1596 : f32 to vector<16xf32>
      %select_n3A_1598 = arith.select %ge3A_1595, %get3A_1593, %broadcast_in_dim3A_1597 : vector<16xi1>, vector<16xf32>
      %multiple_of3A_1599 = tpu.assume_multiple %mul3A_1589, 16 : i32
      %swap3A_1600 = arith.constant 0 : i32
      %swap3A_1601 = arith.index_cast %swap3A_1600 : i32 to index
      %swap3A_1602 = arith.index_cast %multiple_of3A_1599 : i32 to index
      %swap3A_1603 = tpu.vector_load %arg9[%swap3A_1601, %swap3A_1602] {strides = array<i32>} : memref<16x512xf32, #tpu.memory_space<vmem>>, vector<1x16xf32>,
      %swap3A_1604 = vector.shape_cast %swap3A_1603 : vector<1x16xf32> to vector<16xf32>
      %swap3A_1605 = vector.shape_cast %select_n3A_1598 : vector<16xf32> to vector<1x16xf32>
      tpu.vector_store %arg9[%swap3A_1601, %swap3A_1602], %swap3A_1605 {strides = array<i32>} : memref<16x512xf32, #tpu.memory_space<vmem>>, vector<1x16xf32>,
      %add3A_1606 = arith.constant 1 : i32
      %add3A_1607 = arith.addi %select_n3A_1584, %add3A_1606 : i32
      %parallel_loop3A_1608 = arith.constant 32 : i32
      %parallel_loop3A_1609 = arith.constant 1 : i32
      scf.for %parallel_loop3A_2826 = %add3A_1607 to %parallel_loop3A_1608 step %parallel_loop3A_1609  : i32 {
        %parallel_loop3A_2827 = arith.constant 16 : i32
        %parallel_loop3A_2828 = arith.muli %parallel_loop3A_2826, %parallel_loop3A_2827 : i32
        %parallel_loop3A_2829 = tpu.assume_multiple %parallel_loop3A_2828, 16 : i32
        %parallel_loop3A_2830 = arith.constant 16 : i32
        %parallel_loop3A_2831 = arith.muli %parallel_loop3A_2826, %parallel_loop3A_2830 : i32
        %parallel_loop3A_2832 = arith.addi %sub3A_1560, %parallel_loop3A_2831 : i32
        %parallel_loop3A_2833 = arith.index_cast %parallel_loop3A_2832 : i32 to index
        %parallel_loop3A_2834 = tpu.vector_load %arg5[%parallel_loop3A_2833] {strides = array<i32>} : memref<4080xf32, #tpu.memory_space<vmem>>, vector<16xf32>,
        %parallel_loop3A_2835 = vector.shape_cast %parallel_loop3A_2834 : vector<16xf32> to vector<16xf32>
        %parallel_loop3A_2836 = arith.constant 0 : i32
        %parallel_loop3A_2837 = arith.index_cast %parallel_loop3A_2836 : i32 to index
        %parallel_loop3A_2838 = arith.index_cast %parallel_loop3A_2829 : i32 to index
        %parallel_loop3A_2839 = tpu.vector_load %arg9[%parallel_loop3A_2837, %parallel_loop3A_2838] {strides = array<i32>} : memref<16x512xf32, #tpu.memory_space<vmem>>, vector<1x16xf32>,
        %parallel_loop3A_2840 = vector.shape_cast %parallel_loop3A_2839 : vector<1x16xf32> to vector<16xf32>
        %parallel_loop3A_2841 = vector.shape_cast %parallel_loop3A_2835 : vector<16xf32> to vector<1x16xf32>
        tpu.vector_store %arg9[%parallel_loop3A_2837, %parallel_loop3A_2838], %parallel_loop3A_2841 {strides = array<i32>} : memref<16x512xf32, #tpu.memory_space<vmem>>, vector<1x16xf32>,
      } {sc.loop_unroll_factor = 2 : i64, sc.parallel_access}
      %add3A_1610 = arith.constant 0 : i32
      %add3A_1611 = arith.addi %sub3A_5, %add3A_1610 : i32
      %sub3A_1612 = arith.constant 1023 : i32
      %sub3A_1613 = arith.subi %sub3A_1612, %add3A_1611 : i32
      %mul3A_1614 = arith.muli %add3A_1611, %sub3A_1613 : i32
      %jit3A_1615 = arith.constant 2 : i32
      %div3A_1616 = arith.divsi %mul3A_1614, %jit3A_1615 : i32
      %sign3A_1617 = arith.constant 0 : i32
      %sign3A_1618 = arith.cmpi sgt, %mul3A_1614, %sign3A_1617 : i32
      %sign3A_1619 = arith.extui %sign3A_1618 : i1 to i32
      %sign3A_1620 = arith.constant 0 : i32
      %sign3A_1621 = arith.cmpi slt, %mul3A_1614, %sign3A_1620 : i32
      %sign3A_1622 = arith.extui %sign3A_1621 : i1 to i32
      %sign3A_1623 = arith.subi %sign3A_1619, %sign3A_1622 : i32
      %sign3A_1624 = arith.constant 0 : i32
      %sign3A_1625 = arith.cmpi sgt, %jit3A_1615, %sign3A_1624 : i32
      %sign3A_1626 = arith.extui %sign3A_1625 : i1 to i32
      %sign3A_1627 = arith.constant 0 : i32
      %sign3A_1628 = arith.cmpi slt, %jit3A_1615, %sign3A_1627 : i32
      %sign3A_1629 = arith.extui %sign3A_1628 : i1 to i32
      %sign3A_1630 = arith.subi %sign3A_1626, %sign3A_1629 : i32
      %ne3A_1631 = arith.cmpi ne, %sign3A_1623, %sign3A_1630 : i32
      %rem3A_1632 = arith.remsi %mul3A_1614, %jit3A_1615 : i32
      %ne3A_1633 = arith.constant 0 : i32
      %ne3A_1634 = arith.cmpi ne, %rem3A_1632, %ne3A_1633 : i32
      %and3A_1635 = arith.andi %ne3A_1631, %ne3A_1634 : i1
      %sub3A_1636 = arith.constant 1 : i32
      %sub3A_1637 = arith.subi %div3A_1616, %sub3A_1636 : i32
      %select_n3A_1638 = arith.select %and3A_1635, %sub3A_1637, %div3A_1616 : i32
      %add3A_1639 = arith.addi %sub3A_1530, %select_n3A_1638 : i32
      %jit3A_1640 = arith.constant 16 : i32
      %div3A_1641 = arith.divsi %add3A_1611, %jit3A_1640 : i32
      %sign3A_1642 = arith.constant 0 : i32
      %sign3A_1643 = arith.cmpi sgt, %add3A_1611, %sign3A_1642 : i32
      %sign3A_1644 = arith.extui %sign3A_1643 : i1 to i32
      %sign3A_1645 = arith.constant 0 : i32
      %sign3A_1646 = arith.cmpi slt, %add3A_1611, %sign3A_1645 : i32
      %sign3A_1647 = arith.extui %sign3A_1646 : i1 to i32
      %sign3A_1648 = arith.subi %sign3A_1644, %sign3A_1647 : i32
      %sign3A_1649 = arith.constant 0 : i32
      %sign3A_1650 = arith.cmpi sgt, %jit3A_1640, %sign3A_1649 : i32
      %sign3A_1651 = arith.extui %sign3A_1650 : i1 to i32
      %sign3A_1652 = arith.constant 0 : i32
      %sign3A_1653 = arith.cmpi slt, %jit3A_1640, %sign3A_1652 : i32
      %sign3A_1654 = arith.extui %sign3A_1653 : i1 to i32
      %sign3A_1655 = arith.subi %sign3A_1651, %sign3A_1654 : i32
      %ne3A_1656 = arith.cmpi ne, %sign3A_1648, %sign3A_1655 : i32
      %rem3A_1657 = arith.remsi %add3A_1611, %jit3A_1640 : i32
      %ne3A_1658 = arith.constant 0 : i32
      %ne3A_1659 = arith.cmpi ne, %rem3A_1657, %ne3A_1658 : i32
      %and3A_1660 = arith.andi %ne3A_1656, %ne3A_1659 : i1
      %sub3A_1661 = arith.constant 1 : i32
      %sub3A_1662 = arith.subi %div3A_1641, %sub3A_1661 : i32
      %select_n3A_1663 = arith.select %and3A_1660, %sub3A_1662, %div3A_1641 : i32
      %mul3A_1664 = arith.constant 16 : i32
      %mul3A_1665 = arith.muli %select_n3A_1663, %mul3A_1664 : i32
      %sub3A_1666 = arith.subi %add3A_1611, %mul3A_1665 : i32
      %mul3A_1667 = arith.constant 16 : i32
      %mul3A_1668 = arith.muli %select_n3A_1663, %mul3A_1667 : i32
      %add3A_1669 = arith.addi %add3A_1639, %mul3A_1668 : i32
      %get3A_1670 = arith.index_cast %add3A_1669 : i32 to index
      %get3A_1671 = tpu.vector_load %arg7[%get3A_1670] {strides = array<i32>} : memref<2288xf32, #tpu.memory_space<vmem>>, vector<16xf32>,
      %get3A_1672 = vector.shape_cast %get3A_1671 : vector<16xf32> to vector<16xf32>
      %ge3A_1673 = vector.broadcast %sub3A_1666 : i32 to vector<16xi32>
      %ge3A_1674 = arith.cmpi sge, %iota3A, %ge3A_1673 : vector<16xi32>
      %jit3A_1675 = arith.constant 0.000000e+00 : f32
      %broadcast_in_dim3A_1676 = vector.broadcast %jit3A_1675 : f32 to vector<16xf32>
      %select_n3A_1677 = arith.select %ge3A_1674, %get3A_1672, %broadcast_in_dim3A_1676 : vector<16xi1>, vector<16xf32>
      %multiple_of3A_1678 = tpu.assume_multiple %mul3A_1668, 16 : i32
      %swap3A_1679 = arith.constant 8 : i32
      %swap3A_1680 = arith.index_cast %swap3A_1679 : i32 to index
      %swap3A_1681 = arith.index_cast %multiple_of3A_1678 : i32 to index
      %swap3A_1682 = tpu.vector_load %arg9[%swap3A_1680, %swap3A_1681] {strides = array<i32>} : memref<16x512xf32, #tpu.memory_space<vmem>>, vector<1x16xf32>,
      %swap3A_1683 = vector.shape_cast %swap3A_1682 : vector<1x16xf32> to vector<16xf32>
      %swap3A_1684 = vector.shape_cast %select_n3A_1677 : vector<16xf32> to vector<1x16xf32>
      tpu.vector_store %arg9[%swap3A_1680, %swap3A_1681], %swap3A_1684 {strides = array<i32>} : memref<16x512xf32, #tpu.memory_space<vmem>>, vector<1x16xf32>,
      %add3A_1685 = arith.constant 1 : i32
      %add3A_1686 = arith.addi %select_n3A_1663, %add3A_1685 : i32
      %parallel_loop3A_1687 = arith.constant 32 : i32
      %parallel_loop3A_1688 = arith.constant 1 : i32
      scf.for %parallel_loop3A_2826 = %add3A_1686 to %parallel_loop3A_1687 step %parallel_loop3A_1688  : i32 {
        %parallel_loop3A_2827 = arith.constant 16 : i32
        %parallel_loop3A_2828 = arith.muli %parallel_loop3A_2826, %parallel_loop3A_2827 : i32
        %parallel_loop3A_2829 = tpu.assume_multiple %parallel_loop3A_2828, 16 : i32
        %parallel_loop3A_2830 = arith.constant 16 : i32
        %parallel_loop3A_2831 = arith.muli %parallel_loop3A_2826, %parallel_loop3A_2830 : i32
        %parallel_loop3A_2832 = arith.addi %add3A_1639, %parallel_loop3A_2831 : i32
        %parallel_loop3A_2833 = arith.index_cast %parallel_loop3A_2832 : i32 to index
        %parallel_loop3A_2834 = tpu.vector_load %arg7[%parallel_loop3A_2833] {strides = array<i32>} : memref<2288xf32, #tpu.memory_space<vmem>>, vector<16xf32>,
        %parallel_loop3A_2835 = vector.shape_cast %parallel_loop3A_2834 : vector<16xf32> to vector<16xf32>
        %parallel_loop3A_2836 = arith.constant 8 : i32
        %parallel_loop3A_2837 = arith.index_cast %parallel_loop3A_2836 : i32 to index
        %parallel_loop3A_2838 = arith.index_cast %parallel_loop3A_2829 : i32 to index
        %parallel_loop3A_2839 = tpu.vector_load %arg9[%parallel_loop3A_2837, %parallel_loop3A_2838] {strides = array<i32>} : memref<16x512xf32, #tpu.memory_space<vmem>>, vector<1x16xf32>,
        %parallel_loop3A_2840 = vector.shape_cast %parallel_loop3A_2839 : vector<1x16xf32> to vector<16xf32>
        %parallel_loop3A_2841 = vector.shape_cast %parallel_loop3A_2835 : vector<16xf32> to vector<1x16xf32>
        tpu.vector_store %arg9[%parallel_loop3A_2837, %parallel_loop3A_2838], %parallel_loop3A_2841 {strides = array<i32>} : memref<16x512xf32, #tpu.memory_space<vmem>>, vector<1x16xf32>,
      } {sc.loop_unroll_factor = 2 : i64, sc.parallel_access}
      %add3A_1689 = arith.constant 1 : i32
      %add3A_1690 = arith.addi %mul3A_2, %add3A_1689 : i32
      %sub3A_1691 = arith.constant 1023 : i32
      %sub3A_1692 = arith.subi %sub3A_1691, %add3A_1690 : i32
      %mul3A_1693 = arith.muli %add3A_1690, %sub3A_1692 : i32
      %jit3A_1694 = arith.constant 2 : i32
      %div3A_1695 = arith.divsi %mul3A_1693, %jit3A_1694 : i32
      %sign3A_1696 = arith.constant 0 : i32
      %sign3A_1697 = arith.cmpi sgt, %mul3A_1693, %sign3A_1696 : i32
      %sign3A_1698 = arith.extui %sign3A_1697 : i1 to i32
      %sign3A_1699 = arith.constant 0 : i32
      %sign3A_1700 = arith.cmpi slt, %mul3A_1693, %sign3A_1699 : i32
      %sign3A_1701 = arith.extui %sign3A_1700 : i1 to i32
      %sign3A_1702 = arith.subi %sign3A_1698, %sign3A_1701 : i32
      %sign3A_1703 = arith.constant 0 : i32
      %sign3A_1704 = arith.cmpi sgt, %jit3A_1694, %sign3A_1703 : i32
      %sign3A_1705 = arith.extui %sign3A_1704 : i1 to i32
      %sign3A_1706 = arith.constant 0 : i32
      %sign3A_1707 = arith.cmpi slt, %jit3A_1694, %sign3A_1706 : i32
      %sign3A_1708 = arith.extui %sign3A_1707 : i1 to i32
      %sign3A_1709 = arith.subi %sign3A_1705, %sign3A_1708 : i32
      %ne3A_1710 = arith.cmpi ne, %sign3A_1702, %sign3A_1709 : i32
      %rem3A_1711 = arith.remsi %mul3A_1693, %jit3A_1694 : i32
      %ne3A_1712 = arith.constant 0 : i32
      %ne3A_1713 = arith.cmpi ne, %rem3A_1711, %ne3A_1712 : i32
      %and3A_1714 = arith.andi %ne3A_1710, %ne3A_1713 : i1
      %sub3A_1715 = arith.constant 1 : i32
      %sub3A_1716 = arith.subi %div3A_1695, %sub3A_1715 : i32
      %select_n3A_1717 = arith.select %and3A_1714, %sub3A_1716, %div3A_1695 : i32
      %sub3A_1718 = arith.subi %select_n3A_1717, %mul3A_51 : i32
      %jit3A_1719 = arith.constant 16 : i32
      %div3A_1720 = arith.divsi %add3A_1690, %jit3A_1719 : i32
      %sign3A_1721 = arith.constant 0 : i32
      %sign3A_1722 = arith.cmpi sgt, %add3A_1690, %sign3A_1721 : i32
      %sign3A_1723 = arith.extui %sign3A_1722 : i1 to i32
      %sign3A_1724 = arith.constant 0 : i32
      %sign3A_1725 = arith.cmpi slt, %add3A_1690, %sign3A_1724 : i32
      %sign3A_1726 = arith.extui %sign3A_1725 : i1 to i32
      %sign3A_1727 = arith.subi %sign3A_1723, %sign3A_1726 : i32
      %sign3A_1728 = arith.constant 0 : i32
      %sign3A_1729 = arith.cmpi sgt, %jit3A_1719, %sign3A_1728 : i32
      %sign3A_1730 = arith.extui %sign3A_1729 : i1 to i32
      %sign3A_1731 = arith.constant 0 : i32
      %sign3A_1732 = arith.cmpi slt, %jit3A_1719, %sign3A_1731 : i32
      %sign3A_1733 = arith.extui %sign3A_1732 : i1 to i32
      %sign3A_1734 = arith.subi %sign3A_1730, %sign3A_1733 : i32
      %ne3A_1735 = arith.cmpi ne, %sign3A_1727, %sign3A_1734 : i32
      %rem3A_1736 = arith.remsi %add3A_1690, %jit3A_1719 : i32
      %ne3A_1737 = arith.constant 0 : i32
      %ne3A_1738 = arith.cmpi ne, %rem3A_1736, %ne3A_1737 : i32
      %and3A_1739 = arith.andi %ne3A_1735, %ne3A_1738 : i1
      %sub3A_1740 = arith.constant 1 : i32
      %sub3A_1741 = arith.subi %div3A_1720, %sub3A_1740 : i32
      %select_n3A_1742 = arith.select %and3A_1739, %sub3A_1741, %div3A_1720 : i32
      %mul3A_1743 = arith.constant 16 : i32
      %mul3A_1744 = arith.muli %select_n3A_1742, %mul3A_1743 : i32
      %sub3A_1745 = arith.subi %add3A_1690, %mul3A_1744 : i32
      %mul3A_1746 = arith.constant 16 : i32
      %mul3A_1747 = arith.muli %select_n3A_1742, %mul3A_1746 : i32
      %add3A_1748 = arith.addi %sub3A_1718, %mul3A_1747 : i32
      %get3A_1749 = arith.index_cast %add3A_1748 : i32 to index
      %get3A_1750 = tpu.vector_load %arg5[%get3A_1749] {strides = array<i32>} : memref<4080xf32, #tpu.memory_space<vmem>>, vector<16xf32>,
      %get3A_1751 = vector.shape_cast %get3A_1750 : vector<16xf32> to vector<16xf32>
      %ge3A_1752 = vector.broadcast %sub3A_1745 : i32 to vector<16xi32>
      %ge3A_1753 = arith.cmpi sge, %iota3A, %ge3A_1752 : vector<16xi32>
      %jit3A_1754 = arith.constant 0.000000e+00 : f32
      %broadcast_in_dim3A_1755 = vector.broadcast %jit3A_1754 : f32 to vector<16xf32>
      %select_n3A_1756 = arith.select %ge3A_1753, %get3A_1751, %broadcast_in_dim3A_1755 : vector<16xi1>, vector<16xf32>
      %multiple_of3A_1757 = tpu.assume_multiple %mul3A_1747, 16 : i32
      %swap3A_1758 = arith.constant 1 : i32
      %swap3A_1759 = arith.index_cast %swap3A_1758 : i32 to index
      %swap3A_1760 = arith.index_cast %multiple_of3A_1757 : i32 to index
      %swap3A_1761 = tpu.vector_load %arg9[%swap3A_1759, %swap3A_1760] {strides = array<i32>} : memref<16x512xf32, #tpu.memory_space<vmem>>, vector<1x16xf32>,
      %swap3A_1762 = vector.shape_cast %swap3A_1761 : vector<1x16xf32> to vector<16xf32>
      %swap3A_1763 = vector.shape_cast %select_n3A_1756 : vector<16xf32> to vector<1x16xf32>
      tpu.vector_store %arg9[%swap3A_1759, %swap3A_1760], %swap3A_1763 {strides = array<i32>} : memref<16x512xf32, #tpu.memory_space<vmem>>, vector<1x16xf32>,
      %add3A_1764 = arith.constant 1 : i32
      %add3A_1765 = arith.addi %select_n3A_1742, %add3A_1764 : i32
      %parallel_loop3A_1766 = arith.constant 32 : i32
      %parallel_loop3A_1767 = arith.constant 1 : i32
      scf.for %parallel_loop3A_2826 = %add3A_1765 to %parallel_loop3A_1766 step %parallel_loop3A_1767  : i32 {
        %parallel_loop3A_2827 = arith.constant 16 : i32
        %parallel_loop3A_2828 = arith.muli %parallel_loop3A_2826, %parallel_loop3A_2827 : i32
        %parallel_loop3A_2829 = tpu.assume_multiple %parallel_loop3A_2828, 16 : i32
        %parallel_loop3A_2830 = arith.constant 16 : i32
        %parallel_loop3A_2831 = arith.muli %parallel_loop3A_2826, %parallel_loop3A_2830 : i32
        %parallel_loop3A_2832 = arith.addi %sub3A_1718, %parallel_loop3A_2831 : i32
        %parallel_loop3A_2833 = arith.index_cast %parallel_loop3A_2832 : i32 to index
        %parallel_loop3A_2834 = tpu.vector_load %arg5[%parallel_loop3A_2833] {strides = array<i32>} : memref<4080xf32, #tpu.memory_space<vmem>>, vector<16xf32>,
        %parallel_loop3A_2835 = vector.shape_cast %parallel_loop3A_2834 : vector<16xf32> to vector<16xf32>
        %parallel_loop3A_2836 = arith.constant 1 : i32
        %parallel_loop3A_2837 = arith.index_cast %parallel_loop3A_2836 : i32 to index
        %parallel_loop3A_2838 = arith.index_cast %parallel_loop3A_2829 : i32 to index
        %parallel_loop3A_2839 = tpu.vector_load %arg9[%parallel_loop3A_2837, %parallel_loop3A_2838] {strides = array<i32>} : memref<16x512xf32, #tpu.memory_space<vmem>>, vector<1x16xf32>,
        %parallel_loop3A_2840 = vector.shape_cast %parallel_loop3A_2839 : vector<1x16xf32> to vector<16xf32>
        %parallel_loop3A_2841 = vector.shape_cast %parallel_loop3A_2835 : vector<16xf32> to vector<1x16xf32>
        tpu.vector_store %arg9[%parallel_loop3A_2837, %parallel_loop3A_2838], %parallel_loop3A_2841 {strides = array<i32>} : memref<16x512xf32, #tpu.memory_space<vmem>>, vector<1x16xf32>,
      } {sc.loop_unroll_factor = 2 : i64, sc.parallel_access}
      %add3A_1768 = arith.constant 1 : i32
      %add3A_1769 = arith.addi %sub3A_5, %add3A_1768 : i32
      %sub3A_1770 = arith.constant 1023 : i32
      %sub3A_1771 = arith.subi %sub3A_1770, %add3A_1769 : i32
      %mul3A_1772 = arith.muli %add3A_1769, %sub3A_1771 : i32
      %jit3A_1773 = arith.constant 2 : i32
      %div3A_1774 = arith.divsi %mul3A_1772, %jit3A_1773 : i32
      %sign3A_1775 = arith.constant 0 : i32
      %sign3A_1776 = arith.cmpi sgt, %mul3A_1772, %sign3A_1775 : i32
      %sign3A_1777 = arith.extui %sign3A_1776 : i1 to i32
      %sign3A_1778 = arith.constant 0 : i32
      %sign3A_1779 = arith.cmpi slt, %mul3A_1772, %sign3A_1778 : i32
      %sign3A_1780 = arith.extui %sign3A_1779 : i1 to i32
      %sign3A_1781 = arith.subi %sign3A_1777, %sign3A_1780 : i32
      %sign3A_1782 = arith.constant 0 : i32
      %sign3A_1783 = arith.cmpi sgt, %jit3A_1773, %sign3A_1782 : i32
      %sign3A_1784 = arith.extui %sign3A_1783 : i1 to i32
      %sign3A_1785 = arith.constant 0 : i32
      %sign3A_1786 = arith.cmpi slt, %jit3A_1773, %sign3A_1785 : i32
      %sign3A_1787 = arith.extui %sign3A_1786 : i1 to i32
      %sign3A_1788 = arith.subi %sign3A_1784, %sign3A_1787 : i32
      %ne3A_1789 = arith.cmpi ne, %sign3A_1781, %sign3A_1788 : i32
      %rem3A_1790 = arith.remsi %mul3A_1772, %jit3A_1773 : i32
      %ne3A_1791 = arith.constant 0 : i32
      %ne3A_1792 = arith.cmpi ne, %rem3A_1790, %ne3A_1791 : i32
      %and3A_1793 = arith.andi %ne3A_1789, %ne3A_1792 : i1
      %sub3A_1794 = arith.constant 1 : i32
      %sub3A_1795 = arith.subi %div3A_1774, %sub3A_1794 : i32
      %select_n3A_1796 = arith.select %and3A_1793, %sub3A_1795, %div3A_1774 : i32
      %add3A_1797 = arith.addi %sub3A_1530, %select_n3A_1796 : i32
      %jit3A_1798 = arith.constant 16 : i32
      %div3A_1799 = arith.divsi %add3A_1769, %jit3A_1798 : i32
      %sign3A_1800 = arith.constant 0 : i32
      %sign3A_1801 = arith.cmpi sgt, %add3A_1769, %sign3A_1800 : i32
      %sign3A_1802 = arith.extui %sign3A_1801 : i1 to i32
      %sign3A_1803 = arith.constant 0 : i32
      %sign3A_1804 = arith.cmpi slt, %add3A_1769, %sign3A_1803 : i32
      %sign3A_1805 = arith.extui %sign3A_1804 : i1 to i32
      %sign3A_1806 = arith.subi %sign3A_1802, %sign3A_1805 : i32
      %sign3A_1807 = arith.constant 0 : i32
      %sign3A_1808 = arith.cmpi sgt, %jit3A_1798, %sign3A_1807 : i32
      %sign3A_1809 = arith.extui %sign3A_1808 : i1 to i32
      %sign3A_1810 = arith.constant 0 : i32
      %sign3A_1811 = arith.cmpi slt, %jit3A_1798, %sign3A_1810 : i32
      %sign3A_1812 = arith.extui %sign3A_1811 : i1 to i32
      %sign3A_1813 = arith.subi %sign3A_1809, %sign3A_1812 : i32
      %ne3A_1814 = arith.cmpi ne, %sign3A_1806, %sign3A_1813 : i32
      %rem3A_1815 = arith.remsi %add3A_1769, %jit3A_1798 : i32
      %ne3A_1816 = arith.constant 0 : i32
      %ne3A_1817 = arith.cmpi ne, %rem3A_1815, %ne3A_1816 : i32
      %and3A_1818 = arith.andi %ne3A_1814, %ne3A_1817 : i1
      %sub3A_1819 = arith.constant 1 : i32
      %sub3A_1820 = arith.subi %div3A_1799, %sub3A_1819 : i32
      %select_n3A_1821 = arith.select %and3A_1818, %sub3A_1820, %div3A_1799 : i32
      %mul3A_1822 = arith.constant 16 : i32
      %mul3A_1823 = arith.muli %select_n3A_1821, %mul3A_1822 : i32
      %sub3A_1824 = arith.subi %add3A_1769, %mul3A_1823 : i32
      %mul3A_1825 = arith.constant 16 : i32
      %mul3A_1826 = arith.muli %select_n3A_1821, %mul3A_1825 : i32
      %add3A_1827 = arith.addi %add3A_1797, %mul3A_1826 : i32
      %get3A_1828 = arith.index_cast %add3A_1827 : i32 to index
      %get3A_1829 = tpu.vector_load %arg7[%get3A_1828] {strides = array<i32>} : memref<2288xf32, #tpu.memory_space<vmem>>, vector<16xf32>,
      %get3A_1830 = vector.shape_cast %get3A_1829 : vector<16xf32> to vector<16xf32>
      %ge3A_1831 = vector.broadcast %sub3A_1824 : i32 to vector<16xi32>
      %ge3A_1832 = arith.cmpi sge, %iota3A, %ge3A_1831 : vector<16xi32>
      %jit3A_1833 = arith.constant 0.000000e+00 : f32
      %broadcast_in_dim3A_1834 = vector.broadcast %jit3A_1833 : f32 to vector<16xf32>
      %select_n3A_1835 = arith.select %ge3A_1832, %get3A_1830, %broadcast_in_dim3A_1834 : vector<16xi1>, vector<16xf32>
      %multiple_of3A_1836 = tpu.assume_multiple %mul3A_1826, 16 : i32
      %swap3A_1837 = arith.constant 9 : i32
      %swap3A_1838 = arith.index_cast %swap3A_1837 : i32 to index
      %swap3A_1839 = arith.index_cast %multiple_of3A_1836 : i32 to index
      %swap3A_1840 = tpu.vector_load %arg9[%swap3A_1838, %swap3A_1839] {strides = array<i32>} : memref<16x512xf32, #tpu.memory_space<vmem>>, vector<1x16xf32>,
      %swap3A_1841 = vector.shape_cast %swap3A_1840 : vector<1x16xf32> to vector<16xf32>
      %swap3A_1842 = vector.shape_cast %select_n3A_1835 : vector<16xf32> to vector<1x16xf32>
      tpu.vector_store %arg9[%swap3A_1838, %swap3A_1839], %swap3A_1842 {strides = array<i32>} : memref<16x512xf32, #tpu.memory_space<vmem>>, vector<1x16xf32>,
      %add3A_1843 = arith.constant 1 : i32
      %add3A_1844 = arith.addi %select_n3A_1821, %add3A_1843 : i32
      %parallel_loop3A_1845 = arith.constant 32 : i32
      %parallel_loop3A_1846 = arith.constant 1 : i32
      scf.for %parallel_loop3A_2826 = %add3A_1844 to %parallel_loop3A_1845 step %parallel_loop3A_1846  : i32 {
        %parallel_loop3A_2827 = arith.constant 16 : i32
        %parallel_loop3A_2828 = arith.muli %parallel_loop3A_2826, %parallel_loop3A_2827 : i32
        %parallel_loop3A_2829 = tpu.assume_multiple %parallel_loop3A_2828, 16 : i32
        %parallel_loop3A_2830 = arith.constant 16 : i32
        %parallel_loop3A_2831 = arith.muli %parallel_loop3A_2826, %parallel_loop3A_2830 : i32
        %parallel_loop3A_2832 = arith.addi %add3A_1797, %parallel_loop3A_2831 : i32
        %parallel_loop3A_2833 = arith.index_cast %parallel_loop3A_2832 : i32 to index
        %parallel_loop3A_2834 = tpu.vector_load %arg7[%parallel_loop3A_2833] {strides = array<i32>} : memref<2288xf32, #tpu.memory_space<vmem>>, vector<16xf32>,
        %parallel_loop3A_2835 = vector.shape_cast %parallel_loop3A_2834 : vector<16xf32> to vector<16xf32>
        %parallel_loop3A_2836 = arith.constant 9 : i32
        %parallel_loop3A_2837 = arith.index_cast %parallel_loop3A_2836 : i32 to index
        %parallel_loop3A_2838 = arith.index_cast %parallel_loop3A_2829 : i32 to index
        %parallel_loop3A_2839 = tpu.vector_load %arg9[%parallel_loop3A_2837, %parallel_loop3A_2838] {strides = array<i32>} : memref<16x512xf32, #tpu.memory_space<vmem>>, vector<1x16xf32>,
        %parallel_loop3A_2840 = vector.shape_cast %parallel_loop3A_2839 : vector<1x16xf32> to vector<16xf32>
        %parallel_loop3A_2841 = vector.shape_cast %parallel_loop3A_2835 : vector<16xf32> to vector<1x16xf32>
        tpu.vector_store %arg9[%parallel_loop3A_2837, %parallel_loop3A_2838], %parallel_loop3A_2841 {strides = array<i32>} : memref<16x512xf32, #tpu.memory_space<vmem>>, vector<1x16xf32>,
      } {sc.loop_unroll_factor = 2 : i64, sc.parallel_access}
      %add3A_1847 = arith.constant 2 : i32
      %add3A_1848 = arith.addi %mul3A_2, %add3A_1847 : i32
      %sub3A_1849 = arith.constant 1023 : i32
      %sub3A_1850 = arith.subi %sub3A_1849, %add3A_1848 : i32
      %mul3A_1851 = arith.muli %add3A_1848, %sub3A_1850 : i32
      %jit3A_1852 = arith.constant 2 : i32
      %div3A_1853 = arith.divsi %mul3A_1851, %jit3A_1852 : i32
      %sign3A_1854 = arith.constant 0 : i32
      %sign3A_1855 = arith.cmpi sgt, %mul3A_1851, %sign3A_1854 : i32
      %sign3A_1856 = arith.extui %sign3A_1855 : i1 to i32
      %sign3A_1857 = arith.constant 0 : i32
      %sign3A_1858 = arith.cmpi slt, %mul3A_1851, %sign3A_1857 : i32
      %sign3A_1859 = arith.extui %sign3A_1858 : i1 to i32
      %sign3A_1860 = arith.subi %sign3A_1856, %sign3A_1859 : i32
      %sign3A_1861 = arith.constant 0 : i32
      %sign3A_1862 = arith.cmpi sgt, %jit3A_1852, %sign3A_1861 : i32
      %sign3A_1863 = arith.extui %sign3A_1862 : i1 to i32
      %sign3A_1864 = arith.constant 0 : i32
      %sign3A_1865 = arith.cmpi slt, %jit3A_1852, %sign3A_1864 : i32
      %sign3A_1866 = arith.extui %sign3A_1865 : i1 to i32
      %sign3A_1867 = arith.subi %sign3A_1863, %sign3A_1866 : i32
      %ne3A_1868 = arith.cmpi ne, %sign3A_1860, %sign3A_1867 : i32
      %rem3A_1869 = arith.remsi %mul3A_1851, %jit3A_1852 : i32
      %ne3A_1870 = arith.constant 0 : i32
      %ne3A_1871 = arith.cmpi ne, %rem3A_1869, %ne3A_1870 : i32
      %and3A_1872 = arith.andi %ne3A_1868, %ne3A_1871 : i1
      %sub3A_1873 = arith.constant 1 : i32
      %sub3A_1874 = arith.subi %div3A_1853, %sub3A_1873 : i32
      %select_n3A_1875 = arith.select %and3A_1872, %sub3A_1874, %div3A_1853 : i32
      %sub3A_1876 = arith.subi %select_n3A_1875, %mul3A_51 : i32
      %jit3A_1877 = arith.constant 16 : i32
      %div3A_1878 = arith.divsi %add3A_1848, %jit3A_1877 : i32
      %sign3A_1879 = arith.constant 0 : i32
      %sign3A_1880 = arith.cmpi sgt, %add3A_1848, %sign3A_1879 : i32
      %sign3A_1881 = arith.extui %sign3A_1880 : i1 to i32
      %sign3A_1882 = arith.constant 0 : i32
      %sign3A_1883 = arith.cmpi slt, %add3A_1848, %sign3A_1882 : i32
      %sign3A_1884 = arith.extui %sign3A_1883 : i1 to i32
      %sign3A_1885 = arith.subi %sign3A_1881, %sign3A_1884 : i32
      %sign3A_1886 = arith.constant 0 : i32
      %sign3A_1887 = arith.cmpi sgt, %jit3A_1877, %sign3A_1886 : i32
      %sign3A_1888 = arith.extui %sign3A_1887 : i1 to i32
      %sign3A_1889 = arith.constant 0 : i32
      %sign3A_1890 = arith.cmpi slt, %jit3A_1877, %sign3A_1889 : i32
      %sign3A_1891 = arith.extui %sign3A_1890 : i1 to i32
      %sign3A_1892 = arith.subi %sign3A_1888, %sign3A_1891 : i32
      %ne3A_1893 = arith.cmpi ne, %sign3A_1885, %sign3A_1892 : i32
      %rem3A_1894 = arith.remsi %add3A_1848, %jit3A_1877 : i32
      %ne3A_1895 = arith.constant 0 : i32
      %ne3A_1896 = arith.cmpi ne, %rem3A_1894, %ne3A_1895 : i32
      %and3A_1897 = arith.andi %ne3A_1893, %ne3A_1896 : i1
      %sub3A_1898 = arith.constant 1 : i32
      %sub3A_1899 = arith.subi %div3A_1878, %sub3A_1898 : i32
      %select_n3A_1900 = arith.select %and3A_1897, %sub3A_1899, %div3A_1878 : i32
      %mul3A_1901 = arith.constant 16 : i32
      %mul3A_1902 = arith.muli %select_n3A_1900, %mul3A_1901 : i32
      %sub3A_1903 = arith.subi %add3A_1848, %mul3A_1902 : i32
      %mul3A_1904 = arith.constant 16 : i32
      %mul3A_1905 = arith.muli %select_n3A_1900, %mul3A_1904 : i32
      %add3A_1906 = arith.addi %sub3A_1876, %mul3A_1905 : i32
      %get3A_1907 = arith.index_cast %add3A_1906 : i32 to index
      %get3A_1908 = tpu.vector_load %arg5[%get3A_1907] {strides = array<i32>} : memref<4080xf32, #tpu.memory_space<vmem>>, vector<16xf32>,
      %get3A_1909 = vector.shape_cast %get3A_1908 : vector<16xf32> to vector<16xf32>
      %ge3A_1910 = vector.broadcast %sub3A_1903 : i32 to vector<16xi32>
      %ge3A_1911 = arith.cmpi sge, %iota3A, %ge3A_1910 : vector<16xi32>
      %jit3A_1912 = arith.constant 0.000000e+00 : f32
      %broadcast_in_dim3A_1913 = vector.broadcast %jit3A_1912 : f32 to vector<16xf32>
      %select_n3A_1914 = arith.select %ge3A_1911, %get3A_1909, %broadcast_in_dim3A_1913 : vector<16xi1>, vector<16xf32>
      %multiple_of3A_1915 = tpu.assume_multiple %mul3A_1905, 16 : i32
      %swap3A_1916 = arith.constant 2 : i32
      %swap3A_1917 = arith.index_cast %swap3A_1916 : i32 to index
      %swap3A_1918 = arith.index_cast %multiple_of3A_1915 : i32 to index
      %swap3A_1919 = tpu.vector_load %arg9[%swap3A_1917, %swap3A_1918] {strides = array<i32>} : memref<16x512xf32, #tpu.memory_space<vmem>>, vector<1x16xf32>,
      %swap3A_1920 = vector.shape_cast %swap3A_1919 : vector<1x16xf32> to vector<16xf32>
      %swap3A_1921 = vector.shape_cast %select_n3A_1914 : vector<16xf32> to vector<1x16xf32>
      tpu.vector_store %arg9[%swap3A_1917, %swap3A_1918], %swap3A_1921 {strides = array<i32>} : memref<16x512xf32, #tpu.memory_space<vmem>>, vector<1x16xf32>,
      %add3A_1922 = arith.constant 1 : i32
      %add3A_1923 = arith.addi %select_n3A_1900, %add3A_1922 : i32
      %parallel_loop3A_1924 = arith.constant 32 : i32
      %parallel_loop3A_1925 = arith.constant 1 : i32
      scf.for %parallel_loop3A_2826 = %add3A_1923 to %parallel_loop3A_1924 step %parallel_loop3A_1925  : i32 {
        %parallel_loop3A_2827 = arith.constant 16 : i32
        %parallel_loop3A_2828 = arith.muli %parallel_loop3A_2826, %parallel_loop3A_2827 : i32
        %parallel_loop3A_2829 = tpu.assume_multiple %parallel_loop3A_2828, 16 : i32
        %parallel_loop3A_2830 = arith.constant 16 : i32
        %parallel_loop3A_2831 = arith.muli %parallel_loop3A_2826, %parallel_loop3A_2830 : i32
        %parallel_loop3A_2832 = arith.addi %sub3A_1876, %parallel_loop3A_2831 : i32
        %parallel_loop3A_2833 = arith.index_cast %parallel_loop3A_2832 : i32 to index
        %parallel_loop3A_2834 = tpu.vector_load %arg5[%parallel_loop3A_2833] {strides = array<i32>} : memref<4080xf32, #tpu.memory_space<vmem>>, vector<16xf32>,
        %parallel_loop3A_2835 = vector.shape_cast %parallel_loop3A_2834 : vector<16xf32> to vector<16xf32>
        %parallel_loop3A_2836 = arith.constant 2 : i32
        %parallel_loop3A_2837 = arith.index_cast %parallel_loop3A_2836 : i32 to index
        %parallel_loop3A_2838 = arith.index_cast %parallel_loop3A_2829 : i32 to index
        %parallel_loop3A_2839 = tpu.vector_load %arg9[%parallel_loop3A_2837, %parallel_loop3A_2838] {strides = array<i32>} : memref<16x512xf32, #tpu.memory_space<vmem>>, vector<1x16xf32>,
        %parallel_loop3A_2840 = vector.shape_cast %parallel_loop3A_2839 : vector<1x16xf32> to vector<16xf32>
        %parallel_loop3A_2841 = vector.shape_cast %parallel_loop3A_2835 : vector<16xf32> to vector<1x16xf32>
        tpu.vector_store %arg9[%parallel_loop3A_2837, %parallel_loop3A_2838], %parallel_loop3A_2841 {strides = array<i32>} : memref<16x512xf32, #tpu.memory_space<vmem>>, vector<1x16xf32>,
      } {sc.loop_unroll_factor = 2 : i64, sc.parallel_access}
      %add3A_1926 = arith.constant 2 : i32
      %add3A_1927 = arith.addi %sub3A_5, %add3A_1926 : i32
      %sub3A_1928 = arith.constant 1023 : i32
      %sub3A_1929 = arith.subi %sub3A_1928, %add3A_1927 : i32
      %mul3A_1930 = arith.muli %add3A_1927, %sub3A_1929 : i32
      %jit3A_1931 = arith.constant 2 : i32
      %div3A_1932 = arith.divsi %mul3A_1930, %jit3A_1931 : i32
      %sign3A_1933 = arith.constant 0 : i32
      %sign3A_1934 = arith.cmpi sgt, %mul3A_1930, %sign3A_1933 : i32
      %sign3A_1935 = arith.extui %sign3A_1934 : i1 to i32
      %sign3A_1936 = arith.constant 0 : i32
      %sign3A_1937 = arith.cmpi slt, %mul3A_1930, %sign3A_1936 : i32
      %sign3A_1938 = arith.extui %sign3A_1937 : i1 to i32
      %sign3A_1939 = arith.subi %sign3A_1935, %sign3A_1938 : i32
      %sign3A_1940 = arith.constant 0 : i32
      %sign3A_1941 = arith.cmpi sgt, %jit3A_1931, %sign3A_1940 : i32
      %sign3A_1942 = arith.extui %sign3A_1941 : i1 to i32
      %sign3A_1943 = arith.constant 0 : i32
      %sign3A_1944 = arith.cmpi slt, %jit3A_1931, %sign3A_1943 : i32
      %sign3A_1945 = arith.extui %sign3A_1944 : i1 to i32
      %sign3A_1946 = arith.subi %sign3A_1942, %sign3A_1945 : i32
      %ne3A_1947 = arith.cmpi ne, %sign3A_1939, %sign3A_1946 : i32
      %rem3A_1948 = arith.remsi %mul3A_1930, %jit3A_1931 : i32
      %ne3A_1949 = arith.constant 0 : i32
      %ne3A_1950 = arith.cmpi ne, %rem3A_1948, %ne3A_1949 : i32
      %and3A_1951 = arith.andi %ne3A_1947, %ne3A_1950 : i1
      %sub3A_1952 = arith.constant 1 : i32
      %sub3A_1953 = arith.subi %div3A_1932, %sub3A_1952 : i32
      %select_n3A_1954 = arith.select %and3A_1951, %sub3A_1953, %div3A_1932 : i32
      %add3A_1955 = arith.addi %sub3A_1530, %select_n3A_1954 : i32
      %jit3A_1956 = arith.constant 16 : i32
      %div3A_1957 = arith.divsi %add3A_1927, %jit3A_1956 : i32
      %sign3A_1958 = arith.constant 0 : i32
      %sign3A_1959 = arith.cmpi sgt, %add3A_1927, %sign3A_1958 : i32
      %sign3A_1960 = arith.extui %sign3A_1959 : i1 to i32
      %sign3A_1961 = arith.constant 0 : i32
      %sign3A_1962 = arith.cmpi slt, %add3A_1927, %sign3A_1961 : i32
      %sign3A_1963 = arith.extui %sign3A_1962 : i1 to i32
      %sign3A_1964 = arith.subi %sign3A_1960, %sign3A_1963 : i32
      %sign3A_1965 = arith.constant 0 : i32
      %sign3A_1966 = arith.cmpi sgt, %jit3A_1956, %sign3A_1965 : i32
      %sign3A_1967 = arith.extui %sign3A_1966 : i1 to i32
      %sign3A_1968 = arith.constant 0 : i32
      %sign3A_1969 = arith.cmpi slt, %jit3A_1956, %sign3A_1968 : i32
      %sign3A_1970 = arith.extui %sign3A_1969 : i1 to i32
      %sign3A_1971 = arith.subi %sign3A_1967, %sign3A_1970 : i32
      %ne3A_1972 = arith.cmpi ne, %sign3A_1964, %sign3A_1971 : i32
      %rem3A_1973 = arith.remsi %add3A_1927, %jit3A_1956 : i32
      %ne3A_1974 = arith.constant 0 : i32
      %ne3A_1975 = arith.cmpi ne, %rem3A_1973, %ne3A_1974 : i32
      %and3A_1976 = arith.andi %ne3A_1972, %ne3A_1975 : i1
      %sub3A_1977 = arith.constant 1 : i32
      %sub3A_1978 = arith.subi %div3A_1957, %sub3A_1977 : i32
      %select_n3A_1979 = arith.select %and3A_1976, %sub3A_1978, %div3A_1957 : i32
      %mul3A_1980 = arith.constant 16 : i32
      %mul3A_1981 = arith.muli %select_n3A_1979, %mul3A_1980 : i32
      %sub3A_1982 = arith.subi %add3A_1927, %mul3A_1981 : i32
      %mul3A_1983 = arith.constant 16 : i32
      %mul3A_1984 = arith.muli %select_n3A_1979, %mul3A_1983 : i32
      %add3A_1985 = arith.addi %add3A_1955, %mul3A_1984 : i32
      %get3A_1986 = arith.index_cast %add3A_1985 : i32 to index
      %get3A_1987 = tpu.vector_load %arg7[%get3A_1986] {strides = array<i32>} : memref<2288xf32, #tpu.memory_space<vmem>>, vector<16xf32>,
      %get3A_1988 = vector.shape_cast %get3A_1987 : vector<16xf32> to vector<16xf32>
      %ge3A_1989 = vector.broadcast %sub3A_1982 : i32 to vector<16xi32>
      %ge3A_1990 = arith.cmpi sge, %iota3A, %ge3A_1989 : vector<16xi32>
      %jit3A_1991 = arith.constant 0.000000e+00 : f32
      %broadcast_in_dim3A_1992 = vector.broadcast %jit3A_1991 : f32 to vector<16xf32>
      %select_n3A_1993 = arith.select %ge3A_1990, %get3A_1988, %broadcast_in_dim3A_1992 : vector<16xi1>, vector<16xf32>
      %multiple_of3A_1994 = tpu.assume_multiple %mul3A_1984, 16 : i32
      %swap3A_1995 = arith.constant 10 : i32
      %swap3A_1996 = arith.index_cast %swap3A_1995 : i32 to index
      %swap3A_1997 = arith.index_cast %multiple_of3A_1994 : i32 to index
      %swap3A_1998 = tpu.vector_load %arg9[%swap3A_1996, %swap3A_1997] {strides = array<i32>} : memref<16x512xf32, #tpu.memory_space<vmem>>, vector<1x16xf32>,
      %swap3A_1999 = vector.shape_cast %swap3A_1998 : vector<1x16xf32> to vector<16xf32>
      %swap3A_2000 = vector.shape_cast %select_n3A_1993 : vector<16xf32> to vector<1x16xf32>
      tpu.vector_store %arg9[%swap3A_1996, %swap3A_1997], %swap3A_2000 {strides = array<i32>} : memref<16x512xf32, #tpu.memory_space<vmem>>, vector<1x16xf32>,
      %add3A_2001 = arith.constant 1 : i32
      %add3A_2002 = arith.addi %select_n3A_1979, %add3A_2001 : i32
      %parallel_loop3A_2003 = arith.constant 32 : i32
      %parallel_loop3A_2004 = arith.constant 1 : i32
      scf.for %parallel_loop3A_2826 = %add3A_2002 to %parallel_loop3A_2003 step %parallel_loop3A_2004  : i32 {
        %parallel_loop3A_2827 = arith.constant 16 : i32
        %parallel_loop3A_2828 = arith.muli %parallel_loop3A_2826, %parallel_loop3A_2827 : i32
        %parallel_loop3A_2829 = tpu.assume_multiple %parallel_loop3A_2828, 16 : i32
        %parallel_loop3A_2830 = arith.constant 16 : i32
        %parallel_loop3A_2831 = arith.muli %parallel_loop3A_2826, %parallel_loop3A_2830 : i32
        %parallel_loop3A_2832 = arith.addi %add3A_1955, %parallel_loop3A_2831 : i32
        %parallel_loop3A_2833 = arith.index_cast %parallel_loop3A_2832 : i32 to index
        %parallel_loop3A_2834 = tpu.vector_load %arg7[%parallel_loop3A_2833] {strides = array<i32>} : memref<2288xf32, #tpu.memory_space<vmem>>, vector<16xf32>,
        %parallel_loop3A_2835 = vector.shape_cast %parallel_loop3A_2834 : vector<16xf32> to vector<16xf32>
        %parallel_loop3A_2836 = arith.constant 10 : i32
        %parallel_loop3A_2837 = arith.index_cast %parallel_loop3A_2836 : i32 to index
        %parallel_loop3A_2838 = arith.index_cast %parallel_loop3A_2829 : i32 to index
        %parallel_loop3A_2839 = tpu.vector_load %arg9[%parallel_loop3A_2837, %parallel_loop3A_2838] {strides = array<i32>} : memref<16x512xf32, #tpu.memory_space<vmem>>, vector<1x16xf32>,
        %parallel_loop3A_2840 = vector.shape_cast %parallel_loop3A_2839 : vector<1x16xf32> to vector<16xf32>
        %parallel_loop3A_2841 = vector.shape_cast %parallel_loop3A_2835 : vector<16xf32> to vector<1x16xf32>
        tpu.vector_store %arg9[%parallel_loop3A_2837, %parallel_loop3A_2838], %parallel_loop3A_2841 {strides = array<i32>} : memref<16x512xf32, #tpu.memory_space<vmem>>, vector<1x16xf32>,
      } {sc.loop_unroll_factor = 2 : i64, sc.parallel_access}
      %add3A_2005 = arith.constant 3 : i32
      %add3A_2006 = arith.addi %mul3A_2, %add3A_2005 : i32
      %sub3A_2007 = arith.constant 1023 : i32
      %sub3A_2008 = arith.subi %sub3A_2007, %add3A_2006 : i32
      %mul3A_2009 = arith.muli %add3A_2006, %sub3A_2008 : i32
      %jit3A_2010 = arith.constant 2 : i32
      %div3A_2011 = arith.divsi %mul3A_2009, %jit3A_2010 : i32
      %sign3A_2012 = arith.constant 0 : i32
      %sign3A_2013 = arith.cmpi sgt, %mul3A_2009, %sign3A_2012 : i32
      %sign3A_2014 = arith.extui %sign3A_2013 : i1 to i32
      %sign3A_2015 = arith.constant 0 : i32
      %sign3A_2016 = arith.cmpi slt, %mul3A_2009, %sign3A_2015 : i32
      %sign3A_2017 = arith.extui %sign3A_2016 : i1 to i32
      %sign3A_2018 = arith.subi %sign3A_2014, %sign3A_2017 : i32
      %sign3A_2019 = arith.constant 0 : i32
      %sign3A_2020 = arith.cmpi sgt, %jit3A_2010, %sign3A_2019 : i32
      %sign3A_2021 = arith.extui %sign3A_2020 : i1 to i32
      %sign3A_2022 = arith.constant 0 : i32
      %sign3A_2023 = arith.cmpi slt, %jit3A_2010, %sign3A_2022 : i32
      %sign3A_2024 = arith.extui %sign3A_2023 : i1 to i32
      %sign3A_2025 = arith.subi %sign3A_2021, %sign3A_2024 : i32
      %ne3A_2026 = arith.cmpi ne, %sign3A_2018, %sign3A_2025 : i32
      %rem3A_2027 = arith.remsi %mul3A_2009, %jit3A_2010 : i32
      %ne3A_2028 = arith.constant 0 : i32
      %ne3A_2029 = arith.cmpi ne, %rem3A_2027, %ne3A_2028 : i32
      %and3A_2030 = arith.andi %ne3A_2026, %ne3A_2029 : i1
      %sub3A_2031 = arith.constant 1 : i32
      %sub3A_2032 = arith.subi %div3A_2011, %sub3A_2031 : i32
      %select_n3A_2033 = arith.select %and3A_2030, %sub3A_2032, %div3A_2011 : i32
      %sub3A_2034 = arith.subi %select_n3A_2033, %mul3A_51 : i32
      %jit3A_2035 = arith.constant 16 : i32
      %div3A_2036 = arith.divsi %add3A_2006, %jit3A_2035 : i32
      %sign3A_2037 = arith.constant 0 : i32
      %sign3A_2038 = arith.cmpi sgt, %add3A_2006, %sign3A_2037 : i32
      %sign3A_2039 = arith.extui %sign3A_2038 : i1 to i32
      %sign3A_2040 = arith.constant 0 : i32
      %sign3A_2041 = arith.cmpi slt, %add3A_2006, %sign3A_2040 : i32
      %sign3A_2042 = arith.extui %sign3A_2041 : i1 to i32
      %sign3A_2043 = arith.subi %sign3A_2039, %sign3A_2042 : i32
      %sign3A_2044 = arith.constant 0 : i32
      %sign3A_2045 = arith.cmpi sgt, %jit3A_2035, %sign3A_2044 : i32
      %sign3A_2046 = arith.extui %sign3A_2045 : i1 to i32
      %sign3A_2047 = arith.constant 0 : i32
      %sign3A_2048 = arith.cmpi slt, %jit3A_2035, %sign3A_2047 : i32
      %sign3A_2049 = arith.extui %sign3A_2048 : i1 to i32
      %sign3A_2050 = arith.subi %sign3A_2046, %sign3A_2049 : i32
      %ne3A_2051 = arith.cmpi ne, %sign3A_2043, %sign3A_2050 : i32
      %rem3A_2052 = arith.remsi %add3A_2006, %jit3A_2035 : i32
      %ne3A_2053 = arith.constant 0 : i32
      %ne3A_2054 = arith.cmpi ne, %rem3A_2052, %ne3A_2053 : i32
      %and3A_2055 = arith.andi %ne3A_2051, %ne3A_2054 : i1
      %sub3A_2056 = arith.constant 1 : i32
      %sub3A_2057 = arith.subi %div3A_2036, %sub3A_2056 : i32
      %select_n3A_2058 = arith.select %and3A_2055, %sub3A_2057, %div3A_2036 : i32
      %mul3A_2059 = arith.constant 16 : i32
      %mul3A_2060 = arith.muli %select_n3A_2058, %mul3A_2059 : i32
      %sub3A_2061 = arith.subi %add3A_2006, %mul3A_2060 : i32
      %mul3A_2062 = arith.constant 16 : i32
      %mul3A_2063 = arith.muli %select_n3A_2058, %mul3A_2062 : i32
      %add3A_2064 = arith.addi %sub3A_2034, %mul3A_2063 : i32
      %get3A_2065 = arith.index_cast %add3A_2064 : i32 to index
      %get3A_2066 = tpu.vector_load %arg5[%get3A_2065] {strides = array<i32>} : memref<4080xf32, #tpu.memory_space<vmem>>, vector<16xf32>,
      %get3A_2067 = vector.shape_cast %get3A_2066 : vector<16xf32> to vector<16xf32>
      %ge3A_2068 = vector.broadcast %sub3A_2061 : i32 to vector<16xi32>
      %ge3A_2069 = arith.cmpi sge, %iota3A, %ge3A_2068 : vector<16xi32>
      %jit3A_2070 = arith.constant 0.000000e+00 : f32
      %broadcast_in_dim3A_2071 = vector.broadcast %jit3A_2070 : f32 to vector<16xf32>
      %select_n3A_2072 = arith.select %ge3A_2069, %get3A_2067, %broadcast_in_dim3A_2071 : vector<16xi1>, vector<16xf32>
      %multiple_of3A_2073 = tpu.assume_multiple %mul3A_2063, 16 : i32
      %swap3A_2074 = arith.constant 3 : i32
      %swap3A_2075 = arith.index_cast %swap3A_2074 : i32 to index
      %swap3A_2076 = arith.index_cast %multiple_of3A_2073 : i32 to index
      %swap3A_2077 = tpu.vector_load %arg9[%swap3A_2075, %swap3A_2076] {strides = array<i32>} : memref<16x512xf32, #tpu.memory_space<vmem>>, vector<1x16xf32>,
      %swap3A_2078 = vector.shape_cast %swap3A_2077 : vector<1x16xf32> to vector<16xf32>
      %swap3A_2079 = vector.shape_cast %select_n3A_2072 : vector<16xf32> to vector<1x16xf32>
      tpu.vector_store %arg9[%swap3A_2075, %swap3A_2076], %swap3A_2079 {strides = array<i32>} : memref<16x512xf32, #tpu.memory_space<vmem>>, vector<1x16xf32>,
      %add3A_2080 = arith.constant 1 : i32
      %add3A_2081 = arith.addi %select_n3A_2058, %add3A_2080 : i32
      %parallel_loop3A_2082 = arith.constant 32 : i32
      %parallel_loop3A_2083 = arith.constant 1 : i32
      scf.for %parallel_loop3A_2826 = %add3A_2081 to %parallel_loop3A_2082 step %parallel_loop3A_2083  : i32 {
        %parallel_loop3A_2827 = arith.constant 16 : i32
        %parallel_loop3A_2828 = arith.muli %parallel_loop3A_2826, %parallel_loop3A_2827 : i32
        %parallel_loop3A_2829 = tpu.assume_multiple %parallel_loop3A_2828, 16 : i32
        %parallel_loop3A_2830 = arith.constant 16 : i32
        %parallel_loop3A_2831 = arith.muli %parallel_loop3A_2826, %parallel_loop3A_2830 : i32
        %parallel_loop3A_2832 = arith.addi %sub3A_2034, %parallel_loop3A_2831 : i32
        %parallel_loop3A_2833 = arith.index_cast %parallel_loop3A_2832 : i32 to index
        %parallel_loop3A_2834 = tpu.vector_load %arg5[%parallel_loop3A_2833] {strides = array<i32>} : memref<4080xf32, #tpu.memory_space<vmem>>, vector<16xf32>,
        %parallel_loop3A_2835 = vector.shape_cast %parallel_loop3A_2834 : vector<16xf32> to vector<16xf32>
        %parallel_loop3A_2836 = arith.constant 3 : i32
        %parallel_loop3A_2837 = arith.index_cast %parallel_loop3A_2836 : i32 to index
        %parallel_loop3A_2838 = arith.index_cast %parallel_loop3A_2829 : i32 to index
        %parallel_loop3A_2839 = tpu.vector_load %arg9[%parallel_loop3A_2837, %parallel_loop3A_2838] {strides = array<i32>} : memref<16x512xf32, #tpu.memory_space<vmem>>, vector<1x16xf32>,
        %parallel_loop3A_2840 = vector.shape_cast %parallel_loop3A_2839 : vector<1x16xf32> to vector<16xf32>
        %parallel_loop3A_2841 = vector.shape_cast %parallel_loop3A_2835 : vector<16xf32> to vector<1x16xf32>
        tpu.vector_store %arg9[%parallel_loop3A_2837, %parallel_loop3A_2838], %parallel_loop3A_2841 {strides = array<i32>} : memref<16x512xf32, #tpu.memory_space<vmem>>, vector<1x16xf32>,
      } {sc.loop_unroll_factor = 2 : i64, sc.parallel_access}
      %add3A_2084 = arith.constant 3 : i32
      %add3A_2085 = arith.addi %sub3A_5, %add3A_2084 : i32
      %sub3A_2086 = arith.constant 1023 : i32
      %sub3A_2087 = arith.subi %sub3A_2086, %add3A_2085 : i32
      %mul3A_2088 = arith.muli %add3A_2085, %sub3A_2087 : i32
      %jit3A_2089 = arith.constant 2 : i32
      %div3A_2090 = arith.divsi %mul3A_2088, %jit3A_2089 : i32
      %sign3A_2091 = arith.constant 0 : i32
      %sign3A_2092 = arith.cmpi sgt, %mul3A_2088, %sign3A_2091 : i32
      %sign3A_2093 = arith.extui %sign3A_2092 : i1 to i32
      %sign3A_2094 = arith.constant 0 : i32
      %sign3A_2095 = arith.cmpi slt, %mul3A_2088, %sign3A_2094 : i32
      %sign3A_2096 = arith.extui %sign3A_2095 : i1 to i32
      %sign3A_2097 = arith.subi %sign3A_2093, %sign3A_2096 : i32
      %sign3A_2098 = arith.constant 0 : i32
      %sign3A_2099 = arith.cmpi sgt, %jit3A_2089, %sign3A_2098 : i32
      %sign3A_2100 = arith.extui %sign3A_2099 : i1 to i32
      %sign3A_2101 = arith.constant 0 : i32
      %sign3A_2102 = arith.cmpi slt, %jit3A_2089, %sign3A_2101 : i32
      %sign3A_2103 = arith.extui %sign3A_2102 : i1 to i32
      %sign3A_2104 = arith.subi %sign3A_2100, %sign3A_2103 : i32
      %ne3A_2105 = arith.cmpi ne, %sign3A_2097, %sign3A_2104 : i32
      %rem3A_2106 = arith.remsi %mul3A_2088, %jit3A_2089 : i32
      %ne3A_2107 = arith.constant 0 : i32
      %ne3A_2108 = arith.cmpi ne, %rem3A_2106, %ne3A_2107 : i32
      %and3A_2109 = arith.andi %ne3A_2105, %ne3A_2108 : i1
      %sub3A_2110 = arith.constant 1 : i32
      %sub3A_2111 = arith.subi %div3A_2090, %sub3A_2110 : i32
      %select_n3A_2112 = arith.select %and3A_2109, %sub3A_2111, %div3A_2090 : i32
      %add3A_2113 = arith.addi %sub3A_1530, %select_n3A_2112 : i32
      %jit3A_2114 = arith.constant 16 : i32
      %div3A_2115 = arith.divsi %add3A_2085, %jit3A_2114 : i32
      %sign3A_2116 = arith.constant 0 : i32
      %sign3A_2117 = arith.cmpi sgt, %add3A_2085, %sign3A_2116 : i32
      %sign3A_2118 = arith.extui %sign3A_2117 : i1 to i32
      %sign3A_2119 = arith.constant 0 : i32
      %sign3A_2120 = arith.cmpi slt, %add3A_2085, %sign3A_2119 : i32
      %sign3A_2121 = arith.extui %sign3A_2120 : i1 to i32
      %sign3A_2122 = arith.subi %sign3A_2118, %sign3A_2121 : i32
      %sign3A_2123 = arith.constant 0 : i32
      %sign3A_2124 = arith.cmpi sgt, %jit3A_2114, %sign3A_2123 : i32
      %sign3A_2125 = arith.extui %sign3A_2124 : i1 to i32
      %sign3A_2126 = arith.constant 0 : i32
      %sign3A_2127 = arith.cmpi slt, %jit3A_2114, %sign3A_2126 : i32
      %sign3A_2128 = arith.extui %sign3A_2127 : i1 to i32
      %sign3A_2129 = arith.subi %sign3A_2125, %sign3A_2128 : i32
      %ne3A_2130 = arith.cmpi ne, %sign3A_2122, %sign3A_2129 : i32
      %rem3A_2131 = arith.remsi %add3A_2085, %jit3A_2114 : i32
      %ne3A_2132 = arith.constant 0 : i32
      %ne3A_2133 = arith.cmpi ne, %rem3A_2131, %ne3A_2132 : i32
      %and3A_2134 = arith.andi %ne3A_2130, %ne3A_2133 : i1
      %sub3A_2135 = arith.constant 1 : i32
      %sub3A_2136 = arith.subi %div3A_2115, %sub3A_2135 : i32
      %select_n3A_2137 = arith.select %and3A_2134, %sub3A_2136, %div3A_2115 : i32
      %mul3A_2138 = arith.constant 16 : i32
      %mul3A_2139 = arith.muli %select_n3A_2137, %mul3A_2138 : i32
      %sub3A_2140 = arith.subi %add3A_2085, %mul3A_2139 : i32
      %mul3A_2141 = arith.constant 16 : i32
      %mul3A_2142 = arith.muli %select_n3A_2137, %mul3A_2141 : i32
      %add3A_2143 = arith.addi %add3A_2113, %mul3A_2142 : i32
      %get3A_2144 = arith.index_cast %add3A_2143 : i32 to index
      %get3A_2145 = tpu.vector_load %arg7[%get3A_2144] {strides = array<i32>} : memref<2288xf32, #tpu.memory_space<vmem>>, vector<16xf32>,
      %get3A_2146 = vector.shape_cast %get3A_2145 : vector<16xf32> to vector<16xf32>
      %ge3A_2147 = vector.broadcast %sub3A_2140 : i32 to vector<16xi32>
      %ge3A_2148 = arith.cmpi sge, %iota3A, %ge3A_2147 : vector<16xi32>
      %jit3A_2149 = arith.constant 0.000000e+00 : f32
      %broadcast_in_dim3A_2150 = vector.broadcast %jit3A_2149 : f32 to vector<16xf32>
      %select_n3A_2151 = arith.select %ge3A_2148, %get3A_2146, %broadcast_in_dim3A_2150 : vector<16xi1>, vector<16xf32>
      %multiple_of3A_2152 = tpu.assume_multiple %mul3A_2142, 16 : i32
      %swap3A_2153 = arith.constant 11 : i32
      %swap3A_2154 = arith.index_cast %swap3A_2153 : i32 to index
      %swap3A_2155 = arith.index_cast %multiple_of3A_2152 : i32 to index
      %swap3A_2156 = tpu.vector_load %arg9[%swap3A_2154, %swap3A_2155] {strides = array<i32>} : memref<16x512xf32, #tpu.memory_space<vmem>>, vector<1x16xf32>,
      %swap3A_2157 = vector.shape_cast %swap3A_2156 : vector<1x16xf32> to vector<16xf32>
      %swap3A_2158 = vector.shape_cast %select_n3A_2151 : vector<16xf32> to vector<1x16xf32>
      tpu.vector_store %arg9[%swap3A_2154, %swap3A_2155], %swap3A_2158 {strides = array<i32>} : memref<16x512xf32, #tpu.memory_space<vmem>>, vector<1x16xf32>,
      %add3A_2159 = arith.constant 1 : i32
      %add3A_2160 = arith.addi %select_n3A_2137, %add3A_2159 : i32
      %parallel_loop3A_2161 = arith.constant 32 : i32
      %parallel_loop3A_2162 = arith.constant 1 : i32
      scf.for %parallel_loop3A_2826 = %add3A_2160 to %parallel_loop3A_2161 step %parallel_loop3A_2162  : i32 {
        %parallel_loop3A_2827 = arith.constant 16 : i32
        %parallel_loop3A_2828 = arith.muli %parallel_loop3A_2826, %parallel_loop3A_2827 : i32
        %parallel_loop3A_2829 = tpu.assume_multiple %parallel_loop3A_2828, 16 : i32
        %parallel_loop3A_2830 = arith.constant 16 : i32
        %parallel_loop3A_2831 = arith.muli %parallel_loop3A_2826, %parallel_loop3A_2830 : i32
        %parallel_loop3A_2832 = arith.addi %add3A_2113, %parallel_loop3A_2831 : i32
        %parallel_loop3A_2833 = arith.index_cast %parallel_loop3A_2832 : i32 to index
        %parallel_loop3A_2834 = tpu.vector_load %arg7[%parallel_loop3A_2833] {strides = array<i32>} : memref<2288xf32, #tpu.memory_space<vmem>>, vector<16xf32>,
        %parallel_loop3A_2835 = vector.shape_cast %parallel_loop3A_2834 : vector<16xf32> to vector<16xf32>
        %parallel_loop3A_2836 = arith.constant 11 : i32
        %parallel_loop3A_2837 = arith.index_cast %parallel_loop3A_2836 : i32 to index
        %parallel_loop3A_2838 = arith.index_cast %parallel_loop3A_2829 : i32 to index
        %parallel_loop3A_2839 = tpu.vector_load %arg9[%parallel_loop3A_2837, %parallel_loop3A_2838] {strides = array<i32>} : memref<16x512xf32, #tpu.memory_space<vmem>>, vector<1x16xf32>,
        %parallel_loop3A_2840 = vector.shape_cast %parallel_loop3A_2839 : vector<1x16xf32> to vector<16xf32>
        %parallel_loop3A_2841 = vector.shape_cast %parallel_loop3A_2835 : vector<16xf32> to vector<1x16xf32>
        tpu.vector_store %arg9[%parallel_loop3A_2837, %parallel_loop3A_2838], %parallel_loop3A_2841 {strides = array<i32>} : memref<16x512xf32, #tpu.memory_space<vmem>>, vector<1x16xf32>,
      } {sc.loop_unroll_factor = 2 : i64, sc.parallel_access}
      %add3A_2163 = arith.constant 4 : i32
      %add3A_2164 = arith.addi %mul3A_2, %add3A_2163 : i32
      %sub3A_2165 = arith.constant 1023 : i32
      %sub3A_2166 = arith.subi %sub3A_2165, %add3A_2164 : i32
      %mul3A_2167 = arith.muli %add3A_2164, %sub3A_2166 : i32
      %jit3A_2168 = arith.constant 2 : i32
      %div3A_2169 = arith.divsi %mul3A_2167, %jit3A_2168 : i32
      %sign3A_2170 = arith.constant 0 : i32
      %sign3A_2171 = arith.cmpi sgt, %mul3A_2167, %sign3A_2170 : i32
      %sign3A_2172 = arith.extui %sign3A_2171 : i1 to i32
      %sign3A_2173 = arith.constant 0 : i32
      %sign3A_2174 = arith.cmpi slt, %mul3A_2167, %sign3A_2173 : i32
      %sign3A_2175 = arith.extui %sign3A_2174 : i1 to i32
      %sign3A_2176 = arith.subi %sign3A_2172, %sign3A_2175 : i32
      %sign3A_2177 = arith.constant 0 : i32
      %sign3A_2178 = arith.cmpi sgt, %jit3A_2168, %sign3A_2177 : i32
      %sign3A_2179 = arith.extui %sign3A_2178 : i1 to i32
      %sign3A_2180 = arith.constant 0 : i32
      %sign3A_2181 = arith.cmpi slt, %jit3A_2168, %sign3A_2180 : i32
      %sign3A_2182 = arith.extui %sign3A_2181 : i1 to i32
      %sign3A_2183 = arith.subi %sign3A_2179, %sign3A_2182 : i32
      %ne3A_2184 = arith.cmpi ne, %sign3A_2176, %sign3A_2183 : i32
      %rem3A_2185 = arith.remsi %mul3A_2167, %jit3A_2168 : i32
      %ne3A_2186 = arith.constant 0 : i32
      %ne3A_2187 = arith.cmpi ne, %rem3A_2185, %ne3A_2186 : i32
      %and3A_2188 = arith.andi %ne3A_2184, %ne3A_2187 : i1
      %sub3A_2189 = arith.constant 1 : i32
      %sub3A_2190 = arith.subi %div3A_2169, %sub3A_2189 : i32
      %select_n3A_2191 = arith.select %and3A_2188, %sub3A_2190, %div3A_2169 : i32
      %sub3A_2192 = arith.subi %select_n3A_2191, %mul3A_51 : i32
      %jit3A_2193 = arith.constant 16 : i32
      %div3A_2194 = arith.divsi %add3A_2164, %jit3A_2193 : i32
      %sign3A_2195 = arith.constant 0 : i32
      %sign3A_2196 = arith.cmpi sgt, %add3A_2164, %sign3A_2195 : i32
      %sign3A_2197 = arith.extui %sign3A_2196 : i1 to i32
      %sign3A_2198 = arith.constant 0 : i32
      %sign3A_2199 = arith.cmpi slt, %add3A_2164, %sign3A_2198 : i32
      %sign3A_2200 = arith.extui %sign3A_2199 : i1 to i32
      %sign3A_2201 = arith.subi %sign3A_2197, %sign3A_2200 : i32
      %sign3A_2202 = arith.constant 0 : i32
      %sign3A_2203 = arith.cmpi sgt, %jit3A_2193, %sign3A_2202 : i32
      %sign3A_2204 = arith.extui %sign3A_2203 : i1 to i32
      %sign3A_2205 = arith.constant 0 : i32
      %sign3A_2206 = arith.cmpi slt, %jit3A_2193, %sign3A_2205 : i32
      %sign3A_2207 = arith.extui %sign3A_2206 : i1 to i32
      %sign3A_2208 = arith.subi %sign3A_2204, %sign3A_2207 : i32
      %ne3A_2209 = arith.cmpi ne, %sign3A_2201, %sign3A_2208 : i32
      %rem3A_2210 = arith.remsi %add3A_2164, %jit3A_2193 : i32
      %ne3A_2211 = arith.constant 0 : i32
      %ne3A_2212 = arith.cmpi ne, %rem3A_2210, %ne3A_2211 : i32
      %and3A_2213 = arith.andi %ne3A_2209, %ne3A_2212 : i1
      %sub3A_2214 = arith.constant 1 : i32
      %sub3A_2215 = arith.subi %div3A_2194, %sub3A_2214 : i32
      %select_n3A_2216 = arith.select %and3A_2213, %sub3A_2215, %div3A_2194 : i32
      %mul3A_2217 = arith.constant 16 : i32
      %mul3A_2218 = arith.muli %select_n3A_2216, %mul3A_2217 : i32
      %sub3A_2219 = arith.subi %add3A_2164, %mul3A_2218 : i32
      %mul3A_2220 = arith.constant 16 : i32
      %mul3A_2221 = arith.muli %select_n3A_2216, %mul3A_2220 : i32
      %add3A_2222 = arith.addi %sub3A_2192, %mul3A_2221 : i32
      %get3A_2223 = arith.index_cast %add3A_2222 : i32 to index
      %get3A_2224 = tpu.vector_load %arg5[%get3A_2223] {strides = array<i32>} : memref<4080xf32, #tpu.memory_space<vmem>>, vector<16xf32>,
      %get3A_2225 = vector.shape_cast %get3A_2224 : vector<16xf32> to vector<16xf32>
      %ge3A_2226 = vector.broadcast %sub3A_2219 : i32 to vector<16xi32>
      %ge3A_2227 = arith.cmpi sge, %iota3A, %ge3A_2226 : vector<16xi32>
      %jit3A_2228 = arith.constant 0.000000e+00 : f32
      %broadcast_in_dim3A_2229 = vector.broadcast %jit3A_2228 : f32 to vector<16xf32>
      %select_n3A_2230 = arith.select %ge3A_2227, %get3A_2225, %broadcast_in_dim3A_2229 : vector<16xi1>, vector<16xf32>
      %multiple_of3A_2231 = tpu.assume_multiple %mul3A_2221, 16 : i32
      %swap3A_2232 = arith.constant 4 : i32
      %swap3A_2233 = arith.index_cast %swap3A_2232 : i32 to index
      %swap3A_2234 = arith.index_cast %multiple_of3A_2231 : i32 to index
      %swap3A_2235 = tpu.vector_load %arg9[%swap3A_2233, %swap3A_2234] {strides = array<i32>} : memref<16x512xf32, #tpu.memory_space<vmem>>, vector<1x16xf32>,
      %swap3A_2236 = vector.shape_cast %swap3A_2235 : vector<1x16xf32> to vector<16xf32>
      %swap3A_2237 = vector.shape_cast %select_n3A_2230 : vector<16xf32> to vector<1x16xf32>
      tpu.vector_store %arg9[%swap3A_2233, %swap3A_2234], %swap3A_2237 {strides = array<i32>} : memref<16x512xf32, #tpu.memory_space<vmem>>, vector<1x16xf32>,
      %add3A_2238 = arith.constant 1 : i32
      %add3A_2239 = arith.addi %select_n3A_2216, %add3A_2238 : i32
      %parallel_loop3A_2240 = arith.constant 32 : i32
      %parallel_loop3A_2241 = arith.constant 1 : i32
      scf.for %parallel_loop3A_2826 = %add3A_2239 to %parallel_loop3A_2240 step %parallel_loop3A_2241  : i32 {
        %parallel_loop3A_2827 = arith.constant 16 : i32
        %parallel_loop3A_2828 = arith.muli %parallel_loop3A_2826, %parallel_loop3A_2827 : i32
        %parallel_loop3A_2829 = tpu.assume_multiple %parallel_loop3A_2828, 16 : i32
        %parallel_loop3A_2830 = arith.constant 16 : i32
        %parallel_loop3A_2831 = arith.muli %parallel_loop3A_2826, %parallel_loop3A_2830 : i32
        %parallel_loop3A_2832 = arith.addi %sub3A_2192, %parallel_loop3A_2831 : i32
        %parallel_loop3A_2833 = arith.index_cast %parallel_loop3A_2832 : i32 to index
        %parallel_loop3A_2834 = tpu.vector_load %arg5[%parallel_loop3A_2833] {strides = array<i32>} : memref<4080xf32, #tpu.memory_space<vmem>>, vector<16xf32>,
        %parallel_loop3A_2835 = vector.shape_cast %parallel_loop3A_2834 : vector<16xf32> to vector<16xf32>
        %parallel_loop3A_2836 = arith.constant 4 : i32
        %parallel_loop3A_2837 = arith.index_cast %parallel_loop3A_2836 : i32 to index
        %parallel_loop3A_2838 = arith.index_cast %parallel_loop3A_2829 : i32 to index
        %parallel_loop3A_2839 = tpu.vector_load %arg9[%parallel_loop3A_2837, %parallel_loop3A_2838] {strides = array<i32>} : memref<16x512xf32, #tpu.memory_space<vmem>>, vector<1x16xf32>,
        %parallel_loop3A_2840 = vector.shape_cast %parallel_loop3A_2839 : vector<1x16xf32> to vector<16xf32>
        %parallel_loop3A_2841 = vector.shape_cast %parallel_loop3A_2835 : vector<16xf32> to vector<1x16xf32>
        tpu.vector_store %arg9[%parallel_loop3A_2837, %parallel_loop3A_2838], %parallel_loop3A_2841 {strides = array<i32>} : memref<16x512xf32, #tpu.memory_space<vmem>>, vector<1x16xf32>,
      } {sc.loop_unroll_factor = 2 : i64, sc.parallel_access}
      %add3A_2242 = arith.constant 4 : i32
      %add3A_2243 = arith.addi %sub3A_5, %add3A_2242 : i32
      %sub3A_2244 = arith.constant 1023 : i32
      %sub3A_2245 = arith.subi %sub3A_2244, %add3A_2243 : i32
      %mul3A_2246 = arith.muli %add3A_2243, %sub3A_2245 : i32
      %jit3A_2247 = arith.constant 2 : i32
      %div3A_2248 = arith.divsi %mul3A_2246, %jit3A_2247 : i32
      %sign3A_2249 = arith.constant 0 : i32
      %sign3A_2250 = arith.cmpi sgt, %mul3A_2246, %sign3A_2249 : i32
      %sign3A_2251 = arith.extui %sign3A_2250 : i1 to i32
      %sign3A_2252 = arith.constant 0 : i32
      %sign3A_2253 = arith.cmpi slt, %mul3A_2246, %sign3A_2252 : i32
      %sign3A_2254 = arith.extui %sign3A_2253 : i1 to i32
      %sign3A_2255 = arith.subi %sign3A_2251, %sign3A_2254 : i32
      %sign3A_2256 = arith.constant 0 : i32
      %sign3A_2257 = arith.cmpi sgt, %jit3A_2247, %sign3A_2256 : i32
      %sign3A_2258 = arith.extui %sign3A_2257 : i1 to i32
      %sign3A_2259 = arith.constant 0 : i32
      %sign3A_2260 = arith.cmpi slt, %jit3A_2247, %sign3A_2259 : i32
      %sign3A_2261 = arith.extui %sign3A_2260 : i1 to i32
      %sign3A_2262 = arith.subi %sign3A_2258, %sign3A_2261 : i32
      %ne3A_2263 = arith.cmpi ne, %sign3A_2255, %sign3A_2262 : i32
      %rem3A_2264 = arith.remsi %mul3A_2246, %jit3A_2247 : i32
      %ne3A_2265 = arith.constant 0 : i32
      %ne3A_2266 = arith.cmpi ne, %rem3A_2264, %ne3A_2265 : i32
      %and3A_2267 = arith.andi %ne3A_2263, %ne3A_2266 : i1
      %sub3A_2268 = arith.constant 1 : i32
      %sub3A_2269 = arith.subi %div3A_2248, %sub3A_2268 : i32
      %select_n3A_2270 = arith.select %and3A_2267, %sub3A_2269, %div3A_2248 : i32
      %add3A_2271 = arith.addi %sub3A_1530, %select_n3A_2270 : i32
      %jit3A_2272 = arith.constant 16 : i32
      %div3A_2273 = arith.divsi %add3A_2243, %jit3A_2272 : i32
      %sign3A_2274 = arith.constant 0 : i32
      %sign3A_2275 = arith.cmpi sgt, %add3A_2243, %sign3A_2274 : i32
      %sign3A_2276 = arith.extui %sign3A_2275 : i1 to i32
      %sign3A_2277 = arith.constant 0 : i32
      %sign3A_2278 = arith.cmpi slt, %add3A_2243, %sign3A_2277 : i32
      %sign3A_2279 = arith.extui %sign3A_2278 : i1 to i32
      %sign3A_2280 = arith.subi %sign3A_2276, %sign3A_2279 : i32
      %sign3A_2281 = arith.constant 0 : i32
      %sign3A_2282 = arith.cmpi sgt, %jit3A_2272, %sign3A_2281 : i32
      %sign3A_2283 = arith.extui %sign3A_2282 : i1 to i32
      %sign3A_2284 = arith.constant 0 : i32
      %sign3A_2285 = arith.cmpi slt, %jit3A_2272, %sign3A_2284 : i32
      %sign3A_2286 = arith.extui %sign3A_2285 : i1 to i32
      %sign3A_2287 = arith.subi %sign3A_2283, %sign3A_2286 : i32
      %ne3A_2288 = arith.cmpi ne, %sign3A_2280, %sign3A_2287 : i32
      %rem3A_2289 = arith.remsi %add3A_2243, %jit3A_2272 : i32
      %ne3A_2290 = arith.constant 0 : i32
      %ne3A_2291 = arith.cmpi ne, %rem3A_2289, %ne3A_2290 : i32
      %and3A_2292 = arith.andi %ne3A_2288, %ne3A_2291 : i1
      %sub3A_2293 = arith.constant 1 : i32
      %sub3A_2294 = arith.subi %div3A_2273, %sub3A_2293 : i32
      %select_n3A_2295 = arith.select %and3A_2292, %sub3A_2294, %div3A_2273 : i32
      %mul3A_2296 = arith.constant 16 : i32
      %mul3A_2297 = arith.muli %select_n3A_2295, %mul3A_2296 : i32
      %sub3A_2298 = arith.subi %add3A_2243, %mul3A_2297 : i32
      %mul3A_2299 = arith.constant 16 : i32
      %mul3A_2300 = arith.muli %select_n3A_2295, %mul3A_2299 : i32
      %add3A_2301 = arith.addi %add3A_2271, %mul3A_2300 : i32
      %get3A_2302 = arith.index_cast %add3A_2301 : i32 to index
      %get3A_2303 = tpu.vector_load %arg7[%get3A_2302] {strides = array<i32>} : memref<2288xf32, #tpu.memory_space<vmem>>, vector<16xf32>,
      %get3A_2304 = vector.shape_cast %get3A_2303 : vector<16xf32> to vector<16xf32>
      %ge3A_2305 = vector.broadcast %sub3A_2298 : i32 to vector<16xi32>
      %ge3A_2306 = arith.cmpi sge, %iota3A, %ge3A_2305 : vector<16xi32>
      %jit3A_2307 = arith.constant 0.000000e+00 : f32
      %broadcast_in_dim3A_2308 = vector.broadcast %jit3A_2307 : f32 to vector<16xf32>
      %select_n3A_2309 = arith.select %ge3A_2306, %get3A_2304, %broadcast_in_dim3A_2308 : vector<16xi1>, vector<16xf32>
      %multiple_of3A_2310 = tpu.assume_multiple %mul3A_2300, 16 : i32
      %swap3A_2311 = arith.constant 12 : i32
      %swap3A_2312 = arith.index_cast %swap3A_2311 : i32 to index
      %swap3A_2313 = arith.index_cast %multiple_of3A_2310 : i32 to index
      %swap3A_2314 = tpu.vector_load %arg9[%swap3A_2312, %swap3A_2313] {strides = array<i32>} : memref<16x512xf32, #tpu.memory_space<vmem>>, vector<1x16xf32>,
      %swap3A_2315 = vector.shape_cast %swap3A_2314 : vector<1x16xf32> to vector<16xf32>
      %swap3A_2316 = vector.shape_cast %select_n3A_2309 : vector<16xf32> to vector<1x16xf32>
      tpu.vector_store %arg9[%swap3A_2312, %swap3A_2313], %swap3A_2316 {strides = array<i32>} : memref<16x512xf32, #tpu.memory_space<vmem>>, vector<1x16xf32>,
      %add3A_2317 = arith.constant 1 : i32
      %add3A_2318 = arith.addi %select_n3A_2295, %add3A_2317 : i32
      %parallel_loop3A_2319 = arith.constant 32 : i32
      %parallel_loop3A_2320 = arith.constant 1 : i32
      scf.for %parallel_loop3A_2826 = %add3A_2318 to %parallel_loop3A_2319 step %parallel_loop3A_2320  : i32 {
        %parallel_loop3A_2827 = arith.constant 16 : i32
        %parallel_loop3A_2828 = arith.muli %parallel_loop3A_2826, %parallel_loop3A_2827 : i32
        %parallel_loop3A_2829 = tpu.assume_multiple %parallel_loop3A_2828, 16 : i32
        %parallel_loop3A_2830 = arith.constant 16 : i32
        %parallel_loop3A_2831 = arith.muli %parallel_loop3A_2826, %parallel_loop3A_2830 : i32
        %parallel_loop3A_2832 = arith.addi %add3A_2271, %parallel_loop3A_2831 : i32
        %parallel_loop3A_2833 = arith.index_cast %parallel_loop3A_2832 : i32 to index
        %parallel_loop3A_2834 = tpu.vector_load %arg7[%parallel_loop3A_2833] {strides = array<i32>} : memref<2288xf32, #tpu.memory_space<vmem>>, vector<16xf32>,
        %parallel_loop3A_2835 = vector.shape_cast %parallel_loop3A_2834 : vector<16xf32> to vector<16xf32>
        %parallel_loop3A_2836 = arith.constant 12 : i32
        %parallel_loop3A_2837 = arith.index_cast %parallel_loop3A_2836 : i32 to index
        %parallel_loop3A_2838 = arith.index_cast %parallel_loop3A_2829 : i32 to index
        %parallel_loop3A_2839 = tpu.vector_load %arg9[%parallel_loop3A_2837, %parallel_loop3A_2838] {strides = array<i32>} : memref<16x512xf32, #tpu.memory_space<vmem>>, vector<1x16xf32>,
        %parallel_loop3A_2840 = vector.shape_cast %parallel_loop3A_2839 : vector<1x16xf32> to vector<16xf32>
        %parallel_loop3A_2841 = vector.shape_cast %parallel_loop3A_2835 : vector<16xf32> to vector<1x16xf32>
        tpu.vector_store %arg9[%parallel_loop3A_2837, %parallel_loop3A_2838], %parallel_loop3A_2841 {strides = array<i32>} : memref<16x512xf32, #tpu.memory_space<vmem>>, vector<1x16xf32>,
      } {sc.loop_unroll_factor = 2 : i64, sc.parallel_access}
      %add3A_2321 = arith.constant 5 : i32
      %add3A_2322 = arith.addi %mul3A_2, %add3A_2321 : i32
      %sub3A_2323 = arith.constant 1023 : i32
      %sub3A_2324 = arith.subi %sub3A_2323, %add3A_2322 : i32
      %mul3A_2325 = arith.muli %add3A_2322, %sub3A_2324 : i32
      %jit3A_2326 = arith.constant 2 : i32
      %div3A_2327 = arith.divsi %mul3A_2325, %jit3A_2326 : i32
      %sign3A_2328 = arith.constant 0 : i32
      %sign3A_2329 = arith.cmpi sgt, %mul3A_2325, %sign3A_2328 : i32
      %sign3A_2330 = arith.extui %sign3A_2329 : i1 to i32
      %sign3A_2331 = arith.constant 0 : i32
      %sign3A_2332 = arith.cmpi slt, %mul3A_2325, %sign3A_2331 : i32
      %sign3A_2333 = arith.extui %sign3A_2332 : i1 to i32
      %sign3A_2334 = arith.subi %sign3A_2330, %sign3A_2333 : i32
      %sign3A_2335 = arith.constant 0 : i32
      %sign3A_2336 = arith.cmpi sgt, %jit3A_2326, %sign3A_2335 : i32
      %sign3A_2337 = arith.extui %sign3A_2336 : i1 to i32
      %sign3A_2338 = arith.constant 0 : i32
      %sign3A_2339 = arith.cmpi slt, %jit3A_2326, %sign3A_2338 : i32
      %sign3A_2340 = arith.extui %sign3A_2339 : i1 to i32
      %sign3A_2341 = arith.subi %sign3A_2337, %sign3A_2340 : i32
      %ne3A_2342 = arith.cmpi ne, %sign3A_2334, %sign3A_2341 : i32
      %rem3A_2343 = arith.remsi %mul3A_2325, %jit3A_2326 : i32
      %ne3A_2344 = arith.constant 0 : i32
      %ne3A_2345 = arith.cmpi ne, %rem3A_2343, %ne3A_2344 : i32
      %and3A_2346 = arith.andi %ne3A_2342, %ne3A_2345 : i1
      %sub3A_2347 = arith.constant 1 : i32
      %sub3A_2348 = arith.subi %div3A_2327, %sub3A_2347 : i32
      %select_n3A_2349 = arith.select %and3A_2346, %sub3A_2348, %div3A_2327 : i32
      %sub3A_2350 = arith.subi %select_n3A_2349, %mul3A_51 : i32
      %jit3A_2351 = arith.constant 16 : i32
      %div3A_2352 = arith.divsi %add3A_2322, %jit3A_2351 : i32
      %sign3A_2353 = arith.constant 0 : i32
      %sign3A_2354 = arith.cmpi sgt, %add3A_2322, %sign3A_2353 : i32
      %sign3A_2355 = arith.extui %sign3A_2354 : i1 to i32
      %sign3A_2356 = arith.constant 0 : i32
      %sign3A_2357 = arith.cmpi slt, %add3A_2322, %sign3A_2356 : i32
      %sign3A_2358 = arith.extui %sign3A_2357 : i1 to i32
      %sign3A_2359 = arith.subi %sign3A_2355, %sign3A_2358 : i32
      %sign3A_2360 = arith.constant 0 : i32
      %sign3A_2361 = arith.cmpi sgt, %jit3A_2351, %sign3A_2360 : i32
      %sign3A_2362 = arith.extui %sign3A_2361 : i1 to i32
      %sign3A_2363 = arith.constant 0 : i32
      %sign3A_2364 = arith.cmpi slt, %jit3A_2351, %sign3A_2363 : i32
      %sign3A_2365 = arith.extui %sign3A_2364 : i1 to i32
      %sign3A_2366 = arith.subi %sign3A_2362, %sign3A_2365 : i32
      %ne3A_2367 = arith.cmpi ne, %sign3A_2359, %sign3A_2366 : i32
      %rem3A_2368 = arith.remsi %add3A_2322, %jit3A_2351 : i32
      %ne3A_2369 = arith.constant 0 : i32
      %ne3A_2370 = arith.cmpi ne, %rem3A_2368, %ne3A_2369 : i32
      %and3A_2371 = arith.andi %ne3A_2367, %ne3A_2370 : i1
      %sub3A_2372 = arith.constant 1 : i32
      %sub3A_2373 = arith.subi %div3A_2352, %sub3A_2372 : i32
      %select_n3A_2374 = arith.select %and3A_2371, %sub3A_2373, %div3A_2352 : i32
      %mul3A_2375 = arith.constant 16 : i32
      %mul3A_2376 = arith.muli %select_n3A_2374, %mul3A_2375 : i32
      %sub3A_2377 = arith.subi %add3A_2322, %mul3A_2376 : i32
      %mul3A_2378 = arith.constant 16 : i32
      %mul3A_2379 = arith.muli %select_n3A_2374, %mul3A_2378 : i32
      %add3A_2380 = arith.addi %sub3A_2350, %mul3A_2379 : i32
      %get3A_2381 = arith.index_cast %add3A_2380 : i32 to index
      %get3A_2382 = tpu.vector_load %arg5[%get3A_2381] {strides = array<i32>} : memref<4080xf32, #tpu.memory_space<vmem>>, vector<16xf32>,
      %get3A_2383 = vector.shape_cast %get3A_2382 : vector<16xf32> to vector<16xf32>
      %ge3A_2384 = vector.broadcast %sub3A_2377 : i32 to vector<16xi32>
      %ge3A_2385 = arith.cmpi sge, %iota3A, %ge3A_2384 : vector<16xi32>
      %jit3A_2386 = arith.constant 0.000000e+00 : f32
      %broadcast_in_dim3A_2387 = vector.broadcast %jit3A_2386 : f32 to vector<16xf32>
      %select_n3A_2388 = arith.select %ge3A_2385, %get3A_2383, %broadcast_in_dim3A_2387 : vector<16xi1>, vector<16xf32>
      %multiple_of3A_2389 = tpu.assume_multiple %mul3A_2379, 16 : i32
      %swap3A_2390 = arith.constant 5 : i32
      %swap3A_2391 = arith.index_cast %swap3A_2390 : i32 to index
      %swap3A_2392 = arith.index_cast %multiple_of3A_2389 : i32 to index
      %swap3A_2393 = tpu.vector_load %arg9[%swap3A_2391, %swap3A_2392] {strides = array<i32>} : memref<16x512xf32, #tpu.memory_space<vmem>>, vector<1x16xf32>,
      %swap3A_2394 = vector.shape_cast %swap3A_2393 : vector<1x16xf32> to vector<16xf32>
      %swap3A_2395 = vector.shape_cast %select_n3A_2388 : vector<16xf32> to vector<1x16xf32>
      tpu.vector_store %arg9[%swap3A_2391, %swap3A_2392], %swap3A_2395 {strides = array<i32>} : memref<16x512xf32, #tpu.memory_space<vmem>>, vector<1x16xf32>,
      %add3A_2396 = arith.constant 1 : i32
      %add3A_2397 = arith.addi %select_n3A_2374, %add3A_2396 : i32
      %parallel_loop3A_2398 = arith.constant 32 : i32
      %parallel_loop3A_2399 = arith.constant 1 : i32
      scf.for %parallel_loop3A_2826 = %add3A_2397 to %parallel_loop3A_2398 step %parallel_loop3A_2399  : i32 {
        %parallel_loop3A_2827 = arith.constant 16 : i32
        %parallel_loop3A_2828 = arith.muli %parallel_loop3A_2826, %parallel_loop3A_2827 : i32
        %parallel_loop3A_2829 = tpu.assume_multiple %parallel_loop3A_2828, 16 : i32
        %parallel_loop3A_2830 = arith.constant 16 : i32
        %parallel_loop3A_2831 = arith.muli %parallel_loop3A_2826, %parallel_loop3A_2830 : i32
        %parallel_loop3A_2832 = arith.addi %sub3A_2350, %parallel_loop3A_2831 : i32
        %parallel_loop3A_2833 = arith.index_cast %parallel_loop3A_2832 : i32 to index
        %parallel_loop3A_2834 = tpu.vector_load %arg5[%parallel_loop3A_2833] {strides = array<i32>} : memref<4080xf32, #tpu.memory_space<vmem>>, vector<16xf32>,
        %parallel_loop3A_2835 = vector.shape_cast %parallel_loop3A_2834 : vector<16xf32> to vector<16xf32>
        %parallel_loop3A_2836 = arith.constant 5 : i32
        %parallel_loop3A_2837 = arith.index_cast %parallel_loop3A_2836 : i32 to index
        %parallel_loop3A_2838 = arith.index_cast %parallel_loop3A_2829 : i32 to index
        %parallel_loop3A_2839 = tpu.vector_load %arg9[%parallel_loop3A_2837, %parallel_loop3A_2838] {strides = array<i32>} : memref<16x512xf32, #tpu.memory_space<vmem>>, vector<1x16xf32>,
        %parallel_loop3A_2840 = vector.shape_cast %parallel_loop3A_2839 : vector<1x16xf32> to vector<16xf32>
        %parallel_loop3A_2841 = vector.shape_cast %parallel_loop3A_2835 : vector<16xf32> to vector<1x16xf32>
        tpu.vector_store %arg9[%parallel_loop3A_2837, %parallel_loop3A_2838], %parallel_loop3A_2841 {strides = array<i32>} : memref<16x512xf32, #tpu.memory_space<vmem>>, vector<1x16xf32>,
      } {sc.loop_unroll_factor = 2 : i64, sc.parallel_access}
      %add3A_2400 = arith.constant 5 : i32
      %add3A_2401 = arith.addi %sub3A_5, %add3A_2400 : i32
      %sub3A_2402 = arith.constant 1023 : i32
      %sub3A_2403 = arith.subi %sub3A_2402, %add3A_2401 : i32
      %mul3A_2404 = arith.muli %add3A_2401, %sub3A_2403 : i32
      %jit3A_2405 = arith.constant 2 : i32
      %div3A_2406 = arith.divsi %mul3A_2404, %jit3A_2405 : i32
      %sign3A_2407 = arith.constant 0 : i32
      %sign3A_2408 = arith.cmpi sgt, %mul3A_2404, %sign3A_2407 : i32
      %sign3A_2409 = arith.extui %sign3A_2408 : i1 to i32
      %sign3A_2410 = arith.constant 0 : i32
      %sign3A_2411 = arith.cmpi slt, %mul3A_2404, %sign3A_2410 : i32
      %sign3A_2412 = arith.extui %sign3A_2411 : i1 to i32
      %sign3A_2413 = arith.subi %sign3A_2409, %sign3A_2412 : i32
      %sign3A_2414 = arith.constant 0 : i32
      %sign3A_2415 = arith.cmpi sgt, %jit3A_2405, %sign3A_2414 : i32
      %sign3A_2416 = arith.extui %sign3A_2415 : i1 to i32
      %sign3A_2417 = arith.constant 0 : i32
      %sign3A_2418 = arith.cmpi slt, %jit3A_2405, %sign3A_2417 : i32
      %sign3A_2419 = arith.extui %sign3A_2418 : i1 to i32
      %sign3A_2420 = arith.subi %sign3A_2416, %sign3A_2419 : i32
      %ne3A_2421 = arith.cmpi ne, %sign3A_2413, %sign3A_2420 : i32
      %rem3A_2422 = arith.remsi %mul3A_2404, %jit3A_2405 : i32
      %ne3A_2423 = arith.constant 0 : i32
      %ne3A_2424 = arith.cmpi ne, %rem3A_2422, %ne3A_2423 : i32
      %and3A_2425 = arith.andi %ne3A_2421, %ne3A_2424 : i1
      %sub3A_2426 = arith.constant 1 : i32
      %sub3A_2427 = arith.subi %div3A_2406, %sub3A_2426 : i32
      %select_n3A_2428 = arith.select %and3A_2425, %sub3A_2427, %div3A_2406 : i32
      %add3A_2429 = arith.addi %sub3A_1530, %select_n3A_2428 : i32
      %jit3A_2430 = arith.constant 16 : i32
      %div3A_2431 = arith.divsi %add3A_2401, %jit3A_2430 : i32
      %sign3A_2432 = arith.constant 0 : i32
      %sign3A_2433 = arith.cmpi sgt, %add3A_2401, %sign3A_2432 : i32
      %sign3A_2434 = arith.extui %sign3A_2433 : i1 to i32
      %sign3A_2435 = arith.constant 0 : i32
      %sign3A_2436 = arith.cmpi slt, %add3A_2401, %sign3A_2435 : i32
      %sign3A_2437 = arith.extui %sign3A_2436 : i1 to i32
      %sign3A_2438 = arith.subi %sign3A_2434, %sign3A_2437 : i32
      %sign3A_2439 = arith.constant 0 : i32
      %sign3A_2440 = arith.cmpi sgt, %jit3A_2430, %sign3A_2439 : i32
      %sign3A_2441 = arith.extui %sign3A_2440 : i1 to i32
      %sign3A_2442 = arith.constant 0 : i32
      %sign3A_2443 = arith.cmpi slt, %jit3A_2430, %sign3A_2442 : i32
      %sign3A_2444 = arith.extui %sign3A_2443 : i1 to i32
      %sign3A_2445 = arith.subi %sign3A_2441, %sign3A_2444 : i32
      %ne3A_2446 = arith.cmpi ne, %sign3A_2438, %sign3A_2445 : i32
      %rem3A_2447 = arith.remsi %add3A_2401, %jit3A_2430 : i32
      %ne3A_2448 = arith.constant 0 : i32
      %ne3A_2449 = arith.cmpi ne, %rem3A_2447, %ne3A_2448 : i32
      %and3A_2450 = arith.andi %ne3A_2446, %ne3A_2449 : i1
      %sub3A_2451 = arith.constant 1 : i32
      %sub3A_2452 = arith.subi %div3A_2431, %sub3A_2451 : i32
      %select_n3A_2453 = arith.select %and3A_2450, %sub3A_2452, %div3A_2431 : i32
      %mul3A_2454 = arith.constant 16 : i32
      %mul3A_2455 = arith.muli %select_n3A_2453, %mul3A_2454 : i32
      %sub3A_2456 = arith.subi %add3A_2401, %mul3A_2455 : i32
      %mul3A_2457 = arith.constant 16 : i32
      %mul3A_2458 = arith.muli %select_n3A_2453, %mul3A_2457 : i32
      %add3A_2459 = arith.addi %add3A_2429, %mul3A_2458 : i32
      %get3A_2460 = arith.index_cast %add3A_2459 : i32 to index
      %get3A_2461 = tpu.vector_load %arg7[%get3A_2460] {strides = array<i32>} : memref<2288xf32, #tpu.memory_space<vmem>>, vector<16xf32>,
      %get3A_2462 = vector.shape_cast %get3A_2461 : vector<16xf32> to vector<16xf32>
      %ge3A_2463 = vector.broadcast %sub3A_2456 : i32 to vector<16xi32>
      %ge3A_2464 = arith.cmpi sge, %iota3A, %ge3A_2463 : vector<16xi32>
      %jit3A_2465 = arith.constant 0.000000e+00 : f32
      %broadcast_in_dim3A_2466 = vector.broadcast %jit3A_2465 : f32 to vector<16xf32>
      %select_n3A_2467 = arith.select %ge3A_2464, %get3A_2462, %broadcast_in_dim3A_2466 : vector<16xi1>, vector<16xf32>
      %multiple_of3A_2468 = tpu.assume_multiple %mul3A_2458, 16 : i32
      %swap3A_2469 = arith.constant 13 : i32
      %swap3A_2470 = arith.index_cast %swap3A_2469 : i32 to index
      %swap3A_2471 = arith.index_cast %multiple_of3A_2468 : i32 to index
      %swap3A_2472 = tpu.vector_load %arg9[%swap3A_2470, %swap3A_2471] {strides = array<i32>} : memref<16x512xf32, #tpu.memory_space<vmem>>, vector<1x16xf32>,
      %swap3A_2473 = vector.shape_cast %swap3A_2472 : vector<1x16xf32> to vector<16xf32>
      %swap3A_2474 = vector.shape_cast %select_n3A_2467 : vector<16xf32> to vector<1x16xf32>
      tpu.vector_store %arg9[%swap3A_2470, %swap3A_2471], %swap3A_2474 {strides = array<i32>} : memref<16x512xf32, #tpu.memory_space<vmem>>, vector<1x16xf32>,
      %add3A_2475 = arith.constant 1 : i32
      %add3A_2476 = arith.addi %select_n3A_2453, %add3A_2475 : i32
      %parallel_loop3A_2477 = arith.constant 32 : i32
      %parallel_loop3A_2478 = arith.constant 1 : i32
      scf.for %parallel_loop3A_2826 = %add3A_2476 to %parallel_loop3A_2477 step %parallel_loop3A_2478  : i32 {
        %parallel_loop3A_2827 = arith.constant 16 : i32
        %parallel_loop3A_2828 = arith.muli %parallel_loop3A_2826, %parallel_loop3A_2827 : i32
        %parallel_loop3A_2829 = tpu.assume_multiple %parallel_loop3A_2828, 16 : i32
        %parallel_loop3A_2830 = arith.constant 16 : i32
        %parallel_loop3A_2831 = arith.muli %parallel_loop3A_2826, %parallel_loop3A_2830 : i32
        %parallel_loop3A_2832 = arith.addi %add3A_2429, %parallel_loop3A_2831 : i32
        %parallel_loop3A_2833 = arith.index_cast %parallel_loop3A_2832 : i32 to index
        %parallel_loop3A_2834 = tpu.vector_load %arg7[%parallel_loop3A_2833] {strides = array<i32>} : memref<2288xf32, #tpu.memory_space<vmem>>, vector<16xf32>,
        %parallel_loop3A_2835 = vector.shape_cast %parallel_loop3A_2834 : vector<16xf32> to vector<16xf32>
        %parallel_loop3A_2836 = arith.constant 13 : i32
        %parallel_loop3A_2837 = arith.index_cast %parallel_loop3A_2836 : i32 to index
        %parallel_loop3A_2838 = arith.index_cast %parallel_loop3A_2829 : i32 to index
        %parallel_loop3A_2839 = tpu.vector_load %arg9[%parallel_loop3A_2837, %parallel_loop3A_2838] {strides = array<i32>} : memref<16x512xf32, #tpu.memory_space<vmem>>, vector<1x16xf32>,
        %parallel_loop3A_2840 = vector.shape_cast %parallel_loop3A_2839 : vector<1x16xf32> to vector<16xf32>
        %parallel_loop3A_2841 = vector.shape_cast %parallel_loop3A_2835 : vector<16xf32> to vector<1x16xf32>
        tpu.vector_store %arg9[%parallel_loop3A_2837, %parallel_loop3A_2838], %parallel_loop3A_2841 {strides = array<i32>} : memref<16x512xf32, #tpu.memory_space<vmem>>, vector<1x16xf32>,
      } {sc.loop_unroll_factor = 2 : i64, sc.parallel_access}
      %add3A_2479 = arith.constant 6 : i32
      %add3A_2480 = arith.addi %mul3A_2, %add3A_2479 : i32
      %sub3A_2481 = arith.constant 1023 : i32
      %sub3A_2482 = arith.subi %sub3A_2481, %add3A_2480 : i32
      %mul3A_2483 = arith.muli %add3A_2480, %sub3A_2482 : i32
      %jit3A_2484 = arith.constant 2 : i32
      %div3A_2485 = arith.divsi %mul3A_2483, %jit3A_2484 : i32
      %sign3A_2486 = arith.constant 0 : i32
      %sign3A_2487 = arith.cmpi sgt, %mul3A_2483, %sign3A_2486 : i32
      %sign3A_2488 = arith.extui %sign3A_2487 : i1 to i32
      %sign3A_2489 = arith.constant 0 : i32
      %sign3A_2490 = arith.cmpi slt, %mul3A_2483, %sign3A_2489 : i32
      %sign3A_2491 = arith.extui %sign3A_2490 : i1 to i32
      %sign3A_2492 = arith.subi %sign3A_2488, %sign3A_2491 : i32
      %sign3A_2493 = arith.constant 0 : i32
      %sign3A_2494 = arith.cmpi sgt, %jit3A_2484, %sign3A_2493 : i32
      %sign3A_2495 = arith.extui %sign3A_2494 : i1 to i32
      %sign3A_2496 = arith.constant 0 : i32
      %sign3A_2497 = arith.cmpi slt, %jit3A_2484, %sign3A_2496 : i32
      %sign3A_2498 = arith.extui %sign3A_2497 : i1 to i32
      %sign3A_2499 = arith.subi %sign3A_2495, %sign3A_2498 : i32
      %ne3A_2500 = arith.cmpi ne, %sign3A_2492, %sign3A_2499 : i32
      %rem3A_2501 = arith.remsi %mul3A_2483, %jit3A_2484 : i32
      %ne3A_2502 = arith.constant 0 : i32
      %ne3A_2503 = arith.cmpi ne, %rem3A_2501, %ne3A_2502 : i32
      %and3A_2504 = arith.andi %ne3A_2500, %ne3A_2503 : i1
      %sub3A_2505 = arith.constant 1 : i32
      %sub3A_2506 = arith.subi %div3A_2485, %sub3A_2505 : i32
      %select_n3A_2507 = arith.select %and3A_2504, %sub3A_2506, %div3A_2485 : i32
      %sub3A_2508 = arith.subi %select_n3A_2507, %mul3A_51 : i32
      %jit3A_2509 = arith.constant 16 : i32
      %div3A_2510 = arith.divsi %add3A_2480, %jit3A_2509 : i32
      %sign3A_2511 = arith.constant 0 : i32
      %sign3A_2512 = arith.cmpi sgt, %add3A_2480, %sign3A_2511 : i32
      %sign3A_2513 = arith.extui %sign3A_2512 : i1 to i32
      %sign3A_2514 = arith.constant 0 : i32
      %sign3A_2515 = arith.cmpi slt, %add3A_2480, %sign3A_2514 : i32
      %sign3A_2516 = arith.extui %sign3A_2515 : i1 to i32
      %sign3A_2517 = arith.subi %sign3A_2513, %sign3A_2516 : i32
      %sign3A_2518 = arith.constant 0 : i32
      %sign3A_2519 = arith.cmpi sgt, %jit3A_2509, %sign3A_2518 : i32
      %sign3A_2520 = arith.extui %sign3A_2519 : i1 to i32
      %sign3A_2521 = arith.constant 0 : i32
      %sign3A_2522 = arith.cmpi slt, %jit3A_2509, %sign3A_2521 : i32
      %sign3A_2523 = arith.extui %sign3A_2522 : i1 to i32
      %sign3A_2524 = arith.subi %sign3A_2520, %sign3A_2523 : i32
      %ne3A_2525 = arith.cmpi ne, %sign3A_2517, %sign3A_2524 : i32
      %rem3A_2526 = arith.remsi %add3A_2480, %jit3A_2509 : i32
      %ne3A_2527 = arith.constant 0 : i32
      %ne3A_2528 = arith.cmpi ne, %rem3A_2526, %ne3A_2527 : i32
      %and3A_2529 = arith.andi %ne3A_2525, %ne3A_2528 : i1
      %sub3A_2530 = arith.constant 1 : i32
      %sub3A_2531 = arith.subi %div3A_2510, %sub3A_2530 : i32
      %select_n3A_2532 = arith.select %and3A_2529, %sub3A_2531, %div3A_2510 : i32
      %mul3A_2533 = arith.constant 16 : i32
      %mul3A_2534 = arith.muli %select_n3A_2532, %mul3A_2533 : i32
      %sub3A_2535 = arith.subi %add3A_2480, %mul3A_2534 : i32
      %mul3A_2536 = arith.constant 16 : i32
      %mul3A_2537 = arith.muli %select_n3A_2532, %mul3A_2536 : i32
      %add3A_2538 = arith.addi %sub3A_2508, %mul3A_2537 : i32
      %get3A_2539 = arith.index_cast %add3A_2538 : i32 to index
      %get3A_2540 = tpu.vector_load %arg5[%get3A_2539] {strides = array<i32>} : memref<4080xf32, #tpu.memory_space<vmem>>, vector<16xf32>,
      %get3A_2541 = vector.shape_cast %get3A_2540 : vector<16xf32> to vector<16xf32>
      %ge3A_2542 = vector.broadcast %sub3A_2535 : i32 to vector<16xi32>
      %ge3A_2543 = arith.cmpi sge, %iota3A, %ge3A_2542 : vector<16xi32>
      %jit3A_2544 = arith.constant 0.000000e+00 : f32
      %broadcast_in_dim3A_2545 = vector.broadcast %jit3A_2544 : f32 to vector<16xf32>
      %select_n3A_2546 = arith.select %ge3A_2543, %get3A_2541, %broadcast_in_dim3A_2545 : vector<16xi1>, vector<16xf32>
      %multiple_of3A_2547 = tpu.assume_multiple %mul3A_2537, 16 : i32
      %swap3A_2548 = arith.constant 6 : i32
      %swap3A_2549 = arith.index_cast %swap3A_2548 : i32 to index
      %swap3A_2550 = arith.index_cast %multiple_of3A_2547 : i32 to index
      %swap3A_2551 = tpu.vector_load %arg9[%swap3A_2549, %swap3A_2550] {strides = array<i32>} : memref<16x512xf32, #tpu.memory_space<vmem>>, vector<1x16xf32>,
      %swap3A_2552 = vector.shape_cast %swap3A_2551 : vector<1x16xf32> to vector<16xf32>
      %swap3A_2553 = vector.shape_cast %select_n3A_2546 : vector<16xf32> to vector<1x16xf32>
      tpu.vector_store %arg9[%swap3A_2549, %swap3A_2550], %swap3A_2553 {strides = array<i32>} : memref<16x512xf32, #tpu.memory_space<vmem>>, vector<1x16xf32>,
      %add3A_2554 = arith.constant 1 : i32
      %add3A_2555 = arith.addi %select_n3A_2532, %add3A_2554 : i32
      %parallel_loop3A_2556 = arith.constant 32 : i32
      %parallel_loop3A_2557 = arith.constant 1 : i32
      scf.for %parallel_loop3A_2826 = %add3A_2555 to %parallel_loop3A_2556 step %parallel_loop3A_2557  : i32 {
        %parallel_loop3A_2827 = arith.constant 16 : i32
        %parallel_loop3A_2828 = arith.muli %parallel_loop3A_2826, %parallel_loop3A_2827 : i32
        %parallel_loop3A_2829 = tpu.assume_multiple %parallel_loop3A_2828, 16 : i32
        %parallel_loop3A_2830 = arith.constant 16 : i32
        %parallel_loop3A_2831 = arith.muli %parallel_loop3A_2826, %parallel_loop3A_2830 : i32
        %parallel_loop3A_2832 = arith.addi %sub3A_2508, %parallel_loop3A_2831 : i32
        %parallel_loop3A_2833 = arith.index_cast %parallel_loop3A_2832 : i32 to index
        %parallel_loop3A_2834 = tpu.vector_load %arg5[%parallel_loop3A_2833] {strides = array<i32>} : memref<4080xf32, #tpu.memory_space<vmem>>, vector<16xf32>,
        %parallel_loop3A_2835 = vector.shape_cast %parallel_loop3A_2834 : vector<16xf32> to vector<16xf32>
        %parallel_loop3A_2836 = arith.constant 6 : i32
        %parallel_loop3A_2837 = arith.index_cast %parallel_loop3A_2836 : i32 to index
        %parallel_loop3A_2838 = arith.index_cast %parallel_loop3A_2829 : i32 to index
        %parallel_loop3A_2839 = tpu.vector_load %arg9[%parallel_loop3A_2837, %parallel_loop3A_2838] {strides = array<i32>} : memref<16x512xf32, #tpu.memory_space<vmem>>, vector<1x16xf32>,
        %parallel_loop3A_2840 = vector.shape_cast %parallel_loop3A_2839 : vector<1x16xf32> to vector<16xf32>
        %parallel_loop3A_2841 = vector.shape_cast %parallel_loop3A_2835 : vector<16xf32> to vector<1x16xf32>
        tpu.vector_store %arg9[%parallel_loop3A_2837, %parallel_loop3A_2838], %parallel_loop3A_2841 {strides = array<i32>} : memref<16x512xf32, #tpu.memory_space<vmem>>, vector<1x16xf32>,
      } {sc.loop_unroll_factor = 2 : i64, sc.parallel_access}
      %add3A_2558 = arith.constant 6 : i32
      %add3A_2559 = arith.addi %sub3A_5, %add3A_2558 : i32
      %sub3A_2560 = arith.constant 1023 : i32
      %sub3A_2561 = arith.subi %sub3A_2560, %add3A_2559 : i32
      %mul3A_2562 = arith.muli %add3A_2559, %sub3A_2561 : i32
      %jit3A_2563 = arith.constant 2 : i32
      %div3A_2564 = arith.divsi %mul3A_2562, %jit3A_2563 : i32
      %sign3A_2565 = arith.constant 0 : i32
      %sign3A_2566 = arith.cmpi sgt, %mul3A_2562, %sign3A_2565 : i32
      %sign3A_2567 = arith.extui %sign3A_2566 : i1 to i32
      %sign3A_2568 = arith.constant 0 : i32
      %sign3A_2569 = arith.cmpi slt, %mul3A_2562, %sign3A_2568 : i32
      %sign3A_2570 = arith.extui %sign3A_2569 : i1 to i32
      %sign3A_2571 = arith.subi %sign3A_2567, %sign3A_2570 : i32
      %sign3A_2572 = arith.constant 0 : i32
      %sign3A_2573 = arith.cmpi sgt, %jit3A_2563, %sign3A_2572 : i32
      %sign3A_2574 = arith.extui %sign3A_2573 : i1 to i32
      %sign3A_2575 = arith.constant 0 : i32
      %sign3A_2576 = arith.cmpi slt, %jit3A_2563, %sign3A_2575 : i32
      %sign3A_2577 = arith.extui %sign3A_2576 : i1 to i32
      %sign3A_2578 = arith.subi %sign3A_2574, %sign3A_2577 : i32
      %ne3A_2579 = arith.cmpi ne, %sign3A_2571, %sign3A_2578 : i32
      %rem3A_2580 = arith.remsi %mul3A_2562, %jit3A_2563 : i32
      %ne3A_2581 = arith.constant 0 : i32
      %ne3A_2582 = arith.cmpi ne, %rem3A_2580, %ne3A_2581 : i32
      %and3A_2583 = arith.andi %ne3A_2579, %ne3A_2582 : i1
      %sub3A_2584 = arith.constant 1 : i32
      %sub3A_2585 = arith.subi %div3A_2564, %sub3A_2584 : i32
      %select_n3A_2586 = arith.select %and3A_2583, %sub3A_2585, %div3A_2564 : i32
      %add3A_2587 = arith.addi %sub3A_1530, %select_n3A_2586 : i32
      %jit3A_2588 = arith.constant 16 : i32
      %div3A_2589 = arith.divsi %add3A_2559, %jit3A_2588 : i32
      %sign3A_2590 = arith.constant 0 : i32
      %sign3A_2591 = arith.cmpi sgt, %add3A_2559, %sign3A_2590 : i32
      %sign3A_2592 = arith.extui %sign3A_2591 : i1 to i32
      %sign3A_2593 = arith.constant 0 : i32
      %sign3A_2594 = arith.cmpi slt, %add3A_2559, %sign3A_2593 : i32
      %sign3A_2595 = arith.extui %sign3A_2594 : i1 to i32
      %sign3A_2596 = arith.subi %sign3A_2592, %sign3A_2595 : i32
      %sign3A_2597 = arith.constant 0 : i32
      %sign3A_2598 = arith.cmpi sgt, %jit3A_2588, %sign3A_2597 : i32
      %sign3A_2599 = arith.extui %sign3A_2598 : i1 to i32
      %sign3A_2600 = arith.constant 0 : i32
      %sign3A_2601 = arith.cmpi slt, %jit3A_2588, %sign3A_2600 : i32
      %sign3A_2602 = arith.extui %sign3A_2601 : i1 to i32
      %sign3A_2603 = arith.subi %sign3A_2599, %sign3A_2602 : i32
      %ne3A_2604 = arith.cmpi ne, %sign3A_2596, %sign3A_2603 : i32
      %rem3A_2605 = arith.remsi %add3A_2559, %jit3A_2588 : i32
      %ne3A_2606 = arith.constant 0 : i32
      %ne3A_2607 = arith.cmpi ne, %rem3A_2605, %ne3A_2606 : i32
      %and3A_2608 = arith.andi %ne3A_2604, %ne3A_2607 : i1
      %sub3A_2609 = arith.constant 1 : i32
      %sub3A_2610 = arith.subi %div3A_2589, %sub3A_2609 : i32
      %select_n3A_2611 = arith.select %and3A_2608, %sub3A_2610, %div3A_2589 : i32
      %mul3A_2612 = arith.constant 16 : i32
      %mul3A_2613 = arith.muli %select_n3A_2611, %mul3A_2612 : i32
      %sub3A_2614 = arith.subi %add3A_2559, %mul3A_2613 : i32
      %mul3A_2615 = arith.constant 16 : i32
      %mul3A_2616 = arith.muli %select_n3A_2611, %mul3A_2615 : i32
      %add3A_2617 = arith.addi %add3A_2587, %mul3A_2616 : i32
      %get3A_2618 = arith.index_cast %add3A_2617 : i32 to index
      %get3A_2619 = tpu.vector_load %arg7[%get3A_2618] {strides = array<i32>} : memref<2288xf32, #tpu.memory_space<vmem>>, vector<16xf32>,
      %get3A_2620 = vector.shape_cast %get3A_2619 : vector<16xf32> to vector<16xf32>
      %ge3A_2621 = vector.broadcast %sub3A_2614 : i32 to vector<16xi32>
      %ge3A_2622 = arith.cmpi sge, %iota3A, %ge3A_2621 : vector<16xi32>
      %jit3A_2623 = arith.constant 0.000000e+00 : f32
      %broadcast_in_dim3A_2624 = vector.broadcast %jit3A_2623 : f32 to vector<16xf32>
      %select_n3A_2625 = arith.select %ge3A_2622, %get3A_2620, %broadcast_in_dim3A_2624 : vector<16xi1>, vector<16xf32>
      %multiple_of3A_2626 = tpu.assume_multiple %mul3A_2616, 16 : i32
      %swap3A_2627 = arith.constant 14 : i32
      %swap3A_2628 = arith.index_cast %swap3A_2627 : i32 to index
      %swap3A_2629 = arith.index_cast %multiple_of3A_2626 : i32 to index
      %swap3A_2630 = tpu.vector_load %arg9[%swap3A_2628, %swap3A_2629] {strides = array<i32>} : memref<16x512xf32, #tpu.memory_space<vmem>>, vector<1x16xf32>,
      %swap3A_2631 = vector.shape_cast %swap3A_2630 : vector<1x16xf32> to vector<16xf32>
      %swap3A_2632 = vector.shape_cast %select_n3A_2625 : vector<16xf32> to vector<1x16xf32>
      tpu.vector_store %arg9[%swap3A_2628, %swap3A_2629], %swap3A_2632 {strides = array<i32>} : memref<16x512xf32, #tpu.memory_space<vmem>>, vector<1x16xf32>,
      %add3A_2633 = arith.constant 1 : i32
      %add3A_2634 = arith.addi %select_n3A_2611, %add3A_2633 : i32
      %parallel_loop3A_2635 = arith.constant 32 : i32
      %parallel_loop3A_2636 = arith.constant 1 : i32
      scf.for %parallel_loop3A_2826 = %add3A_2634 to %parallel_loop3A_2635 step %parallel_loop3A_2636  : i32 {
        %parallel_loop3A_2827 = arith.constant 16 : i32
        %parallel_loop3A_2828 = arith.muli %parallel_loop3A_2826, %parallel_loop3A_2827 : i32
        %parallel_loop3A_2829 = tpu.assume_multiple %parallel_loop3A_2828, 16 : i32
        %parallel_loop3A_2830 = arith.constant 16 : i32
        %parallel_loop3A_2831 = arith.muli %parallel_loop3A_2826, %parallel_loop3A_2830 : i32
        %parallel_loop3A_2832 = arith.addi %add3A_2587, %parallel_loop3A_2831 : i32
        %parallel_loop3A_2833 = arith.index_cast %parallel_loop3A_2832 : i32 to index
        %parallel_loop3A_2834 = tpu.vector_load %arg7[%parallel_loop3A_2833] {strides = array<i32>} : memref<2288xf32, #tpu.memory_space<vmem>>, vector<16xf32>,
        %parallel_loop3A_2835 = vector.shape_cast %parallel_loop3A_2834 : vector<16xf32> to vector<16xf32>
        %parallel_loop3A_2836 = arith.constant 14 : i32
        %parallel_loop3A_2837 = arith.index_cast %parallel_loop3A_2836 : i32 to index
        %parallel_loop3A_2838 = arith.index_cast %parallel_loop3A_2829 : i32 to index
        %parallel_loop3A_2839 = tpu.vector_load %arg9[%parallel_loop3A_2837, %parallel_loop3A_2838] {strides = array<i32>} : memref<16x512xf32, #tpu.memory_space<vmem>>, vector<1x16xf32>,
        %parallel_loop3A_2840 = vector.shape_cast %parallel_loop3A_2839 : vector<1x16xf32> to vector<16xf32>
        %parallel_loop3A_2841 = vector.shape_cast %parallel_loop3A_2835 : vector<16xf32> to vector<1x16xf32>
        tpu.vector_store %arg9[%parallel_loop3A_2837, %parallel_loop3A_2838], %parallel_loop3A_2841 {strides = array<i32>} : memref<16x512xf32, #tpu.memory_space<vmem>>, vector<1x16xf32>,
      } {sc.loop_unroll_factor = 2 : i64, sc.parallel_access}
      %add3A_2637 = arith.constant 7 : i32
      %add3A_2638 = arith.addi %mul3A_2, %add3A_2637 : i32
      %sub3A_2639 = arith.constant 1023 : i32
      %sub3A_2640 = arith.subi %sub3A_2639, %add3A_2638 : i32
      %mul3A_2641 = arith.muli %add3A_2638, %sub3A_2640 : i32
      %jit3A_2642 = arith.constant 2 : i32
      %div3A_2643 = arith.divsi %mul3A_2641, %jit3A_2642 : i32
      %sign3A_2644 = arith.constant 0 : i32
      %sign3A_2645 = arith.cmpi sgt, %mul3A_2641, %sign3A_2644 : i32
      %sign3A_2646 = arith.extui %sign3A_2645 : i1 to i32
      %sign3A_2647 = arith.constant 0 : i32
      %sign3A_2648 = arith.cmpi slt, %mul3A_2641, %sign3A_2647 : i32
      %sign3A_2649 = arith.extui %sign3A_2648 : i1 to i32
      %sign3A_2650 = arith.subi %sign3A_2646, %sign3A_2649 : i32
      %sign3A_2651 = arith.constant 0 : i32
      %sign3A_2652 = arith.cmpi sgt, %jit3A_2642, %sign3A_2651 : i32
      %sign3A_2653 = arith.extui %sign3A_2652 : i1 to i32
      %sign3A_2654 = arith.constant 0 : i32
      %sign3A_2655 = arith.cmpi slt, %jit3A_2642, %sign3A_2654 : i32
      %sign3A_2656 = arith.extui %sign3A_2655 : i1 to i32
      %sign3A_2657 = arith.subi %sign3A_2653, %sign3A_2656 : i32
      %ne3A_2658 = arith.cmpi ne, %sign3A_2650, %sign3A_2657 : i32
      %rem3A_2659 = arith.remsi %mul3A_2641, %jit3A_2642 : i32
      %ne3A_2660 = arith.constant 0 : i32
      %ne3A_2661 = arith.cmpi ne, %rem3A_2659, %ne3A_2660 : i32
      %and3A_2662 = arith.andi %ne3A_2658, %ne3A_2661 : i1
      %sub3A_2663 = arith.constant 1 : i32
      %sub3A_2664 = arith.subi %div3A_2643, %sub3A_2663 : i32
      %select_n3A_2665 = arith.select %and3A_2662, %sub3A_2664, %div3A_2643 : i32
      %sub3A_2666 = arith.subi %select_n3A_2665, %mul3A_51 : i32
      %jit3A_2667 = arith.constant 16 : i32
      %div3A_2668 = arith.divsi %add3A_2638, %jit3A_2667 : i32
      %sign3A_2669 = arith.constant 0 : i32
      %sign3A_2670 = arith.cmpi sgt, %add3A_2638, %sign3A_2669 : i32
      %sign3A_2671 = arith.extui %sign3A_2670 : i1 to i32
      %sign3A_2672 = arith.constant 0 : i32
      %sign3A_2673 = arith.cmpi slt, %add3A_2638, %sign3A_2672 : i32
      %sign3A_2674 = arith.extui %sign3A_2673 : i1 to i32
      %sign3A_2675 = arith.subi %sign3A_2671, %sign3A_2674 : i32
      %sign3A_2676 = arith.constant 0 : i32
      %sign3A_2677 = arith.cmpi sgt, %jit3A_2667, %sign3A_2676 : i32
      %sign3A_2678 = arith.extui %sign3A_2677 : i1 to i32
      %sign3A_2679 = arith.constant 0 : i32
      %sign3A_2680 = arith.cmpi slt, %jit3A_2667, %sign3A_2679 : i32
      %sign3A_2681 = arith.extui %sign3A_2680 : i1 to i32
      %sign3A_2682 = arith.subi %sign3A_2678, %sign3A_2681 : i32
      %ne3A_2683 = arith.cmpi ne, %sign3A_2675, %sign3A_2682 : i32
      %rem3A_2684 = arith.remsi %add3A_2638, %jit3A_2667 : i32
      %ne3A_2685 = arith.constant 0 : i32
      %ne3A_2686 = arith.cmpi ne, %rem3A_2684, %ne3A_2685 : i32
      %and3A_2687 = arith.andi %ne3A_2683, %ne3A_2686 : i1
      %sub3A_2688 = arith.constant 1 : i32
      %sub3A_2689 = arith.subi %div3A_2668, %sub3A_2688 : i32
      %select_n3A_2690 = arith.select %and3A_2687, %sub3A_2689, %div3A_2668 : i32
      %mul3A_2691 = arith.constant 16 : i32
      %mul3A_2692 = arith.muli %select_n3A_2690, %mul3A_2691 : i32
      %sub3A_2693 = arith.subi %add3A_2638, %mul3A_2692 : i32
      %mul3A_2694 = arith.constant 16 : i32
      %mul3A_2695 = arith.muli %select_n3A_2690, %mul3A_2694 : i32
      %add3A_2696 = arith.addi %sub3A_2666, %mul3A_2695 : i32
      %get3A_2697 = arith.index_cast %add3A_2696 : i32 to index
      %get3A_2698 = tpu.vector_load %arg5[%get3A_2697] {strides = array<i32>} : memref<4080xf32, #tpu.memory_space<vmem>>, vector<16xf32>,
      %get3A_2699 = vector.shape_cast %get3A_2698 : vector<16xf32> to vector<16xf32>
      %ge3A_2700 = vector.broadcast %sub3A_2693 : i32 to vector<16xi32>
      %ge3A_2701 = arith.cmpi sge, %iota3A, %ge3A_2700 : vector<16xi32>
      %jit3A_2702 = arith.constant 0.000000e+00 : f32
      %broadcast_in_dim3A_2703 = vector.broadcast %jit3A_2702 : f32 to vector<16xf32>
      %select_n3A_2704 = arith.select %ge3A_2701, %get3A_2699, %broadcast_in_dim3A_2703 : vector<16xi1>, vector<16xf32>
      %multiple_of3A_2705 = tpu.assume_multiple %mul3A_2695, 16 : i32
      %swap3A_2706 = arith.constant 7 : i32
      %swap3A_2707 = arith.index_cast %swap3A_2706 : i32 to index
      %swap3A_2708 = arith.index_cast %multiple_of3A_2705 : i32 to index
      %swap3A_2709 = tpu.vector_load %arg9[%swap3A_2707, %swap3A_2708] {strides = array<i32>} : memref<16x512xf32, #tpu.memory_space<vmem>>, vector<1x16xf32>,
      %swap3A_2710 = vector.shape_cast %swap3A_2709 : vector<1x16xf32> to vector<16xf32>
      %swap3A_2711 = vector.shape_cast %select_n3A_2704 : vector<16xf32> to vector<1x16xf32>
      tpu.vector_store %arg9[%swap3A_2707, %swap3A_2708], %swap3A_2711 {strides = array<i32>} : memref<16x512xf32, #tpu.memory_space<vmem>>, vector<1x16xf32>,
      %add3A_2712 = arith.constant 1 : i32
      %add3A_2713 = arith.addi %select_n3A_2690, %add3A_2712 : i32
      %parallel_loop3A_2714 = arith.constant 32 : i32
      %parallel_loop3A_2715 = arith.constant 1 : i32
      scf.for %parallel_loop3A_2826 = %add3A_2713 to %parallel_loop3A_2714 step %parallel_loop3A_2715  : i32 {
        %parallel_loop3A_2827 = arith.constant 16 : i32
        %parallel_loop3A_2828 = arith.muli %parallel_loop3A_2826, %parallel_loop3A_2827 : i32
        %parallel_loop3A_2829 = tpu.assume_multiple %parallel_loop3A_2828, 16 : i32
        %parallel_loop3A_2830 = arith.constant 16 : i32
        %parallel_loop3A_2831 = arith.muli %parallel_loop3A_2826, %parallel_loop3A_2830 : i32
        %parallel_loop3A_2832 = arith.addi %sub3A_2666, %parallel_loop3A_2831 : i32
        %parallel_loop3A_2833 = arith.index_cast %parallel_loop3A_2832 : i32 to index
        %parallel_loop3A_2834 = tpu.vector_load %arg5[%parallel_loop3A_2833] {strides = array<i32>} : memref<4080xf32, #tpu.memory_space<vmem>>, vector<16xf32>,
        %parallel_loop3A_2835 = vector.shape_cast %parallel_loop3A_2834 : vector<16xf32> to vector<16xf32>
        %parallel_loop3A_2836 = arith.constant 7 : i32
        %parallel_loop3A_2837 = arith.index_cast %parallel_loop3A_2836 : i32 to index
        %parallel_loop3A_2838 = arith.index_cast %parallel_loop3A_2829 : i32 to index
        %parallel_loop3A_2839 = tpu.vector_load %arg9[%parallel_loop3A_2837, %parallel_loop3A_2838] {strides = array<i32>} : memref<16x512xf32, #tpu.memory_space<vmem>>, vector<1x16xf32>,
        %parallel_loop3A_2840 = vector.shape_cast %parallel_loop3A_2839 : vector<1x16xf32> to vector<16xf32>
        %parallel_loop3A_2841 = vector.shape_cast %parallel_loop3A_2835 : vector<16xf32> to vector<1x16xf32>
        tpu.vector_store %arg9[%parallel_loop3A_2837, %parallel_loop3A_2838], %parallel_loop3A_2841 {strides = array<i32>} : memref<16x512xf32, #tpu.memory_space<vmem>>, vector<1x16xf32>,
      } {sc.loop_unroll_factor = 2 : i64, sc.parallel_access}
      %add3A_2716 = arith.constant 7 : i32
      %add3A_2717 = arith.addi %sub3A_5, %add3A_2716 : i32
      %sub3A_2718 = arith.constant 1023 : i32
      %sub3A_2719 = arith.subi %sub3A_2718, %add3A_2717 : i32
      %mul3A_2720 = arith.muli %add3A_2717, %sub3A_2719 : i32
      %jit3A_2721 = arith.constant 2 : i32
      %div3A_2722 = arith.divsi %mul3A_2720, %jit3A_2721 : i32
      %sign3A_2723 = arith.constant 0 : i32
      %sign3A_2724 = arith.cmpi sgt, %mul3A_2720, %sign3A_2723 : i32
      %sign3A_2725 = arith.extui %sign3A_2724 : i1 to i32
      %sign3A_2726 = arith.constant 0 : i32
      %sign3A_2727 = arith.cmpi slt, %mul3A_2720, %sign3A_2726 : i32
      %sign3A_2728 = arith.extui %sign3A_2727 : i1 to i32
      %sign3A_2729 = arith.subi %sign3A_2725, %sign3A_2728 : i32
      %sign3A_2730 = arith.constant 0 : i32
      %sign3A_2731 = arith.cmpi sgt, %jit3A_2721, %sign3A_2730 : i32
      %sign3A_2732 = arith.extui %sign3A_2731 : i1 to i32
      %sign3A_2733 = arith.constant 0 : i32
      %sign3A_2734 = arith.cmpi slt, %jit3A_2721, %sign3A_2733 : i32
      %sign3A_2735 = arith.extui %sign3A_2734 : i1 to i32
      %sign3A_2736 = arith.subi %sign3A_2732, %sign3A_2735 : i32
      %ne3A_2737 = arith.cmpi ne, %sign3A_2729, %sign3A_2736 : i32
      %rem3A_2738 = arith.remsi %mul3A_2720, %jit3A_2721 : i32
      %ne3A_2739 = arith.constant 0 : i32
      %ne3A_2740 = arith.cmpi ne, %rem3A_2738, %ne3A_2739 : i32
      %and3A_2741 = arith.andi %ne3A_2737, %ne3A_2740 : i1
      %sub3A_2742 = arith.constant 1 : i32
      %sub3A_2743 = arith.subi %div3A_2722, %sub3A_2742 : i32
      %select_n3A_2744 = arith.select %and3A_2741, %sub3A_2743, %div3A_2722 : i32
      %add3A_2745 = arith.addi %sub3A_1530, %select_n3A_2744 : i32
      %jit3A_2746 = arith.constant 16 : i32
      %div3A_2747 = arith.divsi %add3A_2717, %jit3A_2746 : i32
      %sign3A_2748 = arith.constant 0 : i32
      %sign3A_2749 = arith.cmpi sgt, %add3A_2717, %sign3A_2748 : i32
      %sign3A_2750 = arith.extui %sign3A_2749 : i1 to i32
      %sign3A_2751 = arith.constant 0 : i32
      %sign3A_2752 = arith.cmpi slt, %add3A_2717, %sign3A_2751 : i32
      %sign3A_2753 = arith.extui %sign3A_2752 : i1 to i32
      %sign3A_2754 = arith.subi %sign3A_2750, %sign3A_2753 : i32
      %sign3A_2755 = arith.constant 0 : i32
      %sign3A_2756 = arith.cmpi sgt, %jit3A_2746, %sign3A_2755 : i32
      %sign3A_2757 = arith.extui %sign3A_2756 : i1 to i32
      %sign3A_2758 = arith.constant 0 : i32
      %sign3A_2759 = arith.cmpi slt, %jit3A_2746, %sign3A_2758 : i32
      %sign3A_2760 = arith.extui %sign3A_2759 : i1 to i32
      %sign3A_2761 = arith.subi %sign3A_2757, %sign3A_2760 : i32
      %ne3A_2762 = arith.cmpi ne, %sign3A_2754, %sign3A_2761 : i32
      %rem3A_2763 = arith.remsi %add3A_2717, %jit3A_2746 : i32
      %ne3A_2764 = arith.constant 0 : i32
      %ne3A_2765 = arith.cmpi ne, %rem3A_2763, %ne3A_2764 : i32
      %and3A_2766 = arith.andi %ne3A_2762, %ne3A_2765 : i1
      %sub3A_2767 = arith.constant 1 : i32
      %sub3A_2768 = arith.subi %div3A_2747, %sub3A_2767 : i32
      %select_n3A_2769 = arith.select %and3A_2766, %sub3A_2768, %div3A_2747 : i32
      %mul3A_2770 = arith.constant 16 : i32
      %mul3A_2771 = arith.muli %select_n3A_2769, %mul3A_2770 : i32
      %sub3A_2772 = arith.subi %add3A_2717, %mul3A_2771 : i32
      %mul3A_2773 = arith.constant 16 : i32
      %mul3A_2774 = arith.muli %select_n3A_2769, %mul3A_2773 : i32
      %add3A_2775 = arith.addi %add3A_2745, %mul3A_2774 : i32
      %get3A_2776 = arith.index_cast %add3A_2775 : i32 to index
      %get3A_2777 = tpu.vector_load %arg7[%get3A_2776] {strides = array<i32>} : memref<2288xf32, #tpu.memory_space<vmem>>, vector<16xf32>,
      %get3A_2778 = vector.shape_cast %get3A_2777 : vector<16xf32> to vector<16xf32>
      %ge3A_2779 = vector.broadcast %sub3A_2772 : i32 to vector<16xi32>
      %ge3A_2780 = arith.cmpi sge, %iota3A, %ge3A_2779 : vector<16xi32>
      %jit3A_2781 = arith.constant 0.000000e+00 : f32
      %broadcast_in_dim3A_2782 = vector.broadcast %jit3A_2781 : f32 to vector<16xf32>
      %select_n3A_2783 = arith.select %ge3A_2780, %get3A_2778, %broadcast_in_dim3A_2782 : vector<16xi1>, vector<16xf32>
      %multiple_of3A_2784 = tpu.assume_multiple %mul3A_2774, 16 : i32
      %swap3A_2785 = arith.constant 15 : i32
      %swap3A_2786 = arith.index_cast %swap3A_2785 : i32 to index
      %swap3A_2787 = arith.index_cast %multiple_of3A_2784 : i32 to index
      %swap3A_2788 = tpu.vector_load %arg9[%swap3A_2786, %swap3A_2787] {strides = array<i32>} : memref<16x512xf32, #tpu.memory_space<vmem>>, vector<1x16xf32>,
      %swap3A_2789 = vector.shape_cast %swap3A_2788 : vector<1x16xf32> to vector<16xf32>
      %swap3A_2790 = vector.shape_cast %select_n3A_2783 : vector<16xf32> to vector<1x16xf32>
      tpu.vector_store %arg9[%swap3A_2786, %swap3A_2787], %swap3A_2790 {strides = array<i32>} : memref<16x512xf32, #tpu.memory_space<vmem>>, vector<1x16xf32>,
      %add3A_2791 = arith.constant 1 : i32
      %add3A_2792 = arith.addi %select_n3A_2769, %add3A_2791 : i32
      %parallel_loop3A_2793 = arith.constant 32 : i32
      %parallel_loop3A_2794 = arith.constant 1 : i32
      scf.for %parallel_loop3A_2826 = %add3A_2792 to %parallel_loop3A_2793 step %parallel_loop3A_2794  : i32 {
        %parallel_loop3A_2827 = arith.constant 16 : i32
        %parallel_loop3A_2828 = arith.muli %parallel_loop3A_2826, %parallel_loop3A_2827 : i32
        %parallel_loop3A_2829 = tpu.assume_multiple %parallel_loop3A_2828, 16 : i32
        %parallel_loop3A_2830 = arith.constant 16 : i32
        %parallel_loop3A_2831 = arith.muli %parallel_loop3A_2826, %parallel_loop3A_2830 : i32
        %parallel_loop3A_2832 = arith.addi %add3A_2745, %parallel_loop3A_2831 : i32
        %parallel_loop3A_2833 = arith.index_cast %parallel_loop3A_2832 : i32 to index
        %parallel_loop3A_2834 = tpu.vector_load %arg7[%parallel_loop3A_2833] {strides = array<i32>} : memref<2288xf32, #tpu.memory_space<vmem>>, vector<16xf32>,
        %parallel_loop3A_2835 = vector.shape_cast %parallel_loop3A_2834 : vector<16xf32> to vector<16xf32>
        %parallel_loop3A_2836 = arith.constant 15 : i32
        %parallel_loop3A_2837 = arith.index_cast %parallel_loop3A_2836 : i32 to index
        %parallel_loop3A_2838 = arith.index_cast %parallel_loop3A_2829 : i32 to index
        %parallel_loop3A_2839 = tpu.vector_load %arg9[%parallel_loop3A_2837, %parallel_loop3A_2838] {strides = array<i32>} : memref<16x512xf32, #tpu.memory_space<vmem>>, vector<1x16xf32>,
        %parallel_loop3A_2840 = vector.shape_cast %parallel_loop3A_2839 : vector<1x16xf32> to vector<16xf32>
        %parallel_loop3A_2841 = vector.shape_cast %parallel_loop3A_2835 : vector<16xf32> to vector<1x16xf32>
        tpu.vector_store %arg9[%parallel_loop3A_2837, %parallel_loop3A_2838], %parallel_loop3A_2841 {strides = array<i32>} : memref<16x512xf32, #tpu.memory_space<vmem>>, vector<1x16xf32>,
      } {sc.loop_unroll_factor = 2 : i64, sc.parallel_access}
      %dma_start3A_2795 = arith.constant 0 : i32
      %dma_start3A_2796 = arith.constant 0 : i32
      %dma_start3A_2797 = tpu.memref_slice %arg9[%dma_start3A_2795, %dma_start3A_2796] : memref<16x512xf32, #tpu.memory_space<vmem>> -> memref<8x512xf32, #tpu.memory_space<vmem>>
      %dma_start3A_2798 = arith.constant 0 : i32
      %dma_start3A_2799 = tpu.memref_slice %arg3[%add3A_1505, %mul3A_2, %dma_start3A_2798] : memref<128x512x512xf32, #tpu.memory_space<hbm>> -> memref<1x8x512xf32, #tpu.memory_space<hbm>>
      %dma_start3A_2800 = tpu.memref_squeeze %dma_start3A_2799 : memref<1x8x512xf32, #tpu.memory_space<hbm>> -> memref<8x512xf32, #tpu.memory_space<hbm>>
      %dma_start3A_2801 = arith.constant 0 : i32
      %dma_start3A_2802 = tpu.memref_slice %arg3[%add3A_1505, %mul3A_2, %dma_start3A_2801] : memref<128x512x512xf32, #tpu.memory_space<hbm>> -> memref<1x8x512xf32, #tpu.memory_space<hbm>>
      %dma_start3A_2803 = tpu.memref_squeeze %dma_start3A_2802 : memref<1x8x512xf32, #tpu.memory_space<hbm>> -> memref<8x512xf32, #tpu.memory_space<hbm>>
      %dma_start3A_2804 = arith.constant 0 : i32
      %dma_start3A_2805 = arith.constant 0 : i32
      %dma_start3A_2806 = tpu.memref_slice %arg9[%dma_start3A_2804, %dma_start3A_2805] : memref<16x512xf32, #tpu.memory_space<vmem>> -> memref<8x512xf32, #tpu.memory_space<vmem>>
      tpu.enqueue_dma source(%dma_start3A_2806 : memref<8x512xf32, #tpu.memory_space<vmem>>) target(%dma_start3A_2803 : memref<8x512xf32, #tpu.memory_space<hbm>>) target_semaphore(%arg13 : memref<!tpu.dma_semaphore, #tpu.memory_space<semaphore_mem>>)
      %dma_start3A_2807 = arith.constant 8 : i32
      %dma_start3A_2808 = arith.constant 0 : i32
      %dma_start3A_2809 = tpu.memref_slice %arg9[%dma_start3A_2807, %dma_start3A_2808] : memref<16x512xf32, #tpu.memory_space<vmem>> -> memref<8x512xf32, #tpu.memory_space<vmem>>
      %dma_start3A_2810 = arith.constant 0 : i32
      %dma_start3A_2811 = tpu.memref_slice %arg3[%add3A_1505, %sub3A_5, %dma_start3A_2810] : memref<128x512x512xf32, #tpu.memory_space<hbm>> -> memref<1x8x512xf32, #tpu.memory_space<hbm>>
      %dma_start3A_2812 = tpu.memref_squeeze %dma_start3A_2811 : memref<1x8x512xf32, #tpu.memory_space<hbm>> -> memref<8x512xf32, #tpu.memory_space<hbm>>
      %dma_start3A_2813 = arith.constant 0 : i32
      %dma_start3A_2814 = tpu.memref_slice %arg3[%add3A_1505, %sub3A_5, %dma_start3A_2813] : memref<128x512x512xf32, #tpu.memory_space<hbm>> -> memref<1x8x512xf32, #tpu.memory_space<hbm>>
      %dma_start3A_2815 = tpu.memref_squeeze %dma_start3A_2814 : memref<1x8x512xf32, #tpu.memory_space<hbm>> -> memref<8x512xf32, #tpu.memory_space<hbm>>
      %dma_start3A_2816 = arith.constant 8 : i32
      %dma_start3A_2817 = arith.constant 0 : i32
      %dma_start3A_2818 = tpu.memref_slice %arg9[%dma_start3A_2816, %dma_start3A_2817] : memref<16x512xf32, #tpu.memory_space<vmem>> -> memref<8x512xf32, #tpu.memory_space<vmem>>
      tpu.enqueue_dma source(%dma_start3A_2818 : memref<8x512xf32, #tpu.memory_space<vmem>>) target(%dma_start3A_2815 : memref<8x512xf32, #tpu.memory_space<hbm>>) target_semaphore(%arg13 : memref<!tpu.dma_semaphore, #tpu.memory_space<semaphore_mem>>)
      %add3A_2819 = arith.constant 2 : i32
      %add3A_2820 = arith.addi %add3A_1505, %add3A_2819 : i32
      %lt3A_2821 = arith.constant 128 : i32
      %lt3A_2822 = arith.cmpi slt, %add3A_2820, %lt3A_2821 : i32
      %convert_element_type3A_2823 = arith.extui %lt3A_2822 : i1 to i32
      %cond3A_2824 = arith.constant 0 : i32
      %cond3A_2825 = arith.cmpi ne, %convert_element_type3A_2823, %cond3A_2824 : i32
      scf.if %cond3A_2825 {
        %add3A_2826 = arith.constant 2 : i32
        %add3A_2827 = arith.addi %add3A_1505, %add3A_2826 : i32
        %mul3A_2828 = arith.constant 131328 : i32
        %mul3A_2829 = arith.muli %add3A_2827, %mul3A_2828 : i32
        %add3A_2830 = arith.addi %mul3A_2829, %mul3A_51 : i32
        %dma_start3A_2831 = tpu.memref_slice %arg2[%add3A_2830] : memref<16809984xf32, #tpu.memory_space<hbm>> -> memref<4080xf32, #tpu.memory_space<hbm>>
        %dma_start3A_2832 = tpu.memref_slice %arg2[%add3A_2830] : memref<16809984xf32, #tpu.memory_space<hbm>> -> memref<4080xf32, #tpu.memory_space<hbm>>
        tpu.enqueue_dma source(%dma_start3A_2832 : memref<4080xf32, #tpu.memory_space<hbm>>) target(%arg5 : memref<4080xf32, #tpu.memory_space<vmem>>) target_semaphore(%arg11 : memref<!tpu.dma_semaphore, #tpu.memory_space<semaphore_mem>>)
        %add3A_2833 = arith.constant 2 : i32
        %add3A_2834 = arith.addi %add3A_1505, %add3A_2833 : i32
        %mul3A_2835 = arith.constant 131328 : i32
        %mul3A_2836 = arith.muli %add3A_2834, %mul3A_2835 : i32
        %add3A_2837 = arith.addi %mul3A_2836, %mul3A_104 : i32
        %min3A_2838 = arith.constant 16807696 : i32
        %min3A_2839 = arith.minsi %add3A_2837, %min3A_2838 : i32
        %dma_start3A_2840 = tpu.memref_slice %arg2[%min3A_2839] : memref<16809984xf32, #tpu.memory_space<hbm>> -> memref<2288xf32, #tpu.memory_space<hbm>>
        %dma_start3A_2841 = tpu.memref_slice %arg2[%min3A_2839] : memref<16809984xf32, #tpu.memory_space<hbm>> -> memref<2288xf32, #tpu.memory_space<hbm>>
        tpu.enqueue_dma source(%dma_start3A_2841 : memref<2288xf32, #tpu.memory_space<hbm>>) target(%arg7 : memref<2288xf32, #tpu.memory_space<vmem>>) target_semaphore(%arg11 : memref<!tpu.dma_semaphore, #tpu.memory_space<semaphore_mem>>)
      } else {
      }
    }
    %scan3A_134 = arith.constant 64 : i32
    %dma_wait3A = arith.constant 126 : i32
    %dma_wait3A_135 = arith.constant 0 : i32
    %dma_wait3A_136 = arith.constant 0 : i32
    %dma_wait3A_137 = tpu.memref_slice %arg8[%dma_wait3A_135, %dma_wait3A_136] : memref<16x512xf32, #tpu.memory_space<vmem>> -> memref<8x512xf32, #tpu.memory_space<vmem>>
    %dma_wait3A_138 = arith.constant 0 : i32
    %dma_wait3A_139 = tpu.memref_slice %arg3[%dma_wait3A, %mul3A_2, %dma_wait3A_138] : memref<128x512x512xf32, #tpu.memory_space<hbm>> -> memref<1x8x512xf32, #tpu.memory_space<hbm>>
    %dma_wait3A_140 = tpu.memref_squeeze %dma_wait3A_139 : memref<1x8x512xf32, #tpu.memory_space<hbm>> -> memref<8x512xf32, #tpu.memory_space<hbm>>
    %dma_wait3A_141 = arith.constant 0 : i32
    %dma_wait3A_142 = tpu.memref_slice %arg3[%dma_wait3A, %mul3A_2, %dma_wait3A_141] : memref<128x512x512xf32, #tpu.memory_space<hbm>> -> memref<1x8x512xf32, #tpu.memory_space<hbm>>
    %dma_wait3A_143 = tpu.memref_squeeze %dma_wait3A_142 : memref<1x8x512xf32, #tpu.memory_space<hbm>> -> memref<8x512xf32, #tpu.memory_space<hbm>>
    %dma_wait3A_144 = arith.constant 0 : i32
    %dma_wait3A_145 = arith.constant 0 : i32
    %dma_wait3A_146 = tpu.memref_slice %arg8[%dma_wait3A_144, %dma_wait3A_145] : memref<16x512xf32, #tpu.memory_space<vmem>> -> memref<8x512xf32, #tpu.memory_space<vmem>>
    tpu.wait_dma2 semaphore(%arg12 : memref<!tpu.dma_semaphore, #tpu.memory_space<semaphore_mem>>) src(%dma_wait3A_146 : memref<8x512xf32, #tpu.memory_space<vmem>>) dst(%dma_wait3A_143 : memref<8x512xf32, #tpu.memory_space<hbm>>)
    %dma_wait3A_147 = arith.constant 126 : i32
    %dma_wait3A_148 = arith.constant 8 : i32
    %dma_wait3A_149 = arith.constant 0 : i32
    %dma_wait3A_150 = tpu.memref_slice %arg8[%dma_wait3A_148, %dma_wait3A_149] : memref<16x512xf32, #tpu.memory_space<vmem>> -> memref<8x512xf32, #tpu.memory_space<vmem>>
    %dma_wait3A_151 = arith.constant 0 : i32
    %dma_wait3A_152 = tpu.memref_slice %arg3[%dma_wait3A_147, %sub3A_5, %dma_wait3A_151] : memref<128x512x512xf32, #tpu.memory_space<hbm>> -> memref<1x8x512xf32, #tpu.memory_space<hbm>>
    %dma_wait3A_153 = tpu.memref_squeeze %dma_wait3A_152 : memref<1x8x512xf32, #tpu.memory_space<hbm>> -> memref<8x512xf32, #tpu.memory_space<hbm>>
    %dma_wait3A_154 = arith.constant 0 : i32
    %dma_wait3A_155 = tpu.memref_slice %arg3[%dma_wait3A_147, %sub3A_5, %dma_wait3A_154] : memref<128x512x512xf32, #tpu.memory_space<hbm>> -> memref<1x8x512xf32, #tpu.memory_space<hbm>>
    %dma_wait3A_156 = tpu.memref_squeeze %dma_wait3A_155 : memref<1x8x512xf32, #tpu.memory_space<hbm>> -> memref<8x512xf32, #tpu.memory_space<hbm>>
    %dma_wait3A_157 = arith.constant 8 : i32
    %dma_wait3A_158 = arith.constant 0 : i32
    %dma_wait3A_159 = tpu.memref_slice %arg8[%dma_wait3A_157, %dma_wait3A_158] : memref<16x512xf32, #tpu.memory_space<vmem>> -> memref<8x512xf32, #tpu.memory_space<vmem>>
    tpu.wait_dma2 semaphore(%arg12 : memref<!tpu.dma_semaphore, #tpu.memory_space<semaphore_mem>>) src(%dma_wait3A_159 : memref<8x512xf32, #tpu.memory_space<vmem>>) dst(%dma_wait3A_156 : memref<8x512xf32, #tpu.memory_space<hbm>>)
    %dma_wait3A_160 = arith.constant 127 : i32
    %dma_wait3A_161 = arith.constant 0 : i32
    %dma_wait3A_162 = arith.constant 0 : i32
    %dma_wait3A_163 = tpu.memref_slice %arg9[%dma_wait3A_161, %dma_wait3A_162] : memref<16x512xf32, #tpu.memory_space<vmem>> -> memref<8x512xf32, #tpu.memory_space<vmem>>
    %dma_wait3A_164 = arith.constant 0 : i32
    %dma_wait3A_165 = tpu.memref_slice %arg3[%dma_wait3A_160, %mul3A_2, %dma_wait3A_164] : memref<128x512x512xf32, #tpu.memory_space<hbm>> -> memref<1x8x512xf32, #tpu.memory_space<hbm>>
    %dma_wait3A_166 = tpu.memref_squeeze %dma_wait3A_165 : memref<1x8x512xf32, #tpu.memory_space<hbm>> -> memref<8x512xf32, #tpu.memory_space<hbm>>
    %dma_wait3A_167 = arith.constant 0 : i32
    %dma_wait3A_168 = tpu.memref_slice %arg3[%dma_wait3A_160, %mul3A_2, %dma_wait3A_167] : memref<128x512x512xf32, #tpu.memory_space<hbm>> -> memref<1x8x512xf32, #tpu.memory_space<hbm>>
    %dma_wait3A_169 = tpu.memref_squeeze %dma_wait3A_168 : memref<1x8x512xf32, #tpu.memory_space<hbm>> -> memref<8x512xf32, #tpu.memory_space<hbm>>
    %dma_wait3A_170 = arith.constant 0 : i32
    %dma_wait3A_171 = arith.constant 0 : i32
    %dma_wait3A_172 = tpu.memref_slice %arg9[%dma_wait3A_170, %dma_wait3A_171] : memref<16x512xf32, #tpu.memory_space<vmem>> -> memref<8x512xf32, #tpu.memory_space<vmem>>
    tpu.wait_dma2 semaphore(%arg13 : memref<!tpu.dma_semaphore, #tpu.memory_space<semaphore_mem>>) src(%dma_wait3A_172 : memref<8x512xf32, #tpu.memory_space<vmem>>) dst(%dma_wait3A_169 : memref<8x512xf32, #tpu.memory_space<hbm>>)
    %dma_wait3A_173 = arith.constant 127 : i32
    %dma_wait3A_174 = arith.constant 8 : i32
    %dma_wait3A_175 = arith.constant 0 : i32
    %dma_wait3A_176 = tpu.memref_slice %arg9[%dma_wait3A_174, %dma_wait3A_175] : memref<16x512xf32, #tpu.memory_space<vmem>> -> memref<8x512xf32, #tpu.memory_space<vmem>>
    %dma_wait3A_177 = arith.constant 0 : i32
    %dma_wait3A_178 = tpu.memref_slice %arg3[%dma_wait3A_173, %sub3A_5, %dma_wait3A_177] : memref<128x512x512xf32, #tpu.memory_space<hbm>> -> memref<1x8x512xf32, #tpu.memory_space<hbm>>
    %dma_wait3A_179 = tpu.memref_squeeze %dma_wait3A_178 : memref<1x8x512xf32, #tpu.memory_space<hbm>> -> memref<8x512xf32, #tpu.memory_space<hbm>>
    %dma_wait3A_180 = arith.constant 0 : i32
    %dma_wait3A_181 = tpu.memref_slice %arg3[%dma_wait3A_173, %sub3A_5, %dma_wait3A_180] : memref<128x512x512xf32, #tpu.memory_space<hbm>> -> memref<1x8x512xf32, #tpu.memory_space<hbm>>
    %dma_wait3A_182 = tpu.memref_squeeze %dma_wait3A_181 : memref<1x8x512xf32, #tpu.memory_space<hbm>> -> memref<8x512xf32, #tpu.memory_space<hbm>>
    %dma_wait3A_183 = arith.constant 8 : i32
    %dma_wait3A_184 = arith.constant 0 : i32
    %dma_wait3A_185 = tpu.memref_slice %arg9[%dma_wait3A_183, %dma_wait3A_184] : memref<16x512xf32, #tpu.memory_space<vmem>> -> memref<8x512xf32, #tpu.memory_space<vmem>>
    tpu.wait_dma2 semaphore(%arg13 : memref<!tpu.dma_semaphore, #tpu.memory_space<semaphore_mem>>) src(%dma_wait3A_185 : memref<8x512xf32, #tpu.memory_space<vmem>>) dst(%dma_wait3A_182 : memref<8x512xf32, #tpu.memory_space<hbm>>)
    return
  }
}

</mosaic_0001>

<sc_bundles>
// kernel: kernel.3.cloned.1.call-start
scs
__scs_entry_jumppad:
0x0: {  	(pc) =	sbr.rel $0x88, $3  }
0x1: {  	(tag) =	ssettag $0x0;
	lr =	simm.s32 $0x1  }
0x2: {  	[smem:$0x3FA0] =	sst lr;
	_ =	strace $0xD0000000  }
0x3: {  	_ = 	snop  }
0x4: {  	_ = 	snop  }
0x5: {  	_ = 	snop  }
0x6: {  	_ = 	snop  }
0x7: {  	_ = 	snop  }
__scs_overlays_trampoline_lowered:
0x8: {  	[smem:$0x3FAF] =	sst s0  }
0x9: {  	[smem:$0x3FB0] =	sst s1  }
0xa: {  	[smem:$0x3FB1] =	sst s2  }
0xb: {  	[smem:$0x3FB2] =	sst s3  }
0xc: {  	[smem:$0x3FB3] =	sst s4  }
0xd: {  	[smem:$0x3FB4] =	sst s5  }
0xe: {  	[smem:$0x3FB5] =	sst s6  }
0xf: {  	[smem:$0x3FB6] =	sst s7  }
0x10: {  	[smem:$0x3FB7] =	sst s8  }
0x11: {  	[smem:$0x3FB8] =	sst s9;
	s0 =	simm.s32 @!p0 $0x0  }
0x12: {  	s1 =	sld [smem:$0x3F9E];
	s0 =	simm.s32 @p0 $0x1  }
0x13: {  	[smem:$0x3FB9] =	sst s0;
	s0 =	simm.s32 @!p1 $0x0  }
0x14: {  	s2 =	sld [smem:$0x3F9D];
	s0 =	simm.s32 @p1 $0x1  }
0x15: {  	[smem:$0x3FBA] =	sst s0;
	s0 =	simm.s32 @!p2 $0x0  }
0x16: {  	s3 =	sld [smem:$0x3FDB];
	s0 =	simm.s32 @p2 $0x1  }
0x17: {  	s4 =	simm.s32 $0x1BF5;
	[smem:$0x3FBC] =	sst s0  }
0x18: {  	s0 =	sld [smem:$0x3F9F];
	_ =	swait.ge [sflag:s4], $0x0  }
0x19: {  	s7 =	sld [smem:$0x3FA0]  }
0x1a: {  	s8 =	sadd.s32 $0xFFFFE003, lr  }
0x1b: {  	s9 =	sadd.s32 $0xFFFFFEF7, lr;
	s5 =	simm.s32 $0xFFFFFFFF;
	p2 =	slt.u32 s8, $0xFFFFF086  }
0x1c: {  	p1 =	slt.u32 s9, $0xF7A;
	s5 =	simm.s32 @!p2 $0x0  }
0x1d: {  	s5 =	simm.s32 @p1 $0x1;
	p0 =	seq.s32 s7, s2  }
0x1e: {  	s7 =	smul.u32 @!p0 $0xF7A, s2;
	p2 =	seq.s32 @!p0 s5, $0x0  }
0x1f: {  	s9 =	smul.u32 $0xF7A, s1;
	s8 =	simm.s32 @!p0 $0x1BF5;
	p2 =	por !p2, p0  }
0x20: {  	[sflag:s8] =	ssyncset.s32 @!p0 $0xFFFFF086;
	s6 =	sadd.s32 @!p0 s3, s7;
	s7 =	simm.s32 @!p0 $0x108  }
0x21: {  	s3 =	sadd.s32 s3, s9;
	s6 =	sadd.s32 @!p0 $0x88, s6;
	s7 =	simm.s32 @p2 $0x1082  }
0x22: {  	[simem:s7], [sflag:s8] =	dma.local @!p0 [hbm:s6], $0xF7A  }
0x23: {  	s9 =	sor.u32 $0xD0000000, s2;
	s6 =	simm.s32 $0x108;
	_ =	swait.ge @!p0 [sflag:s8], $0x0  }
0x24: {  	s3 =	sadd.s32 $0x88, s3;
	s6 =	simm.s32 @!p1 $0x1082;
	[sflag:s4] =	ssyncset.s32 $0xFFFFF086  }
0x25: {  	[simem:s6], [sflag:s4] =	dma.local [hbm:s3], $0xF7A  }
0x26: {  	[smem:$0x3FA0] =	sst s1;
	(tag) =	ssettag s2;
	_ =	strace s9  }
0x27: {  	s1 =	sld [smem:$0x3FB0]  }
0x28: {  	s2 =	sld [smem:$0x3FB1]  }
0x29: {  	s4 =	sld [smem:$0x3FB3]  }
0x2a: {  	p0 =	seq.s32 s5, $0x0;
	s5 =	sld [smem:$0x3FB4]  }
0x2b: {  	s6 =	sld [smem:$0x3FB5]  }
0x2c: {  	s7 =	sld [smem:$0x3FB6]  }
0x2d: {  	s3 =	simm.s32 $0x108;
	s8 =	sld [smem:$0x3FB7]  }
0x2e: {  	s3 =	simm.s32 @!p0 $0x1082;
	s9 =	sld [smem:$0x3FB8]  }
0x2f: {  	lr =	sadd.s32 s0, s3;
	s0 =	sld [smem:$0x3FAF]  }
0x30: {  	s3 =	sld [smem:$0x3FB2]  }
0x31: {  	[smem:$0x3FBB] =	sst s10  }
0x32: {  	s10 =	sld [smem:$0x3FB9];
	_ =	sdelay $0x3  }
0x33: {  	p0 =	seq.s32 s10, $0x1;
	s10 =	sld [smem:$0x3FBB];
	_ =	sdelay $0x3  }
0x34: {  	[smem:$0x3FBB] =	sst s10  }
0x35: {  	s10 =	sld [smem:$0x3FBA];
	_ =	sdelay $0x3  }
0x36: {  	p1 =	seq.s32 s10, $0x1;
	s10 =	sld [smem:$0x3FBB];
	_ =	sdelay $0x3  }
0x37: {  	[smem:$0x3FBB] =	sst s10  }
0x38: {  	s10 =	sld [smem:$0x3FBC]  }
0x39: {  	_ = 	snop;
	(pc) =	sbr.ind lr, $3  }
0x3a: {  	_ = 	snop  }
0x3b: {  	_ = 	snop  }
0x3c: {  	p2 =	seq.s32 s10, $0x1;
	s10 =	sld [smem:$0x3FBB]  }
0x3d: {  	_ =	shalt  }
0x3e: {  	_ =	shalt  }
0x3f: {  	_ =	shalt  }
0x40: {  	_ =	shalt  }
0x41: {  	_ =	shalt  }
0x42: {  	_ =	shalt  }
0x43: {  	_ =	shalt  }
0x44: {  	_ =	shalt  }
0x45: {  	_ =	shalt  }
0x46: {  	_ =	shalt  }
0x47: {  	_ =	shalt  }
0x48: {  	_ =	shalt  }
0x49: {  	_ =	shalt  }
0x4a: {  	_ =	shalt  }
0x4b: {  	_ =	shalt  }
0x4c: {  	_ =	shalt  }
0x4d: {  	_ =	shalt  }
0x4e: {  	_ =	shalt  }
0x4f: {  	_ =	shalt  }
0x50: {  	_ =	shalt  }
0x51: {  	_ =	shalt  }
0x52: {  	_ =	shalt  }
0x53: {  	_ =	shalt  }
0x54: {  	_ =	shalt  }
0x55: {  	_ =	shalt  }
0x56: {  	_ =	shalt  }
0x57: {  	_ =	shalt  }
0x58: {  	_ =	shalt  }
0x59: {  	_ =	shalt  }
0x5a: {  	_ =	shalt  }
0x5b: {  	_ =	shalt  }
0x5c: {  	_ =	shalt  }
0x5d: {  	_ =	shalt  }
0x5e: {  	_ =	shalt  }
0x5f: {  	_ =	shalt  }
0x60: {  	_ =	shalt  }
0x61: {  	_ =	shalt  }
0x62: {  	_ =	shalt  }
0x63: {  	_ =	shalt  }
0x64: {  	_ =	shalt  }
0x65: {  	_ =	shalt  }
0x66: {  	_ =	shalt  }
0x67: {  	_ =	shalt  }
0x68: {  	_ =	shalt  }
0x69: {  	_ =	shalt  }
0x6a: {  	_ =	shalt  }
0x6b: {  	_ =	shalt  }
0x6c: {  	_ =	shalt  }
0x6d: {  	_ =	shalt  }
0x6e: {  	_ =	shalt  }
0x6f: {  	_ =	shalt  }
0x70: {  	_ =	shalt  }
0x71: {  	_ =	shalt  }
0x72: {  	_ =	shalt  }
0x73: {  	_ =	shalt  }
0x74: {  	_ =	shalt  }
0x75: {  	_ =	shalt  }
0x76: {  	_ =	shalt  }
0x77: {  	_ =	shalt  }
0x78: {  	_ =	shalt  }
0x79: {  	_ =	shalt  }
0x7a: {  	_ =	shalt  }
0x7b: {  	_ =	shalt  }
0x7c: {  	_ =	shalt  }
0x7d: {  	_ =	shalt  }
0x7e: {  	_ =	shalt  }
0x7f: {  	_ =	shalt  }
0x80: {  	_ =	shalt  }
0x81: {  	_ =	shalt  }
0x82: {  	_ =	shalt  }
0x83: {  	_ =	shalt  }
0x84: {  	_ =	shalt  }
0x85: {  	_ =	shalt  }
0x86: {  	_ =	shalt  }
0x87: {  	_ =	shalt  }
.Lfunc_end0:
.L_simem_size_0:
called_computation_lowered:
.L_overlay_start_0:
0x88: {  	s2 =	sld [smem:$0x3FD9]  }
0x89: {  	s3 =	sld [smem:$0x3FFE];
	_ =	sdelay $0x1  }
0x8a: {  	s1 =	srdreg.scid  }
0x8b: {  	s0 =	sand.u32 $0x1, s1  }
0x8c: {  	s17 =	sshll.u32 s0, $0xA;
	s2 =	sadd.s32 s3, s2  }
0x8d: {  	s2 =	sadd.s32 s2, s17  }
0x8e: {  	[smem:$0x3FC7] =	sst s2  }
0x8f: {  	_ = 	snop  }
0x90: {  	s2 =	sld [smem:$0x3FD0];
	(tm) =	ssettm $0x1  }
0x91: {  	s18 =	sld [smem:$0x3FFB];
	_ =	sdelay $0x3  }
0x92: {  	_ =	strace s18  }
0x93: {  	s3 =	sld [smem:$0x3FFC];
	_ =	sdelay $0x3  }
0x94: {  	_ =	strace s3  }
0x95: {  	s3 =	sld [smem:$0x3FFD];
	_ =	sdelay $0x3  }
0x96: {  	_ =	strace s3  }
0x97: {  	_ =	strace $0x8FFFFFFF  }
0x98: {  	s19 =	sld [smem:$0x3FDB];
	_ =	sdelay $0x1  }
0x99: {  	s4 =	simm.s32 $_scs_section_size  }
0x9a: {  	s5 =	simm.s32 $_size__tile_overlayer_lowered;
	s6 =	simm.s32 $_tile_overlayer_lowered  }
0x9b: {  	s22 =	simm.s32 $0x1BFF;
	s21 =	sshll.u32 s6, $0x1;
	s3 =	sadd.s32 s4, s19  }
0x9c: {  	s7 =	simm.s32 $0x0;
	s20 =	sshll.u32 s5, $0x1;
	s5 =	sadd.s32 s21, s3  }
0x9d: {  	[timem:s7], [sflag:s22] =	dma.local [hbm:s5], s20  }
0x9e: {  	_ =	swait.ge [sflag:s22], s20  }
0x9f: {  	s4 =	ssub.s32 $0x0, s20;
	[sflag:s22] =	ssyncset.done $0x0  }
0xa0: {  	[sflag:s22] =	ssyncadd.s32 s4;
	_ =	sdelay $0x1  }
0xa1: {  	s23 =	simm.s32 $0x1B8B  }
0xa2: {  	_ =	swait.ge [sflag:s23], $0x1  }
0xa3: {  	[sflag:s23] =	ssyncset.done $0x0  }
0xa4: {  	s25 =	simm.s32 $0x1B8E;
	s24 =	sld [smem:$0x3FFE];
	[sflag:s23] =	ssyncadd.s32 $0xFFFFFFFF  }
0xa5: {  	s26 =	simm.s32 $execute0_lowered;
	[smem:$0x3FD2] =	sst s25  }
0xa6: {  	s5 =	sshll.u32 s26, $0x1;
	_ =	strace $0x80000046;
	[dreg:$0x1] =	wrdreg $0xFFFFFFFF  }
0xa7: {  	s28 =	simm.s32 $_size_execute0_lowered;
	s3 =	sadd.s32 s3, s5;
	[dreg:$0x0] =	wrdreg $0x0  }
0xa8: {  	s5 =	sshll.u32 s28, $0x1;
	[dreg:$0x2] =	wrdreg s3  }
0xa9: {  	[dreg:$0x3] =	wrdreg s5  }
0xaa: {  	[dreg:$0x4] =	wrdreg $0xC0  }
0xab: {  	_ =	task [dreg:s7], $0x5FFFF  }
0xac: {  	[dreg:$0x1] =	wrdreg $0xFFFFFFFF  }
0xad: {  	[dreg:$0x0] =	wrdreg $0x60  }
0xae: {  	[dreg:$0x2] =	wrdreg s24  }
0xaf: {  	[dreg:$0x3] =	wrdreg s2  }
0xb0: {  	[dreg:$0x4] =	wrdreg $0x9  }
0xb1: {  	_ =	task.clear_ibuf [dreg:s7], $0x5FFFF;
	_ =	strace $0x90000046  }
0xb2: {  	s29 =	simm.s32 $0x9;
	_ =	strace $0x80000048  }
0xb3: {  	_ =	swait.ge [sflag:s29], $0x1  }
0xb4: {  	[sflag:s29] =	ssyncadd.s32 $0xFFFFFFFF  }
0xb5: {  	_ =	strace $0x90000048  }
0xb6: {  	_ =	sfence  }
0xb7: {  	s30 =	sld [smem:$0x0];
	_ =	sdelay $0x2  }
0xb8: {  	s31 =	sshll.u32 s1, $0xD;
	s1 =	sshrl.u32 s1, $0x2  }
0xb9: {  	s3 =	sand.u32 $0x4000, s31;
	s1 =	sadd.s32 s1, s30  }
0xba: {  	s0 =	sor.u32 s3, s0;
	s1 =	sshll.u32 s1, $0x11  }
0xbb: {  	s0 =	sor.u32 s1, s0  }
0xbc: {  	s0 =	sadd.s32 $0x8F2B, s0  }
0xbd: {  	[sflag:s0] =	ssyncadd.remote.s32 $0x1  }
0xbe: {  	_ =	sfence.sel $0xFFFF  }
0xbf: {  	[dreg:$0x0] =	wrdreg $0xFFFFFFFF;
	(pc) =	sbr.abs _section_cstart, $3  }
0xc0: {  	[dreg:$0x1] =	wrdreg $0xFFFFFFFF  }
0xc1: {  	_ =	task.clear_ibuf [dreg:s7], $0x2FFFF;
	_ =	strace $0x9FFFFFFF  }
0xc2: {  	(tm) =	ssettm $0x7FFFFFFF  }
0xc3: {  	_ =	shalt  }
tec
execute0_lowered:
.L_overlay_start_1:
0x0: {  	(tag) =	ssettag $0x1  }
0x1: {  	s0 =	srdreg.scid  }
0x2: {  	s4 =	stileid.u32;
	s0 =	sand.u32 $0x1, s0  }
0x3: {  	s5 =	simm.s32 $0x1;
	s6 =	sshll.u32 s4, $0x4;
	s1 =	sshll.u32 s0, $0x3  }
0x4: {  	s10 =	ssub.s32 $0x2, s0;
	p1 =	seq.s32 s0, $0x1;
	s2 =	sor.u32 s1, s6  }
0x5: {  	s11 =	sshrl.u32 s10, $0x1;
	p0 =	seq.s32 s2, $0x0;
	s3 =	sxor.u32 $0x3FF, s2  }
0x6: {  	s0 =	ssub.s32 s10, s11;
	s12 =	sor.u32 $0x207, s2;
	s13 =	sxor.u32 $0x1F8, s2  }
0x7: {  	s20 =	sor.u32 $0x1, s2;
	s21 =	sxor.u32 $0x3FE, s2;
	s23 =	sxor.u32 $0x1F9, s2  }
0x8: {  	s30 =	sxor.u32 $0x1FD, s2;
	p0 =	por !p0, !p1;
	[smem:$0x72F] =	sst s0  }
0x9: {  	s8 =	smul.u32 s2, s3;
	s14 =	smov.u32 s13;
	[smem:$0x709] =	sst s20  }
0xa: {  	s11 =	smul.u32 s21, s20;
	s22 =	sshll.u32 s23, $0x3;
	s25 =	sand.u32 $0x70, s23  }
0xb: {  	s20 =	sxor.u32 $0x3FD, s2;
	s21 =	sor.u32 $0x3, s2;
	p0 =	por !p0, !p0  }
0xc: {  	s17 =	sshll.u32 s14, $0x3;
	s18 =	sand.u32 $0x70, s14;
	s7 =	smov.u32 s14  }
0xd: {  	[smem:$0x726] =	sst s14;
	s14 =	sand.u32 $0x70, s30;
	s5 =	simm.s32 @!p0 $0x0  }
0xe: {  	[smem:$0x711] =	sst s21;
	s24 =	ssub.s32 s4, s5;
	s4 =	smul.u32 s12, s13  }
0xf: {  	[smem:$0x703] =	sst s8;
	s15 =	sshll.u32 s24, $0x4;
	s16 =	sshll.u32 s24, $0x7  }
0x10: {  	[smem:$0x704] =	sst s4;
	s1 =	sand.u32 $0x70, s15;
	s0 =	sand.u32 $0xFFFFFC00, s16  }
0x11: {  	s19 =	sand.u32 $0xC00, s17;
	[smem:$0x706] =	sst s15;
	s0 =	sor.u32 s1, s0  }
0x12: {  	s13 =	sshll.u32 s30, $0x3;
	s1 =	sshrl.u32 s8, $0x1;
	[dreg:$0x3] =	wrdreg s0  }
0x13: {  	s0 =	sor.u32 s19, s18;
	s19 =	sxor.u32 $0x1FA, s2;
	s18 =	sor.u32 $0x2, s2  }
0x14: {  	[smem:$0x708] =	sst s0;
	s0 =	sand.u32 $0xC00, s22;
	s26 =	sshll.u32 s19, $0x3  }
0x15: {  	s28 =	sand.u32 $0x70, s19;
	[smem:$0x70D] =	sst s18;
	s0 =	sor.u32 s0, s25  }
0x16: {  	s22 =	sxor.u32 $0x3FC, s2;
	s25 =	sxor.u32 $0x1FB, s2;
	[smem:$0x70C] =	sst s0  }
0x17: {  	s0 =	sand.u32 $0xC00, s26;
	s29 =	sshll.u32 s25, $0x3;
	s31 =	sand.u32 $0x70, s25  }
0x18: {  	s26 =	sxor.u32 $0x1FC, s2;
	s3 =	sand.u32 $0xC00, s29;
	s0 =	sor.u32 s0, s28  }
0x19: {  	s10 =	sshll.u32 s26, $0x3;
	s12 =	sand.u32 $0x70, s26;
	s28 =	sor.u32 $0x4, s2  }
0x1a: {  	s29 =	sxor.u32 $0x3FB, s2;
	[smem:$0x710] =	sst s0;
	s9 =	sor.u32 s3, s31  }
0x1b: {  	s0 =	sand.u32 $0xC00, s10;
	s31 =	smul.u32 s20, s18;
	[smem:$0x715] =	sst s28  }
0x1c: {  	s20 =	smul.u32 s29, s28;
	s10 =	sshrl.u32 s8, $0x4;
	s18 =	sxor.u32 $0x3F9, s2  }
0x1d: {  	s28 =	sor.u32 $0x7, s2;
	s29 =	sxor.u32 $0x3F8, s2;
	[smem:$0x714] =	sst s9  }
0x1e: {  	s0 =	sor.u32 s0, s12;
	s9 =	sxor.u32 $0x1FE, s2;
	[smem:$0x705] =	sst s10  }
0x1f: {  	s5 =	sshll.u32 s10, $0x3;
	s12 =	sor.u32 $0x5, s2;
	[smem:$0x721] =	sst s28  }
0x20: {  	[smem:$0x718] =	sst s0;
	s0 =	sand.u32 $0xC00, s13;
	s15 =	sshll.u32 s9, $0x3  }
0x21: {  	s16 =	sand.u32 $0x70, s9;
	[smem:$0x719] =	sst s12;
	s13 =	sxor.u32 $0x3FA, s2  }
0x22: {  	s0 =	sor.u32 s0, s14;
	s17 =	sand.u32 $0xC00, s15;
	s14 =	smul.u32 s22, s21  }
0x23: {  	s12 =	smul.u32 s13, s12;
	[smem:$0x71C] =	sst s0;
	s0 =	sor.u32 s17, s16  }
0x24: {  	s15 =	sshrl.u32 s11, $0x1;
	s17 =	sor.u32 $0x6, s2;
	[smem:$0x720] =	sst s0  }
0x25: {  	s16 =	sshrl.u32 s31, $0x1;
	s0 =	ssub.s32 s1, s5;
	[smem:$0x71D] =	sst s17  }
0x26: {  	s21 =	ssub.s32 s16, s5;
	s3 =	smul.u32 s18, s17;
	s22 =	sshrl.u32 s14, $0x1  }
0x27: {  	s10 =	sshrl.u32 s12, $0x1;
	s18 =	sshrl.u32 s7, $0x4;
	[smem:$0x707] =	sst s0  }
0x28: {  	s7 =	sshrl.u32 s23, $0x4;
	s14 =	sshll.u32 s14, $0x1;
	[smem:$0x70E] =	sst s21  }
0x29: {  	s12 =	sshll.u32 s12, $0x1;
	s0 =	ssub.s32 s15, s5;
	[smem:$0x73A] =	sst s18  }
0x2a: {  	s1 =	ssub.s32 s22, s5;
	s21 =	smul.u32 s29, s28;
	[smem:$0x744] =	sst s7  }
0x2b: {  	s13 =	ssub.s32 s10, s5;
	s22 =	sor.u32 $0x206, s2;
	[smem:$0x70A] =	sst s0  }
0x2c: {  	s29 =	sshll.u32 s4, $0x1;
	s4 =	sshll.u32 s18, $0x6;
	[smem:$0x712] =	sst s1  }
0x2d: {  	s1 =	sshrl.u32 s20, $0x1;
	s17 =	sshrl.u32 s3, $0x1;
	[smem:$0x71A] =	sst s13  }
0x2e: {  	s28 =	smul.u32 s22, s23;
	s0 =	sadd.s32 s4, s29;
	s13 =	sshll.u32 s7, $0x6  }
0x2f: {  	s29 =	sshrl.u32 s25, $0x4;
	s4 =	sor.u32 $0x203, s2;
	[smem:$0x78B] =	sst s0  }
0x30: {  	s20 =	sshll.u32 s20, $0x1;
	s8 =	ssub.s32 s1, s5;
	[smem:$0x757] =	sst s29  }
0x31: {  	s3 =	sshll.u32 s3, $0x1;
	s15 =	ssub.s32 s17, s5;
	[smem:$0x716] =	sst s8  }
0x32: {  	s16 =	sshrl.u32 s21, $0x1;
	s7 =	smul.u32 s4, s26;
	[smem:$0x71E] =	sst s15  }
0x33: {  	s4 =	sshll.u32 s21, $0x1;
	s17 =	ssub.s32 s16, s5;
	[smem:$0x70B] =	sst s28  }
0x34: {  	s8 =	sor.u32 $0x205, s2;
	s16 =	sshrl.u32 s19, $0x4;
	[smem:$0x722] =	sst s17  }
0x35: {  	s15 =	sshll.u32 s28, $0x1;
	s10 =	smul.u32 s8, s19;
	[smem:$0x750] =	sst s16  }
0x36: {  	s0 =	sadd.s32 s15, s13;
	s17 =	sor.u32 $0x204, s2;
	[smem:$0x717] =	sst s7  }
0x37: {  	s13 =	sor.u32 $0x202, s2;
	[smem:$0x78F] =	sst s0;
	s18 =	smul.u32 s17, s25  }
0x38: {  	s15 =	smul.u32 s13, s30;
	s13 =	sshrl.u32 s9, $0x4;
	[smem:$0x70F] =	sst s10  }
0x39: {  	s22 =	sshll.u32 s16, $0x6;
	s16 =	sshll.u32 s7, $0x1;
	[smem:$0x774] =	sst s13  }
0x3a: {  	s28 =	sshll.u32 s10, $0x1;
	s10 =	sshrl.u32 s26, $0x4;
	[smem:$0x713] =	sst s18  }
0x3b: {  	s17 =	sor.u32 $0x201, s2;
	s0 =	sadd.s32 s28, s22;
	[smem:$0x762] =	sst s10  }
0x3c: {  	s8 =	sshll.u32 s18, $0x1;
	s22 =	sshll.u32 s29, $0x6;
	[smem:$0x71B] =	sst s15  }
0x3d: {  	s28 =	sshll.u32 s10, $0x6;
	s18 =	smul.u32 s17, s9;
	s29 =	sshll.u32 s15, $0x1  }
0x3e: {  	s15 =	sshll.u32 s11, $0x1;
	[smem:$0x793] =	sst s0;
	s0 =	sadd.s32 s22, s8  }
0x3f: {  	s8 =	stileid.u32;
	[smem:$0x75C] =	sst s0;
	s0 =	sadd.s32 s28, s16  }
0x40: {  	s28 =	sshrl.u32 s30, $0x4;
	[smem:$0x71F] =	sst s18;
	s10 =	sand.u32 $0xE, s8  }
0x41: {  	s16 =	sshll.u32 s18, $0x1;
	[smem:$0x766] =	sst s0;
	s0 =	sshll.u32 s28, $0x6  }
0x42: {  	s18 =	sshll.u32 s31, $0x1;
	s22 =	sxor.u32 $0x1E, s10;
	s7 =	sadd.s32 s29, s0  }
0x43: {  	s29 =	smov.u32 s9;
	s0 =	sshll.u32 s13, $0x6;
	s17 =	sadd.s32 s22, s8  }
0x44: {  	[smem:$0x76E] =	sst s7;
	s0 =	sadd.s32 s16, s0;
	s16 =	sshll.u32 s8, $0x6  }
0x45: {  	[smem:$0x745] =	sst s17;
	s1 =	sshll.u32 s17, $0x6;
	s17 =	sadd.s32 s15, s16  }
0x46: {  	s15 =	sadd.s32 s15, s1;
	s13 =	sadd.s32 s18, s16;
	s18 =	sadd.s32 s18, s1  }
0x47: {  	s11 =	sadd.s32 s16, s14;
	s14 =	sadd.s32 s1, s14;
	s10 =	sadd.s32 s16, s20  }
0x48: {  	s20 =	sadd.s32 s1, s20;
	s8 =	sadd.s32 s12, s16;
	s12 =	sadd.s32 s12, s1  }
0x49: {  	s9 =	sadd.s32 s3, s1;
	s31 =	sadd.s32 s1, s4;
	s1 =	simm.s32 $0x0  }
0x4a: {  	s5 =	ssub.s32 $0x1F, s24;
	[smem:$0x7FF] =	sst s1  }
0x4b: {  	s21 =	sor.u32 $0x1, s5;
	s5 =	sxor.u32 $0x1FF, s2;
	s1 =	sld [smem:$0x703]  }
0x4c: {  	s7 =	sadd.s32 s3, s16;
	s16 =	sadd.s32 s16, s4;
	s4 =	sor.u32 $0x200, s2  }
0x4d: {  	[smem:$0x779] =	sst s0;
	s3 =	sadd.s32 s24, s21;
	s21 =	smul.u32 s4, s5  }
0x4e: {  	s4 =	sshll.u32 s3, $0x6;
	s0 =	sshll.u32 s1, $0x1;
	s1 =	sshll.u32 s24, $0x6  }
0x4f: {  	s1 =	sadd.s32 s1, s0;
	s4 =	sadd.s32 s4, s0;
	s0 =	sand.u32 $0x7FFE0, s0  }
0x50: {  	[smem:$0x784] =	sst s5;
	s1 =	ssub.s32 s1, s0  }
0x51: {  	s4 =	ssub.s32 s4, s0;
	[smem:$0x739] =	sst s1  }
0x52: {  	s15 =	ssub.s32 s15, s0;
	[smem:$0x73B] =	sst s4  }
0x53: {  	s4 =	ssub.s32 s17, s0;
	[smem:$0x747] =	sst s15  }
0x54: {  	s17 =	ssub.s32 s13, s0;
	[smem:$0x742] =	sst s4  }
0x55: {  	s13 =	ssub.s32 s11, s0;
	[smem:$0x74E] =	sst s17  }
0x56: {  	s15 =	ssub.s32 s14, s0;
	[smem:$0x756] =	sst s13  }
0x57: {  	s11 =	ssub.s32 s16, s0;
	[smem:$0x759] =	sst s15  }
0x58: {  	s4 =	ssub.s32 s18, s0;
	[smem:$0x780] =	sst s11  }
0x59: {  	s17 =	ssub.s32 s10, s0;
	[smem:$0x74F] =	sst s4  }
0x5a: {  	s18 =	ssub.s32 s20, s0;
	[smem:$0x761] =	sst s17  }
0x5b: {  	s20 =	ssub.s32 s8, s0;
	[smem:$0x763] =	sst s18  }
0x5c: {  	s8 =	ssub.s32 s7, s0;
	[smem:$0x76B] =	sst s20  }
0x5d: {  	s10 =	ssub.s32 s9, s0;
	[smem:$0x773] =	sst s8  }
0x5e: {  	[smem:$0x776] =	sst s10  }
0x5f: {  	s4 =	ssub.s32 s12, s0;
	s12 =	rddreg [dreg:$0x0]  }
0x60: {  	s0 =	ssub.s32 s31, s0;
	s20 =	sshrl.u32 s5, $0x4;
	s31 =	sld [smem:$0x704]  }
0x61: {  	s14 =	sshll.u32 s21, $0x1;
	[smem:$0x76C] =	sst s4;
	s5 =	sshll.u32 s20, $0x6  }
0x62: {  	[smem:$0x781] =	sst s0;
	s1 =	sadd.s32 s5, s14  }
0x63: {  	s15 =	sadd.s32 $0x400, s12;
	[smem:$0x785] =	sst s1  }
0x64: {  	s11 =	sadd.s32 $0x1, s24;
	_ =	strace $0x80000047;
	[dreg:$0x5] =	wrdreg s15  }
0x65: {  	s13 =	sshrl.u32 s31, $0x1;
	[dreg:$0xa] =	wrdreg s11  }
0x66: {  	s7 =	sadd.s32 $0x2900, s13;
	s18 =	sld [smem:$0x705]  }
0x67: {  	[dreg:$0x8] =	wrdreg s7  }
0x68: {  	s8 =	sld [smem:$0x706]  }
0x69: {  	s9 =	sld [smem:$0x707]  }
0x6a: {  	s12 =	sld [smem:$0x708]  }
0x6b: {  	s24 =	sld [smem:$0x70A]  }
0x6c: {  	s17 =	sand.u32 $0x3FFF8, s13;
	s7 =	sld [smem:$0x70B]  }
0x6d: {  	s16 =	sshrl.u32 s17, $0x3;
	s11 =	sld [smem:$0x70E]  }
0x6e: {  	[dreg:$0x4] =	wrdreg s17;
	s0 =	sadd.s32 s15, s16  }
0x6f: {  	[dreg:$0x7] =	wrdreg s0  }
0x70: {  	s5 =	sadd.s32 s15, s18;
	s15 =	sld [smem:$0x709]  }
0x71: {  	s4 =	sadd.s32 s8, s9;
	s9 =	sld [smem:$0x70C]  }
0x72: {  	s1 =	sand.u32 $0x4, s13;
	[dreg:$0x6] =	wrdreg s5  }
0x73: {  	s13 =	stileid.u32;
	s10 =	ssub.s32 s2, s8;
	[dreg:$0x9] =	wrdreg s4  }
0x74: {  	s18 =	sadd.s32 $0x1, s13;
	[smem:$0x7B6] =	sst s10  }
0x75: {  	s8 =	sand.u32 $0x9, s23;
	[dreg:$0xc] =	wrdreg s18  }
0x76: {  	[smem:$0x7BB] =	sst s8  }
0x77: {  	s14 =	sshll.u32 s13, $0x7;
	s10 =	sld [smem:$0x70D]  }
0x78: {  	s13 =	sand.u32 $0xA, s19;
	s4 =	sor.u32 $0x1000, s12;
	s12 =	sld [smem:$0x70F]  }
0x79: {  	[smem:$0x7BF] =	sst s13  }
0x7a: {  	s5 =	sadd.s32 s6, s24;
	s24 =	sld [smem:$0x713]  }
0x7b: {  	s2 =	sshll.u32 s2, $0x9;
	s13 =	sld [smem:$0x717]  }
0x7c: {  	[smem:$0x725] =	sst s2  }
0x7d: {  	[dreg:$0xb] =	wrdreg s4  }
0x7e: {  	[dreg:$0xd] =	wrdreg s5  }
0x7f: {  	s16 =	sand.u32 $0x400, s14;
	s4 =	ssub.s32 s15, s6;
	s15 =	sld [smem:$0x710]  }
0x80: {  	s5 =	sshrl.u32 s7, $0x1;
	s7 =	sor.u32 $0x1080, s9;
	[smem:$0x7BA] =	sst s4  }
0x81: {  	s4 =	sor.u32 s6, s16;
	[dreg:$0xe] =	wrdreg s7  }
0x82: {  	s16 =	sadd.s32 s18, s22;
	s18 =	sand.u32 $0x1F0, s19;
	s19 =	sld [smem:$0x711]  }
0x83: {  	s22 =	sand.u32 $0x1F0, s23;
	s23 =	sld [smem:$0x712]  }
0x84: {  	s7 =	ssub.s32 s10, s6;
	s10 =	sld [smem:$0x714]  }
0x85: {  	s8 =	sshrl.u32 s12, $0x1;
	s12 =	sld [smem:$0x716]  }
0x86: {  	s9 =	sshrl.u32 s24, $0x1;
	s24 =	sld [smem:$0x718]  }
0x87: {  	[smem:$0x7BE] =	sst s7  }
0x88: {  	s7 =	sadd.s32 s6, s11;
	s11 =	sld [smem:$0x715]  }
0x89: {  	[smem:$0x7C9] =	sst s22  }
0x8a: {  	[smem:$0x7CE] =	sst s18  }
0x8b: {  	[dreg:$0xf] =	wrdreg s7;
	s7 =	sor.u32 $0x1100, s15  }
0x8c: {  	s15 =	sand.u32 $0xC, s26;
	[dreg:$0x10] =	wrdreg s7  }
0x8d: {  	s7 =	ssub.s32 s19, s6;
	[smem:$0x7C7] =	sst s15  }
0x8e: {  	s19 =	sand.u32 $0x1F0, s25;
	s25 =	sand.u32 $0xB, s25;
	[smem:$0x7C0] =	sst s7  }
0x8f: {  	[smem:$0x7C5] =	sst s25  }
0x90: {  	s15 =	sand.u32 $0xD, s30;
	s25 =	sld [smem:$0x719]  }
0x91: {  	s7 =	sadd.s32 s6, s23;
	s23 =	sand.u32 $0x1F0, s26;
	s26 =	sld [smem:$0x71A]  }
0x92: {  	[smem:$0x7CC] =	sst s15  }
0x93: {  	[smem:$0x7D0] =	sst s19  }
0x94: {  	[dreg:$0x11] =	wrdreg s7  }
0x95: {  	s7 =	sor.u32 $0x1180, s10;
	s10 =	sshrl.u32 s13, $0x1;
	s13 =	sld [smem:$0x71B]  }
0x96: {  	[smem:$0x7D2] =	sst s23  }
0x97: {  	[dreg:$0x12] =	wrdreg s7;
	s7 =	ssub.s32 s11, s6  }
0x98: {  	s11 =	sor.u32 $0x80, s4;
	[smem:$0x7C6] =	sst s7  }
0x99: {  	s7 =	sadd.s32 s6, s12;
	[dreg:$0x16] =	wrdreg s11  }
0x9a: {  	s12 =	sor.u32 $0x180, s4;
	[dreg:$0x13] =	wrdreg s7  }
0x9b: {  	s4 =	sor.u32 $0x280, s4;
	[dreg:$0x17] =	wrdreg s12  }
0x9c: {  	[dreg:$0x18] =	wrdreg s4  }
0x9d: {  	s7 =	sor.u32 $0x1200, s24;
	s24 =	sld [smem:$0x71C]  }
0x9e: {  	s4 =	sshrl.u32 s13, $0x1;
	s13 =	sld [smem:$0x71E]  }
0x9f: {  	[dreg:$0x14] =	wrdreg s7;
	s7 =	ssub.s32 s25, s6  }
0xa0: {  	[smem:$0x7CB] =	sst s7  }
0xa1: {  	s25 =	sand.u32 $0x1F0, s30;
	s7 =	sadd.s32 s6, s26;
	s26 =	sld [smem:$0x71D]  }
0xa2: {  	[smem:$0x7D7] =	sst s25  }
0xa3: {  	s11 =	sor.u32 s14, s6;
	[dreg:$0x15] =	wrdreg s7;
	s7 =	sor.u32 $0x1280, s24  }
0xa4: {  	[dreg:$0x19] =	wrdreg s7;
	s7 =	sand.u32 $0x470, s11  }
0xa5: {  	s11 =	sor.u32 $0x380, s11;
	s12 =	ssub.s32 s26, s6;
	s26 =	sld [smem:$0x71F]  }
0xa6: {  	[smem:$0x723] =	sst s11  }
0xa7: {  	s15 =	sor.u32 $0x100, s7;
	[smem:$0x7CD] =	sst s12  }
0xa8: {  	s24 =	sor.u32 $0x200, s7;
	[dreg:$0x1b] =	wrdreg s15  }
0xa9: {  	s7 =	sor.u32 $0x300, s7;
	[dreg:$0x1c] =	wrdreg s24  }
0xaa: {  	[dreg:$0x1d] =	wrdreg s7  }
0xab: {  	s12 =	sadd.s32 s6, s13;
	s15 =	sld [smem:$0x720]  }
0xac: {  	[dreg:$0x1a] =	wrdreg s12  }
0xad: {  	s12 =	sshrl.u32 s26, $0x1;
	s26 =	sand.u32 $0x1F0, s29;
	s29 =	sand.u32 $0xE, s29  }
0xae: {  	s24 =	sxor.u32 $0x1F0, s6;
	[smem:$0x7D4] =	sst s29  }
0xaf: {  	s7 =	sshll.u32 s20, $0x7;
	s13 =	sor.u32 $0x1300, s15;
	s29 =	sld [smem:$0x721]  }
0xb0: {  	[dreg:$0x1e] =	wrdreg s13;
	s13 =	sor.u32 s24, s7  }
0xb1: {  	[smem:$0x7EE] =	sst s24;
	s13 =	sand.u32 $0x7FFFFC70, s13  }
0xb2: {  	s15 =	ssub.s32 s29, s6;
	s29 =	sld [smem:$0x722];
	s13 =	sadd.s32 $0x1380, s13  }
0xb3: {  	[smem:$0x724] =	sst s13  }
0xb4: {  	s13 =	sld [smem:$0x726]  }
0xb5: {  	[smem:$0x7D9] =	sst s26  }
0xb6: {  	[smem:$0x7D5] =	sst s15;
	s15 =	sadd.s32 s6, s29  }
0xb7: {  	s11 =	sshrl.u32 s21, $0x1;
	[dreg:$0x1f] =	wrdreg s15;
	s29 =	sand.u32 $0x8, s13  }
0xb8: {  	s21 =	sand.u32 $0x1F0, s13;
	s13 =	sshll.u32 s13, $0x9;
	[smem:$0x7B9] =	sst s29  }
0xb9: {  	s15 =	ssub.s32 s5, s17;
	s5 =	sadd.s32 $0x2900, s5;
	[smem:$0x727] =	sst s13  }
0xba: {  	[smem:$0x728] =	sst s5  }
0xbb: {  	[smem:$0x7C3] =	sst s21  }
0xbc: {  	s5 =	ssub.s32 s8, s17;
	s8 =	sadd.s32 $0x2900, s8;
	s29 =	sld [smem:$0x72F]  }
0xbd: {  	s13 =	ssub.s32 s10, s17;
	s10 =	sadd.s32 $0x2900, s10;
	[smem:$0x729] =	sst s8  }
0xbe: {  	s1 =	sor.u32 s21, s1;
	s2 =	sadd.s32 s22, s15;
	[smem:$0x72B] =	sst s10  }
0xbf: {  	s8 =	ssub.s32 s9, s17;
	s9 =	sadd.s32 $0x2900, s9;
	[smem:$0x732] =	sst s2  }
0xc0: {  	s10 =	ssub.s32 s4, s17;
	s4 =	sadd.s32 $0x2900, s4;
	[smem:$0x72A] =	sst s9  }
0xc1: {  	s1 =	sor.u32 $0x2000, s1;
	[smem:$0x72C] =	sst s4  }
0xc2: {  	s5 =	sadd.s32 s18, s5;
	[smem:$0x731] =	sst s1  }
0xc3: {  	s13 =	sadd.s32 s23, s13;
	[smem:$0x733] =	sst s5  }
0xc4: {  	[smem:$0x735] =	sst s13  }
0xc5: {  	s4 =	ssub.s32 s12, s17;
	s12 =	sadd.s32 $0x2900, s12;
	s5 =	sld [smem:$0x739]  }
0xc6: {  	[smem:$0x72D] =	sst s12;
	s12 =	ssub.s32 s11, s17;
	s11 =	sadd.s32 $0x2900, s11  }
0xc7: {  	s17 =	sadd.s32 s25, s10;
	[smem:$0x72E] =	sst s11  }
0xc8: {  	[smem:$0x736] =	sst s17  }
0xc9: {  	s0 =	simm.s32 $0xFFFFFFFF;
	s11 =	smax.u32 s29, $0x1;
	s17 =	sld [smem:$0x73B]  }
0xca: {  	s0 =	simm.s32 @!p0 $0x0;
	s29 =	sadd.s32 s26, s4;
	[smem:$0x730] =	sst s11  }
0xcb: {  	s15 =	smov.u32 s18;
	s4 =	sadd.s32 s24, s12;
	[smem:$0x737] =	sst s29  }
0xcc: {  	s18 =	smov.u32 s23;
	s23 =	smov.u32 s25;
	[smem:$0x738] =	sst s4  }
0xcd: {  	s24 =	sshrl.u32 s31, $0x4;
	s11 =	sadd.s32 s19, s8;
	s8 =	sld [smem:$0x73A]  }
0xce: {  	s13 =	smov.u32 s26;
	s25 =	sshll.u32 s0, $0x7;
	[smem:$0x78A] =	sst s24  }
0xcf: {  	s0 =	sshll.u32 s0, $0x4;
	s1 =	sadd.s32 $0x80, s5;
	s29 =	sld [smem:$0x78B]  }
0xd0: {  	s12 =	sadd.s32 s0, s6;
	[smem:$0x734] =	sst s11;
	s9 =	sshra.s32 s1, $0x2  }
0xd1: {  	s11 =	sadd.s32 s25, s14;
	[smem:$0x7DC] =	sst s9;
	s1 =	sshra.s32 s17, $0x2  }
0xd2: {  	s2 =	sor.u32 $0xFFFFFFE1, s8;
	[smem:$0x7DE] =	sst s1;
	s25 =	sadd.s32 $0x1, s8  }
0xd3: {  	s26 =	sshll.u32 s8, $0x7;
	s10 =	sxor.u32 $0xFFFFFFFF, s2;
	[smem:$0x7A2] =	sst s25  }
0xd4: {  	s17 =	ssub.s32 s8, s2;
	s31 =	sshll.u32 s2, $0x7;
	s0 =	sadd.s32 s8, s10  }
0xd5: {  	s10 =	sshll.u32 s24, $0x5;
	s4 =	ssub.s32 s26, s31;
	s31 =	sld [smem:$0x744]  }
0xd6: {  	s8 =	sshll.u32 s2, $0x6;
	s24 =	sshll.u32 s2, $0x4;
	s2 =	sld [smem:$0x745]  }
0xd7: {  	[smem:$0x73C] =	sst s0  }
0xd8: {  	[smem:$0x73D] =	sst s4  }
0xd9: {  	[smem:$0x78C] =	sst s8  }
0xda: {  	s1 =	ssub.s32 s29, s10;
	s0 =	sadd.s32 $0x80, s26;
	s26 =	sld [smem:$0x742]  }
0xdb: {  	s29 =	sadd.s32 $0x20, s6;
	s5 =	sadd.s32 $0x80, s1;
	[smem:$0x73E] =	sst s0  }
0xdc: {  	s1 =	ssub.s32 s1, s8;
	[smem:$0x743] =	sst s29;
	s9 =	sshra.s32 s5, $0x2  }
0xdd: {  	s1 =	sshra.s32 s1, $0x2;
	s5 =	sld [smem:$0x747];
	s0 =	sadd.s32 $0x2000, s9  }
0xde: {  	s25 =	sadd.s32 $0x2000, s1;
	[smem:$0x73F] =	sst s0  }
0xdf: {  	s1 =	ssub.s32 $0x1F, s2;
	[smem:$0x741] =	sst s25  }
0xe0: {  	s9 =	sadd.s32 $0x1, s31;
	[smem:$0x746] =	sst s1  }
0xe1: {  	s0 =	ssub.s32 s21, s24;
	[smem:$0x7A5] =	sst s9  }
0xe2: {  	[smem:$0x740] =	sst s0  }
0xe3: {  	s0 =	sadd.s32 $0x80, s26;
	s26 =	sld [smem:$0x78F]  }
0xe4: {  	s1 =	sadd.s32 $0x40, s5;
	s5 =	sld [smem:$0x74E];
	s0 =	sshra.s32 s0, $0x2  }
0xe5: {  	s21 =	sshll.u32 s31, $0x7;
	s1 =	sshra.s32 s1, $0x2;
	[smem:$0x7E0] =	sst s0  }
0xe6: {  	s0 =	sor.u32 $0xFFFFFFE1, s31;
	[smem:$0x7E2] =	sst s1;
	s1 =	sadd.s32 $0x80, s21  }
0xe7: {  	s6 =	sxor.u32 $0xFFFFFFFF, s0;
	[smem:$0x74A] =	sst s1  }
0xe8: {  	s25 =	ssub.s32 s31, s0;
	s29 =	ssub.s32 s26, s10;
	s26 =	sld [smem:$0x793]  }
0xe9: {  	s24 =	sshll.u32 s0, $0x7;
	s8 =	sadd.s32 s31, s6;
	s6 =	sld [smem:$0x74F]  }
0xea: {  	s2 =	ssub.s32 s21, s24;
	s31 =	sadd.s32 $0x80, s29;
	[smem:$0x748] =	sst s8  }
0xeb: {  	[smem:$0x749] =	sst s2;
	s2 =	sshll.u32 s0, $0x6;
	s1 =	sshra.s32 s31, $0x2  }
0xec: {  	s0 =	sshll.u32 s0, $0x4;
	s8 =	sld [smem:$0x750];
	s4 =	ssub.s32 s29, s2  }
0xed: {  	s1 =	sadd.s32 $0x2000, s1;
	s29 =	ssub.s32 s26, s10;
	s26 =	sld [smem:$0x757]  }
0xee: {  	s0 =	ssub.s32 s22, s0;
	[smem:$0x74B] =	sst s1  }
0xef: {  	s4 =	sshra.s32 s4, $0x2;
	[smem:$0x74C] =	sst s0  }
0xf0: {  	s0 =	sadd.s32 $0x80, s5;
	s1 =	sadd.s32 $0x40, s6;
	s4 =	sadd.s32 $0x2000, s4  }
0xf1: {  	s5 =	sor.u32 $0xFFFFFFE1, s8;
	s0 =	sshra.s32 s0, $0x2;
	[smem:$0x74D] =	sst s4  }
0xf2: {  	s9 =	sshra.s32 s1, $0x2;
	s22 =	sadd.s32 $0x1, s8;
	[smem:$0x7E4] =	sst s0  }
0xf3: {  	s24 =	sshll.u32 s8, $0x7;
	[smem:$0x7E6] =	sst s9;
	s21 =	sxor.u32 $0xFFFFFFFF, s5  }
0xf4: {  	[smem:$0x7A8] =	sst s22;
	s31 =	sshll.u32 s5, $0x7;
	s0 =	sadd.s32 s8, s21  }
0xf5: {  	s9 =	sshll.u32 s5, $0x4;
	s1 =	ssub.s32 s24, s31;
	[smem:$0x751] =	sst s0  }
0xf6: {  	s21 =	ssub.s32 s15, s9;
	[smem:$0x752] =	sst s1  }
0xf7: {  	[smem:$0x755] =	sst s21  }
0xf8: {  	s4 =	ssub.s32 s8, s5;
	s0 =	sadd.s32 $0x80, s24;
	s24 =	sld [smem:$0x756]  }
0xf9: {  	s8 =	sadd.s32 $0x80, s29;
	s1 =	sshll.u32 s5, $0x6;
	[smem:$0x753] =	sst s0  }
0xfa: {  	s21 =	sadd.s32 $0x1, s26;
	s0 =	sshra.s32 s8, $0x2;
	s8 =	sld [smem:$0x759]  }
0xfb: {  	s22 =	ssub.s32 s29, s1;
	[smem:$0x7AB] =	sst s21;
	s0 =	sadd.s32 $0x2000, s0  }
0xfc: {  	s6 =	sor.u32 $0xFFFFFFE1, s26;
	[smem:$0x754] =	sst s0;
	s0 =	sshra.s32 s22, $0x2  }
0xfd: {  	s21 =	sld [smem:$0x761];
	s5 =	sadd.s32 $0x80, s24;
	s0 =	sadd.s32 $0x2000, s0  }
0xfe: {  	s31 =	sxor.u32 $0xFFFFFFFF, s6;
	s29 =	sshra.s32 s5, $0x2;
	[smem:$0x758] =	sst s0  }
0xff: {  	s22 =	sshll.u32 s26, $0x7;
	s24 =	sshll.u32 s6, $0x7;
	[smem:$0x7E8] =	sst s29  }
0x100: {  	s15 =	sadd.s32 $0x40, s8;
	s0 =	sadd.s32 s26, s31;
	s31 =	sld [smem:$0x75C]  }
0x101: {  	s5 =	ssub.s32 s26, s6;
	s26 =	ssub.s32 s22, s24;
	s24 =	sld [smem:$0x763]  }
0x102: {  	s8 =	sshra.s32 s15, $0x2;
	[smem:$0x75A] =	sst s0  }
0x103: {  	[smem:$0x7EA] =	sst s8  }
0x104: {  	[smem:$0x75B] =	sst s26;
	s0 =	sadd.s32 $0x80, s22  }
0x105: {  	[smem:$0x75D] =	sst s0;
	s0 =	sshll.u32 s6, $0x6;
	s6 =	sshll.u32 s6, $0x4  }
0x106: {  	s22 =	sld [smem:$0x762];
	s29 =	ssub.s32 s31, s10;
	s6 =	ssub.s32 s19, s6  }
0x107: {  	s15 =	sadd.s32 $0x80, s29;
	s8 =	ssub.s32 s29, s0;
	[smem:$0x75F] =	sst s6  }
0x108: {  	s0 =	ssub.s32 s31, s0;
	s9 =	sshra.s32 s15, $0x2;
	s19 =	sshra.s32 s8, $0x2  }
0x109: {  	s8 =	sor.u32 $0xFFFFFFE1, s22;
	s0 =	sadd.s32 $0x80400, s0;
	s9 =	sadd.s32 $0x2000, s9  }
0x10a: {  	s6 =	sadd.s32 $0x2000, s19;
	s26 =	sxor.u32 $0xFFFFFFFF, s8;
	[smem:$0x75E] =	sst s9  }
0x10b: {  	s19 =	sshll.u32 s22, $0x7;
	[smem:$0x760] =	sst s6;
	s29 =	sadd.s32 s22, s26  }
0x10c: {  	s0 =	sshra.s32 s0, $0x2;
	s9 =	sadd.s32 $0x1, s22;
	[smem:$0x764] =	sst s29  }
0x10d: {  	s6 =	sadd.s32 $0x80, s21;
	s21 =	sshll.u32 s8, $0x7;
	[smem:$0x7AE] =	sst s9  }
0x10e: {  	s0 =	sadd.s32 $0x2900, s0;
	s9 =	ssub.s32 s19, s21;
	s21 =	sld [smem:$0x76C]  }
0x10f: {  	s6 =	sshra.s32 s6, $0x2;
	[smem:$0x798] =	sst s0  }
0x110: {  	s30 =	sshll.u32 s8, $0x6;
	[smem:$0x7EC] =	sst s6  }
0x111: {  	s26 =	ssub.s32 s22, s8;
	s8 =	sshll.u32 s8, $0x4;
	[smem:$0x765] =	sst s9  }
0x112: {  	s15 =	ssub.s32 s18, s8;
	s6 =	sadd.s32 $0x40, s24;
	s24 =	sld [smem:$0x766]  }
0x113: {  	[smem:$0x769] =	sst s15;
	s6 =	sshra.s32 s6, $0x2  }
0x114: {  	[smem:$0x7EF] =	sst s6  }
0x115: {  	s6 =	sadd.s32 $0x80, s19;
	s19 =	sld [smem:$0x76B]  }
0x116: {  	s8 =	sadd.s32 $0x40, s21;
	s22 =	ssub.s32 s24, s10;
	[smem:$0x767] =	sst s6  }
0x117: {  	s29 =	sadd.s32 $0x80, s22;
	s9 =	ssub.s32 s22, s30;
	s22 =	sshra.s32 s8, $0x2  }
0x118: {  	s8 =	sadd.s32 $0x1, s28;
	s6 =	sshra.s32 s29, $0x2;
	[smem:$0x7F3] =	sst s22  }
0x119: {  	s9 =	sshra.s32 s9, $0x2;
	[smem:$0x7B1] =	sst s8;
	s6 =	sadd.s32 $0x2000, s6  }
0x11a: {  	s18 =	sadd.s32 $0x2000, s9;
	[smem:$0x768] =	sst s6  }
0x11b: {  	s15 =	sshll.u32 s28, $0x7;
	s9 =	sor.u32 $0xFFFFFFE1, s28;
	[smem:$0x76A] =	sst s18  }
0x11c: {  	s6 =	sadd.s32 $0x80, s19;
	s19 =	sld [smem:$0x76E];
	s22 =	sshll.u32 s9, $0x7  }
0x11d: {  	s6 =	sshra.s32 s6, $0x2;
	s21 =	ssub.s32 s15, s22;
	s22 =	sld [smem:$0x773]  }
0x11e: {  	s29 =	sxor.u32 $0xFFFFFFFF, s9;
	[smem:$0x7F1] =	sst s6  }
0x11f: {  	s8 =	ssub.s32 s28, s9;
	s6 =	sadd.s32 s28, s29;
	[smem:$0x76F] =	sst s21  }
0x120: {  	s29 =	sshll.u32 s9, $0x4;
	[smem:$0x76D] =	sst s6;
	s6 =	sadd.s32 $0x80, s15  }
0x121: {  	s15 =	sshll.u32 s9, $0x6;
	s9 =	ssub.s32 s23, s29;
	[smem:$0x770] =	sst s6  }
0x122: {  	s18 =	ssub.s32 s19, s10;
	[smem:$0x772] =	sst s9  }
0x123: {  	s28 =	sadd.s32 $0x80, s18;
	s23 =	sadd.s32 $0x80, s22;
	s9 =	sld [smem:$0x774]  }
0x124: {  	s22 =	sld [smem:$0x776];
	s6 =	sshra.s32 s28, $0x2;
	s28 =	sshra.s32 s23, $0x2  }
0x125: {  	s21 =	ssub.s32 s18, s15;
	s6 =	sadd.s32 $0x2000, s6;
	[smem:$0x7F5] =	sst s28  }
0x126: {  	[smem:$0x771] =	sst s6;
	s6 =	sshra.s32 s21, $0x2  }
0x127: {  	s21 =	sor.u32 $0xFFFFFFE1, s9;
	s23 =	sadd.s32 $0x40, s22;
	s6 =	sadd.s32 $0x2000, s6  }
0x128: {  	s29 =	sxor.u32 $0xFFFFFFFF, s21;
	s22 =	sshra.s32 s23, $0x2;
	s23 =	sld [smem:$0x779]  }
0x129: {  	s18 =	ssub.s32 s9, s21;
	[smem:$0x775] =	sst s6;
	s6 =	sadd.s32 s9, s29  }
0x12a: {  	s28 =	sshll.u32 s21, $0x7;
	[smem:$0x777] =	sst s6;
	s6 =	sshll.u32 s9, $0x7  }
0x12b: {  	[smem:$0x7F7] =	sst s22;
	s28 =	ssub.s32 s6, s28;
	s6 =	sadd.s32 $0x80, s6  }
0x12c: {  	[smem:$0x778] =	sst s28;
	s28 =	sshll.u32 s21, $0x6;
	s21 =	sshll.u32 s21, $0x4  }
0x12d: {  	[smem:$0x77A] =	sst s6;
	s21 =	ssub.s32 s13, s21  }
0x12e: {  	s13 =	sadd.s32 $0x80, s14;
	[smem:$0x77C] =	sst s21  }
0x12f: {  	s22 =	ssub.s32 s23, s10;
	s14 =	sadd.s32 $0x100, s14;
	[smem:$0x77E] =	sst s13  }
0x130: {  	s29 =	sadd.s32 $0x1, s9;
	s9 =	sadd.s32 $0x80, s22;
	[smem:$0x77F] =	sst s14  }
0x131: {  	s6 =	sshra.s32 s9, $0x2;
	s22 =	ssub.s32 s22, s28;
	s21 =	sld [smem:$0x780]  }
0x132: {  	s6 =	sadd.s32 $0x2000, s6;
	s9 =	sshra.s32 s22, $0x2;
	s22 =	sld [smem:$0x781]  }
0x133: {  	[smem:$0x77B] =	sst s6;
	s6 =	sadd.s32 $0x2000, s9  }
0x134: {  	[smem:$0x77D] =	sst s6  }
0x135: {  	s6 =	sadd.s32 $0x80, s21;
	s9 =	sadd.s32 $0x40, s22;
	s21 =	sor.u32 $0xFFFFFFE1, s20  }
0x136: {  	s6 =	sshra.s32 s6, $0x2;
	s13 =	sshra.s32 s9, $0x2;
	s9 =	sld [smem:$0x784]  }
0x137: {  	s14 =	sshll.u32 s21, $0x7;
	[smem:$0x7F9] =	sst s6  }
0x138: {  	s22 =	sadd.s32 $0x80, s7;
	s6 =	ssub.s32 s7, s14;
	s7 =	sld [smem:$0x7EE]  }
0x139: {  	[smem:$0x7B4] =	sst s29  }
0x13a: {  	[smem:$0x783] =	sst s22  }
0x13b: {  	[smem:$0x782] =	sst s6;
	s6 =	ssub.s32 s9, s7  }
0x13c: {  	[smem:$0x7D6] =	sst s6  }
0x13d: {  	s22 =	ssub.s32 s20, s21;
	s6 =	sld [smem:$0x785]  }
0x13e: {  	[smem:$0x7FB] =	sst s13;
	s13 =	sshll.u32 s21, $0x4;
	s7 =	sand.u32 $0x1F0, s9  }
0x13f: {  	s14 =	ssub.s32 s21, s20;
	s9 =	sadd.s32 $0x1, s20;
	s20 =	ssub.s32 s7, s13  }
0x140: {  	s7 =	sadd.s32 $0x20, s7;
	[smem:$0x786] =	sst s20;
	s10 =	ssub.s32 s6, s10  }
0x141: {  	s20 =	sshll.u32 s21, $0x6;
	[smem:$0x787] =	sst s7;
	s13 =	sadd.s32 $0x80, s10  }
0x142: {  	s21 =	sshra.s32 s13, $0x2;
	s13 =	sadd.s32 $0x20, s14;
	s14 =	sld [smem:$0x78A]  }
0x143: {  	s7 =	sadd.s32 $0x2000, s21;
	s21 =	sld [smem:$0x78C]  }
0x144: {  	s10 =	ssub.s32 s10, s20;
	[smem:$0x788] =	sst s7  }
0x145: {  	s7 =	sshra.s32 s10, $0x2;
	s10 =	sshll.u32 s14, $0x3;
	s14 =	sld [smem:$0x78B]  }
0x146: {  	[smem:$0x7B7] =	sst s9  }
0x147: {  	p4 =	sge.u32 s9, s22;
	s9 =	sld [smem:$0x7BA]  }
0x148: {  	[smem:$0x789] =	sst s13;
	s13 =	ssub.s32 s14, s21;
	s21 =	sadd.s32 $0x20100, s10  }
0x149: {  	[smem:$0x78E] =	sst s21  }
0x14a: {  	s14 =	sadd.s32 $0x80480, s14;
	s21 =	sld [smem:$0x78F]  }
0x14b: {  	s7 =	sadd.s32 $0x2000, s7;
	s10 =	sshra.s32 s14, $0x2;
	s14 =	sadd.s32 $0x80400, s13  }
0x14c: {  	[smem:$0x78D] =	sst s7;
	s7 =	sadd.s32 $0x2900, s10;
	s10 =	sshra.s32 s14, $0x2  }
0x14d: {  	[smem:$0x790] =	sst s7;
	s7 =	sadd.s32 $0x2900, s10;
	s13 =	sadd.s32 $0x80480, s21  }
0x14e: {  	s2 =	ssub.s32 s21, s2;
	s21 =	sld [smem:$0x793];
	s13 =	sshra.s32 s13, $0x2  }
0x14f: {  	[smem:$0x791] =	sst s7;
	s2 =	sadd.s32 $0x80400, s2;
	s14 =	sadd.s32 $0x2900, s13  }
0x150: {  	s2 =	sshra.s32 s2, $0x2;
	s13 =	sadd.s32 $0x80480, s31;
	s31 =	sadd.s32 $0x80480, s24  }
0x151: {  	[smem:$0x792] =	sst s14;
	s1 =	ssub.s32 s21, s1;
	s7 =	sadd.s32 $0x80480, s21  }
0x152: {  	s2 =	sadd.s32 $0x2900, s2;
	s14 =	sshra.s32 s13, $0x2;
	s21 =	ssub.s32 s24, s30  }
0x153: {  	s24 =	ssub.s32 s23, s28;
	s28 =	sadd.s32 $0x80480, s23;
	s23 =	sld [smem:$0x7A8]  }
0x154: {  	s30 =	sshll.u32 s16, $0x7;
	[smem:$0x794] =	sst s2;
	s10 =	sshra.s32 s7, $0x2  }
0x155: {  	s1 =	sadd.s32 $0x80400, s1;
	[smem:$0x7FD] =	sst s30;
	s2 =	sadd.s32 $0x2900, s10  }
0x156: {  	s1 =	sshra.s32 s1, $0x2;
	s10 =	sshra.s32 s31, $0x2;
	[smem:$0x795] =	sst s2  }
0x157: {  	s13 =	sadd.s32 $0x2900, s10;
	s10 =	sadd.s32 $0x80400, s24;
	s24 =	sld [smem:$0x7AB]  }
0x158: {  	s1 =	sadd.s32 $0x2900, s1;
	s2 =	rddreg [dreg:$0x6]  }
0x159: {  	s15 =	ssub.s32 s19, s15;
	s19 =	sadd.s32 $0x80480, s19;
	[smem:$0x796] =	sst s1  }
0x15a: {  	s1 =	sadd.s32 $0x2900, s14;
	[smem:$0x799] =	sst s13;
	s14 =	sadd.s32 $0x80400, s21  }
0x15b: {  	s21 =	sshra.s32 s19, $0x2;
	s13 =	ssub.s32 s6, s20;
	s20 =	sld [smem:$0x7A2]  }
0x15c: {  	[smem:$0x797] =	sst s1;
	s0 =	sshra.s32 s14, $0x2;
	s1 =	sadd.s32 $0x80400, s15  }
0x15d: {  	s14 =	sadd.s32 $0x80480, s6;
	s6 =	sld [smem:$0x7B9];
	s0 =	sadd.s32 $0x2900, s0  }
0x15e: {  	s1 =	sshra.s32 s1, $0x2;
	s15 =	sshra.s32 s14, $0x2;
	[smem:$0x79A] =	sst s0  }
0x15f: {  	s14 =	ssub.s32 $0x20, s3;
	s0 =	sadd.s32 $0x2900, s21;
	s21 =	sld [smem:$0x7A5]  }
0x160: {  	s31 =	sadd.s32 $0x2900, s1;
	s1 =	sshra.s32 s28, $0x2;
	s28 =	sld [smem:$0x7AE]  }
0x161: {  	[smem:$0x7BD] =	sst s14  }
0x162: {  	s14 =	sld [smem:$0x7C3]  }
0x163: {  	[smem:$0x79B] =	sst s0  }
0x164: {  	[smem:$0x79C] =	sst s31  }
0x165: {  	s31 =	sld [smem:$0x7B1]  }
0x166: {  	s0 =	sadd.s32 $0x2900, s1;
	s1 =	sadd.s32 $0x80400, s13;
	s13 =	rddreg [dreg:$0x7]  }
0x167: {  	[smem:$0x79D] =	sst s0  }
0x168: {  	s0 =	sshra.s32 s10, $0x2;
	s1 =	sshra.s32 s1, $0x2;
	s10 =	sld [smem:$0x7BB]  }
0x169: {  	s0 =	sadd.s32 $0x2900, s0;
	s19 =	sadd.s32 $0x2900, s1;
	s1 =	sld [smem:$0x7B6]  }
0x16a: {  	[smem:$0x79E] =	sst s0  }
0x16b: {  	[smem:$0x7A0] =	sst s19  }
0x16c: {  	s0 =	sadd.s32 $0x2900, s15;
	s15 =	sld [smem:$0x7BE]  }
0x16d: {  	p0 =	sgt.u32 s3, $0x1F;
	s19 =	sld [smem:$0x7BF]  }
0x16e: {  	[smem:$0x79F] =	sst s0;
	s0 =	simm.s32 @!p0 $0x0  }
0x16f: {  	s0 =	simm.s32 @p0 $0x1;
	p0 =	sge.u32 s20, s17;
	s20 =	sld [smem:$0x7C0]  }
0x170: {  	v8 =	vmov s1;
	s1 =	sshll.u32 s16, $0x4;
	[smem:$0x7A1] =	sst s0  }
0x171: {  	[smem:$0x7C8] =	sst s1  }
0x172: {  	v12 =	vmov s15;
	s15 =	sld [smem:$0x7D5]  }
0x173: {  	s0 =	simm.s32 @!p0 $0x0;
	v13 =	vmov s19;
	s19 =	sld [smem:$0x7D6]  }
0x174: {  	s1 =	sld [smem:$0x7E0];
	s0 =	simm.s32 @p0 $0x1  }
0x175: {  	[smem:$0x7A3] =	sst s0  }
0x176: {  	p0 =	sgt.u32 s17, $0x1F;
	v14 =	vmov s20;
	s20 =	sld [smem:$0x7D7]  }
0x177: {  	s0 =	simm.s32 @!p0 $0x0;
	v22 =	vmov s15;
	s15 =	sld [smem:$0x7EC]  }
0x178: {  	s0 =	simm.s32 @p0 $0x1;
	p0 =	sge.u32 s21, s25;
	v23 =	vmov s19;
	s19 =	sld [smem:$0x7EE]  }
0x179: {  	s21 =	sshll.u32 s3, $0x7;
	[smem:$0x7A4] =	sst s0;
	s0 =	simm.s32 @!p0 $0x0  }
0x17a: {  	[smem:$0x7C1] =	sst s21;
	s0 =	simm.s32 @p0 $0x1  }
0x17b: {  	p0 =	sgt.u32 s25, $0x1F;
	s21 =	sadd.s32 $0x20, s20;
	v5 =	vmov s20;
	s20 =	sld [smem:$0x7EF]  }
0x17c: {  	[smem:$0x7A6] =	sst s0;
	s0 =	simm.s32 @!p0 $0x0  }
0x17d: {  	[smem:$0x7D8] =	sst s21;
	s0 =	simm.s32 @p0 $0x1;
	p0 =	sge.u32 s23, s4  }
0x17e: {  	[smem:$0x7A7] =	sst s0;
	s0 =	simm.s32 @!p0 $0x0  }
0x17f: {  	s21 =	sld [smem:$0x7F1];
	s0 =	simm.s32 @p0 $0x1;
	p0 =	sgt.u32 s4, $0x1F  }
0x180: {  	s23 =	sshll.u32 s3, $0x4;
	[smem:$0x7A9] =	sst s0;
	s0 =	simm.s32 @!p0 $0x0  }
0x181: {  	[smem:$0x7C2] =	sst s23;
	s0 =	simm.s32 @p0 $0x1  }
0x182: {  	v0 =	vmov s14;
	p0 =	sge.u32 s24, s5;
	s24 =	sadd.s32 $0x20, s14;
	s14 =	sld [smem:$0x7EA]  }
0x183: {  	[smem:$0x7AA] =	sst s0;
	s0 =	simm.s32 @!p0 $0x0  }
0x184: {  	[smem:$0x7C4] =	sst s24;
	s0 =	simm.s32 @p0 $0x1;
	p0 =	sgt.u32 s5, $0x1F  }
0x185: {  	[smem:$0x7AC] =	sst s0;
	s0 =	simm.s32 @!p0 $0x0  }
0x186: {  	s24 =	sld [smem:$0x7CB];
	s0 =	simm.s32 @p0 $0x1;
	p0 =	sge.u32 s28, s26  }
0x187: {  	[smem:$0x7AD] =	sst s0;
	s0 =	simm.s32 @!p0 $0x0  }
0x188: {  	s28 =	sld [smem:$0x7C5];
	s0 =	simm.s32 @p0 $0x1;
	p0 =	sgt.u32 s26, $0x1F  }
0x189: {  	[smem:$0x7AF] =	sst s0;
	s0 =	simm.s32 @!p0 $0x0  }
0x18a: {  	s0 =	simm.s32 @p0 $0x1;
	p0 =	sge.u32 s31, s8;
	s31 =	sld [smem:$0x7C7]  }
0x18b: {  	[smem:$0x7B0] =	sst s0;
	s0 =	simm.s32 @!p0 $0x0  }
0x18c: {  	v15 =	vmov s28;
	s28 =	sld [smem:$0x7CC];
	s0 =	simm.s32 @p0 $0x1  }
0x18d: {  	p0 =	sgt.u32 s8, $0x1F;
	[smem:$0x7B2] =	sst s0  }
0x18e: {  	s0 =	simm.s32 @!p0 $0x0;
	v17 =	vmov s31;
	s31 =	sld [smem:$0x7CE]  }
0x18f: {  	s0 =	simm.s32 @p0 $0x1;
	p0 =	sge.u32 s29, s18;
	s29 =	sld [smem:$0x7C6]  }
0x190: {  	[smem:$0x7B3] =	sst s0;
	s0 =	simm.s32 @!p0 $0x0  }
0x191: {  	v9 =	vmov s6;
	s0 =	simm.s32 @p0 $0x1;
	s6 =	sadd.s32 $0x20, s31;
	v2 =	vmov s31;
	s31 =	sld [smem:$0x7DE]  }
0x192: {  	[smem:$0x7B5] =	sst s0  }
0x193: {  	s0 =	sadd.s32 $0x4020, s2;
	s2 =	sld [smem:$0x7C9]  }
0x194: {  	v16 =	vmov s29;
	s29 =	sld [smem:$0x7CD]  }
0x195: {  	[smem:$0x7CF] =	sst s6  }
0x196: {  	s6 =	sld [smem:$0x7D0]  }
0x197: {  	[smem:$0x7B8] =	sst s0  }
0x198: {  	s0 =	sadd.s32 $0x4020, s13;
	s13 =	sld [smem:$0x7D4]  }
0x199: {  	v19 =	vmov s28;
	s28 =	stileid.u32;
	[smem:$0x7BC] =	sst s0  }
0x19a: {  	s0 =	sadd.s32 $0x2, s28;
	s28 =	sld [smem:$0x7F7]  }
0x19b: {  	[smem:$0x7DB] =	sst s0  }
0x19c: {  	v20 =	vmov s29;
	s29 =	sld [smem:$0x7DC]  }
0x19d: {  	s23 =	sadd.s32 $0x20, s2;
	v1 =	vmov s2;
	s2 =	sld [smem:$0x7E2]  }
0x19e: {  	v10 =	vmov s9;
	s9 =	sadd.s32 $0x20, s6;
	v3 =	vmov s6;
	s6 =	sld [smem:$0x7E4]  }
0x19f: {  	[smem:$0x7CA] =	sst s23  }
0x1a0: {  	[smem:$0x7D1] =	sst s9  }
0x1a1: {  	s9 =	sld [smem:$0x7D2]  }
0x1a2: {  	s23 =	sld [smem:$0x7D9]  }
0x1a3: {  	v21 =	vmov s13;
	s13 =	sld [smem:$0x7E8]  }
0x1a4: {  	s0 =	sadd.s32 $0x1000, s29;
	s29 =	sld [smem:$0x7F9]  }
0x1a5: {  	[smem:$0x7DD] =	sst s0  }
0x1a6: {  	v11 =	vmov s10;
	s10 =	sadd.s32 $0x20, s9;
	v4 =	vmov s9;
	s9 =	sld [smem:$0x7E6]  }
0x1a7: {  	v18 =	vmov s24;
	s24 =	sadd.s32 $0x20, s23;
	v6 =	vmov s23;
	s23 =	sld [smem:$0x7F3]  }
0x1a8: {  	s0 =	sadd.s32 $0x1000, s31;
	s31 =	sld [smem:$0x7FB]  }
0x1a9: {  	[smem:$0x7D3] =	sst s10  }
0x1aa: {  	[smem:$0x7DA] =	sst s24  }
0x1ab: {  	[smem:$0x7DF] =	sst s0  }
0x1ac: {  	s0 =	sadd.s32 $0x1000, s1;
	s24 =	sld [smem:$0x7F5]  }
0x1ad: {  	[smem:$0x7E1] =	sst s0;
	s0 =	sadd.s32 $0x1000, s2  }
0x1ae: {  	[smem:$0x7E3] =	sst s0;
	s0 =	sadd.s32 $0x1000, s6  }
0x1af: {  	[smem:$0x7E5] =	sst s0;
	s0 =	sadd.s32 $0x1000, s9  }
0x1b0: {  	[smem:$0x7E7] =	sst s0;
	s0 =	sadd.s32 $0x1000, s13  }
0x1b1: {  	[smem:$0x7E9] =	sst s0;
	s0 =	sadd.s32 $0x1000, s14  }
0x1b2: {  	[smem:$0x7EB] =	sst s0;
	s0 =	sadd.s32 $0x1000, s15  }
0x1b3: {  	v7 =	vlaneseq.u32;
	[smem:$0x7ED] =	sst s0;
	s0 =	sadd.s32 $0x1000, s20  }
0x1b4: {  	v24 =	vadd.s32 $0x1, v7;
	[smem:$0x7F0] =	sst s0;
	s0 =	sadd.s32 $0x1000, s21  }
0x1b5: {  	vm2 =	vlt.s32 v10, v24;
	vm1 =	vlt.u32 v9, v24;
	vm3 =	vlt.u32 v11, v24;
	[smem:$0x7F2] =	sst s0;
	s0 =	sadd.s32 $0x1000, s23  }
.Ltmp0:
0x1b6: {  	vm0 =	vlt.s32 v8, v24;
	v8 =	vimm.f32 $0.0e+00;
	vm4 =	vlt.s32 v12, v24;
	[smem:$0x7F4] =	sst s0;
	s0 =	sadd.s32 $0x1000, s24;
	(pc) =	sbr.rel .LBB2_1-.Ltmp0, $4  }
0x1b7: {  	p3 =	sgt.u32 s16, $0x1F;
	vm5 =	vlt.u32 v13, v24;
	vm6 =	vlt.s32 v14, v24;
	vm14 =	vlt.s32 v22, v24;
	[smem:$0x7F6] =	sst s0;
	s0 =	sadd.s32 $0x1000, s28  }
0x1b8: {  	p2 =	sgt.u32 s18, $0x1F;
	vm15 =	vlt.s32 v23, v24;
	v7 =	vmov s19;
	vm10 =	vlt.s32 v18, v24;
	[smem:$0x7F8] =	sst s0;
	s0 =	sadd.s32 $0x1000, s29  }
0x1b9: {  	p5 =	sgt.u32 s22, $0x1F;
	vm7 =	vlt.u32 v15, v24;
	vm11 =	vlt.u32 v19, v24;
	vm9 =	vlt.u32 v17, v24;
	[smem:$0x7FA] =	sst s0;
	s0 =	sadd.s32 $0x1000, s31  }
0x1ba: {  	s7 =	simm.s32 $0x0;
	vm8 =	vlt.s32 v16, v24;
	vm12 =	vlt.s32 v20, v24;
	vm13 =	vlt.u32 v21, v24;
	s2 =	simm.s32 $0x0;
	[smem:$0x7FC] =	sst s0  }
.LBB2_187:
0x1bb: {  	s0 =	simm.s32 $0x3  }
0x1bc: {  	_ =	swait.ge [sflag:s0], $0x1000  }
0x1bd: {  	[sflag:s0] =	ssyncset.done $0x0  }
0x1be: {  	[sflag:s0] =	ssyncadd.s32 $0xFFFFF000  }
0x1bf: {  	_ =	swait.ge [sflag:s0], $0x1000  }
0x1c0: {  	[sflag:s0] =	ssyncset.done $0x0  }
0x1c1: {  	s1 =	simm.s32 $0x4;
	[sflag:s0] =	ssyncadd.s32 $0xFFFFF000  }
0x1c2: {  	_ =	swait.ge [sflag:s1], $0x1000  }
0x1c3: {  	[sflag:s1] =	ssyncset.done $0x0  }
0x1c4: {  	[sflag:s1] =	ssyncadd.s32 $0xFFFFF000  }
0x1c5: {  	_ =	swait.ge [sflag:s1], $0x1000  }
0x1c6: {  	s2 =	sld [smem:$0x702]  }
0x1c7: {  	s31 =	sld [smem:$0x730];
	_ =	sdelay $0x1  }
0x1c8: {  	s2 =	sadd.s32 $0x1, s2  }
0x1c9: {  	p0 =	sne.s32 s2, s31  }
.Ltmp1:
0x1ca: {  	_ = 	snop;
	(pc) =	sbr.rel @!p0 .LBB2_188-.Ltmp1, $3  }
0x1cb: {  	_ =	sdelay $0x1  }
0x1cc: {  	[sflag:s1] =	ssyncset.done $0x0  }
0x1cd: {  	[sflag:s1] =	ssyncadd.s32 $0xFFFFF000  }
.LBB2_1:
0x1ce: {  	s0 =	sand.u32 $0x1000, s7;
	s1 =	sand.u32 $0x380, s7  }
0x1cf: {  	s1 =	sor.u32 s1, s0  }
0x1d0: {  	[tilespmem:s1+$0x5E70] =	vst v8  }
0x1d1: {  	[tilespmem:s1+$0x3200] =	vst v8  }
0x1d2: {  	[tilespmem:s1+$0x3210] =	vst v8  }
0x1d3: {  	[tilespmem:s1+$0x3220] =	vst v8  }
0x1d4: {  	[tilespmem:s1+$0x3230] =	vst v8  }
0x1d5: {  	[tilespmem:s1+$0x3240] =	vst v8  }
0x1d6: {  	[tilespmem:s1+$0x3250] =	vst v8  }
0x1d7: {  	[tilespmem:s1+$0x3260] =	vst v8  }
0x1d8: {  	[tilespmem:s1+$0x3270] =	vst v8  }
0x1d9: {  	[tilespmem:s1+$0x3600] =	vst v8  }
0x1da: {  	[tilespmem:s1+$0x3610] =	vst v8  }
0x1db: {  	[tilespmem:s1+$0x3620] =	vst v8  }
0x1dc: {  	[tilespmem:s1+$0x3630] =	vst v8  }
0x1dd: {  	[tilespmem:s1+$0x3640] =	vst v8  }
0x1de: {  	[tilespmem:s1+$0x3650] =	vst v8  }
0x1df: {  	[tilespmem:s1+$0x3660] =	vst v8  }
0x1e0: {  	[tilespmem:s1+$0x3670] =	vst v8  }
0x1e1: {  	[tilespmem:s1+$0x3A00] =	vst v8  }
0x1e2: {  	[tilespmem:s1+$0x3A10] =	vst v8  }
0x1e3: {  	[tilespmem:s1+$0x3A20] =	vst v8  }
0x1e4: {  	[tilespmem:s1+$0x3A30] =	vst v8  }
0x1e5: {  	[tilespmem:s1+$0x3A40] =	vst v8  }
0x1e6: {  	[tilespmem:s1+$0x3A50] =	vst v8  }
0x1e7: {  	[tilespmem:s1+$0x3A60] =	vst v8  }
0x1e8: {  	[tilespmem:s1+$0x3A70] =	vst v8  }
0x1e9: {  	[tilespmem:s1+$0x3E00] =	vst v8  }
0x1ea: {  	[tilespmem:s1+$0x3E10] =	vst v8  }
0x1eb: {  	[tilespmem:s1+$0x3E20] =	vst v8  }
0x1ec: {  	[tilespmem:s1+$0x3E30] =	vst v8  }
0x1ed: {  	[tilespmem:s1+$0x3E40] =	vst v8  }
0x1ee: {  	[tilespmem:s1+$0x3E50] =	vst v8  }
0x1ef: {  	[tilespmem:s1+$0x3E60] =	vst v8  }
0x1f0: {  	[tilespmem:s1+$0x3E70] =	vst v8  }
0x1f1: {  	[tilespmem:s1+$0x5200] =	vst v8  }
0x1f2: {  	[tilespmem:s1+$0x5210] =	vst v8  }
0x1f3: {  	[tilespmem:s1+$0x5220] =	vst v8  }
0x1f4: {  	[tilespmem:s1+$0x5230] =	vst v8  }
0x1f5: {  	[tilespmem:s1+$0x5240] =	vst v8  }
0x1f6: {  	[tilespmem:s1+$0x5250] =	vst v8  }
0x1f7: {  	[tilespmem:s1+$0x5260] =	vst v8  }
0x1f8: {  	[tilespmem:s1+$0x5270] =	vst v8  }
0x1f9: {  	[tilespmem:s1+$0x5600] =	vst v8  }
0x1fa: {  	[tilespmem:s1+$0x5610] =	vst v8  }
0x1fb: {  	[tilespmem:s1+$0x5620] =	vst v8  }
0x1fc: {  	[tilespmem:s1+$0x5630] =	vst v8  }
0x1fd: {  	[tilespmem:s1+$0x5640] =	vst v8  }
0x1fe: {  	[tilespmem:s1+$0x5650] =	vst v8  }
0x1ff: {  	[tilespmem:s1+$0x5660] =	vst v8  }
0x200: {  	[tilespmem:s1+$0x5670] =	vst v8  }
0x201: {  	[tilespmem:s1+$0x5A00] =	vst v8  }
0x202: {  	[tilespmem:s1+$0x5A10] =	vst v8  }
0x203: {  	[tilespmem:s1+$0x5A20] =	vst v8  }
0x204: {  	[tilespmem:s1+$0x5A30] =	vst v8  }
0x205: {  	[tilespmem:s1+$0x5A40] =	vst v8  }
0x206: {  	[tilespmem:s1+$0x5A50] =	vst v8  }
0x207: {  	[tilespmem:s1+$0x5A60] =	vst v8  }
0x208: {  	[tilespmem:s1+$0x5A70] =	vst v8  }
0x209: {  	[tilespmem:s1+$0x5E00] =	vst v8  }
0x20a: {  	[tilespmem:s1+$0x5E10] =	vst v8  }
0x20b: {  	[tilespmem:s1+$0x5E20] =	vst v8  }
0x20c: {  	[tilespmem:s1+$0x5E30] =	vst v8  }
0x20d: {  	[smem:$0x702] =	sst s2;
	s31 =	simm.s32 $0x200;
	s2 =	simm.s32 $0x80;
	[tilespmem:s1+$0x5E40] =	vst v8  }
0x20e: {  	s6 =	simm.s32 $0x400;
	s0 =	sand.u32 $0x1000, s31;
	s7 =	sand.u32 $0x380, s2;
	[tilespmem:s1+$0x5E50] =	vst v8  }
.LBB2_2:
0x20f: {  	p0 =	sne.s32 s6, $0x1E00;
	[tilespmem:s1+$0x5E60] =	vst v8;
	s1 =	sor.u32 s7, s0  }
0x210: {  	[tilespmem:s1+$0x5E70] =	vst v8  }
0x211: {  	[tilespmem:s1+$0x3200] =	vst v8  }
0x212: {  	[tilespmem:s1+$0x3210] =	vst v8  }
0x213: {  	[tilespmem:s1+$0x3220] =	vst v8  }
0x214: {  	[tilespmem:s1+$0x3230] =	vst v8  }
0x215: {  	[tilespmem:s1+$0x3240] =	vst v8  }
0x216: {  	[tilespmem:s1+$0x3250] =	vst v8  }
0x217: {  	[tilespmem:s1+$0x3260] =	vst v8  }
0x218: {  	[tilespmem:s1+$0x3270] =	vst v8  }
0x219: {  	[tilespmem:s1+$0x3600] =	vst v8  }
0x21a: {  	[tilespmem:s1+$0x3610] =	vst v8  }
0x21b: {  	[tilespmem:s1+$0x3620] =	vst v8  }
0x21c: {  	[tilespmem:s1+$0x3630] =	vst v8  }
0x21d: {  	[tilespmem:s1+$0x3640] =	vst v8  }
0x21e: {  	[tilespmem:s1+$0x3650] =	vst v8  }
0x21f: {  	[tilespmem:s1+$0x3660] =	vst v8  }
0x220: {  	[tilespmem:s1+$0x3670] =	vst v8  }
0x221: {  	[tilespmem:s1+$0x3A00] =	vst v8  }
0x222: {  	[tilespmem:s1+$0x3A10] =	vst v8  }
0x223: {  	[tilespmem:s1+$0x3A20] =	vst v8  }
0x224: {  	[tilespmem:s1+$0x3A30] =	vst v8  }
0x225: {  	[tilespmem:s1+$0x3A40] =	vst v8  }
0x226: {  	[tilespmem:s1+$0x3A50] =	vst v8  }
0x227: {  	[tilespmem:s1+$0x3A60] =	vst v8  }
0x228: {  	[tilespmem:s1+$0x3A70] =	vst v8  }
0x229: {  	[tilespmem:s1+$0x3E00] =	vst v8  }
0x22a: {  	[tilespmem:s1+$0x3E10] =	vst v8  }
0x22b: {  	[tilespmem:s1+$0x3E20] =	vst v8  }
0x22c: {  	[tilespmem:s1+$0x3E30] =	vst v8  }
0x22d: {  	[tilespmem:s1+$0x3E40] =	vst v8  }
0x22e: {  	[tilespmem:s1+$0x3E50] =	vst v8  }
0x22f: {  	[tilespmem:s1+$0x3E60] =	vst v8  }
0x230: {  	[tilespmem:s1+$0x3E70] =	vst v8  }
0x231: {  	[tilespmem:s1+$0x5200] =	vst v8  }
0x232: {  	[tilespmem:s1+$0x5210] =	vst v8  }
0x233: {  	[tilespmem:s1+$0x5220] =	vst v8  }
0x234: {  	[tilespmem:s1+$0x5230] =	vst v8  }
0x235: {  	[tilespmem:s1+$0x5240] =	vst v8  }
0x236: {  	[tilespmem:s1+$0x5250] =	vst v8  }
0x237: {  	[tilespmem:s1+$0x5260] =	vst v8  }
0x238: {  	[tilespmem:s1+$0x5270] =	vst v8  }
0x239: {  	[tilespmem:s1+$0x5600] =	vst v8  }
0x23a: {  	[tilespmem:s1+$0x5610] =	vst v8  }
0x23b: {  	[tilespmem:s1+$0x5620] =	vst v8  }
0x23c: {  	[tilespmem:s1+$0x5630] =	vst v8  }
0x23d: {  	[tilespmem:s1+$0x5640] =	vst v8  }
0x23e: {  	[tilespmem:s1+$0x5650] =	vst v8  }
0x23f: {  	[tilespmem:s1+$0x5660] =	vst v8  }
0x240: {  	[tilespmem:s1+$0x5670] =	vst v8  }
0x241: {  	[tilespmem:s1+$0x5A00] =	vst v8  }
0x242: {  	[tilespmem:s1+$0x5A10] =	vst v8  }
0x243: {  	[tilespmem:s1+$0x5A20] =	vst v8  }
0x244: {  	[tilespmem:s1+$0x5A30] =	vst v8  }
0x245: {  	[tilespmem:s1+$0x5A40] =	vst v8  }
0x246: {  	[tilespmem:s1+$0x5A50] =	vst v8  }
0x247: {  	[tilespmem:s1+$0x5A60] =	vst v8  }
0x248: {  	[tilespmem:s1+$0x5A70] =	vst v8  }
0x249: {  	[tilespmem:s1+$0x5E00] =	vst v8  }
.Ltmp2:
0x24a: {  	[tilespmem:s1+$0x5E10] =	vst v8;
	(pc) =	sbr.rel @p0 .LBB2_2-.Ltmp2, $4  }
0x24b: {  	[tilespmem:s1+$0x5E20] =	vst v8  }
0x24c: {  	[tilespmem:s1+$0x5E30] =	vst v8  }
0x24d: {  	s2 =	sadd.s32 $0x80, s2;
	[tilespmem:s1+$0x5E40] =	vst v8  }
0x24e: {  	s0 =	sand.u32 $0x1000, s6;
	s6 =	sadd.s32 $0x200, s6;
	s7 =	sand.u32 $0x380, s2;
	[tilespmem:s1+$0x5E50] =	vst v8  }
0x24f: {  	s2 =	sor.u32 s7, s0;
	[tilespmem:s1+$0x5E60] =	vst v8  }
0x250: {  	[tilespmem:s2+$0x5E70] =	vst v8  }
0x251: {  	[tilespmem:s2+$0x3200] =	vst v8  }
0x252: {  	[tilespmem:s2+$0x3210] =	vst v8  }
0x253: {  	[tilespmem:s2+$0x3220] =	vst v8  }
0x254: {  	[tilespmem:s2+$0x3230] =	vst v8  }
0x255: {  	[tilespmem:s2+$0x3240] =	vst v8  }
0x256: {  	[tilespmem:s2+$0x3250] =	vst v8  }
0x257: {  	[tilespmem:s2+$0x3260] =	vst v8  }
0x258: {  	[tilespmem:s2+$0x3270] =	vst v8  }
0x259: {  	[tilespmem:s2+$0x3600] =	vst v8  }
0x25a: {  	[tilespmem:s2+$0x3610] =	vst v8  }
0x25b: {  	[tilespmem:s2+$0x3620] =	vst v8  }
0x25c: {  	[tilespmem:s2+$0x3630] =	vst v8  }
0x25d: {  	[tilespmem:s2+$0x3640] =	vst v8  }
0x25e: {  	[tilespmem:s2+$0x3650] =	vst v8  }
0x25f: {  	[tilespmem:s2+$0x3660] =	vst v8  }
0x260: {  	[tilespmem:s2+$0x3670] =	vst v8  }
0x261: {  	[tilespmem:s2+$0x3A00] =	vst v8  }
0x262: {  	[tilespmem:s2+$0x3A10] =	vst v8  }
0x263: {  	[tilespmem:s2+$0x3A20] =	vst v8  }
0x264: {  	[tilespmem:s2+$0x3A30] =	vst v8  }
0x265: {  	[tilespmem:s2+$0x3A40] =	vst v8  }
0x266: {  	[tilespmem:s2+$0x3A50] =	vst v8  }
0x267: {  	[tilespmem:s2+$0x3A60] =	vst v8  }
0x268: {  	[tilespmem:s2+$0x3A70] =	vst v8  }
0x269: {  	[tilespmem:s2+$0x3E00] =	vst v8  }
0x26a: {  	[tilespmem:s2+$0x3E10] =	vst v8  }
0x26b: {  	[tilespmem:s2+$0x3E20] =	vst v8  }
0x26c: {  	[tilespmem:s2+$0x3E30] =	vst v8  }
0x26d: {  	[tilespmem:s2+$0x3E40] =	vst v8  }
0x26e: {  	[tilespmem:s2+$0x3E50] =	vst v8  }
0x26f: {  	[tilespmem:s2+$0x3E60] =	vst v8  }
0x270: {  	[tilespmem:s2+$0x3E70] =	vst v8  }
0x271: {  	[tilespmem:s2+$0x5200] =	vst v8  }
0x272: {  	[tilespmem:s2+$0x5210] =	vst v8  }
0x273: {  	[tilespmem:s2+$0x5220] =	vst v8  }
0x274: {  	[tilespmem:s2+$0x5230] =	vst v8  }
0x275: {  	[tilespmem:s2+$0x5240] =	vst v8  }
0x276: {  	[tilespmem:s2+$0x5250] =	vst v8  }
0x277: {  	[tilespmem:s2+$0x5260] =	vst v8  }
0x278: {  	[tilespmem:s2+$0x5270] =	vst v8  }
0x279: {  	[tilespmem:s2+$0x5600] =	vst v8  }
0x27a: {  	[tilespmem:s2+$0x5610] =	vst v8  }
0x27b: {  	[tilespmem:s2+$0x5620] =	vst v8  }
0x27c: {  	[tilespmem:s2+$0x5630] =	vst v8  }
0x27d: {  	[tilespmem:s2+$0x5640] =	vst v8  }
0x27e: {  	[tilespmem:s2+$0x5650] =	vst v8  }
0x27f: {  	[tilespmem:s2+$0x5660] =	vst v8  }
0x280: {  	[tilespmem:s2+$0x5670] =	vst v8  }
0x281: {  	[tilespmem:s2+$0x5A00] =	vst v8  }
0x282: {  	[tilespmem:s2+$0x5A10] =	vst v8  }
0x283: {  	s6 =	rddreg [dreg:$0x6];
	[tilespmem:s2+$0x5A20] =	vst v8  }
0x284: {  	s7 =	rddreg [dreg:$0x7];
	[tilespmem:s2+$0x5A30] =	vst v8  }
0x285: {  	s10 =	sld [smem:$0x7B8];
	[tilespmem:s2+$0x5A40] =	vst v8  }
0x286: {  	s14 =	sld [smem:$0x7BC];
	[tilespmem:s2+$0x5A50] =	vst v8  }
0x287: {  	s19 =	sld [smem:$0x79F];
	[tilespmem:s2+$0x5A60] =	vst v8  }
0x288: {  	s20 =	sld [smem:$0x79D];
	[tilespmem:s2+$0x5A70] =	vst v8  }
0x289: {  	s21 =	sld [smem:$0x79B];
	[tilespmem:s2+$0x5E00] =	vst v8  }
0x28a: {  	s23 =	sld [smem:$0x799];
	[tilespmem:s2+$0x5E10] =	vst v8  }
0x28b: {  	s24 =	sld [smem:$0x797];
	[tilespmem:s2+$0x5E20] =	vst v8  }
0x28c: {  	s28 =	sld [smem:$0x795];
	[tilespmem:s2+$0x5E30] =	vst v8  }
0x28d: {  	s29 =	sld [smem:$0x792];
	[tilespmem:s2+$0x5E40] =	vst v8  }
0x28e: {  	s31 =	sld [smem:$0x790];
	[tilespmem:s2+$0x5E50] =	vst v8  }
0x28f: {  	s1 =	sld [smem:$0x78E];
	[tilespmem:s2+$0x5E60] =	vst v8;
	s2 =	simm.s32 $0x0  }
0x290: {  	[tilespmem:s2], [sflag:$0x1] =	stream.linear.gather [hbm4b:s6+s2], $0xFF0, $0x38;
	[tilespmem:$0x7200] =	vst v63  }
0x291: {  	s6 =	sld [smem:$0x7A0]  }
0x292: {  	[smem:$0x6FA] =	sst s19  }
0x293: {  	[smem:$0x6FB] =	sst s20  }
0x294: {  	[smem:$0x6FC] =	sst s21  }
0x295: {  	[smem:$0x6FD] =	sst s23  }
0x296: {  	[smem:$0x6FE] =	sst s24  }
0x297: {  	s20 =	sld [smem:$0x796]  }
0x298: {  	[smem:$0x6FF] =	sst s28  }
0x299: {  	s21 =	sld [smem:$0x794]  }
0x29a: {  	[smem:$0x700] =	sst s29  }
0x29b: {  	s23 =	sld [smem:$0x791]  }
0x29c: {  	s9 =	simm.s32 $0x2000;
	[smem:$0x701] =	sst s31  }
0x29d: {  	[tilespmem:s9], [sflag:$0x1] =	stream.linear.gather [hbm4b:s7+s2], $0x8F0, $0x38;
	[tilespmem:$0x7200] =	vst v63  }
0x29e: {  	s13 =	simm.s32 $0x1000;
	s9 =	sld [smem:$0x79E]  }
0x29f: {  	[tilespmem:s13], [sflag:$0x2] =	stream.linear.gather [hbm4b:s10+s2], $0xFF0, $0x38;
	[tilespmem:$0x7200] =	vst v63  }
0x2a0: {  	s15 =	simm.s32 $0x2900;
	s10 =	sld [smem:$0x79C]  }
0x2a1: {  	[tilespmem:s15], [sflag:$0x2] =	stream.linear.gather [hbm4b:s14+s2], $0x8F0, $0x38;
	[tilespmem:$0x7200] =	vst v63  }
0x2a2: {  	s14 =	sld [smem:$0x79A]  }
0x2a3: {  	s15 =	sld [smem:$0x798]  }
.LBB2_4:
0x2a4: {  	s0 =	simm.s32 $0x1  }
0x2a5: {  	_ =	swait.ge [sflag:s0], $0xFF0  }
0x2a6: {  	[sflag:s0] =	ssyncset.done $0x0  }
0x2a7: {  	[sflag:s0] =	ssyncadd.s32 $0xFFFFF010  }
0x2a8: {  	_ =	swait.ge [sflag:s0], $0x8F0  }
0x2a9: {  	p0 =	seq.s32 s2, $0x0;
	[sflag:s0] =	ssyncset.done $0x0  }
0x2aa: {  	[sflag:s0] =	ssyncadd.s32 $0xFFFFF710;
	s0 =	simm.s32 @!p0 $0x3  }
0x2ab: {  	_ =	swait.ge @!p0 [sflag:s0], $0x1000  }
0x2ac: {  	[sflag:s0] =	ssyncset.done @!p0 $0x0  }
0x2ad: {  	[sflag:s0] =	ssyncadd.s32 @!p0 $0xFFFFF000  }
0x2ae: {  	_ =	swait.ge @!p0 [sflag:s0], $0x1000  }
0x2af: {  	[smem:$0x6EE] =	sst s1  }
0x2b0: {  	s19 =	rddreg [dreg:$0x9]  }
0x2b1: {  	[smem:$0x6EF] =	sst s6  }
0x2b2: {  	[smem:$0x6F0] =	sst s9  }
0x2b3: {  	[smem:$0x6F1] =	sst s10  }
0x2b4: {  	[smem:$0x6F2] =	sst s14  }
0x2b5: {  	[smem:$0x6F3] =	sst s15  }
0x2b6: {  	p1 =	slt.s32 s1, $0x1007710;
	[sflag:s0] =	ssyncset.done @!p0 $0x0;
	[smem:$0x6F4] =	sst s20  }
0x2b7: {  	s1 =	simm.s32 @!p1 $0x1007710;
	[smem:$0x6F5] =	sst s21;
	[sflag:s0] =	ssyncadd.s32 @!p0 $0xFFFFF000  }
0x2b8: {  	s29 =	smul.u32 $0x40200, s2;
	[smem:$0x6F6] =	sst s23;
	s13 =	sshll.u32 s1, $0x2;
	v9 =	vld [tilespmem:s19+$0x0]  }
0x2b9: {  	[smem:$0x6F8] =	sst s2;
	s0 =	ssub.s32 $0x0, s13  }
0x2ba: {  	[smem:$0x6F9] =	sst s29;
	s7 =	sshra.s32 s0, $0x2  }
0x2bb: {  	s29 =	sld [smem:$0x7DC];
	s24 =	sadd.s32 s7, s6  }
0x2bc: {  	s31 =	sadd.s32 s7, s23;
	s23 =	sshll.u32 s2, $0x1;
	s2 =	rddreg [dreg:$0x3]  }
0x2bd: {  	s13 =	sadd.s32 s7, s9;
	s1 =	sadd.s32 s7, s10;
	s6 =	rddreg [dreg:$0xa];
	v9 =	vnsel vm0, $0x0, v9  }
0x2be: {  	s19 =	sadd.s32 s7, s14;
	s28 =	sadd.s32 s7, s15;
	[tilespmem:s2+$0x3200] =	vst v9;
	s2 =	sadd.s32 $0x2, s6  }
0x2bf: {  	s9 =	sadd.s32 s7, s20;
	s15 =	sadd.s32 s7, s21;
	p1 =	slt.s32 s2, s3  }
.Ltmp3:
0x2c0: {  	s20 =	simm.s32 $0x20;
	s10 =	sadd.s32 $0x0, s12;
	(pc) =	sbr.rel @!p1 .LBB2_6-.Ltmp3, $4  }
0x2c1: {  	s21 =	simm.s32 $0x100;
	[smem:$0x6F7] =	sst s23;
	s14 =	sadd.s32 $0x10, s10  }
0x2c2: {  	s0 =	sadd.s32 $0x20, s10;
	s10 =	sand.u32 $0x70, s14;
	s6 =	sadd.s32 $0x0, s11;
	v9 =	vld [tilespmem:s29+$0xFFFFFFF0]  }
0x2c3: {  	s14 =	sand.u32 $0x70, s0;
	s23 =	sadd.s32 $0x80, s6;
	v10 =	vld [tilespmem:s29+$0x0];
	s0 =	sadd.s32 $0x100, s6  }
0x2c4: {  	s6 =	sand.u32 $0xFFFFFC00, s23;
	s23 =	sand.u32 $0xFFFFFC00, s0;
	s0 =	sadd.s32 $0x20, s29  }
.LBB2_5:
0x2c5: {  	s2 =	sadd.s32 $0x2, s2;
	s6 =	sor.u32 s10, s6  }
0x2c6: {  	v11 =	vld [tilespmem:s0+$0x0];
	s10 =	sor.u32 s14, s23;
	s14 =	smov.u32 s20;
	p6 =	slt.s32 s2, s3  }
.Ltmp4:
0x2c7: {  	s20 =	sadd.s32 $0x20, s20;
	[tilespmem:s6+$0x3200] =	vst v9;
	v9 =	vld [tilespmem:s0+$0xFFFFFFF0];
	(pc) =	sbr.rel @p6 .LBB2_5-.Ltmp4, $4  }
0x2c8: {  	s23 =	sadd.s32 s21, s11;
	s21 =	sadd.s32 $0x100, s21;
	s6 =	sadd.s32 s14, s12;
	[tilespmem:s10+$0x3200] =	vst v10  }
0x2c9: {  	s29 =	sadd.s32 $0x80, s23;
	s10 =	sadd.s32 $0x10, s6;
	s6 =	sadd.s32 $0x20, s6  }
0x2ca: {  	s23 =	sadd.s32 $0x100, s23;
	s10 =	sand.u32 $0x70, s10;
	s14 =	sand.u32 $0x70, s6  }
0x2cb: {  	s0 =	sadd.s32 $0x20, s0;
	s23 =	sand.u32 $0xFFFFFC00, s23;
	s6 =	sand.u32 $0xFFFFFC00, s29;
	v10 =	vmov v11  }
.LBB2_6:
0x2cc: {  	_ = 	snop  }
0x2cd: {  	s0 =	sor.u32 s10, s6  }
0x2ce: {  	s2 =	sor.u32 s14, s23;
	[tilespmem:s0+$0x3200] =	vst v9  }
0x2cf: {  	[tilespmem:s2+$0x3200] =	vst v10  }
0x2d0: {  	s29 =	sld [smem:$0x7A1];
	_ =	sdelay $0x2  }
0x2d1: {  	p1 =	seq.s32 s29, $0x1  }
.Ltmp5:
0x2d2: {  	_ = 	snop;
	(pc) =	sbr.rel @p1 .LBB2_8-.Ltmp5, $4  }
0x2d3: {  	s0 =	sld [smem:$0x7DE]  }
0x2d4: {  	s10 =	sld [smem:$0x7BD]  }
0x2d5: {  	s2 =	sld [smem:$0x7C2]  }
0x2d6: {  	s6 =	sld [smem:$0x7C1]  }
.LBB2_7:
0x2d7: {  	v9 =	vld [tilespmem:s0+$0x0];
	p1 =	sne.s32 s10, $0x1  }
.Ltmp6:
0x2d8: {  	_ = 	snop;
	(pc) =	sbr.rel @p1 .LBB2_7-.Ltmp6, $4  }
0x2d9: {  	_ = 	snop  }
0x2da: {  	s14 =	sand.u32 $0x70, s2;
	s20 =	sand.u32 $0x7FFFFC00, s6  }
0x2db: {  	s6 =	sadd.s32 $0x80, s6;
	s14 =	sor.u32 s14, s20  }
0x2dc: {  	s2 =	sadd.s32 $0x10, s2;
	s0 =	sadd.s32 $0x10, s0;
	s10 =	sadd.s32 $0xFFFFFFFF, s10;
	[tilespmem:s14+$0x3200] =	vst v9  }
.LBB2_8:
0x2dd: {  	s0 =	sld [smem:$0x731]  }
0x2de: {  	s29 =	sld [smem:$0x7A3];
	_ =	sdelay $0x1  }
0x2df: {  	v9 =	vld [tilespmem:s0+$0x0]  }
0x2e0: {  	p1 =	seq.s32 s29, $0x1  }
.Ltmp7:
0x2e1: {  	_ = 	snop;
	(pc) =	sbr.rel @p1 .LBB2_9-.Ltmp7, $3  }
0x2e2: {  	_ =	sdelay $0x1  }
0x2e3: {  	s23 =	rddreg [dreg:$0xb];
	v9 =	vnsel vm1, $0x0, v9  }
0x2e4: {  	[tilespmem:s23+$0x3200] =	vst v9  }
0x2e5: {  	s0 =	sld [smem:$0x7A2]  }
0x2e6: {  	s21 =	sld [smem:$0x73F]  }
0x2e7: {  	s20 =	sld [smem:$0x73E]  }
0x2e8: {  	s23 =	sld [smem:$0x7C4];
	s2 =	sadd.s32 $0x2, s0  }
0x2e9: {  	v10 =	vld [tilespmem:s21+$0x0];
	p1 =	slt.u32 s2, s17  }
.Ltmp8:
0x2ea: {  	_ = 	snop;
	(pc) =	sbr.rel @!p1 .LBB2_120-.Ltmp8, $4  }
0x2eb: {  	s29 =	sadd.s32 $0x80, s20;
	s6 =	sadd.s32 $0xFFFFFFF0, s23;
	s10 =	sand.u32 $0x70, s23;
	v9 =	vld [tilespmem:s21+$0xFFFFFFF0]  }
0x2ec: {  	s14 =	sand.u32 $0xFFFFFC00, s20;
	s0 =	sand.u32 $0xFFFFFC00, s29;
	s6 =	sand.u32 $0x70, s6  }
0x2ed: {  	s0 =	sor.u32 s10, s0;
	s6 =	sor.u32 s6, s14  }
0x2ee: {  	s10 =	smov.u32 s20;
	s14 =	smov.u32 s23;
	[tilespmem:s0+$0x4200] =	vst v10;
	s0 =	sadd.s32 $0x20, s21  }
.LBB2_119:
0x2ef: {  	s2 =	sadd.s32 $0x2, s2  }
0x2f0: {  	v10 =	vld [tilespmem:s0+$0x0];
	[tilespmem:s6+$0x4200] =	vst v9;
	s10 =	sadd.s32 $0x100, s10;
	s14 =	sadd.s32 $0x20, s14;
	p1 =	slt.u32 s2, s17  }
.Ltmp9:
0x2f1: {  	v9 =	vld [tilespmem:s0+$0xFFFFFFF0];
	(pc) =	sbr.rel @p1 .LBB2_119-.Ltmp9, $4  }
0x2f2: {  	s6 =	sadd.s32 $0x80, s10  }
0x2f3: {  	s20 =	sadd.s32 $0xFFFFFFF0, s14;
	s21 =	sand.u32 $0x70, s14;
	s6 =	sand.u32 $0xFFFFFC00, s6  }
0x2f4: {  	s23 =	sand.u32 $0xFFFFFC00, s10;
	s20 =	sand.u32 $0x70, s20;
	s21 =	sor.u32 s21, s6  }
0x2f5: {  	s0 =	sadd.s32 $0x20, s0;
	s6 =	sor.u32 s20, s23;
	[tilespmem:s21+$0x4200] =	vst v10  }
.LBB2_120:
0x2f6: {  	_ = 	snop  }
0x2f7: {  	[tilespmem:s6+$0x4200] =	vst v9  }
.LBB2_9:
0x2f8: {  	s14 =	sld [smem:$0x7A4];
	_ =	sdelay $0x2  }
0x2f9: {  	p1 =	seq.s32 s14, $0x1  }
.Ltmp10:
0x2fa: {  	_ = 	snop;
	(pc) =	sbr.rel @p1 .LBB2_11-.Ltmp10, $4  }
0x2fb: {  	s0 =	sld [smem:$0x741]  }
0x2fc: {  	s10 =	sld [smem:$0x73C]  }
0x2fd: {  	s2 =	sld [smem:$0x740]  }
0x2fe: {  	s6 =	sld [smem:$0x73D]  }
.LBB2_10:
0x2ff: {  	s10 =	sadd.s32 $0x1, s10  }
0x300: {  	v9 =	vld [tilespmem:s0+$0x0];
	p1 =	slt.u32 s10, $0x1F  }
.Ltmp11:
0x301: {  	_ = 	snop;
	(pc) =	sbr.rel @p1 .LBB2_10-.Ltmp11, $4  }
0x302: {  	_ = 	snop  }
0x303: {  	s14 =	sand.u32 $0x70, s2;
	s20 =	sand.u32 $0xC00, s6  }
0x304: {  	s14 =	sor.u32 s14, s20  }
0x305: {  	s6 =	sadd.s32 $0x80, s6;
	s2 =	sadd.s32 $0x10, s2;
	s0 =	sadd.s32 $0x10, s0;
	[tilespmem:s14+$0x4200] =	vst v9  }
.LBB2_11:
0x306: {  	s0 =	rddreg [dreg:$0xd]  }
0x307: {  	v9 =	vld [tilespmem:s0+$0x0];
	_ =	sdelay $0x1  }
0x308: {  	s21 =	rddreg [dreg:$0x16]  }
0x309: {  	s14 =	sld [smem:$0x7E0]  }
0x30a: {  	s23 =	rddreg [dreg:$0xc]  }
0x30b: {  	s20 =	sld [smem:$0x77E];
	v9 =	vnsel vm2, $0x0, v9  }
0x30c: {  	[tilespmem:s21+$0x3200] =	vst v9;
	s21 =	sld [smem:$0x743]  }
0x30d: {  	s10 =	sadd.s32 $0x2, s23  }
0x30e: {  	p1 =	slt.u32 s10, s16;
	s29 =	sadd.s32 $0x80, s20;
	s23 =	sand.u32 $0xFFFFFC00, s20;
	v10 =	vld [tilespmem:s14+$0x0]  }
.Ltmp12:
0x30f: {  	s0 =	sand.u32 $0xFFFFFC00, s29;
	s2 =	sadd.s32 $0xFFFFFFF0, s21;
	(pc) =	sbr.rel @!p1 .LBB2_13-.Ltmp12, $4  }
0x310: {  	v9 =	vld [tilespmem:s14+$0xFFFFFFF0];
	[smem:$0x6EC] =	sst s23;
	s6 =	sand.u32 $0x70, s21;
	s2 =	sand.u32 $0x70, s2  }
0x311: {  	s0 =	sor.u32 s6, s0;
	[smem:$0x6EB] =	sst s2  }
0x312: {  	[smem:$0x6ED] =	sst s0  }
0x313: {  	s6 =	sor.u32 s2, s23;
	[tilespmem:s0+$0x3280] =	vst v10;
	s0 =	sadd.s32 $0x20, s14;
	s14 =	smov.u32 s20  }
.LBB2_12:
0x314: {  	s10 =	sadd.s32 $0x2, s10  }
0x315: {  	v10 =	vld [tilespmem:s0+$0x0];
	[tilespmem:s6+$0x3280] =	vst v9;
	s14 =	sadd.s32 $0x100, s14;
	s21 =	sadd.s32 $0x20, s21;
	p1 =	slt.u32 s10, s16  }
.Ltmp13:
0x316: {  	v9 =	vld [tilespmem:s0+$0xFFFFFFF0];
	(pc) =	sbr.rel @p1 .LBB2_12-.Ltmp13, $4  }
0x317: {  	s2 =	sadd.s32 $0x80, s14  }
0x318: {  	s6 =	sadd.s32 $0xFFFFFFF0, s21;
	s23 =	sand.u32 $0x70, s21;
	s2 =	sand.u32 $0xFFFFFC00, s2  }
0x319: {  	s29 =	sand.u32 $0xFFFFFC00, s14;
	s6 =	sand.u32 $0x70, s6;
	s2 =	sor.u32 s23, s2  }
0x31a: {  	s0 =	sadd.s32 $0x20, s0;
	s6 =	sor.u32 s6, s29;
	[tilespmem:s2+$0x3280] =	vst v10  }
.LBB2_13:
0x31b: {  	_ = 	snop  }
.Ltmp14:
0x31c: {  	[tilespmem:s6+$0x3280] =	vst v9;
	(pc) =	sbr.rel @p3 .LBB2_15-.Ltmp14, $3  }
0x31d: {  	s0 =	sld [smem:$0x7E2]  }
0x31e: {  	s2 =	sld [smem:$0x746];
	_ =	sdelay $0x1  }
0x31f: {  	s10 =	smov.u32 s30;
	s6 =	sld [smem:$0x7C8]  }
.LBB2_14:
0x320: {  	v9 =	vld [tilespmem:s0+$0x0];
	p1 =	sne.s32 s2, $0x1  }
.Ltmp15:
0x321: {  	_ = 	snop;
	(pc) =	sbr.rel @p1 .LBB2_14-.Ltmp15, $4  }
0x322: {  	_ = 	snop  }
0x323: {  	s14 =	sand.u32 $0x70, s6;
	s21 =	sand.u32 $0xC00, s10  }
0x324: {  	s10 =	sadd.s32 $0x80, s10;
	s14 =	sor.u32 s14, s21  }
0x325: {  	s6 =	sadd.s32 $0x10, s6;
	s0 =	sadd.s32 $0x10, s0;
	s2 =	sadd.s32 $0xFFFFFFFF, s2;
	[tilespmem:s14+$0x3280] =	vst v9  }
.LBB2_15:
0x326: {  	s0 =	sld [smem:$0x732]  }
0x327: {  	s29 =	sld [smem:$0x7A6];
	_ =	sdelay $0x1  }
0x328: {  	v9 =	vld [tilespmem:s0+$0x2000]  }
0x329: {  	p1 =	seq.s32 s29, $0x1  }
.Ltmp16:
0x32a: {  	_ = 	snop;
	(pc) =	sbr.rel @p1 .LBB2_16-.Ltmp16, $3  }
0x32b: {  	_ =	sdelay $0x1  }
0x32c: {  	s23 =	rddreg [dreg:$0xe];
	v9 =	vnsel vm3, $0x0, v9  }
0x32d: {  	[tilespmem:s23+$0x3200] =	vst v9  }
0x32e: {  	s0 =	sld [smem:$0x7A5]  }
0x32f: {  	s21 =	sld [smem:$0x74B]  }
0x330: {  	s20 =	sld [smem:$0x74A]  }
0x331: {  	s23 =	sld [smem:$0x7CA];
	s10 =	sadd.s32 $0x2, s0  }
0x332: {  	v10 =	vld [tilespmem:s21+$0x0];
	p1 =	slt.u32 s10, s25  }
.Ltmp17:
0x333: {  	_ = 	snop;
	(pc) =	sbr.rel @!p1 .LBB2_123-.Ltmp17, $4  }
0x334: {  	s29 =	sadd.s32 $0x80, s20;
	s2 =	sadd.s32 $0xFFFFFFF0, s23;
	s6 =	sand.u32 $0x70, s23;
	v9 =	vld [tilespmem:s21+$0xFFFFFFF0]  }
0x335: {  	s14 =	sand.u32 $0xFFFFFC00, s20;
	s0 =	sand.u32 $0xFFFFFC00, s29;
	s2 =	sand.u32 $0x70, s2  }
0x336: {  	s0 =	sor.u32 s6, s0;
	s6 =	sor.u32 s2, s14  }
0x337: {  	s14 =	smov.u32 s20;
	[tilespmem:s0+$0x4280] =	vst v10;
	s0 =	sadd.s32 $0x20, s21;
	s21 =	smov.u32 s23  }
.LBB2_122:
0x338: {  	s10 =	sadd.s32 $0x2, s10  }
0x339: {  	v10 =	vld [tilespmem:s0+$0x0];
	[tilespmem:s6+$0x4280] =	vst v9;
	s14 =	sadd.s32 $0x100, s14;
	s21 =	sadd.s32 $0x20, s21;
	p1 =	slt.u32 s10, s25  }
.Ltmp18:
0x33a: {  	v9 =	vld [tilespmem:s0+$0xFFFFFFF0];
	(pc) =	sbr.rel @p1 .LBB2_122-.Ltmp18, $4  }
0x33b: {  	s2 =	sadd.s32 $0x80, s14  }
0x33c: {  	s6 =	sadd.s32 $0xFFFFFFF0, s21;
	s23 =	sand.u32 $0x70, s21;
	s2 =	sand.u32 $0xFFFFFC00, s2  }
0x33d: {  	s29 =	sand.u32 $0xFFFFFC00, s14;
	s6 =	sand.u32 $0x70, s6;
	s2 =	sor.u32 s23, s2  }
0x33e: {  	s0 =	sadd.s32 $0x20, s0;
	s6 =	sor.u32 s6, s29;
	[tilespmem:s2+$0x4280] =	vst v10  }
.LBB2_123:
0x33f: {  	_ = 	snop  }
0x340: {  	[tilespmem:s6+$0x4280] =	vst v9  }
.LBB2_16:
0x341: {  	s14 =	sld [smem:$0x7A7];
	_ =	sdelay $0x2  }
0x342: {  	p1 =	seq.s32 s14, $0x1  }
.Ltmp19:
0x343: {  	_ = 	snop;
	(pc) =	sbr.rel @p1 .LBB2_18-.Ltmp19, $4  }
0x344: {  	s0 =	sld [smem:$0x74D]  }
0x345: {  	s2 =	sld [smem:$0x748]  }
0x346: {  	s6 =	sld [smem:$0x74C]  }
0x347: {  	s10 =	sld [smem:$0x749]  }
.LBB2_17:
0x348: {  	s2 =	sadd.s32 $0x1, s2  }
0x349: {  	v9 =	vld [tilespmem:s0+$0x0];
	p1 =	slt.u32 s2, $0x1F  }
.Ltmp20:
0x34a: {  	_ = 	snop;
	(pc) =	sbr.rel @p1 .LBB2_17-.Ltmp20, $4  }
0x34b: {  	_ = 	snop  }
0x34c: {  	s14 =	sand.u32 $0x70, s6;
	s21 =	sand.u32 $0xC00, s10  }
0x34d: {  	s14 =	sor.u32 s14, s21  }
0x34e: {  	s10 =	sadd.s32 $0x80, s10;
	s6 =	sadd.s32 $0x10, s6;
	s0 =	sadd.s32 $0x10, s0;
	[tilespmem:s14+$0x4280] =	vst v9  }
.LBB2_18:
0x34f: {  	s0 =	rddreg [dreg:$0xf]  }
0x350: {  	v9 =	vld [tilespmem:s0+$0x0];
	_ =	sdelay $0x3  }
0x351: {  	s2 =	sld [smem:$0x7E4]  }
0x352: {  	s21 =	rddreg [dreg:$0x1b];
	v9 =	vnsel vm4, $0x0, v9  }
0x353: {  	[tilespmem:s21+$0x3200] =	vst v9  }
0x354: {  	v10 =	vld [tilespmem:s2+$0x0]  }
0x355: {  	s23 =	rddreg [dreg:$0xc]  }
0x356: {  	s29 =	sld [smem:$0x6ED];
	s0 =	sadd.s32 $0x2, s23  }
0x357: {  	p1 =	slt.u32 s0, s16  }
.Ltmp21:
0x358: {  	s6 =	sld [smem:$0x6EB];
	(pc) =	sbr.rel @!p1 .LBB2_20-.Ltmp21, $4  }
0x359: {  	s10 =	sld [smem:$0x6EC];
	v9 =	vld [tilespmem:s2+$0xFFFFFFF0];
	[tilespmem:s29+$0x3300] =	vst v10  }
0x35a: {  	s14 =	sld [smem:$0x77E]  }
0x35b: {  	s21 =	sld [smem:$0x743]  }
0x35c: {  	s6 =	sor.u32 s6, s10;
	s10 =	sadd.s32 $0x20, s2  }
.LBB2_19:
0x35d: {  	s0 =	sadd.s32 $0x2, s0  }
0x35e: {  	v10 =	vld [tilespmem:s10+$0x0];
	[tilespmem:s6+$0x3300] =	vst v9;
	s14 =	sadd.s32 $0x100, s14;
	s21 =	sadd.s32 $0x20, s21;
	p1 =	slt.u32 s0, s16  }
.Ltmp22:
0x35f: {  	v9 =	vld [tilespmem:s10+$0xFFFFFFF0];
	(pc) =	sbr.rel @p1 .LBB2_19-.Ltmp22, $4  }
0x360: {  	s2 =	sadd.s32 $0x80, s14  }
0x361: {  	s6 =	sadd.s32 $0xFFFFFFF0, s21;
	s23 =	sand.u32 $0x70, s21;
	s2 =	sand.u32 $0xFFFFFC00, s2  }
0x362: {  	s29 =	sand.u32 $0xFFFFFC00, s14;
	s6 =	sand.u32 $0x70, s6;
	s2 =	sor.u32 s23, s2  }
0x363: {  	s10 =	sadd.s32 $0x20, s10;
	s6 =	sor.u32 s6, s29;
	[tilespmem:s2+$0x3300] =	vst v10  }
.LBB2_20:
0x364: {  	_ = 	snop  }
.Ltmp23:
0x365: {  	[tilespmem:s6+$0x3300] =	vst v9;
	(pc) =	sbr.rel @p3 .LBB2_22-.Ltmp23, $3  }
0x366: {  	s0 =	sld [smem:$0x7E6]  }
0x367: {  	s2 =	sld [smem:$0x746];
	_ =	sdelay $0x1  }
0x368: {  	s10 =	smov.u32 s30;
	s6 =	sld [smem:$0x7C8]  }
.LBB2_21:
0x369: {  	v9 =	vld [tilespmem:s0+$0x0];
	p1 =	sne.s32 s2, $0x1  }
.Ltmp24:
0x36a: {  	_ = 	snop;
	(pc) =	sbr.rel @p1 .LBB2_21-.Ltmp24, $4  }
0x36b: {  	_ = 	snop  }
0x36c: {  	s14 =	sand.u32 $0x70, s6;
	s21 =	sand.u32 $0xC00, s10  }
0x36d: {  	s10 =	sadd.s32 $0x80, s10;
	s14 =	sor.u32 s14, s21  }
0x36e: {  	s6 =	sadd.s32 $0x10, s6;
	s0 =	sadd.s32 $0x10, s0;
	s2 =	sadd.s32 $0xFFFFFFFF, s2;
	[tilespmem:s14+$0x3300] =	vst v9  }
.LBB2_22:
0x36f: {  	s0 =	sld [smem:$0x733]  }
0x370: {  	s29 =	sld [smem:$0x7A9];
	_ =	sdelay $0x1  }
0x371: {  	v9 =	vld [tilespmem:s0+$0x2000]  }
0x372: {  	p1 =	seq.s32 s29, $0x1  }
.Ltmp25:
0x373: {  	_ = 	snop;
	(pc) =	sbr.rel @p1 .LBB2_23-.Ltmp25, $3  }
0x374: {  	_ =	sdelay $0x1  }
0x375: {  	s23 =	rddreg [dreg:$0x10];
	v9 =	vnsel vm5, $0x0, v9  }
0x376: {  	[tilespmem:s23+$0x3200] =	vst v9  }
0x377: {  	s0 =	sld [smem:$0x7A8]  }
0x378: {  	s21 =	sld [smem:$0x754]  }
0x379: {  	s20 =	sld [smem:$0x753]  }
0x37a: {  	s23 =	sld [smem:$0x7CF];
	s10 =	sadd.s32 $0x2, s0  }
0x37b: {  	v10 =	vld [tilespmem:s21+$0x0];
	p1 =	slt.u32 s10, s4  }
.Ltmp26:
0x37c: {  	_ = 	snop;
	(pc) =	sbr.rel @!p1 .LBB2_126-.Ltmp26, $4  }
0x37d: {  	s29 =	sadd.s32 $0x80, s20;
	s2 =	sadd.s32 $0xFFFFFFF0, s23;
	s6 =	sand.u32 $0x70, s23;
	v9 =	vld [tilespmem:s21+$0xFFFFFFF0]  }
0x37e: {  	s14 =	sand.u32 $0xFFFFFC00, s20;
	s0 =	sand.u32 $0xFFFFFC00, s29;
	s2 =	sand.u32 $0x70, s2  }
0x37f: {  	s0 =	sor.u32 s6, s0;
	s6 =	sor.u32 s2, s14  }
0x380: {  	s14 =	smov.u32 s20;
	[tilespmem:s0+$0x4300] =	vst v10;
	s0 =	sadd.s32 $0x20, s21;
	s21 =	smov.u32 s23  }
.LBB2_125:
0x381: {  	s10 =	sadd.s32 $0x2, s10  }
0x382: {  	v10 =	vld [tilespmem:s0+$0x0];
	[tilespmem:s6+$0x4300] =	vst v9;
	s14 =	sadd.s32 $0x100, s14;
	s21 =	sadd.s32 $0x20, s21;
	p1 =	slt.u32 s10, s4  }
.Ltmp27:
0x383: {  	v9 =	vld [tilespmem:s0+$0xFFFFFFF0];
	(pc) =	sbr.rel @p1 .LBB2_125-.Ltmp27, $4  }
0x384: {  	s2 =	sadd.s32 $0x80, s14  }
0x385: {  	s6 =	sadd.s32 $0xFFFFFFF0, s21;
	s23 =	sand.u32 $0x70, s21;
	s2 =	sand.u32 $0xFFFFFC00, s2  }
0x386: {  	s29 =	sand.u32 $0xFFFFFC00, s14;
	s6 =	sand.u32 $0x70, s6;
	s2 =	sor.u32 s23, s2  }
0x387: {  	s0 =	sadd.s32 $0x20, s0;
	s6 =	sor.u32 s6, s29;
	[tilespmem:s2+$0x4300] =	vst v10  }
.LBB2_126:
0x388: {  	_ = 	snop  }
0x389: {  	[tilespmem:s6+$0x4300] =	vst v9  }
.LBB2_23:
0x38a: {  	s14 =	sld [smem:$0x7AA];
	_ =	sdelay $0x2  }
0x38b: {  	p1 =	seq.s32 s14, $0x1  }
.Ltmp28:
0x38c: {  	_ = 	snop;
	(pc) =	sbr.rel @p1 .LBB2_25-.Ltmp28, $4  }
0x38d: {  	s0 =	sld [smem:$0x758]  }
0x38e: {  	s2 =	sld [smem:$0x751]  }
0x38f: {  	s6 =	sld [smem:$0x755]  }
0x390: {  	s10 =	sld [smem:$0x752]  }
.LBB2_24:
0x391: {  	s2 =	sadd.s32 $0x1, s2  }
0x392: {  	v9 =	vld [tilespmem:s0+$0x0];
	p1 =	slt.u32 s2, $0x1F  }
.Ltmp29:
0x393: {  	_ = 	snop;
	(pc) =	sbr.rel @p1 .LBB2_24-.Ltmp29, $4  }
0x394: {  	_ = 	snop  }
0x395: {  	s14 =	sand.u32 $0x70, s6;
	s21 =	sand.u32 $0xC00, s10  }
0x396: {  	s14 =	sor.u32 s14, s21  }
0x397: {  	s10 =	sadd.s32 $0x80, s10;
	s6 =	sadd.s32 $0x10, s6;
	s0 =	sadd.s32 $0x10, s0;
	[tilespmem:s14+$0x4300] =	vst v9  }
.LBB2_25:
0x398: {  	s0 =	rddreg [dreg:$0x11]  }
0x399: {  	v9 =	vld [tilespmem:s0+$0x0];
	_ =	sdelay $0x3  }
0x39a: {  	s2 =	sld [smem:$0x7E8]  }
0x39b: {  	s21 =	rddreg [dreg:$0x17];
	v9 =	vnsel vm6, $0x0, v9  }
0x39c: {  	[tilespmem:s21+$0x3200] =	vst v9  }
0x39d: {  	v10 =	vld [tilespmem:s2+$0x0]  }
0x39e: {  	s23 =	rddreg [dreg:$0xc]  }
0x39f: {  	s29 =	sld [smem:$0x6ED];
	s0 =	sadd.s32 $0x2, s23  }
0x3a0: {  	p1 =	slt.u32 s0, s16  }
.Ltmp30:
0x3a1: {  	s6 =	sld [smem:$0x6EB];
	(pc) =	sbr.rel @!p1 .LBB2_27-.Ltmp30, $4  }
0x3a2: {  	s10 =	sld [smem:$0x6EC];
	v9 =	vld [tilespmem:s2+$0xFFFFFFF0];
	[tilespmem:s29+$0x3380] =	vst v10  }
0x3a3: {  	s14 =	sld [smem:$0x77E]  }
0x3a4: {  	s21 =	sld [smem:$0x743]  }
0x3a5: {  	s6 =	sor.u32 s6, s10;
	s10 =	sadd.s32 $0x20, s2  }
.LBB2_26:
0x3a6: {  	s0 =	sadd.s32 $0x2, s0  }
0x3a7: {  	v10 =	vld [tilespmem:s10+$0x0];
	[tilespmem:s6+$0x3380] =	vst v9;
	s14 =	sadd.s32 $0x100, s14;
	s21 =	sadd.s32 $0x20, s21;
	p1 =	slt.u32 s0, s16  }
.Ltmp31:
0x3a8: {  	v9 =	vld [tilespmem:s10+$0xFFFFFFF0];
	(pc) =	sbr.rel @p1 .LBB2_26-.Ltmp31, $4  }
0x3a9: {  	s2 =	sadd.s32 $0x80, s14  }
0x3aa: {  	s6 =	sadd.s32 $0xFFFFFFF0, s21;
	s23 =	sand.u32 $0x70, s21;
	s2 =	sand.u32 $0xFFFFFC00, s2  }
0x3ab: {  	s29 =	sand.u32 $0xFFFFFC00, s14;
	s6 =	sand.u32 $0x70, s6;
	s2 =	sor.u32 s23, s2  }
0x3ac: {  	s10 =	sadd.s32 $0x20, s10;
	s6 =	sor.u32 s6, s29;
	[tilespmem:s2+$0x3380] =	vst v10  }
.LBB2_27:
0x3ad: {  	_ = 	snop  }
.Ltmp32:
0x3ae: {  	[tilespmem:s6+$0x3380] =	vst v9;
	(pc) =	sbr.rel @p3 .LBB2_29-.Ltmp32, $3  }
0x3af: {  	s0 =	sld [smem:$0x7EA]  }
0x3b0: {  	s2 =	sld [smem:$0x746];
	_ =	sdelay $0x1  }
0x3b1: {  	s10 =	smov.u32 s30;
	s6 =	sld [smem:$0x7C8]  }
.LBB2_28:
0x3b2: {  	v9 =	vld [tilespmem:s0+$0x0];
	p1 =	sne.s32 s2, $0x1  }
.Ltmp33:
0x3b3: {  	_ = 	snop;
	(pc) =	sbr.rel @p1 .LBB2_28-.Ltmp33, $4  }
0x3b4: {  	_ = 	snop  }
0x3b5: {  	s14 =	sand.u32 $0x70, s6;
	s21 =	sand.u32 $0xC00, s10  }
0x3b6: {  	s10 =	sadd.s32 $0x80, s10;
	s14 =	sor.u32 s14, s21  }
0x3b7: {  	s6 =	sadd.s32 $0x10, s6;
	s0 =	sadd.s32 $0x10, s0;
	s2 =	sadd.s32 $0xFFFFFFFF, s2;
	[tilespmem:s14+$0x3380] =	vst v9  }
.LBB2_29:
0x3b8: {  	s0 =	sld [smem:$0x734]  }
0x3b9: {  	s29 =	sld [smem:$0x7AC];
	_ =	sdelay $0x1  }
0x3ba: {  	v9 =	vld [tilespmem:s0+$0x2000]  }
0x3bb: {  	p1 =	seq.s32 s29, $0x1  }
.Ltmp34:
0x3bc: {  	_ = 	snop;
	(pc) =	sbr.rel @p1 .LBB2_30-.Ltmp34, $3  }
0x3bd: {  	_ =	sdelay $0x1  }
0x3be: {  	s23 =	rddreg [dreg:$0x12];
	v9 =	vnsel vm7, $0x0, v9  }
0x3bf: {  	[tilespmem:s23+$0x3200] =	vst v9  }
0x3c0: {  	s0 =	sld [smem:$0x7AB]  }
0x3c1: {  	s21 =	sld [smem:$0x75E]  }
0x3c2: {  	s20 =	sld [smem:$0x75D]  }
0x3c3: {  	s23 =	sld [smem:$0x7D1];
	s10 =	sadd.s32 $0x2, s0  }
0x3c4: {  	v10 =	vld [tilespmem:s21+$0x0];
	p1 =	slt.u32 s10, s5  }
.Ltmp35:
0x3c5: {  	_ = 	snop;
	(pc) =	sbr.rel @!p1 .LBB2_129-.Ltmp35, $4  }
0x3c6: {  	s29 =	sadd.s32 $0x80, s20;
	s2 =	sadd.s32 $0xFFFFFFF0, s23;
	s6 =	sand.u32 $0x70, s23;
	v9 =	vld [tilespmem:s21+$0xFFFFFFF0]  }
0x3c7: {  	s14 =	sand.u32 $0xFFFFFC00, s20;
	s0 =	sand.u32 $0xFFFFFC00, s29;
	s2 =	sand.u32 $0x70, s2  }
0x3c8: {  	s0 =	sor.u32 s6, s0;
	s6 =	sor.u32 s2, s14  }
0x3c9: {  	s14 =	smov.u32 s20;
	[tilespmem:s0+$0x4380] =	vst v10;
	s0 =	sadd.s32 $0x20, s21;
	s21 =	smov.u32 s23  }
.LBB2_128:
0x3ca: {  	s10 =	sadd.s32 $0x2, s10  }
0x3cb: {  	v10 =	vld [tilespmem:s0+$0x0];
	[tilespmem:s6+$0x4380] =	vst v9;
	s14 =	sadd.s32 $0x100, s14;
	s21 =	sadd.s32 $0x20, s21;
	p1 =	slt.u32 s10, s5  }
.Ltmp36:
0x3cc: {  	v9 =	vld [tilespmem:s0+$0xFFFFFFF0];
	(pc) =	sbr.rel @p1 .LBB2_128-.Ltmp36, $4  }
0x3cd: {  	s2 =	sadd.s32 $0x80, s14  }
0x3ce: {  	s6 =	sadd.s32 $0xFFFFFFF0, s21;
	s23 =	sand.u32 $0x70, s21;
	s2 =	sand.u32 $0xFFFFFC00, s2  }
0x3cf: {  	s29 =	sand.u32 $0xFFFFFC00, s14;
	s6 =	sand.u32 $0x70, s6;
	s2 =	sor.u32 s23, s2  }
0x3d0: {  	s0 =	sadd.s32 $0x20, s0;
	s6 =	sor.u32 s6, s29;
	[tilespmem:s2+$0x4380] =	vst v10  }
.LBB2_129:
0x3d1: {  	_ = 	snop  }
0x3d2: {  	[tilespmem:s6+$0x4380] =	vst v9  }
.LBB2_30:
0x3d3: {  	s14 =	sld [smem:$0x7AD];
	_ =	sdelay $0x2  }
0x3d4: {  	p1 =	seq.s32 s14, $0x1  }
.Ltmp37:
0x3d5: {  	_ = 	snop;
	(pc) =	sbr.rel @p1 .LBB2_32-.Ltmp37, $4  }
0x3d6: {  	s0 =	sld [smem:$0x760]  }
0x3d7: {  	s2 =	sld [smem:$0x75A]  }
0x3d8: {  	s6 =	sld [smem:$0x75F]  }
0x3d9: {  	s10 =	sld [smem:$0x75B]  }
.LBB2_31:
0x3da: {  	s2 =	sadd.s32 $0x1, s2  }
0x3db: {  	v9 =	vld [tilespmem:s0+$0x0];
	p1 =	slt.u32 s2, $0x1F  }
.Ltmp38:
0x3dc: {  	_ = 	snop;
	(pc) =	sbr.rel @p1 .LBB2_31-.Ltmp38, $4  }
0x3dd: {  	_ = 	snop  }
0x3de: {  	s14 =	sand.u32 $0x70, s6;
	s21 =	sand.u32 $0xC00, s10  }
0x3df: {  	s14 =	sor.u32 s14, s21  }
0x3e0: {  	s10 =	sadd.s32 $0x80, s10;
	s6 =	sadd.s32 $0x10, s6;
	s0 =	sadd.s32 $0x10, s0;
	[tilespmem:s14+$0x4380] =	vst v9  }
.LBB2_32:
0x3e1: {  	s0 =	rddreg [dreg:$0x13]  }
0x3e2: {  	v9 =	vld [tilespmem:s0+$0x0];
	_ =	sdelay $0x3  }
0x3e3: {  	s2 =	sld [smem:$0x7EC]  }
0x3e4: {  	s21 =	rddreg [dreg:$0x1c];
	v9 =	vnsel vm8, $0x0, v9  }
0x3e5: {  	[tilespmem:s21+$0x3200] =	vst v9  }
0x3e6: {  	v10 =	vld [tilespmem:s2+$0x0]  }
0x3e7: {  	s23 =	rddreg [dreg:$0xc]  }
0x3e8: {  	s29 =	sld [smem:$0x6ED];
	s0 =	sadd.s32 $0x2, s23  }
0x3e9: {  	p1 =	slt.u32 s0, s16  }
.Ltmp39:
0x3ea: {  	s6 =	sld [smem:$0x6EB];
	(pc) =	sbr.rel @!p1 .LBB2_34-.Ltmp39, $4  }
0x3eb: {  	s10 =	sld [smem:$0x6EC];
	v9 =	vld [tilespmem:s2+$0xFFFFFFF0];
	[tilespmem:s29+$0x3400] =	vst v10  }
0x3ec: {  	s14 =	sld [smem:$0x77E]  }
0x3ed: {  	s21 =	sld [smem:$0x743]  }
0x3ee: {  	s6 =	sor.u32 s6, s10;
	s10 =	sadd.s32 $0x20, s2  }
.LBB2_33:
0x3ef: {  	s0 =	sadd.s32 $0x2, s0  }
0x3f0: {  	v10 =	vld [tilespmem:s10+$0x0];
	[tilespmem:s6+$0x3400] =	vst v9;
	s14 =	sadd.s32 $0x100, s14;
	s21 =	sadd.s32 $0x20, s21;
	p1 =	slt.u32 s0, s16  }
.Ltmp40:
0x3f1: {  	v9 =	vld [tilespmem:s10+$0xFFFFFFF0];
	(pc) =	sbr.rel @p1 .LBB2_33-.Ltmp40, $4  }
0x3f2: {  	s2 =	sadd.s32 $0x80, s14  }
0x3f3: {  	s6 =	sadd.s32 $0xFFFFFFF0, s21;
	s23 =	sand.u32 $0x70, s21;
	s2 =	sand.u32 $0xFFFFFC00, s2  }
0x3f4: {  	s29 =	sand.u32 $0xFFFFFC00, s14;
	s6 =	sand.u32 $0x70, s6;
	s2 =	sor.u32 s23, s2  }
0x3f5: {  	s10 =	sadd.s32 $0x20, s10;
	s6 =	sor.u32 s6, s29;
	[tilespmem:s2+$0x3400] =	vst v10  }
.LBB2_34:
0x3f6: {  	_ = 	snop  }
.Ltmp41:
0x3f7: {  	[tilespmem:s6+$0x3400] =	vst v9;
	(pc) =	sbr.rel @p3 .LBB2_36-.Ltmp41, $3  }
0x3f8: {  	s0 =	sld [smem:$0x7EF]  }
0x3f9: {  	s2 =	sld [smem:$0x746];
	_ =	sdelay $0x1  }
0x3fa: {  	s10 =	smov.u32 s30;
	s6 =	sld [smem:$0x7C8]  }
.LBB2_35:
0x3fb: {  	v9 =	vld [tilespmem:s0+$0x0];
	p1 =	sne.s32 s2, $0x1  }
.Ltmp42:
0x3fc: {  	_ = 	snop;
	(pc) =	sbr.rel @p1 .LBB2_35-.Ltmp42, $4  }
0x3fd: {  	_ = 	snop  }
0x3fe: {  	s14 =	sand.u32 $0x70, s6;
	s21 =	sand.u32 $0xC00, s10  }
0x3ff: {  	s10 =	sadd.s32 $0x80, s10;
	s14 =	sor.u32 s14, s21  }
0x400: {  	s6 =	sadd.s32 $0x10, s6;
	s0 =	sadd.s32 $0x10, s0;
	s2 =	sadd.s32 $0xFFFFFFFF, s2;
	[tilespmem:s14+$0x3400] =	vst v9  }
.LBB2_36:
0x401: {  	s0 =	sld [smem:$0x735]  }
0x402: {  	s29 =	sld [smem:$0x7AF];
	_ =	sdelay $0x1  }
0x403: {  	v9 =	vld [tilespmem:s0+$0x2000]  }
0x404: {  	p1 =	seq.s32 s29, $0x1  }
.Ltmp43:
0x405: {  	_ = 	snop;
	(pc) =	sbr.rel @p1 .LBB2_37-.Ltmp43, $3  }
0x406: {  	_ =	sdelay $0x1  }
0x407: {  	s23 =	rddreg [dreg:$0x14];
	v9 =	vnsel vm9, $0x0, v9  }
0x408: {  	[tilespmem:s23+$0x3200] =	vst v9  }
0x409: {  	s0 =	sld [smem:$0x7AE]  }
0x40a: {  	s21 =	sld [smem:$0x768]  }
0x40b: {  	s20 =	sld [smem:$0x767]  }
0x40c: {  	s23 =	sld [smem:$0x7D3];
	s10 =	sadd.s32 $0x2, s0  }
0x40d: {  	v10 =	vld [tilespmem:s21+$0x0];
	p1 =	slt.u32 s10, s26  }
.Ltmp44:
0x40e: {  	_ = 	snop;
	(pc) =	sbr.rel @!p1 .LBB2_132-.Ltmp44, $4  }
0x40f: {  	s29 =	sadd.s32 $0x80, s20;
	s2 =	sadd.s32 $0xFFFFFFF0, s23;
	s6 =	sand.u32 $0x70, s23;
	v9 =	vld [tilespmem:s21+$0xFFFFFFF0]  }
0x410: {  	s14 =	sand.u32 $0xFFFFFC00, s20;
	s0 =	sand.u32 $0xFFFFFC00, s29;
	s2 =	sand.u32 $0x70, s2  }
0x411: {  	s0 =	sor.u32 s6, s0;
	s6 =	sor.u32 s2, s14  }
0x412: {  	s14 =	smov.u32 s20;
	[tilespmem:s0+$0x4400] =	vst v10;
	s0 =	sadd.s32 $0x20, s21;
	s21 =	smov.u32 s23  }
.LBB2_131:
0x413: {  	s10 =	sadd.s32 $0x2, s10  }
0x414: {  	v10 =	vld [tilespmem:s0+$0x0];
	[tilespmem:s6+$0x4400] =	vst v9;
	s14 =	sadd.s32 $0x100, s14;
	s21 =	sadd.s32 $0x20, s21;
	p1 =	slt.u32 s10, s26  }
.Ltmp45:
0x415: {  	v9 =	vld [tilespmem:s0+$0xFFFFFFF0];
	(pc) =	sbr.rel @p1 .LBB2_131-.Ltmp45, $4  }
0x416: {  	s2 =	sadd.s32 $0x80, s14  }
0x417: {  	s6 =	sadd.s32 $0xFFFFFFF0, s21;
	s23 =	sand.u32 $0x70, s21;
	s2 =	sand.u32 $0xFFFFFC00, s2  }
0x418: {  	s29 =	sand.u32 $0xFFFFFC00, s14;
	s6 =	sand.u32 $0x70, s6;
	s2 =	sor.u32 s23, s2  }
0x419: {  	s0 =	sadd.s32 $0x20, s0;
	s6 =	sor.u32 s6, s29;
	[tilespmem:s2+$0x4400] =	vst v10  }
.LBB2_132:
0x41a: {  	_ = 	snop  }
0x41b: {  	[tilespmem:s6+$0x4400] =	vst v9  }
.LBB2_37:
0x41c: {  	s14 =	sld [smem:$0x7B0];
	_ =	sdelay $0x2  }
0x41d: {  	p1 =	seq.s32 s14, $0x1  }
.Ltmp46:
0x41e: {  	_ = 	snop;
	(pc) =	sbr.rel @p1 .LBB2_39-.Ltmp46, $4  }
0x41f: {  	s0 =	sld [smem:$0x76A]  }
0x420: {  	s2 =	sld [smem:$0x764]  }
0x421: {  	s6 =	sld [smem:$0x769]  }
0x422: {  	s10 =	sld [smem:$0x765]  }
.LBB2_38:
0x423: {  	s2 =	sadd.s32 $0x1, s2  }
0x424: {  	v9 =	vld [tilespmem:s0+$0x0];
	p1 =	slt.u32 s2, $0x1F  }
.Ltmp47:
0x425: {  	_ = 	snop;
	(pc) =	sbr.rel @p1 .LBB2_38-.Ltmp47, $4  }
0x426: {  	_ = 	snop  }
0x427: {  	s14 =	sand.u32 $0x70, s6;
	s21 =	sand.u32 $0xC00, s10  }
0x428: {  	s14 =	sor.u32 s14, s21  }
0x429: {  	s10 =	sadd.s32 $0x80, s10;
	s6 =	sadd.s32 $0x10, s6;
	s0 =	sadd.s32 $0x10, s0;
	[tilespmem:s14+$0x4400] =	vst v9  }
.LBB2_39:
0x42a: {  	s0 =	rddreg [dreg:$0x15]  }
0x42b: {  	v9 =	vld [tilespmem:s0+$0x0];
	_ =	sdelay $0x3  }
0x42c: {  	s2 =	sld [smem:$0x7F1]  }
0x42d: {  	s21 =	rddreg [dreg:$0x18];
	v9 =	vnsel vm10, $0x0, v9  }
0x42e: {  	[tilespmem:s21+$0x3200] =	vst v9  }
0x42f: {  	v10 =	vld [tilespmem:s2+$0x0]  }
0x430: {  	s23 =	rddreg [dreg:$0xc]  }
0x431: {  	s29 =	sld [smem:$0x6ED];
	s0 =	sadd.s32 $0x2, s23  }
0x432: {  	p1 =	slt.u32 s0, s16  }
.Ltmp48:
0x433: {  	s6 =	sld [smem:$0x6EB];
	(pc) =	sbr.rel @!p1 .LBB2_41-.Ltmp48, $4  }
0x434: {  	s10 =	sld [smem:$0x6EC];
	v9 =	vld [tilespmem:s2+$0xFFFFFFF0];
	[tilespmem:s29+$0x3480] =	vst v10  }
0x435: {  	s14 =	sld [smem:$0x77E]  }
0x436: {  	s21 =	sld [smem:$0x743]  }
0x437: {  	s6 =	sor.u32 s6, s10;
	s10 =	sadd.s32 $0x20, s2  }
.LBB2_40:
0x438: {  	s0 =	sadd.s32 $0x2, s0  }
0x439: {  	v10 =	vld [tilespmem:s10+$0x0];
	[tilespmem:s6+$0x3480] =	vst v9;
	s14 =	sadd.s32 $0x100, s14;
	s21 =	sadd.s32 $0x20, s21;
	p1 =	slt.u32 s0, s16  }
.Ltmp49:
0x43a: {  	v9 =	vld [tilespmem:s10+$0xFFFFFFF0];
	(pc) =	sbr.rel @p1 .LBB2_40-.Ltmp49, $4  }
0x43b: {  	s2 =	sadd.s32 $0x80, s14  }
0x43c: {  	s6 =	sadd.s32 $0xFFFFFFF0, s21;
	s23 =	sand.u32 $0x70, s21;
	s2 =	sand.u32 $0xFFFFFC00, s2  }
0x43d: {  	s29 =	sand.u32 $0xFFFFFC00, s14;
	s6 =	sand.u32 $0x70, s6;
	s2 =	sor.u32 s23, s2  }
0x43e: {  	s10 =	sadd.s32 $0x20, s10;
	s6 =	sor.u32 s6, s29;
	[tilespmem:s2+$0x3480] =	vst v10  }
.LBB2_41:
0x43f: {  	_ = 	snop  }
.Ltmp50:
0x440: {  	[tilespmem:s6+$0x3480] =	vst v9;
	(pc) =	sbr.rel @p3 .LBB2_43-.Ltmp50, $3  }
0x441: {  	s0 =	sld [smem:$0x7F3]  }
0x442: {  	s2 =	sld [smem:$0x746];
	_ =	sdelay $0x1  }
0x443: {  	s10 =	smov.u32 s30;
	s6 =	sld [smem:$0x7C8]  }
.LBB2_42:
0x444: {  	v9 =	vld [tilespmem:s0+$0x0];
	p1 =	sne.s32 s2, $0x1  }
.Ltmp51:
0x445: {  	_ = 	snop;
	(pc) =	sbr.rel @p1 .LBB2_42-.Ltmp51, $4  }
0x446: {  	_ = 	snop  }
0x447: {  	s14 =	sand.u32 $0x70, s6;
	s21 =	sand.u32 $0xC00, s10  }
0x448: {  	s10 =	sadd.s32 $0x80, s10;
	s14 =	sor.u32 s14, s21  }
0x449: {  	s6 =	sadd.s32 $0x10, s6;
	s0 =	sadd.s32 $0x10, s0;
	s2 =	sadd.s32 $0xFFFFFFFF, s2;
	[tilespmem:s14+$0x3480] =	vst v9  }
.LBB2_43:
0x44a: {  	s0 =	sld [smem:$0x736]  }
0x44b: {  	s29 =	sld [smem:$0x7B2];
	_ =	sdelay $0x1  }
0x44c: {  	v9 =	vld [tilespmem:s0+$0x2000]  }
0x44d: {  	p1 =	seq.s32 s29, $0x1  }
.Ltmp52:
0x44e: {  	_ = 	snop;
	(pc) =	sbr.rel @p1 .LBB2_44-.Ltmp52, $3  }
0x44f: {  	_ =	sdelay $0x1  }
0x450: {  	s23 =	rddreg [dreg:$0x19];
	v9 =	vnsel vm11, $0x0, v9  }
0x451: {  	[tilespmem:s23+$0x3200] =	vst v9  }
0x452: {  	s0 =	sld [smem:$0x7B1]  }
0x453: {  	s21 =	sld [smem:$0x771]  }
0x454: {  	s20 =	sld [smem:$0x770]  }
0x455: {  	s23 =	sld [smem:$0x7D8];
	s10 =	sadd.s32 $0x2, s0  }
0x456: {  	v10 =	vld [tilespmem:s21+$0x0];
	p1 =	slt.u32 s10, s8  }
.Ltmp53:
0x457: {  	_ = 	snop;
	(pc) =	sbr.rel @!p1 .LBB2_135-.Ltmp53, $4  }
0x458: {  	s29 =	sadd.s32 $0x80, s20;
	s2 =	sadd.s32 $0xFFFFFFF0, s23;
	s6 =	sand.u32 $0x70, s23;
	v9 =	vld [tilespmem:s21+$0xFFFFFFF0]  }
0x459: {  	s14 =	sand.u32 $0xFFFFFC00, s20;
	s0 =	sand.u32 $0xFFFFFC00, s29;
	s2 =	sand.u32 $0x70, s2  }
0x45a: {  	s0 =	sor.u32 s6, s0;
	s6 =	sor.u32 s2, s14  }
0x45b: {  	s14 =	smov.u32 s20;
	[tilespmem:s0+$0x4480] =	vst v10;
	s0 =	sadd.s32 $0x20, s21;
	s21 =	smov.u32 s23  }
.LBB2_134:
0x45c: {  	s10 =	sadd.s32 $0x2, s10  }
0x45d: {  	v10 =	vld [tilespmem:s0+$0x0];
	[tilespmem:s6+$0x4480] =	vst v9;
	s14 =	sadd.s32 $0x100, s14;
	s21 =	sadd.s32 $0x20, s21;
	p1 =	slt.u32 s10, s8  }
.Ltmp54:
0x45e: {  	v9 =	vld [tilespmem:s0+$0xFFFFFFF0];
	(pc) =	sbr.rel @p1 .LBB2_134-.Ltmp54, $4  }
0x45f: {  	s2 =	sadd.s32 $0x80, s14  }
0x460: {  	s6 =	sadd.s32 $0xFFFFFFF0, s21;
	s23 =	sand.u32 $0x70, s21;
	s2 =	sand.u32 $0xFFFFFC00, s2  }
0x461: {  	s29 =	sand.u32 $0xFFFFFC00, s14;
	s6 =	sand.u32 $0x70, s6;
	s2 =	sor.u32 s23, s2  }
0x462: {  	s0 =	sadd.s32 $0x20, s0;
	s6 =	sor.u32 s6, s29;
	[tilespmem:s2+$0x4480] =	vst v10  }
.LBB2_135:
0x463: {  	_ = 	snop  }
0x464: {  	[tilespmem:s6+$0x4480] =	vst v9  }
.LBB2_44:
0x465: {  	s14 =	sld [smem:$0x7B3];
	_ =	sdelay $0x2  }
0x466: {  	p1 =	seq.s32 s14, $0x1  }
.Ltmp55:
0x467: {  	_ = 	snop;
	(pc) =	sbr.rel @p1 .LBB2_46-.Ltmp55, $4  }
0x468: {  	s0 =	sld [smem:$0x775]  }
0x469: {  	s2 =	sld [smem:$0x76D]  }
0x46a: {  	s6 =	sld [smem:$0x772]  }
0x46b: {  	s10 =	sld [smem:$0x76F]  }
.LBB2_45:
0x46c: {  	s2 =	sadd.s32 $0x1, s2  }
0x46d: {  	v9 =	vld [tilespmem:s0+$0x0];
	p1 =	slt.u32 s2, $0x1F  }
.Ltmp56:
0x46e: {  	_ = 	snop;
	(pc) =	sbr.rel @p1 .LBB2_45-.Ltmp56, $4  }
0x46f: {  	_ = 	snop  }
0x470: {  	s14 =	sand.u32 $0x70, s6;
	s21 =	sand.u32 $0xC00, s10  }
0x471: {  	s14 =	sor.u32 s14, s21  }
0x472: {  	s10 =	sadd.s32 $0x80, s10;
	s6 =	sadd.s32 $0x10, s6;
	s0 =	sadd.s32 $0x10, s0;
	[tilespmem:s14+$0x4480] =	vst v9  }
.LBB2_46:
0x473: {  	s0 =	rddreg [dreg:$0x1a]  }
0x474: {  	v9 =	vld [tilespmem:s0+$0x0];
	_ =	sdelay $0x3  }
0x475: {  	s2 =	sld [smem:$0x7F5]  }
0x476: {  	s21 =	rddreg [dreg:$0x1d];
	v9 =	vnsel vm12, $0x0, v9  }
0x477: {  	[tilespmem:s21+$0x3200] =	vst v9  }
0x478: {  	v10 =	vld [tilespmem:s2+$0x0]  }
0x479: {  	s23 =	rddreg [dreg:$0xc]  }
0x47a: {  	s29 =	sld [smem:$0x6ED];
	s0 =	sadd.s32 $0x2, s23  }
0x47b: {  	p1 =	slt.u32 s0, s16  }
.Ltmp57:
0x47c: {  	s6 =	sld [smem:$0x6EB];
	(pc) =	sbr.rel @!p1 .LBB2_48-.Ltmp57, $4  }
0x47d: {  	s10 =	sld [smem:$0x6EC];
	v9 =	vld [tilespmem:s2+$0xFFFFFFF0];
	[tilespmem:s29+$0x3500] =	vst v10  }
0x47e: {  	s14 =	sld [smem:$0x77E]  }
0x47f: {  	s21 =	sld [smem:$0x743]  }
0x480: {  	s6 =	sor.u32 s6, s10;
	s10 =	sadd.s32 $0x20, s2  }
.LBB2_47:
0x481: {  	s0 =	sadd.s32 $0x2, s0  }
0x482: {  	v10 =	vld [tilespmem:s10+$0x0];
	[tilespmem:s6+$0x3500] =	vst v9;
	s14 =	sadd.s32 $0x100, s14;
	s21 =	sadd.s32 $0x20, s21;
	p1 =	slt.u32 s0, s16  }
.Ltmp58:
0x483: {  	v9 =	vld [tilespmem:s10+$0xFFFFFFF0];
	(pc) =	sbr.rel @p1 .LBB2_47-.Ltmp58, $4  }
0x484: {  	s2 =	sadd.s32 $0x80, s14  }
0x485: {  	s6 =	sadd.s32 $0xFFFFFFF0, s21;
	s23 =	sand.u32 $0x70, s21;
	s2 =	sand.u32 $0xFFFFFC00, s2  }
0x486: {  	s29 =	sand.u32 $0xFFFFFC00, s14;
	s6 =	sand.u32 $0x70, s6;
	s2 =	sor.u32 s23, s2  }
0x487: {  	s10 =	sadd.s32 $0x20, s10;
	s6 =	sor.u32 s6, s29;
	[tilespmem:s2+$0x3500] =	vst v10  }
.LBB2_48:
0x488: {  	_ = 	snop  }
.Ltmp59:
0x489: {  	[tilespmem:s6+$0x3500] =	vst v9;
	(pc) =	sbr.rel @p3 .LBB2_50-.Ltmp59, $3  }
0x48a: {  	s0 =	sld [smem:$0x7F7]  }
0x48b: {  	s2 =	sld [smem:$0x746];
	_ =	sdelay $0x1  }
0x48c: {  	s10 =	smov.u32 s30;
	s6 =	sld [smem:$0x7C8]  }
.LBB2_49:
0x48d: {  	v9 =	vld [tilespmem:s0+$0x0];
	p1 =	sne.s32 s2, $0x1  }
.Ltmp60:
0x48e: {  	_ = 	snop;
	(pc) =	sbr.rel @p1 .LBB2_49-.Ltmp60, $4  }
0x48f: {  	_ = 	snop  }
0x490: {  	s14 =	sand.u32 $0x70, s6;
	s21 =	sand.u32 $0xC00, s10  }
0x491: {  	s10 =	sadd.s32 $0x80, s10;
	s14 =	sor.u32 s14, s21  }
0x492: {  	s6 =	sadd.s32 $0x10, s6;
	s0 =	sadd.s32 $0x10, s0;
	s2 =	sadd.s32 $0xFFFFFFFF, s2;
	[tilespmem:s14+$0x3500] =	vst v9  }
.LBB2_50:
0x493: {  	s0 =	sld [smem:$0x737]  }
0x494: {  	s30 =	sld [smem:$0x7B5];
	_ =	sdelay $0x1  }
0x495: {  	v9 =	vld [tilespmem:s0+$0x2000]  }
0x496: {  	p1 =	seq.s32 s30, $0x1  }
.Ltmp61:
0x497: {  	_ = 	snop;
	(pc) =	sbr.rel @p1 .LBB2_51-.Ltmp61, $3  }
0x498: {  	_ =	sdelay $0x1  }
0x499: {  	s29 =	rddreg [dreg:$0x1e];
	v9 =	vnsel vm13, $0x0, v9  }
0x49a: {  	[tilespmem:s29+$0x3200] =	vst v9  }
0x49b: {  	s0 =	sld [smem:$0x7B4]  }
0x49c: {  	s21 =	sld [smem:$0x77B]  }
0x49d: {  	s20 =	sld [smem:$0x77A]  }
0x49e: {  	s23 =	sld [smem:$0x7DA];
	s10 =	sadd.s32 $0x2, s0  }
0x49f: {  	v10 =	vld [tilespmem:s21+$0x0];
	p1 =	slt.u32 s10, s18  }
.Ltmp62:
0x4a0: {  	_ = 	snop;
	(pc) =	sbr.rel @!p1 .LBB2_138-.Ltmp62, $4  }
0x4a1: {  	s30 =	sadd.s32 $0x80, s20;
	s2 =	sadd.s32 $0xFFFFFFF0, s23;
	s6 =	sand.u32 $0x70, s23;
	v9 =	vld [tilespmem:s21+$0xFFFFFFF0]  }
0x4a2: {  	s14 =	sand.u32 $0xFFFFFC00, s20;
	s0 =	sand.u32 $0xFFFFFC00, s30;
	s2 =	sand.u32 $0x70, s2  }
0x4a3: {  	s0 =	sor.u32 s6, s0;
	s6 =	sor.u32 s2, s14  }
0x4a4: {  	s14 =	smov.u32 s20;
	[tilespmem:s0+$0x4500] =	vst v10;
	s0 =	sadd.s32 $0x20, s21;
	s21 =	smov.u32 s23  }
.LBB2_137:
0x4a5: {  	s10 =	sadd.s32 $0x2, s10  }
0x4a6: {  	v10 =	vld [tilespmem:s0+$0x0];
	[tilespmem:s6+$0x4500] =	vst v9;
	s14 =	sadd.s32 $0x100, s14;
	s21 =	sadd.s32 $0x20, s21;
	p1 =	slt.u32 s10, s18  }
.Ltmp63:
0x4a7: {  	v9 =	vld [tilespmem:s0+$0xFFFFFFF0];
	(pc) =	sbr.rel @p1 .LBB2_137-.Ltmp63, $4  }
0x4a8: {  	s2 =	sadd.s32 $0x80, s14  }
0x4a9: {  	s6 =	sadd.s32 $0xFFFFFFF0, s21;
	s23 =	sand.u32 $0x70, s21;
	s2 =	sand.u32 $0xFFFFFC00, s2  }
0x4aa: {  	s29 =	sand.u32 $0xFFFFFC00, s14;
	s6 =	sand.u32 $0x70, s6;
	s2 =	sor.u32 s23, s2  }
0x4ab: {  	s0 =	sadd.s32 $0x20, s0;
	s6 =	sor.u32 s6, s29;
	[tilespmem:s2+$0x4500] =	vst v10  }
.LBB2_138:
0x4ac: {  	_ = 	snop  }
0x4ad: {  	[tilespmem:s6+$0x4500] =	vst v9  }
.LBB2_51:
.Ltmp64:
0x4ae: {  	(pc) =	sbr.rel @p2 .LBB2_53-.Ltmp64, $4  }
0x4af: {  	s0 =	sld [smem:$0x77D]  }
0x4b0: {  	s2 =	sld [smem:$0x777]  }
0x4b1: {  	s6 =	sld [smem:$0x77C]  }
0x4b2: {  	s10 =	sld [smem:$0x778]  }
.LBB2_52:
0x4b3: {  	s2 =	sadd.s32 $0x1, s2  }
0x4b4: {  	v9 =	vld [tilespmem:s0+$0x0];
	p1 =	slt.u32 s2, $0x1F  }
.Ltmp65:
0x4b5: {  	_ = 	snop;
	(pc) =	sbr.rel @p1 .LBB2_52-.Ltmp65, $4  }
0x4b6: {  	_ = 	snop  }
0x4b7: {  	s14 =	sand.u32 $0x70, s6;
	s21 =	sand.u32 $0xC00, s10  }
0x4b8: {  	s14 =	sor.u32 s14, s21  }
0x4b9: {  	s10 =	sadd.s32 $0x80, s10;
	s6 =	sadd.s32 $0x10, s6;
	s0 =	sadd.s32 $0x10, s0;
	[tilespmem:s14+$0x4500] =	vst v9  }
.LBB2_53:
0x4ba: {  	s0 =	rddreg [dreg:$0x1f]  }
0x4bb: {  	s10 =	sld [smem:$0x723];
	v9 =	vld [tilespmem:s0+$0x0]  }
0x4bc: {  	s29 =	rddreg [dreg:$0xc]  }
0x4bd: {  	s6 =	sld [smem:$0x7DB]  }
0x4be: {  	s23 =	sld [smem:$0x77E];
	s14 =	sand.u32 $0x7, s29  }
0x4bf: {  	s21 =	sadd.s32 $0x2, s29;
	s0 =	sshll.u32 s14, $0x4;
	s14 =	sld [smem:$0x7F9]  }
0x4c0: {  	s20 =	sld [smem:$0x77F];
	p1 =	slt.u32 s21, s16;
	v9 =	vnsel vm14, $0x0, v9  }
.Ltmp66:
0x4c1: {  	s2 =	sand.u32 $0x7, s6;
	[tilespmem:s10+$0x3200] =	vst v9;
	(pc) =	sbr.rel @!p1 .LBB2_55-.Ltmp66, $4  }
0x4c2: {  	s2 =	sshll.u32 s2, $0x4;
	v9 =	vld [tilespmem:s14+$0xFFFFFFF0]  }
0x4c3: {  	s2 =	sadd.s32 s2, s20;
	s10 =	sadd.s32 $0x2, s6;
	s6 =	sadd.s32 s0, s23;
	v10 =	vld [tilespmem:s14+$0x0]  }
0x4c4: {  	s0 =	sadd.s32 $0x100, s20;
	[smem:$0x6E9] =	sst s6;
	s30 =	sor.u32 $0x380, s6  }
0x4c5: {  	[smem:$0x6EA] =	sst s2;
	s6 =	sor.u32 $0x380, s2;
	s14 =	sadd.s32 $0x20, s14  }
.LBB2_54:
0x4c6: {  	s21 =	sadd.s32 $0x2, s21  }
0x4c7: {  	v11 =	vld [tilespmem:s14+$0x0];
	[tilespmem:s30+$0x3200] =	vst v9;
	s23 =	sadd.s32 $0x100, s23;
	s29 =	sadd.s32 $0x2, s29;
	p1 =	slt.u32 s21, s16  }
.Ltmp67:
0x4c8: {  	v9 =	vld [tilespmem:s14+$0xFFFFFFF0];
	[tilespmem:s6+$0x3200] =	vst v10;
	(pc) =	sbr.rel @p1 .LBB2_54-.Ltmp67, $4  }
0x4c9: {  	s2 =	sand.u32 $0x7, s29;
	s6 =	sand.u32 $0x7, s10  }
0x4ca: {  	s10 =	sadd.s32 $0x2, s10;
	s2 =	sshll.u32 s2, $0x4;
	s6 =	sshll.u32 s6, $0x4  }
0x4cb: {  	s2 =	sadd.s32 s2, s23;
	s6 =	sadd.s32 s6, s0;
	s0 =	sadd.s32 $0x100, s0  }
0x4cc: {  	s14 =	sadd.s32 $0x20, s14;
	s30 =	sor.u32 $0x380, s2;
	s6 =	sor.u32 $0x380, s6;
	v10 =	vmov v11  }
.LBB2_55:
0x4cd: {  	_ = 	snop  }
0x4ce: {  	[tilespmem:s30+$0x3200] =	vst v9  }
.Ltmp68:
0x4cf: {  	[tilespmem:s6+$0x3200] =	vst v10;
	(pc) =	sbr.rel @p3 .LBB2_57-.Ltmp68, $4  }
0x4d0: {  	s0 =	sld [smem:$0x7FB]  }
0x4d1: {  	s10 =	sld [smem:$0x746]  }
0x4d2: {  	s6 =	sld [smem:$0x7C8]  }
0x4d3: {  	s2 =	sld [smem:$0x7FD]  }
.LBB2_56:
0x4d4: {  	v9 =	vld [tilespmem:s0+$0x0];
	p1 =	sne.s32 s10, $0x1  }
.Ltmp69:
0x4d5: {  	_ = 	snop;
	(pc) =	sbr.rel @p1 .LBB2_56-.Ltmp69, $4  }
0x4d6: {  	_ = 	snop  }
0x4d7: {  	s14 =	sor.u32 s2, s6  }
0x4d8: {  	s2 =	sadd.s32 $0x80, s2;
	s14 =	sor.u32 $0x380, s14  }
0x4d9: {  	s6 =	sadd.s32 $0x10, s6;
	s0 =	sadd.s32 $0x10, s0;
	s10 =	sadd.s32 $0xFFFFFFFF, s10;
	[tilespmem:s14+$0x3200] =	vst v9  }
.LBB2_57:
0x4da: {  	s0 =	sld [smem:$0x738];
	_ =	sdelay $0x2  }
0x4db: {  	v9 =	vld [tilespmem:s0+$0x2000];
	_ =	sdelay $0x1  }
.Ltmp70:
0x4dc: {  	_ = 	snop;
	(pc) =	sbr.rel @p4 .LBB2_58-.Ltmp70, $3  }
0x4dd: {  	s30 =	sld [smem:$0x724];
	_ =	sdelay $0x1  }
0x4de: {  	v9 =	vnsel vm15, $0x0, v9  }
0x4df: {  	[tilespmem:s30+$0x3200] =	vst v9  }
0x4e0: {  	s0 =	sld [smem:$0x7B7]  }
0x4e1: {  	s23 =	sld [smem:$0x788];
	_ =	sdelay $0x1  }
0x4e2: {  	s20 =	sld [smem:$0x783];
	s10 =	sadd.s32 $0x2, s0  }
0x4e3: {  	s21 =	sld [smem:$0x787];
	v10 =	vld [tilespmem:s23+$0x0];
	p1 =	slt.u32 s10, s22  }
.Ltmp71:
0x4e4: {  	_ = 	snop;
	(pc) =	sbr.rel @!p1 .LBB2_141-.Ltmp71, $4  }
0x4e5: {  	s30 =	sadd.s32 $0x80, s20;
	v9 =	vld [tilespmem:s23+$0xFFFFFFF0]  }
0x4e6: {  	s2 =	sadd.s32 $0xFFFFFFF0, s21;
	s6 =	sand.u32 $0x70, s21;
	s0 =	sand.u32 $0xFFFFFC00, s30  }
0x4e7: {  	s14 =	sand.u32 $0xFFFFFC00, s20;
	s2 =	sand.u32 $0x70, s2;
	s0 =	sor.u32 s6, s0  }
0x4e8: {  	s6 =	sor.u32 s2, s14;
	s14 =	smov.u32 s20;
	[tilespmem:s0+$0x4580] =	vst v10;
	s0 =	sadd.s32 $0x20, s23  }
.LBB2_140:
0x4e9: {  	s10 =	sadd.s32 $0x2, s10  }
0x4ea: {  	v10 =	vld [tilespmem:s0+$0x0];
	[tilespmem:s6+$0x4580] =	vst v9;
	s14 =	sadd.s32 $0x100, s14;
	s21 =	sadd.s32 $0x20, s21;
	p1 =	slt.u32 s10, s22  }
.Ltmp72:
0x4eb: {  	v9 =	vld [tilespmem:s0+$0xFFFFFFF0];
	(pc) =	sbr.rel @p1 .LBB2_140-.Ltmp72, $4  }
0x4ec: {  	s2 =	sadd.s32 $0x80, s14  }
0x4ed: {  	s6 =	sadd.s32 $0xFFFFFFF0, s21;
	s23 =	sand.u32 $0x70, s21;
	s2 =	sand.u32 $0xFFFFFC00, s2  }
0x4ee: {  	s29 =	sand.u32 $0xFFFFFC00, s14;
	s6 =	sand.u32 $0x70, s6;
	s2 =	sor.u32 s23, s2  }
0x4ef: {  	s0 =	sadd.s32 $0x20, s0;
	s6 =	sor.u32 s6, s29;
	[tilespmem:s2+$0x4580] =	vst v10  }
.LBB2_141:
0x4f0: {  	_ = 	snop  }
0x4f1: {  	[tilespmem:s6+$0x4580] =	vst v9  }
.LBB2_58:
.Ltmp73:
0x4f2: {  	(pc) =	sbr.rel @p5 .LBB2_60-.Ltmp73, $4  }
0x4f3: {  	s0 =	sld [smem:$0x78D]  }
0x4f4: {  	s2 =	sld [smem:$0x789]  }
0x4f5: {  	s6 =	sld [smem:$0x786]  }
0x4f6: {  	s10 =	sld [smem:$0x782]  }
.LBB2_59:
0x4f7: {  	v9 =	vld [tilespmem:s0+$0x0];
	p1 =	sne.s32 s2, $0x1  }
.Ltmp74:
0x4f8: {  	_ = 	snop;
	(pc) =	sbr.rel @p1 .LBB2_59-.Ltmp74, $4  }
0x4f9: {  	_ = 	snop  }
0x4fa: {  	s14 =	sand.u32 $0x70, s6;
	s21 =	sand.u32 $0xC00, s10  }
0x4fb: {  	s10 =	sadd.s32 $0x80, s10;
	s14 =	sor.u32 s14, s21  }
0x4fc: {  	s6 =	sadd.s32 $0x10, s6;
	s0 =	sadd.s32 $0x10, s0;
	s2 =	sadd.s32 $0xFFFFFFFF, s2;
	[tilespmem:s14+$0x4580] =	vst v9  }
.LBB2_60:
0x4fd: {  	s20 =	sld [smem:$0x6F8]  }
0x4fe: {  	s2 =	sld [smem:$0x725]  }
0x4ff: {  	s23 =	sld [smem:$0x727]  }
0x500: {  	s0 =	sshll.u32 s20, $0x13  }
0x501: {  	s10 =	rddreg [dreg:$0x1];
	s2 =	sor.u32 s2, s0  }
0x502: {  	s6 =	simm.s32 $0x0;
	s0 =	sor.u32 s23, s0;
	s2 =	sshrl.u32 s2, $0x3  }
0x503: {  	s14 =	simm.s32 $0x3200;
	s0 =	sshrl.u32 s0, $0x3;
	s2 =	sadd.s32 s10, s2  }
0x504: {  	[hbm4b:s2+s6] =	stream.linear.scatter [tilespmem:s14], [sflag:$0x3], $0x1000, $0x38;
	[tilespmem:$0x7200] =	vst v63  }
0x505: {  	s0 =	sadd.s32 s10, s0;
	s10 =	simm.s32 $0x4200  }
0x506: {  	[hbm4b:s0+s6] =	stream.linear.scatter [tilespmem:s10], [sflag:$0x3], $0x1000, $0x38;
	[tilespmem:$0x7200] =	vst v63  }
0x507: {  	s0 =	sld [smem:$0x6F9];
	_ =	sdelay $0x1  }
0x508: {  	p6 =	seq.s32 s20, $0x3F  }
0x509: {  	s10 =	rddreg [dreg:$0x4];
	s0 =	sadd.s32 @!p6 $0x40200, s0  }
0x50a: {  	s6 =	rddreg [dreg:$0x6];
	s2 =	sshrl.u32 @!p6 s0, $0x3;
	s0 =	sadd.s32 @!p6 s10, s0  }
0x50b: {  	s2 =	sadd.s32 @!p6 s2, s6;
	s6 =	simm.s32 @!p6 $0x0;
	p1 =	slt.s32 @!p6 s0, $0x1007710  }
0x50c: {  	[tilespmem:s6], [sflag:$0x1] =	stream.linear.gather @!p6 [hbm4b:s2+s6], $0xFF0, $0x38;
	[tilespmem:$0x7200] =	vst v63  }
0x50d: {  	p1 =	por !p1, p6  }
0x50e: {  	s0 =	simm.s32 @p1 $0x1007710  }
0x50f: {  	s2 =	rddreg [dreg:$0x5];
	s0 =	sshrl.u32 @!p6 s0, $0x3  }
0x510: {  	s14 =	simm.s32 $0x2;
	s0 =	sadd.s32 @!p6 s2, s0;
	s2 =	simm.s32 @!p6 $0x2000  }
0x511: {  	[tilespmem:s2], [sflag:$0x1] =	stream.linear.gather @!p6 [hbm4b:s0+s6], $0x8F0, $0x38;
	[tilespmem:$0x7200] =	vst v63  }
0x512: {  	_ =	swait.ge [sflag:s14], $0xFF0  }
0x513: {  	[sflag:s14] =	ssyncset.done $0x0  }
0x514: {  	[sflag:s14] =	ssyncadd.s32 $0xFFFFF010  }
0x515: {  	_ =	swait.ge [sflag:s14], $0x8F0  }
0x516: {  	[sflag:s14] =	ssyncset.done $0x0  }
0x517: {  	s0 =	simm.s32 @!p0 $0x4;
	[sflag:s14] =	ssyncadd.s32 $0xFFFFF710  }
0x518: {  	_ =	swait.ge @!p0 [sflag:s0], $0x1000  }
0x519: {  	[sflag:s0] =	ssyncset.done @!p0 $0x0  }
0x51a: {  	[sflag:s0] =	ssyncadd.s32 @!p0 $0xFFFFF000  }
0x51b: {  	_ =	swait.ge @!p0 [sflag:s0], $0x1000  }
0x51c: {  	s20 =	sld [smem:$0x6F7];
	_ =	sdelay $0x2  }
0x51d: {  	s21 =	sor.u32 $0x1, s20  }
0x51e: {  	s6 =	smul.u32 $0x20100, s21  }
0x51f: {  	[sflag:s0] =	ssyncset.done @!p0 $0x0  }
0x520: {  	s23 =	rddreg [dreg:$0x9];
	[sflag:s0] =	ssyncadd.s32 @!p0 $0xFFFFF000;
	s2 =	sadd.s32 s10, s6  }
0x521: {  	v9 =	vld [tilespmem:s23+$0x1000];
	p0 =	slt.s32 s2, $0x1007710  }
0x522: {  	s14 =	rddreg [dreg:$0xa];
	s2 =	simm.s32 @!p0 $0x1007710  }
0x523: {  	[smem:$0x6E7] =	sst s21;
	s21 =	sadd.s32 $0x2, s14;
	s0 =	ssub.s32 s6, s2  }
0x524: {  	s20 =	sadd.s32 $0x0, s12;
	p0 =	slt.s32 s21, s3;
	[smem:$0x6E8] =	sst s0  }
0x525: {  	s6 =	sadd.s32 $0x10, s20;
	s0 =	sadd.s32 $0x20, s20;
	s20 =	sld [smem:$0x7DD]  }
.Ltmp75:
0x526: {  	s10 =	rddreg [dreg:$0x3];
	v9 =	vnsel vm0, $0x0, v9;
	(pc) =	sbr.rel @!p0 .LBB2_62-.Ltmp75, $4  }
0x527: {  	[tilespmem:s10+$0x5200] =	vst v9;
	s2 =	sadd.s32 $0x0, s11  }
0x528: {  	s23 =	simm.s32 $0x20;
	s10 =	simm.s32 $0x100;
	s30 =	sadd.s32 $0x80, s2;
	v9 =	vld [tilespmem:s20+$0xFFFFFFF0]  }
0x529: {  	s14 =	sand.u32 $0x70, s6;
	s6 =	sadd.s32 $0x100, s2;
	s29 =	sand.u32 $0x70, s0;
	v10 =	vld [tilespmem:s20+$0x0]  }
0x52a: {  	s30 =	sand.u32 $0xFFFFFC00, s30;
	s2 =	sand.u32 $0xFFFFFC00, s6;
	s0 =	sadd.s32 $0x20, s20  }
.LBB2_61:
0x52b: {  	s21 =	sadd.s32 $0x2, s21;
	s14 =	sor.u32 s14, s30  }
0x52c: {  	v11 =	vld [tilespmem:s0+$0x0];
	s2 =	sor.u32 s29, s2;
	s29 =	smov.u32 s23;
	p0 =	slt.s32 s21, s3  }
.Ltmp76:
0x52d: {  	s23 =	sadd.s32 $0x20, s23;
	[tilespmem:s14+$0x5200] =	vst v9;
	v9 =	vld [tilespmem:s0+$0xFFFFFFF0];
	(pc) =	sbr.rel @p0 .LBB2_61-.Ltmp76, $4  }
0x52e: {  	s30 =	sadd.s32 s10, s11;
	s10 =	sadd.s32 $0x100, s10;
	s14 =	sadd.s32 s29, s12;
	[tilespmem:s2+$0x5200] =	vst v10  }
0x52f: {  	s20 =	sadd.s32 $0x80, s30;
	s2 =	sadd.s32 $0x10, s14;
	s29 =	sadd.s32 $0x20, s14  }
0x530: {  	s14 =	sand.u32 $0x70, s2;
	s29 =	sand.u32 $0x70, s29;
	s2 =	sadd.s32 $0x100, s30  }
0x531: {  	s0 =	sadd.s32 $0x20, s0;
	s30 =	sand.u32 $0xFFFFFC00, s20;
	s2 =	sand.u32 $0xFFFFFC00, s2;
	v10 =	vmov v11  }
.LBB2_62:
0x532: {  	_ = 	snop  }
0x533: {  	s0 =	sor.u32 s14, s30  }
0x534: {  	s2 =	sor.u32 s29, s2;
	[tilespmem:s0+$0x5200] =	vst v9  }
0x535: {  	[tilespmem:s2+$0x5200] =	vst v10  }
0x536: {  	s6 =	sld [smem:$0x7A1];
	_ =	sdelay $0x2  }
0x537: {  	p0 =	seq.s32 s6, $0x1  }
.Ltmp77:
0x538: {  	s0 =	sld [smem:$0x7DF];
	(pc) =	sbr.rel @p0 .LBB2_64-.Ltmp77, $4  }
0x539: {  	s10 =	sld [smem:$0x7C2]  }
0x53a: {  	s2 =	sld [smem:$0x7BD]  }
0x53b: {  	s14 =	sld [smem:$0x7C1]  }
0x53c: {  	s30 =	sld [smem:$0x7FD]  }
.LBB2_63:
0x53d: {  	v9 =	vld [tilespmem:s0+$0x0];
	p0 =	sne.s32 s2, $0x1  }
.Ltmp78:
0x53e: {  	_ = 	snop;
	(pc) =	sbr.rel @p0 .LBB2_63-.Ltmp78, $4  }
0x53f: {  	_ = 	snop  }
0x540: {  	s20 =	sand.u32 $0x70, s10;
	s21 =	sand.u32 $0x7FFFFC00, s14  }
0x541: {  	s14 =	sadd.s32 $0x80, s14;
	s20 =	sor.u32 s20, s21  }
0x542: {  	s10 =	sadd.s32 $0x10, s10;
	s0 =	sadd.s32 $0x10, s0;
	s2 =	sadd.s32 $0xFFFFFFFF, s2;
	[tilespmem:s20+$0x5200] =	vst v9  }
.LBB2_64:
0x543: {  	s2 =	sld [smem:$0x6E8]  }
0x544: {  	s0 =	rddreg [dreg:$0x8]  }
0x545: {  	s29 =	sld [smem:$0x7A3]  }
0x546: {  	s0 =	sadd.s32 s2, s0  }
0x547: {  	v9 =	vld.idx.msk [tilespmem:v0+s0+$0x0 ss:$0x1], $0xffff  }
0x548: {  	p0 =	seq.s32 s29, $0x1  }
.Ltmp79:
0x549: {  	_ = 	snop;
	(pc) =	sbr.rel @p0 .LBB2_65-.Ltmp79, $3  }
0x54a: {  	_ =	sdelay $0x1  }
0x54b: {  	s23 =	rddreg [dreg:$0xb];
	v9 =	vnsel vm1, $0x0, v9  }
0x54c: {  	[tilespmem:s23+$0x5200] =	vst v9  }
0x54d: {  	s0 =	sld [smem:$0x7A2];
	_ =	sdelay $0x2  }
0x54e: {  	s2 =	sadd.s32 $0x2, s0  }
0x54f: {  	p1 =	slt.u32 s2, s17  }
.Ltmp80:
0x550: {  	_ = 	snop;
	(pc) =	sbr.rel @!p1 .LBB2_147-.Ltmp80, $3  }
0x551: {  	s20 =	sld [smem:$0x73E];
	_ =	sdelay $0x1  }
0x552: {  	s23 =	sld [smem:$0x701]  }
0x553: {  	p0 =	por $0x0, $0x0;
	s21 =	sld [smem:$0x7C4];
	s0 =	smov.u32 s20  }
0x554: {  	s6 =	sld [smem:$0x701]  }
0x555: {  	s10 =	sadd.s32 $0x2, s2  }
0x556: {  	s30 =	sld [smem:$0x7C4];
	p1 =	slt.u32 s10, s17  }
.Ltmp81:
0x557: {  	s14 =	sadd.s32 $0x80, s20;
	s23 =	sadd.s32 s7, s6;
	(pc) =	sbr.rel @!p1 .LBB2_144-.Ltmp81, $4  }
0x558: {  	p0 =	por $0x1, $0x1;
	s14 =	sand.u32 $0xFFFFFC00, s14;
	v9 =	vld [tilespmem:s23+$0xFFFFFFF0]  }
0x559: {  	s21 =	sadd.s32 $0x20, s30;
	s0 =	sadd.s32 $0xFFFFFFF0, s30;
	s30 =	sand.u32 $0x70, s30;
	v10 =	vld [tilespmem:s23+$0x0]  }
0x55a: {  	s2 =	sand.u32 $0x70, s0;
	s0 =	smov.u32 s20;
	s20 =	sand.u32 $0xFFFFFC00, s20  }
0x55b: {  	s14 =	sor.u32 s30, s14;
	s23 =	sadd.s32 $0x20, s6;
	s29 =	sor.u32 s2, s20  }
.LBB2_145:
0x55c: {  	s10 =	sadd.s32 $0x2, s10  }
0x55d: {  	s2 =	sadd.s32 s7, s23;
	[tilespmem:s29+$0x6200] =	vst v9;
	s0 =	sadd.s32 $0x100, s0;
	p1 =	slt.u32 s10, s17  }
.Ltmp82:
0x55e: {  	v9 =	vld [tilespmem:s2+$0xFFFFFFF0];
	[tilespmem:s14+$0x6200] =	vst v10;
	s14 =	smov.u32 s21;
	(pc) =	sbr.rel @p1 .LBB2_145-.Ltmp82, $4  }
0x55f: {  	s21 =	sadd.s32 $0x20, s21;
	v10 =	vld [tilespmem:s2+$0x0]  }
0x560: {  	s20 =	sadd.s32 $0x80, s0;
	s2 =	sadd.s32 $0xFFFFFFF0, s14;
	s14 =	sand.u32 $0x70, s14  }
0x561: {  	s29 =	sand.u32 $0xFFFFFC00, s0;
	s20 =	sand.u32 $0xFFFFFC00, s20;
	s2 =	sand.u32 $0x70, s2  }
0x562: {  	s23 =	sadd.s32 $0x20, s23;
	s14 =	sor.u32 s14, s20;
	s29 =	sor.u32 s2, s29  }
0x563: {  	s20 =	sld [smem:$0x73E]  }
0x564: {  	s30 =	sld [smem:$0x7FD]  }
.LBB2_147:
0x565: {  	_ = 	snop  }
0x566: {  	s2 =	sadd.s32 s7, s23  }
0x567: {  	v11 =	vld [tilespmem:s2+$0xFFFFFFF0]  }
0x568: {  	s0 =	sadd.s32 @p0 $0x100, s0;
	v12 =	vld [tilespmem:s2+$0x0];
	s2 =	smov.u32 s20  }
0x569: {  	s20 =	sadd.s32 $0xFFFFFFF0, s21;
	s2 =	smov.u32 @p0 s0  }
0x56a: {  	[tilespmem:s29+$0x6200] =	vst @p0 v9;
	s0 =	sand.u32 $0x70, s20;
	s10 =	sadd.s32 $0x80, s2;
	s2 =	sand.u32 $0xFFFFFC00, s2  }
0x56b: {  	[tilespmem:s14+$0x6200] =	vst @p0 v10;
	s23 =	sand.u32 $0x70, s21;
	s10 =	sand.u32 $0xFFFFFC00, s10;
	s0 =	sor.u32 s0, s2  }
0x56c: {  	s29 =	sor.u32 s23, s10;
	[tilespmem:s0+$0x6200] =	vst v11  }
0x56d: {  	[tilespmem:s29+$0x6200] =	vst v12  }
.LBB2_65:
0x56e: {  	s6 =	sld [smem:$0x7A4];
	_ =	sdelay $0x2  }
0x56f: {  	p0 =	seq.s32 s6, $0x1  }
.Ltmp83:
0x570: {  	_ = 	snop;
	(pc) =	sbr.rel @p0 .LBB2_67-.Ltmp83, $4  }
0x571: {  	_ = 	snop  }
0x572: {  	s2 =	sld [smem:$0x73C]  }
0x573: {  	s0 =	sld [smem:$0x740]  }
0x574: {  	s10 =	sld [smem:$0x73D]  }
.LBB2_66:
0x575: {  	s2 =	sadd.s32 $0x1, s2  }
0x576: {  	v9 =	vld [tilespmem:s31+$0x0];
	p0 =	slt.u32 s2, $0x1F  }
.Ltmp84:
0x577: {  	_ = 	snop;
	(pc) =	sbr.rel @p0 .LBB2_66-.Ltmp84, $4  }
0x578: {  	_ = 	snop  }
0x579: {  	s14 =	sand.u32 $0x70, s0;
	s20 =	sand.u32 $0xC00, s10  }
0x57a: {  	s14 =	sor.u32 s14, s20  }
0x57b: {  	s10 =	sadd.s32 $0x80, s10;
	s0 =	sadd.s32 $0x10, s0;
	s31 =	sadd.s32 $0x10, s31;
	[tilespmem:s14+$0x6200] =	vst v9  }
.LBB2_67:
0x57c: {  	s0 =	rddreg [dreg:$0xd]  }
0x57d: {  	v9 =	vld [tilespmem:s0+$0x1000];
	_ =	sdelay $0x3  }
0x57e: {  	s2 =	sld [smem:$0x7E1]  }
0x57f: {  	s21 =	rddreg [dreg:$0x16];
	v9 =	vnsel vm2, $0x0, v9  }
0x580: {  	[tilespmem:s21+$0x5200] =	vst v9  }
0x581: {  	v10 =	vld [tilespmem:s2+$0x0]  }
0x582: {  	s23 =	rddreg [dreg:$0xc]  }
0x583: {  	s29 =	sld [smem:$0x6ED]  }
0x584: {  	s0 =	sadd.s32 $0x2, s23  }
0x585: {  	s6 =	sld [smem:$0x6EB];
	p0 =	slt.u32 s0, s16  }
.Ltmp85:
0x586: {  	s10 =	sld [smem:$0x6EC];
	[tilespmem:s29+$0x5280] =	vst v10;
	(pc) =	sbr.rel @!p0 .LBB2_69-.Ltmp85, $4  }
0x587: {  	v9 =	vld [tilespmem:s2+$0xFFFFFFF0];
	s14 =	sld [smem:$0x77E]  }
0x588: {  	s21 =	sld [smem:$0x743]  }
0x589: {  	s23 =	sor.u32 s6, s10;
	s6 =	sld [smem:$0x74A]  }
0x58a: {  	s10 =	sadd.s32 $0x20, s2;
	s31 =	sld [smem:$0x6E8]  }
.LBB2_68:
0x58b: {  	s0 =	sadd.s32 $0x2, s0  }
0x58c: {  	v10 =	vld [tilespmem:s10+$0x0];
	[tilespmem:s23+$0x5280] =	vst v9;
	s14 =	sadd.s32 $0x100, s14;
	s21 =	sadd.s32 $0x20, s21;
	p0 =	slt.u32 s0, s16  }
.Ltmp86:
0x58d: {  	v9 =	vld [tilespmem:s10+$0xFFFFFFF0];
	(pc) =	sbr.rel @p0 .LBB2_68-.Ltmp86, $4  }
0x58e: {  	s2 =	sadd.s32 $0x80, s14  }
0x58f: {  	s20 =	sadd.s32 $0xFFFFFFF0, s21;
	s23 =	sand.u32 $0x70, s21;
	s2 =	sand.u32 $0xFFFFFC00, s2  }
0x590: {  	s29 =	sand.u32 $0xFFFFFC00, s14;
	s20 =	sand.u32 $0x70, s20;
	s2 =	sor.u32 s23, s2  }
0x591: {  	s10 =	sadd.s32 $0x20, s10;
	s23 =	sor.u32 s20, s29;
	[tilespmem:s2+$0x5280] =	vst v10  }
.LBB2_69:
0x592: {  	_ = 	snop  }
.Ltmp87:
0x593: {  	[tilespmem:s23+$0x5280] =	vst v9;
	(pc) =	sbr.rel @p3 .LBB2_71-.Ltmp87, $3  }
0x594: {  	s0 =	sld [smem:$0x7E3]  }
0x595: {  	s2 =	sld [smem:$0x746];
	_ =	sdelay $0x1  }
0x596: {  	s14 =	smov.u32 s30;
	s10 =	sld [smem:$0x7C8]  }
.LBB2_70:
0x597: {  	v9 =	vld [tilespmem:s0+$0x0];
	p0 =	sne.s32 s2, $0x1  }
.Ltmp88:
0x598: {  	_ = 	snop;
	(pc) =	sbr.rel @p0 .LBB2_70-.Ltmp88, $4  }
0x599: {  	_ = 	snop  }
0x59a: {  	s20 =	sand.u32 $0x70, s10;
	s21 =	sand.u32 $0xC00, s14  }
0x59b: {  	s14 =	sadd.s32 $0x80, s14;
	s20 =	sor.u32 s20, s21  }
0x59c: {  	s10 =	sadd.s32 $0x10, s10;
	s0 =	sadd.s32 $0x10, s0;
	s2 =	sadd.s32 $0xFFFFFFFF, s2;
	[tilespmem:s20+$0x5280] =	vst v9  }
.LBB2_71:
0x59d: {  	s0 =	sld [smem:$0x728];
	_ =	sdelay $0x1  }
0x59e: {  	s29 =	sld [smem:$0x7A6]  }
0x59f: {  	s0 =	sadd.s32 s31, s0  }
0x5a0: {  	v9 =	vld.idx.msk [tilespmem:v1+s0+$0x0 ss:$0x1], $0xffff  }
0x5a1: {  	p0 =	seq.s32 s29, $0x1  }
.Ltmp89:
0x5a2: {  	_ = 	snop;
	(pc) =	sbr.rel @p0 .LBB2_72-.Ltmp89, $3  }
0x5a3: {  	_ =	sdelay $0x1  }
0x5a4: {  	s23 =	rddreg [dreg:$0xe];
	v9 =	vnsel vm3, $0x0, v9  }
0x5a5: {  	[tilespmem:s23+$0x5200] =	vst v9  }
0x5a6: {  	s0 =	sld [smem:$0x7A5];
	_ =	sdelay $0x2  }
0x5a7: {  	s2 =	sadd.s32 $0x2, s0  }
0x5a8: {  	p1 =	slt.u32 s2, s25  }
.Ltmp90:
0x5a9: {  	_ = 	snop;
	(pc) =	sbr.rel @!p1 .LBB2_153-.Ltmp90, $3  }
0x5aa: {  	_ =	sdelay $0x1  }
0x5ab: {  	s23 =	sld [smem:$0x700]  }
0x5ac: {  	p0 =	por $0x0, $0x0;
	s21 =	sld [smem:$0x7CA];
	s0 =	smov.u32 s6  }
0x5ad: {  	s31 =	sld [smem:$0x700]  }
0x5ae: {  	s10 =	sadd.s32 $0x2, s2  }
0x5af: {  	s23 =	sld [smem:$0x7CA];
	p1 =	slt.u32 s10, s25  }
.Ltmp91:
0x5b0: {  	s14 =	sadd.s32 $0x80, s6;
	s0 =	sadd.s32 s7, s31;
	(pc) =	sbr.rel @!p1 .LBB2_150-.Ltmp91, $4  }
0x5b1: {  	p0 =	por $0x1, $0x1;
	s14 =	sand.u32 $0xFFFFFC00, s14;
	v9 =	vld [tilespmem:s0+$0xFFFFFFF0]  }
0x5b2: {  	s21 =	sadd.s32 $0x20, s23;
	s20 =	sadd.s32 $0xFFFFFFF0, s23;
	s23 =	sand.u32 $0x70, s23;
	v10 =	vld [tilespmem:s0+$0x0]  }
0x5b3: {  	s2 =	sand.u32 $0x70, s20;
	s20 =	sand.u32 $0xFFFFFC00, s6;
	s14 =	sor.u32 s23, s14  }
0x5b4: {  	s23 =	sadd.s32 $0x20, s31;
	s0 =	smov.u32 s6;
	s29 =	sor.u32 s2, s20  }
.LBB2_151:
0x5b5: {  	s10 =	sadd.s32 $0x2, s10  }
0x5b6: {  	s2 =	sadd.s32 s7, s23;
	[tilespmem:s29+$0x6280] =	vst v9;
	s0 =	sadd.s32 $0x100, s0;
	p1 =	slt.u32 s10, s25  }
.Ltmp92:
0x5b7: {  	v9 =	vld [tilespmem:s2+$0xFFFFFFF0];
	[tilespmem:s14+$0x6280] =	vst v10;
	s14 =	smov.u32 s21;
	(pc) =	sbr.rel @p1 .LBB2_151-.Ltmp92, $4  }
0x5b8: {  	s21 =	sadd.s32 $0x20, s21;
	v10 =	vld [tilespmem:s2+$0x0]  }
0x5b9: {  	s20 =	sadd.s32 $0x80, s0;
	s2 =	sadd.s32 $0xFFFFFFF0, s14;
	s14 =	sand.u32 $0x70, s14  }
0x5ba: {  	s29 =	sand.u32 $0xFFFFFC00, s0;
	s20 =	sand.u32 $0xFFFFFC00, s20;
	s2 =	sand.u32 $0x70, s2  }
0x5bb: {  	s23 =	sadd.s32 $0x20, s23;
	s14 =	sor.u32 s14, s20;
	s29 =	sor.u32 s2, s29  }
0x5bc: {  	s31 =	sld [smem:$0x6E8]  }
.LBB2_153:
0x5bd: {  	_ = 	snop  }
0x5be: {  	s2 =	sadd.s32 s7, s23  }
0x5bf: {  	v11 =	vld [tilespmem:s2+$0xFFFFFFF0]  }
0x5c0: {  	s0 =	sadd.s32 @p0 $0x100, s0;
	v12 =	vld [tilespmem:s2+$0x0];
	s2 =	smov.u32 s6  }
0x5c1: {  	s20 =	sadd.s32 $0xFFFFFFF0, s21;
	s2 =	smov.u32 @p0 s0  }
0x5c2: {  	[tilespmem:s29+$0x6280] =	vst @p0 v9;
	s0 =	sand.u32 $0x70, s20;
	s10 =	sadd.s32 $0x80, s2;
	s2 =	sand.u32 $0xFFFFFC00, s2  }
0x5c3: {  	[tilespmem:s14+$0x6280] =	vst @p0 v10;
	s23 =	sand.u32 $0x70, s21;
	s10 =	sand.u32 $0xFFFFFC00, s10;
	s0 =	sor.u32 s0, s2  }
0x5c4: {  	s29 =	sor.u32 s23, s10;
	[tilespmem:s0+$0x6280] =	vst v11  }
0x5c5: {  	[tilespmem:s29+$0x6280] =	vst v12  }
.LBB2_72:
0x5c6: {  	s6 =	sld [smem:$0x7A7];
	_ =	sdelay $0x2  }
0x5c7: {  	p0 =	seq.s32 s6, $0x1  }
.Ltmp93:
0x5c8: {  	_ = 	snop;
	(pc) =	sbr.rel @p0 .LBB2_74-.Ltmp93, $4  }
0x5c9: {  	_ = 	snop  }
0x5ca: {  	s2 =	sld [smem:$0x748]  }
0x5cb: {  	s0 =	sld [smem:$0x74C]  }
0x5cc: {  	s10 =	sld [smem:$0x749]  }
.LBB2_73:
0x5cd: {  	s2 =	sadd.s32 $0x1, s2  }
0x5ce: {  	v9 =	vld [tilespmem:s15+$0x0];
	p0 =	slt.u32 s2, $0x1F  }
.Ltmp94:
0x5cf: {  	_ = 	snop;
	(pc) =	sbr.rel @p0 .LBB2_73-.Ltmp94, $4  }
0x5d0: {  	_ = 	snop  }
0x5d1: {  	s14 =	sand.u32 $0x70, s0;
	s20 =	sand.u32 $0xC00, s10  }
0x5d2: {  	s14 =	sor.u32 s14, s20  }
0x5d3: {  	s10 =	sadd.s32 $0x80, s10;
	s0 =	sadd.s32 $0x10, s0;
	s15 =	sadd.s32 $0x10, s15;
	[tilespmem:s14+$0x6280] =	vst v9  }
.LBB2_74:
0x5d4: {  	s0 =	rddreg [dreg:$0xf]  }
0x5d5: {  	v9 =	vld [tilespmem:s0+$0x1000];
	_ =	sdelay $0x3  }
0x5d6: {  	s2 =	sld [smem:$0x7E5]  }
0x5d7: {  	s21 =	rddreg [dreg:$0x1b];
	v9 =	vnsel vm4, $0x0, v9  }
0x5d8: {  	[tilespmem:s21+$0x5200] =	vst v9  }
0x5d9: {  	v10 =	vld [tilespmem:s2+$0x0]  }
0x5da: {  	s23 =	rddreg [dreg:$0xc]  }
0x5db: {  	s29 =	sld [smem:$0x6ED];
	s0 =	sadd.s32 $0x2, s23  }
0x5dc: {  	p0 =	slt.u32 s0, s16  }
.Ltmp95:
0x5dd: {  	s6 =	sld [smem:$0x6EB];
	(pc) =	sbr.rel @!p0 .LBB2_76-.Ltmp95, $4  }
0x5de: {  	s10 =	sld [smem:$0x6EC];
	v9 =	vld [tilespmem:s2+$0xFFFFFFF0];
	[tilespmem:s29+$0x5300] =	vst v10  }
0x5df: {  	s14 =	sld [smem:$0x77E]  }
0x5e0: {  	s15 =	sld [smem:$0x743]  }
0x5e1: {  	s21 =	sor.u32 s6, s10;
	s10 =	sadd.s32 $0x20, s2  }
.LBB2_75:
0x5e2: {  	s0 =	sadd.s32 $0x2, s0  }
0x5e3: {  	v10 =	vld [tilespmem:s10+$0x0];
	[tilespmem:s21+$0x5300] =	vst v9;
	s14 =	sadd.s32 $0x100, s14;
	s15 =	sadd.s32 $0x20, s15;
	p0 =	slt.u32 s0, s16  }
.Ltmp96:
0x5e4: {  	v9 =	vld [tilespmem:s10+$0xFFFFFFF0];
	(pc) =	sbr.rel @p0 .LBB2_75-.Ltmp96, $4  }
0x5e5: {  	s2 =	sadd.s32 $0x80, s14  }
0x5e6: {  	s20 =	sadd.s32 $0xFFFFFFF0, s15;
	s21 =	sand.u32 $0x70, s15;
	s2 =	sand.u32 $0xFFFFFC00, s2  }
0x5e7: {  	s23 =	sand.u32 $0xFFFFFC00, s14;
	s20 =	sand.u32 $0x70, s20;
	s2 =	sor.u32 s21, s2  }
0x5e8: {  	s10 =	sadd.s32 $0x20, s10;
	s21 =	sor.u32 s20, s23;
	[tilespmem:s2+$0x5300] =	vst v10  }
.LBB2_76:
0x5e9: {  	_ = 	snop  }
.Ltmp97:
0x5ea: {  	[tilespmem:s21+$0x5300] =	vst v9;
	(pc) =	sbr.rel @p3 .LBB2_78-.Ltmp97, $3  }
0x5eb: {  	s0 =	sld [smem:$0x7E7]  }
0x5ec: {  	s2 =	sld [smem:$0x746];
	_ =	sdelay $0x1  }
0x5ed: {  	s14 =	smov.u32 s30;
	s10 =	sld [smem:$0x7C8]  }
.LBB2_77:
0x5ee: {  	v9 =	vld [tilespmem:s0+$0x0];
	p0 =	sne.s32 s2, $0x1  }
.Ltmp98:
0x5ef: {  	_ = 	snop;
	(pc) =	sbr.rel @p0 .LBB2_77-.Ltmp98, $4  }
0x5f0: {  	_ = 	snop  }
0x5f1: {  	s15 =	sand.u32 $0x70, s10;
	s20 =	sand.u32 $0xC00, s14  }
0x5f2: {  	s14 =	sadd.s32 $0x80, s14;
	s15 =	sor.u32 s15, s20  }
0x5f3: {  	s10 =	sadd.s32 $0x10, s10;
	s0 =	sadd.s32 $0x10, s0;
	s2 =	sadd.s32 $0xFFFFFFFF, s2;
	[tilespmem:s15+$0x5300] =	vst v9  }
.LBB2_78:
0x5f4: {  	s0 =	sld [smem:$0x729];
	_ =	sdelay $0x1  }
0x5f5: {  	s29 =	sld [smem:$0x7A9]  }
0x5f6: {  	s0 =	sadd.s32 s31, s0  }
0x5f7: {  	v9 =	vld.idx.msk [tilespmem:v2+s0+$0x0 ss:$0x1], $0xffff  }
0x5f8: {  	p0 =	seq.s32 s29, $0x1  }
.Ltmp99:
0x5f9: {  	_ = 	snop;
	(pc) =	sbr.rel @p0 .LBB2_79-.Ltmp99, $3  }
0x5fa: {  	_ =	sdelay $0x1  }
0x5fb: {  	s23 =	rddreg [dreg:$0x10];
	v9 =	vnsel vm5, $0x0, v9  }
0x5fc: {  	[tilespmem:s23+$0x5200] =	vst v9  }
0x5fd: {  	s0 =	sld [smem:$0x7A8];
	_ =	sdelay $0x2  }
0x5fe: {  	s2 =	sadd.s32 $0x2, s0  }
0x5ff: {  	p1 =	slt.u32 s2, s4  }
.Ltmp100:
0x600: {  	_ = 	snop;
	(pc) =	sbr.rel @!p1 .LBB2_159-.Ltmp100, $3  }
0x601: {  	s29 =	sld [smem:$0x753];
	_ =	sdelay $0x1  }
0x602: {  	s21 =	sld [smem:$0x6FF]  }
0x603: {  	p0 =	por $0x0, $0x0;
	s15 =	sld [smem:$0x7CF];
	s0 =	smov.u32 s29  }
0x604: {  	s31 =	sld [smem:$0x6FF]  }
0x605: {  	s10 =	sadd.s32 $0x2, s2  }
0x606: {  	s21 =	sld [smem:$0x7CF];
	p1 =	slt.u32 s10, s4  }
.Ltmp101:
0x607: {  	s14 =	sadd.s32 $0x80, s29;
	s0 =	sadd.s32 s7, s31;
	(pc) =	sbr.rel @!p1 .LBB2_156-.Ltmp101, $4  }
0x608: {  	p0 =	por $0x1, $0x1;
	s14 =	sand.u32 $0xFFFFFC00, s14;
	v9 =	vld [tilespmem:s0+$0xFFFFFFF0]  }
0x609: {  	s15 =	sadd.s32 $0x20, s21;
	s20 =	sadd.s32 $0xFFFFFFF0, s21;
	s21 =	sand.u32 $0x70, s21;
	v10 =	vld [tilespmem:s0+$0x0]  }
0x60a: {  	s2 =	sand.u32 $0x70, s20;
	s20 =	sand.u32 $0xFFFFFC00, s29;
	s14 =	sor.u32 s21, s14  }
0x60b: {  	s21 =	sadd.s32 $0x20, s31;
	s0 =	smov.u32 s29;
	s23 =	sor.u32 s2, s20  }
.LBB2_157:
0x60c: {  	s10 =	sadd.s32 $0x2, s10  }
0x60d: {  	s2 =	sadd.s32 s7, s21;
	[tilespmem:s23+$0x6300] =	vst v9;
	s0 =	sadd.s32 $0x100, s0;
	p1 =	slt.u32 s10, s4  }
.Ltmp102:
0x60e: {  	v9 =	vld [tilespmem:s2+$0xFFFFFFF0];
	[tilespmem:s14+$0x6300] =	vst v10;
	s14 =	smov.u32 s15;
	(pc) =	sbr.rel @p1 .LBB2_157-.Ltmp102, $4  }
0x60f: {  	s15 =	sadd.s32 $0x20, s15;
	v10 =	vld [tilespmem:s2+$0x0]  }
0x610: {  	s20 =	sadd.s32 $0x80, s0;
	s2 =	sadd.s32 $0xFFFFFFF0, s14;
	s14 =	sand.u32 $0x70, s14  }
0x611: {  	s23 =	sand.u32 $0xFFFFFC00, s0;
	s20 =	sand.u32 $0xFFFFFC00, s20;
	s2 =	sand.u32 $0x70, s2  }
0x612: {  	s21 =	sadd.s32 $0x20, s21;
	s14 =	sor.u32 s14, s20;
	s23 =	sor.u32 s2, s23  }
0x613: {  	s29 =	sld [smem:$0x753]  }
0x614: {  	s31 =	sld [smem:$0x6E8]  }
.LBB2_159:
0x615: {  	_ = 	snop  }
0x616: {  	s2 =	sadd.s32 s7, s21  }
0x617: {  	v11 =	vld [tilespmem:s2+$0xFFFFFFF0]  }
0x618: {  	s0 =	sadd.s32 @p0 $0x100, s0;
	v12 =	vld [tilespmem:s2+$0x0];
	s2 =	smov.u32 s29  }
0x619: {  	s21 =	sadd.s32 $0xFFFFFFF0, s15;
	s2 =	smov.u32 @p0 s0  }
0x61a: {  	[tilespmem:s23+$0x6300] =	vst @p0 v9;
	s0 =	sand.u32 $0x70, s21;
	s10 =	sadd.s32 $0x80, s2;
	s2 =	sand.u32 $0xFFFFFC00, s2  }
0x61b: {  	[tilespmem:s14+$0x6300] =	vst @p0 v10;
	s23 =	sand.u32 $0x70, s15;
	s10 =	sand.u32 $0xFFFFFC00, s10;
	s0 =	sor.u32 s0, s2  }
0x61c: {  	s29 =	sor.u32 s23, s10;
	[tilespmem:s0+$0x6300] =	vst v11  }
0x61d: {  	[tilespmem:s29+$0x6300] =	vst v12  }
.LBB2_79:
0x61e: {  	s6 =	sld [smem:$0x7AA];
	_ =	sdelay $0x2  }
0x61f: {  	p0 =	seq.s32 s6, $0x1  }
.Ltmp103:
0x620: {  	_ = 	snop;
	(pc) =	sbr.rel @p0 .LBB2_81-.Ltmp103, $4  }
0x621: {  	_ = 	snop  }
0x622: {  	s2 =	sld [smem:$0x751]  }
0x623: {  	s0 =	sld [smem:$0x755]  }
0x624: {  	s10 =	sld [smem:$0x752]  }
.LBB2_80:
0x625: {  	s2 =	sadd.s32 $0x1, s2  }
0x626: {  	v9 =	vld [tilespmem:s9+$0x0];
	p0 =	slt.u32 s2, $0x1F  }
.Ltmp104:
0x627: {  	_ = 	snop;
	(pc) =	sbr.rel @p0 .LBB2_80-.Ltmp104, $4  }
0x628: {  	_ = 	snop  }
0x629: {  	s14 =	sand.u32 $0x70, s0;
	s15 =	sand.u32 $0xC00, s10  }
0x62a: {  	s14 =	sor.u32 s14, s15  }
0x62b: {  	s10 =	sadd.s32 $0x80, s10;
	s0 =	sadd.s32 $0x10, s0;
	s9 =	sadd.s32 $0x10, s9;
	[tilespmem:s14+$0x6300] =	vst v9  }
.LBB2_81:
0x62c: {  	s0 =	rddreg [dreg:$0x11]  }
0x62d: {  	v9 =	vld [tilespmem:s0+$0x1000];
	_ =	sdelay $0x3  }
0x62e: {  	s2 =	sld [smem:$0x7E9]  }
0x62f: {  	s21 =	rddreg [dreg:$0x17];
	v9 =	vnsel vm6, $0x0, v9  }
0x630: {  	[tilespmem:s21+$0x5200] =	vst v9  }
0x631: {  	v10 =	vld [tilespmem:s2+$0x0]  }
0x632: {  	s23 =	rddreg [dreg:$0xc]  }
0x633: {  	s29 =	sld [smem:$0x6ED];
	s0 =	sadd.s32 $0x2, s23  }
0x634: {  	p0 =	slt.u32 s0, s16  }
.Ltmp105:
0x635: {  	s6 =	sld [smem:$0x6EB];
	(pc) =	sbr.rel @!p0 .LBB2_83-.Ltmp105, $4  }
0x636: {  	s9 =	sld [smem:$0x6EC];
	v9 =	vld [tilespmem:s2+$0xFFFFFFF0];
	[tilespmem:s29+$0x5380] =	vst v10  }
0x637: {  	s10 =	sld [smem:$0x77E]  }
0x638: {  	s14 =	sld [smem:$0x743]  }
0x639: {  	s15 =	sor.u32 s6, s9;
	s9 =	sadd.s32 $0x20, s2  }
.LBB2_82:
0x63a: {  	s0 =	sadd.s32 $0x2, s0  }
0x63b: {  	v10 =	vld [tilespmem:s9+$0x0];
	[tilespmem:s15+$0x5380] =	vst v9;
	s10 =	sadd.s32 $0x100, s10;
	s14 =	sadd.s32 $0x20, s14;
	p0 =	slt.u32 s0, s16  }
.Ltmp106:
0x63c: {  	v9 =	vld [tilespmem:s9+$0xFFFFFFF0];
	(pc) =	sbr.rel @p0 .LBB2_82-.Ltmp106, $4  }
0x63d: {  	s2 =	sadd.s32 $0x80, s10  }
0x63e: {  	s15 =	sadd.s32 $0xFFFFFFF0, s14;
	s20 =	sand.u32 $0x70, s14;
	s2 =	sand.u32 $0xFFFFFC00, s2  }
0x63f: {  	s21 =	sand.u32 $0xFFFFFC00, s10;
	s15 =	sand.u32 $0x70, s15;
	s2 =	sor.u32 s20, s2  }
0x640: {  	s9 =	sadd.s32 $0x20, s9;
	s15 =	sor.u32 s15, s21;
	[tilespmem:s2+$0x5380] =	vst v10  }
.LBB2_83:
0x641: {  	_ = 	snop  }
.Ltmp107:
0x642: {  	[tilespmem:s15+$0x5380] =	vst v9;
	(pc) =	sbr.rel @p3 .LBB2_85-.Ltmp107, $3  }
0x643: {  	s0 =	sld [smem:$0x7EB]  }
0x644: {  	s2 =	sld [smem:$0x746];
	_ =	sdelay $0x1  }
0x645: {  	s10 =	smov.u32 s30;
	s9 =	sld [smem:$0x7C8]  }
.LBB2_84:
0x646: {  	v9 =	vld [tilespmem:s0+$0x0];
	p0 =	sne.s32 s2, $0x1  }
.Ltmp108:
0x647: {  	_ = 	snop;
	(pc) =	sbr.rel @p0 .LBB2_84-.Ltmp108, $4  }
0x648: {  	_ = 	snop  }
0x649: {  	s14 =	sand.u32 $0x70, s9;
	s15 =	sand.u32 $0xC00, s10  }
0x64a: {  	s10 =	sadd.s32 $0x80, s10;
	s14 =	sor.u32 s14, s15  }
0x64b: {  	s9 =	sadd.s32 $0x10, s9;
	s0 =	sadd.s32 $0x10, s0;
	s2 =	sadd.s32 $0xFFFFFFFF, s2;
	[tilespmem:s14+$0x5380] =	vst v9  }
.LBB2_85:
0x64c: {  	s0 =	sld [smem:$0x72A];
	_ =	sdelay $0x1  }
0x64d: {  	s29 =	sld [smem:$0x7AC]  }
0x64e: {  	s0 =	sadd.s32 s31, s0  }
0x64f: {  	v9 =	vld.idx.msk [tilespmem:v3+s0+$0x0 ss:$0x1], $0xffff  }
0x650: {  	p0 =	seq.s32 s29, $0x1  }
.Ltmp109:
0x651: {  	_ = 	snop;
	(pc) =	sbr.rel @p0 .LBB2_86-.Ltmp109, $3  }
0x652: {  	_ =	sdelay $0x1  }
0x653: {  	s23 =	rddreg [dreg:$0x12];
	v9 =	vnsel vm7, $0x0, v9  }
0x654: {  	[tilespmem:s23+$0x5200] =	vst v9  }
0x655: {  	s0 =	sld [smem:$0x7AB];
	_ =	sdelay $0x2  }
0x656: {  	s2 =	sadd.s32 $0x2, s0  }
0x657: {  	p1 =	slt.u32 s2, s5  }
.Ltmp110:
0x658: {  	_ = 	snop;
	(pc) =	sbr.rel @!p1 .LBB2_165-.Ltmp110, $3  }
0x659: {  	s20 =	sld [smem:$0x75D];
	_ =	sdelay $0x1  }
0x65a: {  	s15 =	sld [smem:$0x6FE]  }
0x65b: {  	p0 =	por $0x0, $0x0;
	s9 =	sld [smem:$0x7D1];
	s0 =	smov.u32 s20  }
0x65c: {  	s29 =	sld [smem:$0x6FE]  }
0x65d: {  	s10 =	sadd.s32 $0x2, s2  }
0x65e: {  	s23 =	sld [smem:$0x7D1];
	p1 =	slt.u32 s10, s5  }
.Ltmp111:
0x65f: {  	s14 =	sadd.s32 $0x80, s20;
	s0 =	sadd.s32 s7, s29;
	(pc) =	sbr.rel @!p1 .LBB2_162-.Ltmp111, $4  }
0x660: {  	s15 =	sand.u32 $0xFFFFFC00, s20;
	s14 =	sand.u32 $0xFFFFFC00, s14;
	v9 =	vld [tilespmem:s0+$0xFFFFFFF0]  }
0x661: {  	s9 =	sadd.s32 $0x20, s23;
	s21 =	sadd.s32 $0xFFFFFFF0, s23;
	s23 =	sand.u32 $0x70, s23;
	v10 =	vld [tilespmem:s0+$0x0]  }
0x662: {  	p0 =	por $0x1, $0x1;
	s2 =	sand.u32 $0x70, s21;
	s14 =	sor.u32 s23, s14  }
0x663: {  	s0 =	smov.u32 s20;
	s21 =	sor.u32 s2, s15;
	s15 =	sadd.s32 $0x20, s29  }
.LBB2_163:
0x664: {  	s10 =	sadd.s32 $0x2, s10  }
0x665: {  	s2 =	sadd.s32 s7, s15;
	[tilespmem:s21+$0x6380] =	vst v9;
	s0 =	sadd.s32 $0x100, s0;
	p1 =	slt.u32 s10, s5  }
.Ltmp112:
0x666: {  	v9 =	vld [tilespmem:s2+$0xFFFFFFF0];
	[tilespmem:s14+$0x6380] =	vst v10;
	s14 =	smov.u32 s9;
	(pc) =	sbr.rel @p1 .LBB2_163-.Ltmp112, $4  }
0x667: {  	s9 =	sadd.s32 $0x20, s9;
	v10 =	vld [tilespmem:s2+$0x0]  }
0x668: {  	s20 =	sadd.s32 $0x80, s0;
	s2 =	sadd.s32 $0xFFFFFFF0, s14;
	s14 =	sand.u32 $0x70, s14  }
0x669: {  	s21 =	sand.u32 $0xFFFFFC00, s0;
	s20 =	sand.u32 $0xFFFFFC00, s20;
	s2 =	sand.u32 $0x70, s2  }
0x66a: {  	s15 =	sadd.s32 $0x20, s15;
	s14 =	sor.u32 s14, s20;
	s21 =	sor.u32 s2, s21  }
0x66b: {  	s20 =	sld [smem:$0x75D]  }
.LBB2_165:
0x66c: {  	_ = 	snop  }
0x66d: {  	s2 =	sadd.s32 s7, s15  }
0x66e: {  	v11 =	vld [tilespmem:s2+$0xFFFFFFF0]  }
0x66f: {  	s0 =	sadd.s32 @p0 $0x100, s0;
	v12 =	vld [tilespmem:s2+$0x0];
	s2 =	smov.u32 s20  }
0x670: {  	s20 =	sadd.s32 $0xFFFFFFF0, s9;
	s2 =	smov.u32 @p0 s0  }
0x671: {  	[tilespmem:s21+$0x6380] =	vst @p0 v9;
	s0 =	sand.u32 $0x70, s20;
	s10 =	sadd.s32 $0x80, s2;
	s2 =	sand.u32 $0xFFFFFC00, s2  }
0x672: {  	[tilespmem:s14+$0x6380] =	vst @p0 v10;
	s23 =	sand.u32 $0x70, s9;
	s10 =	sand.u32 $0xFFFFFC00, s10;
	s0 =	sor.u32 s0, s2  }
0x673: {  	s29 =	sor.u32 s23, s10;
	[tilespmem:s0+$0x6380] =	vst v11  }
0x674: {  	[tilespmem:s29+$0x6380] =	vst v12  }
.LBB2_86:
0x675: {  	s6 =	sld [smem:$0x7AD];
	_ =	sdelay $0x2  }
0x676: {  	p0 =	seq.s32 s6, $0x1  }
.Ltmp113:
0x677: {  	_ = 	snop;
	(pc) =	sbr.rel @p0 .LBB2_88-.Ltmp113, $4  }
0x678: {  	_ = 	snop  }
0x679: {  	s2 =	sld [smem:$0x75A]  }
0x67a: {  	s0 =	sld [smem:$0x75F]  }
0x67b: {  	s9 =	sld [smem:$0x75B]  }
.LBB2_87:
0x67c: {  	s2 =	sadd.s32 $0x1, s2  }
0x67d: {  	v9 =	vld [tilespmem:s28+$0x0];
	p0 =	slt.u32 s2, $0x1F  }
.Ltmp114:
0x67e: {  	_ = 	snop;
	(pc) =	sbr.rel @p0 .LBB2_87-.Ltmp114, $4  }
0x67f: {  	_ = 	snop  }
0x680: {  	s10 =	sand.u32 $0x70, s0;
	s14 =	sand.u32 $0xC00, s9  }
0x681: {  	s10 =	sor.u32 s10, s14  }
0x682: {  	s9 =	sadd.s32 $0x80, s9;
	s0 =	sadd.s32 $0x10, s0;
	s28 =	sadd.s32 $0x10, s28;
	[tilespmem:s10+$0x6380] =	vst v9  }
.LBB2_88:
0x683: {  	s0 =	rddreg [dreg:$0x13]  }
0x684: {  	v9 =	vld [tilespmem:s0+$0x1000];
	_ =	sdelay $0x3  }
0x685: {  	s2 =	sld [smem:$0x7ED]  }
0x686: {  	s21 =	rddreg [dreg:$0x1c];
	v9 =	vnsel vm8, $0x0, v9  }
0x687: {  	[tilespmem:s21+$0x5200] =	vst v9  }
0x688: {  	v10 =	vld [tilespmem:s2+$0x0]  }
0x689: {  	s23 =	rddreg [dreg:$0xc]  }
0x68a: {  	s29 =	sld [smem:$0x6ED]  }
0x68b: {  	s0 =	sadd.s32 $0x2, s23  }
0x68c: {  	s6 =	sld [smem:$0x6EB];
	p0 =	slt.u32 s0, s16  }
.Ltmp115:
0x68d: {  	s9 =	sld [smem:$0x6EC];
	[tilespmem:s29+$0x5400] =	vst v10;
	(pc) =	sbr.rel @!p0 .LBB2_90-.Ltmp115, $4  }
0x68e: {  	v9 =	vld [tilespmem:s2+$0xFFFFFFF0];
	s10 =	sld [smem:$0x77E]  }
0x68f: {  	s14 =	sld [smem:$0x743]  }
0x690: {  	s23 =	sld [smem:$0x767]  }
0x691: {  	s15 =	sor.u32 s6, s9;
	s9 =	sadd.s32 $0x20, s2;
	s28 =	sld [smem:$0x770]  }
.LBB2_89:
0x692: {  	s0 =	sadd.s32 $0x2, s0  }
0x693: {  	v10 =	vld [tilespmem:s9+$0x0];
	[tilespmem:s15+$0x5400] =	vst v9;
	s10 =	sadd.s32 $0x100, s10;
	s14 =	sadd.s32 $0x20, s14;
	p0 =	slt.u32 s0, s16  }
.Ltmp116:
0x694: {  	v9 =	vld [tilespmem:s9+$0xFFFFFFF0];
	(pc) =	sbr.rel @p0 .LBB2_89-.Ltmp116, $4  }
0x695: {  	s2 =	sadd.s32 $0x80, s10  }
0x696: {  	s15 =	sadd.s32 $0xFFFFFFF0, s14;
	s20 =	sand.u32 $0x70, s14;
	s2 =	sand.u32 $0xFFFFFC00, s2  }
0x697: {  	s21 =	sand.u32 $0xFFFFFC00, s10;
	s15 =	sand.u32 $0x70, s15;
	s2 =	sor.u32 s20, s2  }
0x698: {  	s9 =	sadd.s32 $0x20, s9;
	s15 =	sor.u32 s15, s21;
	[tilespmem:s2+$0x5400] =	vst v10  }
.LBB2_90:
0x699: {  	_ = 	snop  }
.Ltmp117:
0x69a: {  	[tilespmem:s15+$0x5400] =	vst v9;
	(pc) =	sbr.rel @p3 .LBB2_92-.Ltmp117, $3  }
0x69b: {  	s0 =	sld [smem:$0x7F0]  }
0x69c: {  	s2 =	sld [smem:$0x746];
	_ =	sdelay $0x1  }
0x69d: {  	s10 =	smov.u32 s30;
	s9 =	sld [smem:$0x7C8]  }
.LBB2_91:
0x69e: {  	v9 =	vld [tilespmem:s0+$0x0];
	p0 =	sne.s32 s2, $0x1  }
.Ltmp118:
0x69f: {  	_ = 	snop;
	(pc) =	sbr.rel @p0 .LBB2_91-.Ltmp118, $4  }
0x6a0: {  	_ = 	snop  }
0x6a1: {  	s14 =	sand.u32 $0x70, s9;
	s15 =	sand.u32 $0xC00, s10  }
0x6a2: {  	s10 =	sadd.s32 $0x80, s10;
	s14 =	sor.u32 s14, s15  }
0x6a3: {  	s9 =	sadd.s32 $0x10, s9;
	s0 =	sadd.s32 $0x10, s0;
	s2 =	sadd.s32 $0xFFFFFFFF, s2;
	[tilespmem:s14+$0x5400] =	vst v9  }
.LBB2_92:
0x6a4: {  	s0 =	sld [smem:$0x72B];
	_ =	sdelay $0x1  }
0x6a5: {  	s29 =	sld [smem:$0x7AF]  }
0x6a6: {  	s0 =	sadd.s32 s31, s0  }
0x6a7: {  	v9 =	vld.idx.msk [tilespmem:v4+s0+$0x0 ss:$0x1], $0xffff  }
0x6a8: {  	p0 =	seq.s32 s29, $0x1  }
.Ltmp119:
0x6a9: {  	_ = 	snop;
	(pc) =	sbr.rel @p0 .LBB2_93-.Ltmp119, $3  }
0x6aa: {  	_ =	sdelay $0x1  }
0x6ab: {  	s21 =	rddreg [dreg:$0x14];
	v9 =	vnsel vm9, $0x0, v9  }
0x6ac: {  	[tilespmem:s21+$0x5200] =	vst v9  }
0x6ad: {  	s0 =	sld [smem:$0x7AE];
	_ =	sdelay $0x2  }
0x6ae: {  	s2 =	sadd.s32 $0x2, s0  }
0x6af: {  	p1 =	slt.u32 s2, s26  }
.Ltmp120:
0x6b0: {  	_ = 	snop;
	(pc) =	sbr.rel @!p1 .LBB2_170-.Ltmp120, $3  }
0x6b1: {  	_ =	sdelay $0x1  }
0x6b2: {  	s15 =	sld [smem:$0x6FD]  }
0x6b3: {  	p0 =	por $0x0, $0x0;
	s9 =	sld [smem:$0x7D3];
	s0 =	smov.u32 s23  }
0x6b4: {  	s29 =	sld [smem:$0x6FD]  }
0x6b5: {  	s10 =	sadd.s32 $0x2, s2  }
0x6b6: {  	s20 =	sld [smem:$0x7D3];
	p1 =	slt.u32 s10, s26  }
.Ltmp121:
0x6b7: {  	s14 =	sadd.s32 $0x80, s23;
	s0 =	sadd.s32 s7, s29;
	(pc) =	sbr.rel @!p1 .LBB2_168-.Ltmp121, $4  }
0x6b8: {  	p0 =	por $0x1, $0x1;
	s14 =	sand.u32 $0xFFFFFC00, s14;
	v9 =	vld [tilespmem:s0+$0xFFFFFFF0]  }
0x6b9: {  	s9 =	sadd.s32 $0x20, s20;
	s15 =	sadd.s32 $0xFFFFFFF0, s20;
	s20 =	sand.u32 $0x70, s20;
	v10 =	vld [tilespmem:s0+$0x0]  }
0x6ba: {  	s2 =	sand.u32 $0x70, s15;
	s15 =	sand.u32 $0xFFFFFC00, s23;
	s14 =	sor.u32 s20, s14  }
0x6bb: {  	s0 =	smov.u32 s23;
	s21 =	sor.u32 s2, s15;
	s15 =	sadd.s32 $0x20, s29  }
.LBB2_169:
0x6bc: {  	s10 =	sadd.s32 $0x2, s10  }
0x6bd: {  	s2 =	sadd.s32 s7, s15;
	[tilespmem:s21+$0x6400] =	vst v9;
	s0 =	sadd.s32 $0x100, s0;
	p1 =	slt.u32 s10, s26  }
.Ltmp122:
0x6be: {  	v9 =	vld [tilespmem:s2+$0xFFFFFFF0];
	[tilespmem:s14+$0x6400] =	vst v10;
	s14 =	smov.u32 s9;
	(pc) =	sbr.rel @p1 .LBB2_169-.Ltmp122, $4  }
0x6bf: {  	s9 =	sadd.s32 $0x20, s9;
	v10 =	vld [tilespmem:s2+$0x0]  }
0x6c0: {  	s20 =	sadd.s32 $0x80, s0;
	s2 =	sadd.s32 $0xFFFFFFF0, s14;
	s14 =	sand.u32 $0x70, s14  }
0x6c1: {  	s21 =	sand.u32 $0xFFFFFC00, s0;
	s20 =	sand.u32 $0xFFFFFC00, s20;
	s2 =	sand.u32 $0x70, s2  }
0x6c2: {  	s15 =	sadd.s32 $0x20, s15;
	s14 =	sor.u32 s14, s20;
	s21 =	sor.u32 s2, s21  }
.LBB2_170:
0x6c3: {  	_ = 	snop  }
0x6c4: {  	s2 =	sadd.s32 s7, s15  }
0x6c5: {  	v11 =	vld [tilespmem:s2+$0xFFFFFFF0]  }
0x6c6: {  	s0 =	sadd.s32 @p0 $0x100, s0;
	v12 =	vld [tilespmem:s2+$0x0];
	s2 =	smov.u32 s23  }
0x6c7: {  	s20 =	sadd.s32 $0xFFFFFFF0, s9;
	s2 =	smov.u32 @p0 s0  }
0x6c8: {  	[tilespmem:s21+$0x6400] =	vst @p0 v9;
	s0 =	sand.u32 $0x70, s20;
	s10 =	sadd.s32 $0x80, s2;
	s2 =	sand.u32 $0xFFFFFC00, s2  }
0x6c9: {  	[tilespmem:s14+$0x6400] =	vst @p0 v10;
	s23 =	sand.u32 $0x70, s9;
	s10 =	sand.u32 $0xFFFFFC00, s10;
	s0 =	sor.u32 s0, s2  }
0x6ca: {  	s29 =	sor.u32 s23, s10;
	[tilespmem:s0+$0x6400] =	vst v11  }
0x6cb: {  	[tilespmem:s29+$0x6400] =	vst v12  }
.LBB2_93:
0x6cc: {  	s6 =	sld [smem:$0x7B0];
	_ =	sdelay $0x2  }
0x6cd: {  	p0 =	seq.s32 s6, $0x1  }
.Ltmp123:
0x6ce: {  	_ = 	snop;
	(pc) =	sbr.rel @p0 .LBB2_95-.Ltmp123, $4  }
0x6cf: {  	_ = 	snop  }
0x6d0: {  	s2 =	sld [smem:$0x764]  }
0x6d1: {  	s0 =	sld [smem:$0x769]  }
0x6d2: {  	s9 =	sld [smem:$0x765]  }
.LBB2_94:
0x6d3: {  	s2 =	sadd.s32 $0x1, s2  }
0x6d4: {  	v9 =	vld [tilespmem:s19+$0x0];
	p0 =	slt.u32 s2, $0x1F  }
.Ltmp124:
0x6d5: {  	_ = 	snop;
	(pc) =	sbr.rel @p0 .LBB2_94-.Ltmp124, $4  }
0x6d6: {  	_ = 	snop  }
0x6d7: {  	s10 =	sand.u32 $0x70, s0;
	s14 =	sand.u32 $0xC00, s9  }
0x6d8: {  	s10 =	sor.u32 s10, s14  }
0x6d9: {  	s9 =	sadd.s32 $0x80, s9;
	s0 =	sadd.s32 $0x10, s0;
	s19 =	sadd.s32 $0x10, s19;
	[tilespmem:s10+$0x6400] =	vst v9  }
.LBB2_95:
0x6da: {  	s0 =	rddreg [dreg:$0x15]  }
0x6db: {  	v9 =	vld [tilespmem:s0+$0x1000];
	_ =	sdelay $0x3  }
0x6dc: {  	s2 =	sld [smem:$0x7F2]  }
0x6dd: {  	s21 =	rddreg [dreg:$0x18];
	v9 =	vnsel vm10, $0x0, v9  }
0x6de: {  	[tilespmem:s21+$0x5200] =	vst v9  }
0x6df: {  	v10 =	vld [tilespmem:s2+$0x0]  }
0x6e0: {  	s23 =	rddreg [dreg:$0xc]  }
0x6e1: {  	s29 =	sld [smem:$0x6ED];
	s0 =	sadd.s32 $0x2, s23  }
0x6e2: {  	p0 =	slt.u32 s0, s16  }
.Ltmp125:
0x6e3: {  	s6 =	sld [smem:$0x6EB];
	(pc) =	sbr.rel @!p0 .LBB2_97-.Ltmp125, $4  }
0x6e4: {  	s9 =	sld [smem:$0x6EC];
	v9 =	vld [tilespmem:s2+$0xFFFFFFF0];
	[tilespmem:s29+$0x5480] =	vst v10  }
0x6e5: {  	s10 =	sld [smem:$0x77E]  }
0x6e6: {  	s14 =	sld [smem:$0x743]  }
0x6e7: {  	s15 =	sor.u32 s6, s9;
	s9 =	sadd.s32 $0x20, s2  }
.LBB2_96:
0x6e8: {  	s0 =	sadd.s32 $0x2, s0  }
0x6e9: {  	v10 =	vld [tilespmem:s9+$0x0];
	[tilespmem:s15+$0x5480] =	vst v9;
	s10 =	sadd.s32 $0x100, s10;
	s14 =	sadd.s32 $0x20, s14;
	p0 =	slt.u32 s0, s16  }
.Ltmp126:
0x6ea: {  	v9 =	vld [tilespmem:s9+$0xFFFFFFF0];
	(pc) =	sbr.rel @p0 .LBB2_96-.Ltmp126, $4  }
0x6eb: {  	s2 =	sadd.s32 $0x80, s10  }
0x6ec: {  	s15 =	sadd.s32 $0xFFFFFFF0, s14;
	s19 =	sand.u32 $0x70, s14;
	s2 =	sand.u32 $0xFFFFFC00, s2  }
0x6ed: {  	s20 =	sand.u32 $0xFFFFFC00, s10;
	s15 =	sand.u32 $0x70, s15;
	s2 =	sor.u32 s19, s2  }
0x6ee: {  	s9 =	sadd.s32 $0x20, s9;
	s15 =	sor.u32 s15, s20;
	[tilespmem:s2+$0x5480] =	vst v10  }
.LBB2_97:
0x6ef: {  	_ = 	snop  }
.Ltmp127:
0x6f0: {  	[tilespmem:s15+$0x5480] =	vst v9;
	(pc) =	sbr.rel @p3 .LBB2_99-.Ltmp127, $3  }
0x6f1: {  	s0 =	sld [smem:$0x7F4]  }
0x6f2: {  	s2 =	sld [smem:$0x746];
	_ =	sdelay $0x1  }
0x6f3: {  	s10 =	smov.u32 s30;
	s9 =	sld [smem:$0x7C8]  }
.LBB2_98:
0x6f4: {  	v9 =	vld [tilespmem:s0+$0x0];
	p0 =	sne.s32 s2, $0x1  }
.Ltmp128:
0x6f5: {  	_ = 	snop;
	(pc) =	sbr.rel @p0 .LBB2_98-.Ltmp128, $4  }
0x6f6: {  	_ = 	snop  }
0x6f7: {  	s14 =	sand.u32 $0x70, s9;
	s15 =	sand.u32 $0xC00, s10  }
0x6f8: {  	s10 =	sadd.s32 $0x80, s10;
	s14 =	sor.u32 s14, s15  }
0x6f9: {  	s9 =	sadd.s32 $0x10, s9;
	s0 =	sadd.s32 $0x10, s0;
	s2 =	sadd.s32 $0xFFFFFFFF, s2;
	[tilespmem:s14+$0x5480] =	vst v9  }
.LBB2_99:
0x6fa: {  	s0 =	sld [smem:$0x72C];
	_ =	sdelay $0x1  }
0x6fb: {  	s29 =	sld [smem:$0x7B2]  }
0x6fc: {  	s0 =	sadd.s32 s31, s0  }
0x6fd: {  	v9 =	vld.idx.msk [tilespmem:v5+s0+$0x0 ss:$0x1], $0xffff  }
0x6fe: {  	p0 =	seq.s32 s29, $0x1  }
.Ltmp129:
0x6ff: {  	_ = 	snop;
	(pc) =	sbr.rel @p0 .LBB2_100-.Ltmp129, $3  }
0x700: {  	_ =	sdelay $0x1  }
0x701: {  	s23 =	rddreg [dreg:$0x19];
	v9 =	vnsel vm11, $0x0, v9  }
0x702: {  	[tilespmem:s23+$0x5200] =	vst v9  }
0x703: {  	s0 =	sld [smem:$0x7B1];
	_ =	sdelay $0x2  }
0x704: {  	s2 =	sadd.s32 $0x2, s0  }
0x705: {  	p1 =	slt.u32 s2, s8  }
.Ltmp130:
0x706: {  	_ = 	snop;
	(pc) =	sbr.rel @!p1 .LBB2_175-.Ltmp130, $3  }
0x707: {  	_ =	sdelay $0x1  }
0x708: {  	s15 =	sld [smem:$0x6FC]  }
0x709: {  	p0 =	por $0x0, $0x0;
	s9 =	sld [smem:$0x7D8];
	s0 =	smov.u32 s28  }
0x70a: {  	s21 =	sld [smem:$0x6FC]  }
0x70b: {  	s10 =	sadd.s32 $0x2, s2  }
0x70c: {  	s20 =	sld [smem:$0x7D8];
	p1 =	slt.u32 s10, s8  }
.Ltmp131:
0x70d: {  	s0 =	sadd.s32 s7, s21;
	(pc) =	sbr.rel @!p1 .LBB2_173-.Ltmp131, $4  }
0x70e: {  	s14 =	sadd.s32 $0x80, s28;
	s15 =	sand.u32 $0xFFFFFC00, s28;
	p0 =	por $0x1, $0x1;
	v9 =	vld [tilespmem:s0+$0xFFFFFFF0]  }
0x70f: {  	s14 =	sand.u32 $0xFFFFFC00, s14;
	s23 =	sadd.s32 $0xFFFFFFF0, s20;
	s29 =	sand.u32 $0x70, s20;
	v10 =	vld [tilespmem:s0+$0x0]  }
0x710: {  	s9 =	sadd.s32 $0x20, s20;
	s2 =	sand.u32 $0x70, s23;
	s14 =	sor.u32 s29, s14  }
0x711: {  	s0 =	smov.u32 s28;
	s19 =	sor.u32 s2, s15;
	s15 =	sadd.s32 $0x20, s21  }
.LBB2_174:
0x712: {  	s10 =	sadd.s32 $0x2, s10  }
0x713: {  	s2 =	sadd.s32 s7, s15;
	[tilespmem:s19+$0x6480] =	vst v9;
	s0 =	sadd.s32 $0x100, s0;
	p1 =	slt.u32 s10, s8  }
.Ltmp132:
0x714: {  	v9 =	vld [tilespmem:s2+$0xFFFFFFF0];
	[tilespmem:s14+$0x6480] =	vst v10;
	s14 =	smov.u32 s9;
	(pc) =	sbr.rel @p1 .LBB2_174-.Ltmp132, $4  }
0x715: {  	s9 =	sadd.s32 $0x20, s9;
	v10 =	vld [tilespmem:s2+$0x0]  }
0x716: {  	s19 =	sadd.s32 $0x80, s0;
	s2 =	sadd.s32 $0xFFFFFFF0, s14;
	s14 =	sand.u32 $0x70, s14  }
0x717: {  	s20 =	sand.u32 $0xFFFFFC00, s0;
	s21 =	sand.u32 $0xFFFFFC00, s19;
	s2 =	sand.u32 $0x70, s2  }
0x718: {  	s15 =	sadd.s32 $0x20, s15;
	s14 =	sor.u32 s14, s21;
	s19 =	sor.u32 s2, s20  }
.LBB2_175:
0x719: {  	_ = 	snop  }
0x71a: {  	s2 =	sadd.s32 s7, s15  }
0x71b: {  	v11 =	vld [tilespmem:s2+$0xFFFFFFF0]  }
0x71c: {  	s0 =	sadd.s32 @p0 $0x100, s0;
	v12 =	vld [tilespmem:s2+$0x0];
	s2 =	smov.u32 s28  }
0x71d: {  	s23 =	sadd.s32 $0xFFFFFFF0, s9;
	s2 =	smov.u32 @p0 s0  }
0x71e: {  	[tilespmem:s19+$0x6480] =	vst @p0 v9;
	s0 =	sand.u32 $0x70, s23;
	s10 =	sadd.s32 $0x80, s2;
	s2 =	sand.u32 $0xFFFFFC00, s2  }
0x71f: {  	[tilespmem:s14+$0x6480] =	vst @p0 v10;
	s28 =	sand.u32 $0x70, s9;
	s10 =	sand.u32 $0xFFFFFC00, s10;
	s0 =	sor.u32 s0, s2  }
0x720: {  	s29 =	sor.u32 s28, s10;
	[tilespmem:s0+$0x6480] =	vst v11  }
0x721: {  	[tilespmem:s29+$0x6480] =	vst v12  }
.LBB2_100:
0x722: {  	s6 =	sld [smem:$0x7B3];
	_ =	sdelay $0x2  }
0x723: {  	p0 =	seq.s32 s6, $0x1  }
.Ltmp133:
0x724: {  	_ = 	snop;
	(pc) =	sbr.rel @p0 .LBB2_102-.Ltmp133, $4  }
0x725: {  	_ = 	snop  }
0x726: {  	s2 =	sld [smem:$0x76D]  }
0x727: {  	s0 =	sld [smem:$0x772]  }
0x728: {  	s9 =	sld [smem:$0x76F]  }
.LBB2_101:
0x729: {  	s2 =	sadd.s32 $0x1, s2  }
0x72a: {  	v9 =	vld [tilespmem:s1+$0x0];
	p0 =	slt.u32 s2, $0x1F  }
.Ltmp134:
0x72b: {  	_ = 	snop;
	(pc) =	sbr.rel @p0 .LBB2_101-.Ltmp134, $4  }
0x72c: {  	_ = 	snop  }
0x72d: {  	s10 =	sand.u32 $0x70, s0;
	s14 =	sand.u32 $0xC00, s9  }
0x72e: {  	s10 =	sor.u32 s10, s14  }
0x72f: {  	s9 =	sadd.s32 $0x80, s9;
	s0 =	sadd.s32 $0x10, s0;
	s1 =	sadd.s32 $0x10, s1;
	[tilespmem:s10+$0x6480] =	vst v9  }
.LBB2_102:
0x730: {  	s0 =	rddreg [dreg:$0x1a]  }
0x731: {  	v9 =	vld [tilespmem:s0+$0x1000];
	_ =	sdelay $0x3  }
0x732: {  	s1 =	sld [smem:$0x7F6]  }
0x733: {  	s23 =	rddreg [dreg:$0x1d];
	v9 =	vnsel vm12, $0x0, v9  }
0x734: {  	[tilespmem:s23+$0x5200] =	vst v9  }
0x735: {  	s28 =	rddreg [dreg:$0xc];
	v10 =	vld [tilespmem:s1+$0x0]  }
0x736: {  	s2 =	sld [smem:$0x6EB]  }
0x737: {  	s29 =	sld [smem:$0x6ED];
	s0 =	sadd.s32 $0x2, s28  }
0x738: {  	s6 =	sld [smem:$0x6EC];
	p0 =	slt.u32 s0, s16  }
.Ltmp135:
0x739: {  	_ = 	snop;
	(pc) =	sbr.rel @!p0 .LBB2_104-.Ltmp135, $4  }
0x73a: {  	v9 =	vld [tilespmem:s1+$0xFFFFFFF0];
	[tilespmem:s29+$0x5500] =	vst v10  }
0x73b: {  	s10 =	sor.u32 s2, s6;
	s2 =	sld [smem:$0x77E]  }
0x73c: {  	s9 =	sld [smem:$0x743]  }
0x73d: {  	s1 =	sadd.s32 $0x20, s1  }
.LBB2_103:
0x73e: {  	s0 =	sadd.s32 $0x2, s0  }
0x73f: {  	v10 =	vld [tilespmem:s1+$0x0];
	[tilespmem:s10+$0x5500] =	vst v9;
	s2 =	sadd.s32 $0x100, s2;
	s9 =	sadd.s32 $0x20, s9;
	p0 =	slt.u32 s0, s16  }
.Ltmp136:
0x740: {  	v9 =	vld [tilespmem:s1+$0xFFFFFFF0];
	(pc) =	sbr.rel @p0 .LBB2_103-.Ltmp136, $4  }
0x741: {  	s10 =	sadd.s32 $0x80, s2  }
0x742: {  	s14 =	sadd.s32 $0xFFFFFFF0, s9;
	s15 =	sand.u32 $0x70, s9;
	s10 =	sand.u32 $0xFFFFFC00, s10  }
0x743: {  	s19 =	sand.u32 $0xFFFFFC00, s2;
	s14 =	sand.u32 $0x70, s14;
	s15 =	sor.u32 s15, s10  }
0x744: {  	s1 =	sadd.s32 $0x20, s1;
	s10 =	sor.u32 s14, s19;
	[tilespmem:s15+$0x5500] =	vst v10  }
.LBB2_104:
0x745: {  	_ = 	snop  }
.Ltmp137:
0x746: {  	[tilespmem:s10+$0x5500] =	vst v9;
	(pc) =	sbr.rel @p3 .LBB2_106-.Ltmp137, $4  }
0x747: {  	s0 =	sld [smem:$0x7F8]  }
0x748: {  	s9 =	sld [smem:$0x746]  }
0x749: {  	s1 =	sld [smem:$0x7C8]  }
0x74a: {  	s2 =	smov.u32 s30;
	s15 =	sld [smem:$0x77A]  }
.LBB2_105:
0x74b: {  	v9 =	vld [tilespmem:s0+$0x0];
	p0 =	sne.s32 s9, $0x1  }
.Ltmp138:
0x74c: {  	_ = 	snop;
	(pc) =	sbr.rel @p0 .LBB2_105-.Ltmp138, $4  }
0x74d: {  	_ = 	snop  }
0x74e: {  	s10 =	sand.u32 $0x70, s1;
	s14 =	sand.u32 $0xC00, s2  }
0x74f: {  	s2 =	sadd.s32 $0x80, s2;
	s10 =	sor.u32 s10, s14  }
0x750: {  	s1 =	sadd.s32 $0x10, s1;
	s0 =	sadd.s32 $0x10, s0;
	s9 =	sadd.s32 $0xFFFFFFFF, s9;
	[tilespmem:s10+$0x5500] =	vst v9  }
.LBB2_106:
0x751: {  	s0 =	sld [smem:$0x72D];
	_ =	sdelay $0x1  }
0x752: {  	s29 =	sld [smem:$0x7B5]  }
0x753: {  	s0 =	sadd.s32 s31, s0  }
0x754: {  	v9 =	vld.idx.msk [tilespmem:v6+s0+$0x0 ss:$0x1], $0xffff  }
0x755: {  	p0 =	seq.s32 s29, $0x1  }
.Ltmp139:
0x756: {  	_ = 	snop;
	(pc) =	sbr.rel @p0 .LBB2_107-.Ltmp139, $3  }
0x757: {  	_ =	sdelay $0x1  }
0x758: {  	s28 =	rddreg [dreg:$0x1e];
	v9 =	vnsel vm13, $0x0, v9  }
0x759: {  	[tilespmem:s28+$0x5200] =	vst v9  }
0x75a: {  	s0 =	sld [smem:$0x7B4];
	_ =	sdelay $0x2  }
0x75b: {  	s2 =	sadd.s32 $0x2, s0  }
0x75c: {  	p1 =	slt.u32 s2, s18  }
.Ltmp140:
0x75d: {  	_ = 	snop;
	(pc) =	sbr.rel @!p1 .LBB2_181-.Ltmp140, $3  }
0x75e: {  	_ =	sdelay $0x1  }
0x75f: {  	s9 =	sld [smem:$0x6FB]  }
0x760: {  	p0 =	por $0x0, $0x0;
	s1 =	sld [smem:$0x7DA];
	s0 =	smov.u32 s15  }
0x761: {  	s20 =	sld [smem:$0x6FB]  }
0x762: {  	s2 =	sadd.s32 $0x2, s2  }
0x763: {  	s19 =	sld [smem:$0x7DA];
	p1 =	slt.u32 s2, s18  }
.Ltmp141:
0x764: {  	s0 =	sadd.s32 s7, s20;
	(pc) =	sbr.rel @!p1 .LBB2_178-.Ltmp141, $4  }
0x765: {  	s10 =	sadd.s32 $0x80, s15;
	s14 =	sand.u32 $0xFFFFFC00, s15;
	p0 =	por $0x1, $0x1;
	v9 =	vld [tilespmem:s0+$0xFFFFFFF0]  }
0x766: {  	s10 =	sand.u32 $0xFFFFFC00, s10;
	s9 =	sadd.s32 $0xFFFFFFF0, s19;
	s29 =	sand.u32 $0x70, s19;
	v10 =	vld [tilespmem:s0+$0x0]  }
0x767: {  	s1 =	sadd.s32 $0x20, s19;
	s9 =	sand.u32 $0x70, s9;
	s10 =	sor.u32 s29, s10  }
0x768: {  	s0 =	smov.u32 s15;
	s14 =	sor.u32 s9, s14;
	s9 =	sadd.s32 $0x20, s20  }
.LBB2_179:
0x769: {  	s2 =	sadd.s32 $0x2, s2  }
0x76a: {  	s15 =	sadd.s32 s7, s9;
	[tilespmem:s14+$0x6500] =	vst v9;
	s0 =	sadd.s32 $0x100, s0;
	p1 =	slt.u32 s2, s18  }
.Ltmp142:
0x76b: {  	v9 =	vld [tilespmem:s15+$0xFFFFFFF0];
	[tilespmem:s10+$0x6500] =	vst v10;
	s10 =	smov.u32 s1;
	(pc) =	sbr.rel @p1 .LBB2_179-.Ltmp142, $4  }
0x76c: {  	s1 =	sadd.s32 $0x20, s1;
	v10 =	vld [tilespmem:s15+$0x0]  }
0x76d: {  	s14 =	sadd.s32 $0xFFFFFFF0, s10;
	s10 =	sand.u32 $0x70, s10;
	s15 =	sadd.s32 $0x80, s0  }
0x76e: {  	s19 =	sand.u32 $0xFFFFFC00, s0;
	s14 =	sand.u32 $0x70, s14;
	s15 =	sand.u32 $0xFFFFFC00, s15  }
0x76f: {  	s9 =	sadd.s32 $0x20, s9;
	s14 =	sor.u32 s14, s19;
	s10 =	sor.u32 s10, s15  }
0x770: {  	s15 =	sld [smem:$0x77A]  }
.LBB2_181:
0x771: {  	_ = 	snop  }
0x772: {  	s2 =	sadd.s32 s7, s9  }
0x773: {  	v11 =	vld [tilespmem:s2+$0xFFFFFFF0]  }
0x774: {  	s0 =	sadd.s32 @p0 $0x100, s0;
	v12 =	vld [tilespmem:s2+$0x0];
	s2 =	smov.u32 s15  }
0x775: {  	s23 =	sadd.s32 $0xFFFFFFF0, s1;
	s2 =	smov.u32 @p0 s0  }
0x776: {  	[tilespmem:s14+$0x6500] =	vst @p0 v9;
	s0 =	sand.u32 $0x70, s23;
	s28 =	sadd.s32 $0x80, s2;
	s2 =	sand.u32 $0xFFFFFC00, s2  }
0x777: {  	[tilespmem:s10+$0x6500] =	vst @p0 v10;
	s29 =	sand.u32 $0x70, s1;
	s9 =	sand.u32 $0xFFFFFC00, s28;
	s0 =	sor.u32 s0, s2  }
0x778: {  	s1 =	sor.u32 s29, s9;
	[tilespmem:s0+$0x6500] =	vst v11  }
0x779: {  	[tilespmem:s1+$0x6500] =	vst v12  }
.LBB2_107:
.Ltmp143:
0x77a: {  	(pc) =	sbr.rel @p2 .LBB2_109-.Ltmp143, $4  }
0x77b: {  	_ = 	snop  }
0x77c: {  	s2 =	sld [smem:$0x777]  }
0x77d: {  	s0 =	sld [smem:$0x77C]  }
0x77e: {  	s1 =	sld [smem:$0x778]  }
.LBB2_108:
0x77f: {  	s2 =	sadd.s32 $0x1, s2  }
0x780: {  	v9 =	vld [tilespmem:s13+$0x0];
	p0 =	slt.u32 s2, $0x1F  }
.Ltmp144:
0x781: {  	_ = 	snop;
	(pc) =	sbr.rel @p0 .LBB2_108-.Ltmp144, $4  }
0x782: {  	_ = 	snop  }
0x783: {  	s9 =	sand.u32 $0x70, s0;
	s10 =	sand.u32 $0xC00, s1  }
0x784: {  	s9 =	sor.u32 s9, s10  }
0x785: {  	s1 =	sadd.s32 $0x80, s1;
	s0 =	sadd.s32 $0x10, s0;
	s13 =	sadd.s32 $0x10, s13;
	[tilespmem:s9+$0x6500] =	vst v9  }
.LBB2_109:
0x786: {  	s0 =	rddreg [dreg:$0x1f]  }
0x787: {  	v9 =	vld [tilespmem:s0+$0x1000]  }
0x788: {  	s23 =	sld [smem:$0x723]  }
0x789: {  	s13 =	rddreg [dreg:$0xc]  }
0x78a: {  	s9 =	sld [smem:$0x7FA]  }
0x78b: {  	s28 =	sld [smem:$0x7DB];
	s1 =	sadd.s32 $0x2, s13  }
0x78c: {  	s2 =	sld [smem:$0x77F];
	p0 =	slt.u32 s1, s16;
	v9 =	vnsel vm14, $0x0, v9  }
.Ltmp145:
0x78d: {  	s6 =	sld [smem:$0x6E9];
	[tilespmem:s23+$0x5200] =	vst v9;
	(pc) =	sbr.rel @!p0 .LBB2_111-.Ltmp145, $4  }
0x78e: {  	s29 =	sld [smem:$0x6EA];
	v9 =	vld [tilespmem:s9+$0xFFFFFFF0]  }
0x78f: {  	v10 =	vld [tilespmem:s9+$0x0]  }
0x790: {  	s10 =	sld [smem:$0x77E];
	s0 =	sadd.s32 $0x2, s28;
	s2 =	sadd.s32 $0x100, s2  }
0x791: {  	s15 =	sor.u32 $0x380, s6;
	s14 =	sor.u32 $0x380, s29;
	s9 =	sadd.s32 $0x20, s9  }
.LBB2_110:
0x792: {  	s1 =	sadd.s32 $0x2, s1  }
0x793: {  	v11 =	vld [tilespmem:s9+$0x0];
	[tilespmem:s15+$0x5200] =	vst v9;
	s10 =	sadd.s32 $0x100, s10;
	s13 =	sadd.s32 $0x2, s13;
	p0 =	slt.u32 s1, s16  }
.Ltmp146:
0x794: {  	v9 =	vld [tilespmem:s9+$0xFFFFFFF0];
	[tilespmem:s14+$0x5200] =	vst v10;
	(pc) =	sbr.rel @p0 .LBB2_110-.Ltmp146, $4  }
0x795: {  	s15 =	sand.u32 $0x7, s0;
	s14 =	sand.u32 $0x7, s13  }
0x796: {  	s0 =	sadd.s32 $0x2, s0;
	s15 =	sshll.u32 s15, $0x4;
	s14 =	sshll.u32 s14, $0x4  }
0x797: {  	s19 =	sadd.s32 s15, s2;
	s2 =	sadd.s32 $0x100, s2;
	s14 =	sadd.s32 s14, s10  }
0x798: {  	s9 =	sadd.s32 $0x20, s9;
	s15 =	sor.u32 $0x380, s14;
	s14 =	sor.u32 $0x380, s19;
	v10 =	vmov v11  }
.LBB2_111:
0x799: {  	_ = 	snop  }
0x79a: {  	[tilespmem:s15+$0x5200] =	vst v9  }
0x79b: {  	[tilespmem:s14+$0x5200] =	vst v10  }
.Ltmp147:
0x79c: {  	s0 =	sld [smem:$0x7FC];
	(pc) =	sbr.rel @p3 .LBB2_113-.Ltmp147, $4  }
0x79d: {  	s1 =	sld [smem:$0x7C8]  }
0x79e: {  	s9 =	sld [smem:$0x746]  }
0x79f: {  	s15 =	sld [smem:$0x783]  }
0x7a0: {  	s2 =	smov.u32 s30;
	s19 =	sld [smem:$0x6FA]  }
.LBB2_112:
0x7a1: {  	v9 =	vld [tilespmem:s0+$0x0];
	p0 =	sne.s32 s9, $0x1  }
.Ltmp148:
0x7a2: {  	_ = 	snop;
	(pc) =	sbr.rel @p0 .LBB2_112-.Ltmp148, $4  }
0x7a3: {  	_ = 	snop  }
0x7a4: {  	s10 =	sor.u32 s2, s1  }
0x7a5: {  	s2 =	sadd.s32 $0x80, s2;
	s10 =	sor.u32 $0x380, s10  }
0x7a6: {  	s1 =	sadd.s32 $0x10, s1;
	s0 =	sadd.s32 $0x10, s0;
	s9 =	sadd.s32 $0xFFFFFFFF, s9;
	[tilespmem:s10+$0x5200] =	vst v9  }
.LBB2_113:
0x7a7: {  	s0 =	sld [smem:$0x72E];
	_ =	sdelay $0x2  }
0x7a8: {  	s0 =	sadd.s32 s31, s0  }
0x7a9: {  	v9 =	vld.idx.msk [tilespmem:v7+s0+$0x0 ss:$0x1], $0xffff;
	_ =	sdelay $0x1  }
.Ltmp149:
0x7aa: {  	_ = 	snop;
	(pc) =	sbr.rel @p4 .LBB2_114-.Ltmp149, $3  }
0x7ab: {  	s31 =	sld [smem:$0x724];
	_ =	sdelay $0x1  }
0x7ac: {  	v9 =	vnsel vm15, $0x0, v9  }
0x7ad: {  	[tilespmem:s31+$0x5200] =	vst v9  }
0x7ae: {  	s0 =	sld [smem:$0x7B7];
	_ =	sdelay $0x2  }
0x7af: {  	s2 =	sadd.s32 $0x2, s0  }
0x7b0: {  	p1 =	slt.u32 s2, s22  }
.Ltmp150:
0x7b1: {  	_ = 	snop;
	(pc) =	sbr.rel @!p1 .LBB2_186-.Ltmp150, $3  }
0x7b2: {  	_ =	sdelay $0x1  }
0x7b3: {  	p0 =	por $0x0, $0x0  }
0x7b4: {  	s6 =	smov.u32 s19;
	s1 =	sld [smem:$0x787];
	s0 =	smov.u32 s15  }
0x7b5: {  	s2 =	sadd.s32 $0x2, s2  }
0x7b6: {  	s13 =	sld [smem:$0x787];
	p1 =	slt.u32 s2, s22  }
.Ltmp151:
0x7b7: {  	s0 =	sadd.s32 s7, s19;
	(pc) =	sbr.rel @!p1 .LBB2_184-.Ltmp151, $4  }
0x7b8: {  	s9 =	sadd.s32 $0x80, s15;
	s10 =	sand.u32 $0xFFFFFC00, s15;
	p0 =	por $0x1, $0x1;
	v9 =	vld [tilespmem:s0+$0xFFFFFFF0]  }
0x7b9: {  	s9 =	sand.u32 $0xFFFFFC00, s9;
	v10 =	vld [tilespmem:s0+$0x0];
	s0 =	smov.u32 s15;
	s6 =	sadd.s32 $0xFFFFFFF0, s13  }
0x7ba: {  	s1 =	sadd.s32 $0x20, s13;
	s31 =	sand.u32 $0x70, s13;
	s6 =	sand.u32 $0x70, s6  }
0x7bb: {  	s9 =	sor.u32 s31, s9;
	s10 =	sor.u32 s6, s10;
	s6 =	sadd.s32 $0x20, s19  }
.LBB2_185:
0x7bc: {  	s2 =	sadd.s32 $0x2, s2  }
0x7bd: {  	s13 =	sadd.s32 s7, s6;
	[tilespmem:s10+$0x6580] =	vst v9;
	s0 =	sadd.s32 $0x100, s0;
	p1 =	slt.u32 s2, s22  }
.Ltmp152:
0x7be: {  	v9 =	vld [tilespmem:s13+$0xFFFFFFF0];
	[tilespmem:s9+$0x6580] =	vst v10;
	s9 =	smov.u32 s1;
	(pc) =	sbr.rel @p1 .LBB2_185-.Ltmp152, $4  }
0x7bf: {  	s1 =	sadd.s32 $0x20, s1;
	v10 =	vld [tilespmem:s13+$0x0]  }
0x7c0: {  	s10 =	sadd.s32 $0xFFFFFFF0, s9;
	s9 =	sand.u32 $0x70, s9;
	s13 =	sadd.s32 $0x80, s0  }
0x7c1: {  	s14 =	sand.u32 $0xFFFFFC00, s0;
	s10 =	sand.u32 $0x70, s10;
	s13 =	sand.u32 $0xFFFFFC00, s13  }
0x7c2: {  	s6 =	sadd.s32 $0x20, s6;
	s10 =	sor.u32 s10, s14;
	s9 =	sor.u32 s9, s13  }
.LBB2_186:
0x7c3: {  	s2 =	sadd.s32 s7, s6  }
0x7c4: {  	v11 =	vld [tilespmem:s2+$0xFFFFFFF0]  }
0x7c5: {  	s0 =	sadd.s32 @p0 $0x100, s0;
	v12 =	vld [tilespmem:s2+$0x0];
	s2 =	smov.u32 s15  }
0x7c6: {  	s29 =	sadd.s32 $0xFFFFFFF0, s1;
	s2 =	smov.u32 @p0 s0  }
0x7c7: {  	[tilespmem:s10+$0x6580] =	vst @p0 v9;
	s0 =	sadd.s32 $0x80, s2;
	s6 =	sand.u32 $0x70, s29;
	s2 =	sand.u32 $0xFFFFFC00, s2  }
0x7c8: {  	[tilespmem:s9+$0x6580] =	vst @p0 v10;
	s31 =	sand.u32 $0x70, s1;
	s0 =	sand.u32 $0xFFFFFC00, s0;
	s2 =	sor.u32 s6, s2  }
0x7c9: {  	s0 =	sor.u32 s31, s0;
	[tilespmem:s2+$0x6580] =	vst v11  }
0x7ca: {  	[tilespmem:s0+$0x6580] =	vst v12  }
.LBB2_114:
.Ltmp153:
0x7cb: {  	(pc) =	sbr.rel @p5 .LBB2_116-.Ltmp153, $4  }
0x7cc: {  	_ = 	snop  }
0x7cd: {  	s2 =	sld [smem:$0x789]  }
0x7ce: {  	s0 =	sld [smem:$0x786]  }
0x7cf: {  	s1 =	sld [smem:$0x782]  }
.LBB2_115:
0x7d0: {  	v9 =	vld [tilespmem:s24+$0x0];
	p0 =	sne.s32 s2, $0x1  }
.Ltmp154:
0x7d1: {  	_ = 	snop;
	(pc) =	sbr.rel @p0 .LBB2_115-.Ltmp154, $4  }
0x7d2: {  	_ = 	snop  }
0x7d3: {  	s6 =	sand.u32 $0x70, s0;
	s7 =	sand.u32 $0xC00, s1  }
0x7d4: {  	s1 =	sadd.s32 $0x80, s1;
	s6 =	sor.u32 s6, s7  }
0x7d5: {  	s0 =	sadd.s32 $0x10, s0;
	s24 =	sadd.s32 $0x10, s24;
	s2 =	sadd.s32 $0xFFFFFFFF, s2;
	[tilespmem:s6+$0x6580] =	vst v9  }
.LBB2_116:
0x7d6: {  	s0 =	sld [smem:$0x6E7]  }
0x7d7: {  	s1 =	sld [smem:$0x725]  }
0x7d8: {  	s29 =	sld [smem:$0x727]  }
0x7d9: {  	s0 =	sshll.u32 s0, $0x12  }
0x7da: {  	s2 =	rddreg [dreg:$0x1];
	s7 =	simm.s32 $0x0;
	s1 =	sor.u32 s1, s0  }
.Ltmp155:
0x7db: {  	s0 =	sor.u32 s29, s0;
	s1 =	sshrl.u32 s1, $0x3;
	(pc) =	sbr.rel @p6 .LBB2_187-.Ltmp155, $4  }
0x7dc: {  	s6 =	simm.s32 $0x5200;
	s0 =	sshrl.u32 s0, $0x3;
	s1 =	sadd.s32 s2, s1  }
0x7dd: {  	[hbm4b:s1+s7] =	stream.linear.scatter [tilespmem:s6], [sflag:$0x4], $0x1000, $0x38;
	[tilespmem:$0x7200] =	vst v63  }
0x7de: {  	s31 =	simm.s32 $0x6200;
	s0 =	sadd.s32 s2, s0  }
0x7df: {  	[hbm4b:s0+s7] =	stream.linear.scatter [tilespmem:s31], [sflag:$0x4], $0x1000, $0x38;
	[tilespmem:$0x7200] =	vst v63  }
0x7e0: {  	s0 =	sld [smem:$0x6F9]  }
0x7e1: {  	s2 =	rddreg [dreg:$0x6]  }
0x7e2: {  	s6 =	rddreg [dreg:$0x5]  }
0x7e3: {  	s10 =	sld [smem:$0x6F8]  }
0x7e4: {  	s13 =	sld [smem:$0x6EE]  }
0x7e5: {  	s14 =	sld [smem:$0x701]  }
0x7e6: {  	s23 =	sld [smem:$0x6F6]  }
0x7e7: {  	s15 =	sld [smem:$0x700]  }
0x7e8: {  	s21 =	sld [smem:$0x6F5]  }
0x7e9: {  	s20 =	sld [smem:$0x6FF]  }
0x7ea: {  	s24 =	sld [smem:$0x6FE];
	s0 =	sadd.s32 $0x60300, s0  }
0x7eb: {  	s28 =	sld [smem:$0x6FD];
	s1 =	sshrl.u32 s0, $0x3  }
0x7ec: {  	s31 =	simm.s32 $0x1000;
	s1 =	sadd.s32 s1, s2;
	s2 =	rddreg [dreg:$0x4]  }
0x7ed: {  	[tilespmem:s31], [sflag:$0x2] =	stream.linear.gather [hbm4b:s1+s7], $0xFF0, $0x38;
	[tilespmem:$0x7200] =	vst v63  }
0x7ee: {  	s29 =	sld [smem:$0x6FC];
	s19 =	sadd.s32 $0x40200, s19;
	s0 =	sadd.s32 s2, s0  }
0x7ef: {  	[smem:$0x6FA] =	sst s19;
	p0 =	slt.s32 s0, $0x1007710  }
0x7f0: {  	s2 =	sadd.s32 $0x1, s10;
	s10 =	sld [smem:$0x6F1];
	s0 =	simm.s32 @!p0 $0x1007710  }
0x7f1: {  	s31 =	sld [smem:$0x6FB];
	s0 =	sshrl.u32 s0, $0x3  }
0x7f2: {  	s9 =	simm.s32 $0x2900;
	s0 =	sadd.s32 s6, s0;
	s6 =	sld [smem:$0x6EF]  }
0x7f3: {  	[tilespmem:s9], [sflag:$0x2] =	stream.linear.gather [hbm4b:s0+s7], $0x8F0, $0x38;
	[tilespmem:$0x7200] =	vst v63  }
0x7f4: {  	s0 =	sadd.s32 $0x40200, s14;
	s14 =	sld [smem:$0x6F2]  }
0x7f5: {  	s9 =	sld [smem:$0x6F0]  }
0x7f6: {  	[smem:$0x701] =	sst s0  }
0x7f7: {  	s23 =	sadd.s32 $0x40200, s23;
	s0 =	sadd.s32 $0x40200, s15;
	s15 =	sld [smem:$0x6F3]  }
0x7f8: {  	s21 =	sadd.s32 $0x40200, s21;
	s1 =	sadd.s32 $0x40200, s13;
	[smem:$0x700] =	sst s0  }
0x7f9: {  	s10 =	sadd.s32 $0x40200, s10;
	s0 =	sadd.s32 $0x40200, s20;
	s20 =	sld [smem:$0x6F4]  }
.Ltmp156:
0x7fa: {  	[smem:$0x6FF] =	sst s0;
	s0 =	sadd.s32 $0x40200, s24;
	(pc) =	sbr.rel .LBB2_4-.Ltmp156, $4  }
0x7fb: {  	s6 =	sadd.s32 $0x40200, s6;
	[smem:$0x6FE] =	sst s0;
	s0 =	sadd.s32 $0x40200, s28  }
0x7fc: {  	s14 =	sadd.s32 $0x40200, s14;
	[smem:$0x6FD] =	sst s0;
	s0 =	sadd.s32 $0x40200, s29  }
0x7fd: {  	s9 =	sadd.s32 $0x40200, s9;
	[smem:$0x6FC] =	sst s0;
	s0 =	sadd.s32 $0x40200, s31  }
0x7fe: {  	s15 =	sadd.s32 $0x40200, s15;
	s20 =	sadd.s32 $0x40200, s20;
	[smem:$0x6FB] =	sst s0  }
.LBB2_144:
.Ltmp157:
0x7ff: {  	(pc) =	sbr.rel .LBB2_147-.Ltmp157, $2  }
0x800: {  	s20 =	sld [smem:$0x73E];
	_ =	sdelay $0x2  }
0x801: {  	s30 =	sld [smem:$0x7FD];
	s0 =	smov.u32 s20  }
.LBB2_150:
.Ltmp158:
0x802: {  	(pc) =	sbr.rel .LBB2_153-.Ltmp158, $2  }
0x803: {  	_ =	sdelay $0x2  }
0x804: {  	s0 =	smov.u32 s6;
	s31 =	sld [smem:$0x6E8]  }
.LBB2_156:
.Ltmp159:
0x805: {  	(pc) =	sbr.rel .LBB2_159-.Ltmp159, $2  }
0x806: {  	s29 =	sld [smem:$0x753];
	_ =	sdelay $0x2  }
0x807: {  	s31 =	sld [smem:$0x6E8];
	s0 =	smov.u32 s29  }
.LBB2_162:
.Ltmp160:
0x808: {  	(pc) =	sbr.rel .LBB2_165-.Ltmp160, $2  }
0x809: {  	s20 =	sld [smem:$0x75D];
	_ =	sdelay $0x2  }
0x80a: {  	s0 =	smov.u32 s20  }
.LBB2_168:
.Ltmp161:
0x80b: {  	(pc) =	sbr.rel .LBB2_170-.Ltmp161, $2  }
0x80c: {  	_ =	sdelay $0x2  }
0x80d: {  	s0 =	smov.u32 s23  }
.LBB2_173:
.Ltmp162:
0x80e: {  	(pc) =	sbr.rel .LBB2_175-.Ltmp162, $2  }
0x80f: {  	_ =	sdelay $0x2  }
0x810: {  	s0 =	smov.u32 s28  }
.LBB2_178:
.Ltmp163:
0x811: {  	(pc) =	sbr.rel .LBB2_181-.Ltmp163, $2  }
0x812: {  	s15 =	sld [smem:$0x77A];
	_ =	sdelay $0x2  }
0x813: {  	s0 =	smov.u32 s15  }
.LBB2_184:
.Ltmp164:
0x814: {  	(pc) =	sbr.rel .LBB2_186-.Ltmp164, $2  }
0x815: {  	_ =	sdelay $0x2  }
0x816: {  	s0 =	smov.u32 s15  }
.LBB2_188:
0x817: {  	_ =	sfence.sel $0x180000  }
0x818: {  	[bflag:$0x0] =	sbarrier.arrive $0xFFFF  }
0x819: {  	_ =	strace $0x90000047  }
0x81a: {  	s0 =	stileid.u32;
	[bflag:$0x2] =	sbarrier.arrive $0xFFFF  }
0x81b: {  	p0 =	sne.s32 s0, $0x0;
	s0 =	rddreg [dreg:$0x2]  }
0x81c: {  	s0 =	sadd.s32 @!p0 $0x100000, s0  }
0x81d: {  	[sflag:s0] =	ssyncadd.tile.s32 @!p0 $0x1;
	_ =	shalt  }
.Lfunc_end2:
_tile_overlayer_lowered:
.L_overlay_start_2:
0x81e: {  	(tag) =	ssettag $0x2  }
0x81f: {  	s0 =	rddreg [dreg:$0x0];
	s2 =	stileid.u32  }
0x820: {  	s1 =	rddreg [dreg:$0x1];
	p0 =	sne.s32 s2, $0x0  }
0x821: {  	s3 =	rddreg [dreg:$0x2];
	[bflag:$0x3] =	sbarrier.arrive $0xFFFF;
	s2 =	simm.s32 @!p0 $0x1C05  }
0x822: {  	[timem:s3], [sflag:s2] =	dma.local @!p0 [hbm:s0], s1  }
0x823: {  	s0 =	simm.s32 @!p0 $0x5  }
0x824: {  	_ =	swait.ge @!p0 [sflag:s0], s1  }
0x825: {  	s1 =	ssub.s32 @!p0 $0x0, s1;
	[sflag:s0] =	ssyncset.done @!p0 $0x0  }
0x826: {  	[sflag:s0] =	ssyncadd.s32 @!p0 s1  }
0x827: {  	[bflag:$0x3] =	sbarrier.arrive $0xFFFF  }
0x828: {  	_ =	shalt  }

</sc_bundles>
